<compile_context>
chip_gen: v7x
topology: tpu7x:2x2x1
jax: 0.10.2.dev20260603
libtpu: 0.0.44.dev20260713+nightly
codegen_flags: <defaults>
</compile_context>

<pallas_src>
import functools

import jax
import jax.numpy as jnp
from jax import lax
from jax.experimental import pallas as pl
from jax.experimental.pallas import tpu as pltpu
from jax.experimental.pallas import tpu_sc as plsc

_N = 10000
_E = 320000
_NF = 128
_NH = 36
_PAD = 48
_K = 8
_NCLS = 10

_NC = 2
_NS = 16
_NW = _NC * _NS
_EPW = _E // _NW
_CHUNK = 80
_NCHUNK = _EPW // _CHUNK
_NPT = 632


def _stripe_off(sid):
    return pl.multiple_of(
        jnp.where(sid == _NS - 1, _N - _NPT, sid * _NPT), 8)


def _sc_mesh():
    return plsc.VectorSubcoreMesh(core_axis_name="c", subcore_axis_name="s")


def _zero_fill(ref, rows, width):
    z = jnp.zeros((16,), jnp.float32)

    def row(i, _):
        def col(j, _):
            ref[i, pl.ds(j * 16, 16)] = z
            return 0
        return lax.fori_loop(0, width // 16, col, 0)

    lax.fori_loop(0, rows, row, 0)



@functools.cache
def _make_prop(width):

    @functools.partial(
        pl.kernel,
        out_type=jax.ShapeDtypeStruct((_NC, _N, width), jnp.float32),
        mesh=_sc_mesh(),
        compiler_params=pltpu.CompilerParams(use_tc_tiling_on_sc=False),
        scratch_types=[
            pltpu.VMEM((_CHUNK,), jnp.int32),
            pltpu.VMEM((_CHUNK,), jnp.int32),
            pltpu.VMEM((_CHUNK, width), jnp.float32),
            pltpu.VMEM((_NPT, width), jnp.float32),
            pltpu.VMEM_SHARED((_N, width), jnp.float32),
            pltpu.SemaphoreType.DMA,
        ],
    )
    def prop(tab_hbm, src_hbm, dst_hbm, out_hbm,
             src_v, dst_v, rows_v, stripe_v, acc_sh, sem):
        cid = lax.axis_index("c")
        sid = lax.axis_index("s")
        off = _stripe_off(sid)
        _zero_fill(stripe_v, _NPT, width)
        pltpu.sync_copy(stripe_v, acc_sh.at[pl.ds(off, _NPT)])
        plsc.subcore_barrier()

        ebase = (cid * _NS + sid) * _EPW

        def step(t, _):
            b = ebase + t * _CHUNK
            pltpu.sync_copy(src_hbm.at[pl.ds(b, _CHUNK)], src_v)
            pltpu.async_copy(tab_hbm.at[src_v], rows_v, sem).wait()
            pltpu.sync_copy(dst_hbm.at[pl.ds(b, _CHUNK)], dst_v)
            pltpu.sync_copy(rows_v, acc_sh.at[dst_v], add=True)
            return 0

        lax.fori_loop(0, _NCHUNK, step, 0)
        plsc.subcore_barrier()
        pltpu.sync_copy(acc_sh.at[pl.ds(off, _NPT)],
                        out_hbm.at[cid, pl.ds(off, _NPT)])

    return prop


@functools.cache
def _make_degree():
    @functools.partial(
        pl.kernel,
        out_type=jax.ShapeDtypeStruct((_NC, _N, 16), jnp.float32),
        mesh=_sc_mesh(),
        compiler_params=pltpu.CompilerParams(use_tc_tiling_on_sc=False),
        scratch_types=[
            pltpu.VMEM((_CHUNK,), jnp.int32),
            pltpu.VMEM((_CHUNK, 16), jnp.float32),
            pltpu.VMEM((_NPT, 16), jnp.float32),
            pltpu.VMEM_SHARED((_N, 16), jnp.float32),
        ],
    )
    def _sc_degree(src_hbm, out_hbm, src_v, ones_v, stripe_v, acc_sh):
        cid = lax.axis_index("c")
        sid = lax.axis_index("s")
        off = _stripe_off(sid)
        _zero_fill(stripe_v, _NPT, 16)
        pltpu.sync_copy(stripe_v, acc_sh.at[pl.ds(off, _NPT)])
        one = jnp.ones((16,), jnp.float32)

        def orow(i, _):
            ones_v[i, :] = one
            return 0

        lax.fori_loop(0, _CHUNK, orow, 0)
        plsc.subcore_barrier()

        ebase = (cid * _NS + sid) * _EPW

        def step(t, _):
            b = ebase + t * _CHUNK
            pltpu.sync_copy(src_hbm.at[pl.ds(b, _CHUNK)], src_v)
            pltpu.sync_copy(ones_v, acc_sh.at[src_v], add=True)
            return 0

        lax.fori_loop(0, _NCHUNK, step, 0)
        plsc.subcore_barrier()
        pltpu.sync_copy(acc_sh.at[pl.ds(off, _NPT)],
                        out_hbm.at[cid, pl.ds(off, _NPT)])

    return _sc_degree



def _bn(z, eps=1e-5):
    m = jnp.mean(z, axis=0)
    v = jnp.mean((z - m) ** 2, axis=0)
    return (z - m) / jnp.sqrt(v + eps)


def _tc(body, *args, out_shape):
    return pl.pallas_call(body, out_shape=out_shape)(*args)


_MB = 1000


def _tc_dinv_body(degp_ref, dinv_ref):
    degp = degp_ref[...]
    deg = degp[0, :, 0] + degp[1, :, 0]
    dinv_ref[...] = jnp.where(
        deg > 0, lax.rsqrt(jnp.maximum(deg, 1.0)), 0.0)[:, None]


def _tc_proj1_body(x_ref, w1_ref, g1w_ref, dinv_ref, v_ref, xg_ref, tab0_ref):
    x = x_ref[...]
    v1 = jnp.dot(x, w1_ref[...], preferred_element_type=jnp.float32)
    xg = jnp.dot(x, g1w_ref[...], preferred_element_type=jnp.float32)
    dinv = dinv_ref[...]
    v_ref[...] = v1
    xg_ref[...] = xg
    tab0_ref[...] = jnp.concatenate([dinv * v1[:, 7 * _PAD:], xg], axis=1)


def _tc_proj2_body(x11_ref, w2_ref, dinv_ref, v_ref, c27_ref):
    v2 = jnp.dot(x11_ref[...], w2_ref[...], preferred_element_type=jnp.float32)
    v_ref[...] = v2
    c27_ref[...] = dinv_ref[...] * v2[:, 7 * _PAD:]


def _tc_comb1_body(parts_ref, dinv_ref, v6_ref, xg_ref, g1b_ref, g2w_ref,
                   g2b_ref, b6_ref, c6_ref, x2_ref):
    p = parts_ref[...]
    dinv = dinv_ref[...]
    s = p[0, :, :_PAD] + p[1, :, :_PAD]
    agg = p[0, :, _PAD:] + p[1, :, _PAD:]
    b6 = v6_ref[...] - 2.0 * dinv * s
    b6_ref[...] = b6
    c6_ref[...] = dinv * b6
    h = jax.nn.relu(xg_ref[...] + agg + g1b_ref[...])
    g = jnp.dot(h, g2w_ref[...], preferred_element_type=jnp.float32) + g2b_ref[...]
    x2_ref[...] = _bn(jax.nn.relu(g))


def _tc_comb_body(parts_ref, dinv_ref, vprev_ref, bnext_ref, bout_ref, cout_ref):
    p = parts_ref[...]
    dinv = dinv_ref[...]
    b = vprev_ref[...] - 2.0 * dinv * (p[0] + p[1]) - bnext_ref[...]
    bout_ref[...] = b
    cout_ref[...] = dinv * b


def _tc_l1end_body(parts_ref, dinv_ref, v0_ref, b2_ref, bias_ref, x11_ref):
    p = parts_ref[...]
    dinv = dinv_ref[...]
    out1 = v0_ref[...] - dinv * (p[0] + p[1]) - b2_ref[...] + bias_ref[...]
    x11_ref[...] = jax.nn.relu(_bn(out1))


def _tc_l2end_body(parts_ref, dinv_ref, v0_ref, b2_ref, bias_ref, x11_ref,
                   x2_ref, w4_ref, b4_ref, y_ref):
    p = parts_ref[...]
    dinv = dinv_ref[...]
    out2 = v0_ref[...] - dinv * (p[0] + p[1]) - b2_ref[...] + bias_ref[...]
    x12 = jax.nn.relu(_bn(out2))
    x4 = jnp.concatenate(
        [x11_ref[...][:, :_NH], x12[:, :_NH], x2_ref[...][:, :_NH]], axis=1)
    y_ref[...] = jnp.dot(x4, w4_ref[...],
                         preferred_element_type=jnp.float32) + b4_ref[...]



def kernel(x, edge_index, W1, b1, W2, b2, G1w, G1b, G2w, G2b, W4, b4):
    f32 = jnp.float32
    src = edge_index[0]
    dst = edge_index[1]
    pw = _PAD - _NH

    W1c = jnp.pad(W1, ((0, 0), (0, 0), (0, pw))).transpose(1, 0, 2).reshape(_NF, _K * _PAD)
    W2c = jnp.pad(W2, ((0, 0), (0, pw), (0, pw))).transpose(1, 0, 2).reshape(_PAD, _K * _PAD)
    G1wp = jnp.pad(G1w, ((0, 0), (0, pw)))
    G2wp = jnp.pad(G2w, ((0, pw), (0, pw)))
    G1bp = jnp.pad(G1b, (0, pw))[None, :]
    G2bp = jnp.pad(G2b, (0, pw))[None, :]
    b1p = jnp.pad(b1, (0, pw))[None, :]
    b2p = jnp.pad(b2, (0, pw))[None, :]

    sds = jax.ShapeDtypeStruct
    nh48 = sds((_N, _PAD), f32)

    _prop96 = _make_prop(2 * _PAD)
    _prop48 = _make_prop(_PAD)
    degp = _make_degree()(src)
    dinv = _tc(_tc_dinv_body, degp, out_shape=sds((_N, 1), f32))

    ng = _N // _MB
    rb = lambda w: pl.BlockSpec((_MB, w), lambda i: (i, 0))
    full = lambda a: pl.BlockSpec(a.shape, lambda i: (0, 0))
    V1, xg, tab0 = pl.pallas_call(
        _tc_proj1_body, grid=(ng,),
        in_specs=[rb(_NF), full(W1c), full(G1wp), rb(1)],
        out_specs=(rb(_K * _PAD), rb(_PAD), rb(2 * _PAD)),
        out_shape=(sds((_N, _K * _PAD), f32), nh48, sds((_N, 2 * _PAD), f32)),
    )(x, W1c, G1wp, dinv)

    v = lambda V, k: lax.slice_in_dim(V, k * _PAD, (k + 1) * _PAD, axis=1)

    parts = _prop96(tab0, src, dst)
    b6, c, x2 = _tc(_tc_comb1_body, parts, dinv, v(V1, 6), xg, G1bp, G2wp, G2bp,
                    out_shape=(nh48, nh48, nh48))
    bs = {7: v(V1, 7), 6: b6}
    for j in range(6, 1, -1):
        parts = _prop48(c, src, dst)
        bnew, c = _tc(_tc_comb_body, parts, dinv, v(V1, j - 1), bs[j + 1],
                      out_shape=(nh48, nh48))
        bs[j - 1] = bnew
    parts = _prop48(c, src, dst)
    x11 = _tc(_tc_l1end_body, parts, dinv, v(V1, 0), bs[2], b1p,
              out_shape=nh48)
    V2, c = pl.pallas_call(
        _tc_proj2_body, grid=(ng,),
        in_specs=[rb(_PAD), full(W2c), rb(1)],
        out_specs=(rb(_K * _PAD), rb(_PAD)),
        out_shape=(sds((_N, _K * _PAD), f32), nh48),
    )(x11, W2c, dinv)

    parts = _prop48(c, src, dst)
    b6, c = _tc(_tc_comb_body, parts, dinv, v(V2, 6), jnp.zeros((_N, _PAD), f32),
                out_shape=(nh48, nh48))
    bs2 = {7: v(V2, 7), 6: b6}
    for j in range(6, 1, -1):
        parts = _prop48(c, src, dst)
        bnew, c = _tc(_tc_comb_body, parts, dinv, v(V2, j - 1), bs2[j + 1],
                      out_shape=(nh48, nh48))
        bs2[j - 1] = bnew
    parts = _prop48(c, src, dst)
    y = _tc(_tc_l2end_body, parts, dinv, v(V2, 0), bs2[2], b2p, x11, x2,
            W4[0], b4[None, :], out_shape=sds((_N, _NCLS), f32))
    return y

# --- scband reference (transcript-rebuilt; emitter-appended) ---
"""Pipeline reference for scband-kipf-net-res2-30210799960808 (READ-ONLY COPY).

The authoritative reference and input builder live on the scoring server;
editing this copy changes nothing except your own understanding.
"""

import jax, jax.numpy as jnp
import numpy as np

N = 10000
E = 320000
NF = 128
NC = 10
NH = 36
K = 8

def _lhat(x, src, dst, w):
    msg = x[src] * w[:, None]
    return jnp.zeros_like(x).at[dst].add(msg)

def _cheb(x, src, dst, w, W, b):
    # ChebConv with sym normalization, lambda_max=2.0: L_hat = -D^{-1/2} A D^{-1/2}
    Tx0 = x
    out = Tx0 @ W[0]
    if W.shape[0] > 1:
        Tx1 = _lhat(x, src, dst, w)
        out = out + Tx1 @ W[1]
        for k in range(2, W.shape[0]):
            Tx2 = 2.0 * _lhat(Tx1, src, dst, w) - Tx0
            out = out + Tx2 @ W[k]
            Tx0, Tx1 = Tx1, Tx2
    return out + b

def _bn(x, eps=1e-5):
    # BatchNorm1d in training mode, affine params at init (weight=1, bias=0)
    m = jnp.mean(x, axis=0)
    v = jnp.mean((x - m) ** 2, axis=0)
    return (x - m) / jnp.sqrt(v + eps)

def setup_inputs(seed: int = 0):
    key = jax.random.key(seed)
    ks = jax.random.split(key, 16)
    inp = {}
    inp["x"] = jax.random.normal(ks[0], (N, NF), dtype=jnp.float32)
    inp["edge_index"] = jax.random.randint(ks[1], (2, E), 0, N, dtype=jnp.int32)
    inp["W1"] = 0.1 * jax.random.normal(ks[2], (K, NF, NH), dtype=jnp.float32)
    inp["b1"] = jnp.zeros((NH,), dtype=jnp.float32)
    inp["W2"] = 0.1 * jax.random.normal(ks[3], (K, NH, NH), dtype=jnp.float32)
    inp["b2"] = jnp.zeros((NH,), dtype=jnp.float32)
    inp["G1w"] = 0.1 * jax.random.normal(ks[4], (NF, NH), dtype=jnp.float32)
    inp["G1b"] = jnp.zeros((NH,), dtype=jnp.float32)
    inp["G2w"] = 0.1 * jax.random.normal(ks[5], (NH, NH), dtype=jnp.float32)
    inp["G2b"] = jnp.zeros((NH,), dtype=jnp.float32)
    inp["W4"] = 0.1 * jax.random.normal(ks[6], (1, 3 * NH, NC), dtype=jnp.float32)
    inp["b4"] = jnp.zeros((NC,), dtype=jnp.float32)
    return inp

def reference(x, edge_index, W1, b1, W2, b2, G1w, G1b, G2w, G2b, W4, b4):
    src = edge_index[0]
    dst = edge_index[1]
    deg = jnp.zeros((x.shape[0],), dtype=x.dtype).at[src].add(1.0)
    dinv = jnp.where(deg > 0, 1.0 / jnp.sqrt(jnp.where(deg > 0, deg, 1.0)), 0.0)
    w = -dinv[src] * dinv[dst]
    x1_1 = jax.nn.relu(_bn(_cheb(x, src, dst, w, W1, b1)))
    x1_2 = jax.nn.relu(_bn(_cheb(x1_1, src, dst, w, W2, b2)))
    agg = jnp.zeros_like(x).at[dst].add(x[src])
    gin = jax.nn.relu((x + agg) @ G1w + G1b) @ G2w + G2b
    x2 = _bn(jax.nn.relu(gin))
    x4 = jnp.concatenate([x1_1, x1_2, x2], axis=1)
    return _cheb(x4, src, dst, w, W4, b4)

if __name__ == "__main__":
    import jax
    _d = setup_inputs()
    print(jax.jit(kernel)(*tuple(_d.values())))

</pallas_src>

<mosaic_0001>
#map = affine_map<(d0, d1) -> (0)>
#map1 = affine_map<(d0, d1) -> (0, 0, 0)>
module attributes {stable_mosaic.version = 14 : i64} {
  func.func @_sc_degree(%arg0: i32, %arg1: i32, %arg2: memref<320000xi32, #tpu.memory_space<hbm>>, %arg3: memref<2x10000x16xf32, #tpu.memory_space<hbm>>, %arg4: memref<80xi32, #tpu.memory_space<vmem>>, %arg5: memref<80x16xf32, #tpu.memory_space<vmem>>, %arg6: memref<632x16xf32, #tpu.memory_space<vmem>>, %arg7: memref<10000x16xf32, #tpu.memory_space<vmem_shared>>) attributes {dimension_semantics = [#tpu.dimension_semantics<core_parallel>, #tpu.dimension_semantics<subcore_parallel>], iteration_bounds = array<i64: 2, 16>, scalar_prefetch = 0 : i64, scratch_operands = 4 : i64, tpu.core_type = #tpu.core_type<sc_vector_subcore>, window_params = [{transform_indices = #map}, {transform_indices = #map1}]} {
    %eq3A = arith.constant 15 : i32
    %eq3A_0 = arith.cmpi eq, %arg1, %eq3A : i32
    %mul3A = arith.constant 632 : i32
    %mul3A_1 = arith.muli %arg1, %mul3A : i32
    %jit3A = arith.constant 9368 : i32
    %select_n3A = arith.select %eq3A_0, %jit3A, %mul3A_1 : i32
    %multiple_of3A = tpu.assume_multiple %select_n3A, 8 : i32
    %broadcast_in_dim3A = arith.constant 0.000000e+00 : f32
    %broadcast_in_dim3A_2 = vector.broadcast %broadcast_in_dim3A : f32 to vector<16xf32>
    %scan3A = arith.constant 0 : i32
    %scan3A_3 = arith.constant 0 : i32
    %scan3A_4 = arith.constant 632 : i32
    %scan3A_5 = arith.addi %scan3A_3, %scan3A_4 : i32
    %scan3A_6 = arith.constant 1 : i32
    %scan3A_7 = scf.for %scan3A_30 = %scan3A_3 to %scan3A_5 step %scan3A_6 iter_args(%scan3A_31 = %scan3A) -> (i32)  : i32 {
      %scan3A_32 = arith.constant 0 : i32
      %scan3A_33 = arith.constant 0 : i32
      %mul3A_34 = arith.constant 16 : i32
      %mul3A_35 = arith.muli %scan3A_33, %mul3A_34 : i32
      %swap3A = arith.index_cast %scan3A_30 : i32 to index
      %swap3A_36 = arith.index_cast %mul3A_35 : i32 to index
      %swap3A_37 = tpu.vector_load %arg6[%swap3A, %swap3A_36] {strides = array<i32>} : memref<632x16xf32, #tpu.memory_space<vmem>>, vector<1x16xf32>,
      %swap3A_38 = vector.shape_cast %swap3A_37 : vector<1x16xf32> to vector<16xf32>
      %swap3A_39 = vector.shape_cast %broadcast_in_dim3A_2 : vector<16xf32> to vector<1x16xf32>
      tpu.vector_store %arg6[%swap3A, %swap3A_36], %swap3A_39 {strides = array<i32>} : memref<632x16xf32, #tpu.memory_space<vmem>>, vector<1x16xf32>,
      %scan3A_40 = arith.constant 0 : i32
      %scan3A_41 = arith.constant 1 : i32
      scf.yield %scan3A_40 : i32
    }
    %scan3A_8 = arith.constant 632 : i32
    "tpu.region"() ({
      %run_scoped3A = tpu.sem_alloc : memref<!tpu.dma_semaphore, #tpu.memory_space<semaphore_mem>>
      %dma_start3A = arith.constant 0 : i32
      %dma_start3A_30 = tpu.memref_slice %arg7[%multiple_of3A, %dma_start3A] : memref<10000x16xf32, #tpu.memory_space<vmem_shared>> -> memref<632x16xf32, #tpu.memory_space<vmem_shared>>
      %dma_start3A_31 = arith.constant 0 : i32
      %dma_start3A_32 = tpu.memref_slice %arg7[%multiple_of3A, %dma_start3A_31] : memref<10000x16xf32, #tpu.memory_space<vmem_shared>> -> memref<632x16xf32, #tpu.memory_space<vmem_shared>>
      tpu.enqueue_dma source(%arg6 : memref<632x16xf32, #tpu.memory_space<vmem>>) target(%dma_start3A_32 : memref<632x16xf32, #tpu.memory_space<vmem_shared>>) target_semaphore(%run_scoped3A : memref<!tpu.dma_semaphore, #tpu.memory_space<semaphore_mem>>)
      %dma_wait3A = arith.constant 0 : i32
      %dma_wait3A_33 = tpu.memref_slice %arg7[%multiple_of3A, %dma_wait3A] : memref<10000x16xf32, #tpu.memory_space<vmem_shared>> -> memref<632x16xf32, #tpu.memory_space<vmem_shared>>
      %dma_wait3A_34 = arith.constant 0 : i32
      %dma_wait3A_35 = tpu.memref_slice %arg7[%multiple_of3A, %dma_wait3A_34] : memref<10000x16xf32, #tpu.memory_space<vmem_shared>> -> memref<632x16xf32, #tpu.memory_space<vmem_shared>>
      tpu.wait_dma2 semaphore(%run_scoped3A : memref<!tpu.dma_semaphore, #tpu.memory_space<semaphore_mem>>) src(%arg6 : memref<632x16xf32, #tpu.memory_space<vmem>>) dst(%dma_wait3A_35 : memref<632x16xf32, #tpu.memory_space<vmem_shared>>)
      tpu.yield
    }) : () -> ()
    %broadcast_in_dim3A_9 = arith.constant 1.000000e+00 : f32
    %broadcast_in_dim3A_10 = vector.broadcast %broadcast_in_dim3A_9 : f32 to vector<16xf32>
    %scan3A_11 = arith.constant 0 : i32
    %scan3A_12 = arith.constant 0 : i32
    %scan3A_13 = arith.constant 80 : i32
    %scan3A_14 = arith.addi %scan3A_12, %scan3A_13 : i32
    %scan3A_15 = arith.constant 1 : i32
    %scan3A_16 = scf.for %scan3A_30 = %scan3A_12 to %scan3A_14 step %scan3A_15 iter_args(%scan3A_31 = %scan3A_11) -> (i32)  : i32 {
      %swap3A = arith.index_cast %scan3A_30 : i32 to index
      %swap3A_32 = arith.constant 0 : index
      %swap3A_33 = tpu.vector_load %arg5[%swap3A, %swap3A_32] {strides = array<i32>} : memref<80x16xf32, #tpu.memory_space<vmem>>, vector<1x16xf32>,
      %swap3A_34 = vector.shape_cast %swap3A_33 : vector<1x16xf32> to vector<16xf32>
      %swap3A_35 = vector.shape_cast %broadcast_in_dim3A_10 : vector<16xf32> to vector<1x16xf32>
      tpu.vector_store %arg5[%swap3A, %swap3A_32], %swap3A_35 {strides = array<i32>} : memref<80x16xf32, #tpu.memory_space<vmem>>, vector<1x16xf32>,
      %scan3A_36 = arith.constant 0 : i32
      scf.yield %scan3A_36 : i32
    }
    %scan3A_17 = arith.constant 80 : i32
    %barrier3A = arith.constant 0 : index
    tpu.barrier barrier_id(%barrier3A)
    %mul3A_18 = arith.constant 16 : i32
    %mul3A_19 = arith.muli %arg0, %mul3A_18 : i32
    %add3A = arith.addi %mul3A_19, %arg1 : i32
    %mul3A_20 = arith.constant 10000 : i32
    %mul3A_21 = arith.muli %add3A, %mul3A_20 : i32
    %scan3A_22 = arith.constant 0 : i32
    %scan3A_23 = arith.constant 0 : i32
    %scan3A_24 = arith.constant 125 : i32
    %scan3A_25 = arith.addi %scan3A_23, %scan3A_24 : i32
    %scan3A_26 = arith.constant 1 : i32
    %scan3A_27 = scf.for %scan3A_30 = %scan3A_23 to %scan3A_25 step %scan3A_26 iter_args(%scan3A_31 = %scan3A_22) -> (i32)  : i32 {
      %mul3A_32 = arith.constant 80 : i32
      %mul3A_33 = arith.muli %scan3A_30, %mul3A_32 : i32
      %add3A_34 = arith.addi %mul3A_21, %mul3A_33 : i32
      "tpu.region"() ({
        %run_scoped3A = tpu.sem_alloc : memref<!tpu.dma_semaphore, #tpu.memory_space<semaphore_mem>>
        %dma_start3A = tpu.memref_slice %arg2[%add3A_34] : memref<320000xi32, #tpu.memory_space<hbm>> -> memref<80xi32, #tpu.memory_space<hbm>>
        %dma_start3A_36 = tpu.memref_slice %arg2[%add3A_34] : memref<320000xi32, #tpu.memory_space<hbm>> -> memref<80xi32, #tpu.memory_space<hbm>>
        tpu.enqueue_dma source(%dma_start3A_36 : memref<80xi32, #tpu.memory_space<hbm>>) target(%arg4 : memref<80xi32, #tpu.memory_space<vmem>>) target_semaphore(%run_scoped3A : memref<!tpu.dma_semaphore, #tpu.memory_space<semaphore_mem>>)
        %dma_wait3A = tpu.memref_slice %arg2[%add3A_34] : memref<320000xi32, #tpu.memory_space<hbm>> -> memref<80xi32, #tpu.memory_space<hbm>>
        %dma_wait3A_37 = tpu.memref_slice %arg2[%add3A_34] : memref<320000xi32, #tpu.memory_space<hbm>> -> memref<80xi32, #tpu.memory_space<hbm>>
        tpu.wait_dma2 semaphore(%run_scoped3A : memref<!tpu.dma_semaphore, #tpu.memory_space<semaphore_mem>>) src(%dma_wait3A_37 : memref<80xi32, #tpu.memory_space<hbm>>) dst(%arg4 : memref<80xi32, #tpu.memory_space<vmem>>)
        tpu.yield
      }) : () -> ()
      "tpu.region"() ({
        %run_scoped3A = tpu.sem_alloc : memref<!tpu.dma_semaphore, #tpu.memory_space<semaphore_mem>>
        %dma_start3A = arith.constant 0 : i32
        %dma_start3A_36 = arith.constant 0 : i32
        %dma_start3A_37 = tpu.memref_slice %arg7[%dma_start3A, %dma_start3A_36] : memref<10000x16xf32, #tpu.memory_space<vmem_shared>> -> memref<10000x16xf32, #tpu.memory_space<vmem_shared>>
        tpu.enqueue_indirect_dma source(%arg5 : memref<80x16xf32, #tpu.memory_space<vmem>>) target(%dma_start3A_37 : memref<10000x16xf32, #tpu.memory_space<vmem_shared>>) offsets(%arg4 : memref<80xi32, #tpu.memory_space<vmem>>) semaphore(%run_scoped3A : memref<!tpu.dma_semaphore, #tpu.memory_space<semaphore_mem>>) {add = true}
        %dma_wait3A = arith.constant 0 : i32
        %dma_wait3A_38 = arith.constant 0 : i32
        %dma_wait3A_39 = tpu.memref_slice %arg7[%dma_wait3A, %dma_wait3A_38] : memref<10000x16xf32, #tpu.memory_space<vmem_shared>> -> memref<10000x16xf32, #tpu.memory_space<vmem_shared>>
        tpu.wait_indirect_dma semaphore(%run_scoped3A : memref<!tpu.dma_semaphore, #tpu.memory_space<semaphore_mem>>) src(%arg5 : memref<80x16xf32, #tpu.memory_space<vmem>>) dst(%dma_wait3A_39 : memref<10000x16xf32, #tpu.memory_space<vmem_shared>>)
        tpu.yield
      }) : () -> ()
      %scan3A_35 = arith.constant 0 : i32
      scf.yield %scan3A_35 : i32
    }
    %scan3A_28 = arith.constant 125 : i32
    %barrier3A_29 = arith.constant 0 : index
    tpu.barrier barrier_id(%barrier3A_29)
    "tpu.region"() ({
      %run_scoped3A = tpu.sem_alloc : memref<!tpu.dma_semaphore, #tpu.memory_space<semaphore_mem>>
      %dma_start3A = arith.constant 0 : i32
      %dma_start3A_30 = tpu.memref_slice %arg3[%arg0, %multiple_of3A, %dma_start3A] : memref<2x10000x16xf32, #tpu.memory_space<hbm>> -> memref<1x632x16xf32, #tpu.memory_space<hbm>>
      %dma_start3A_31 = tpu.memref_squeeze %dma_start3A_30 : memref<1x632x16xf32, #tpu.memory_space<hbm>> -> memref<632x16xf32, #tpu.memory_space<hbm>>
      %dma_start3A_32 = arith.constant 0 : i32
      %dma_start3A_33 = tpu.memref_slice %arg7[%multiple_of3A, %dma_start3A_32] : memref<10000x16xf32, #tpu.memory_space<vmem_shared>> -> memref<632x16xf32, #tpu.memory_space<vmem_shared>>
      tpu.enqueue_dma source(%dma_start3A_33 : memref<632x16xf32, #tpu.memory_space<vmem_shared>>) target(%dma_start3A_31 : memref<632x16xf32, #tpu.memory_space<hbm>>) target_semaphore(%run_scoped3A : memref<!tpu.dma_semaphore, #tpu.memory_space<semaphore_mem>>)
      %dma_wait3A = arith.constant 0 : i32
      %dma_wait3A_34 = tpu.memref_slice %arg3[%arg0, %multiple_of3A, %dma_wait3A] : memref<2x10000x16xf32, #tpu.memory_space<hbm>> -> memref<1x632x16xf32, #tpu.memory_space<hbm>>
      %dma_wait3A_35 = tpu.memref_squeeze %dma_wait3A_34 : memref<1x632x16xf32, #tpu.memory_space<hbm>> -> memref<632x16xf32, #tpu.memory_space<hbm>>
      %dma_wait3A_36 = arith.constant 0 : i32
      %dma_wait3A_37 = tpu.memref_slice %arg7[%multiple_of3A, %dma_wait3A_36] : memref<10000x16xf32, #tpu.memory_space<vmem_shared>> -> memref<632x16xf32, #tpu.memory_space<vmem_shared>>
      tpu.wait_dma2 semaphore(%run_scoped3A : memref<!tpu.dma_semaphore, #tpu.memory_space<semaphore_mem>>) src(%dma_wait3A_37 : memref<632x16xf32, #tpu.memory_space<vmem_shared>>) dst(%dma_wait3A_35 : memref<632x16xf32, #tpu.memory_space<hbm>>)
      tpu.yield
    }) : () -> ()
    return
  }
}

#map = affine_map<(d0, d1) -> (0, 0)>
#map1 = affine_map<(d0, d1) -> (0)>
#map2 = affine_map<(d0, d1) -> (0, 0, 0)>
module attributes {stable_mosaic.version = 14 : i64} {
  func.func @prop(%arg0: i32, %arg1: i32, %arg2: memref<10000x48xf32, #tpu.memory_space<hbm>>, %arg3: memref<320000xi32, #tpu.memory_space<hbm>>, %arg4: memref<320000xi32, #tpu.memory_space<hbm>>, %arg5: memref<2x10000x48xf32, #tpu.memory_space<hbm>>, %arg6: memref<80xi32, #tpu.memory_space<vmem>>, %arg7: memref<80xi32, #tpu.memory_space<vmem>>, %arg8: memref<80x48xf32, #tpu.memory_space<vmem>>, %arg9: memref<632x48xf32, #tpu.memory_space<vmem>>, %arg10: memref<10000x48xf32, #tpu.memory_space<vmem_shared>>, %arg11: memref<!tpu.dma_semaphore, #tpu.memory_space<semaphore_mem>>) attributes {dimension_semantics = [#tpu.dimension_semantics<core_parallel>, #tpu.dimension_semantics<subcore_parallel>], iteration_bounds = array<i64: 2, 16>, scalar_prefetch = 0 : i64, scratch_operands = 6 : i64, tpu.core_type = #tpu.core_type<sc_vector_subcore>, window_params = [{transform_indices = #map}, {transform_indices = #map1}, {transform_indices = #map1}, {transform_indices = #map2}]} {
    %eq3A = arith.constant 15 : i32
    %eq3A_0 = arith.cmpi eq, %arg1, %eq3A : i32
    %mul3A = arith.constant 632 : i32
    %mul3A_1 = arith.muli %arg1, %mul3A : i32
    %jit3A = arith.constant 9368 : i32
    %select_n3A = arith.select %eq3A_0, %jit3A, %mul3A_1 : i32
    %multiple_of3A = tpu.assume_multiple %select_n3A, 8 : i32
    %broadcast_in_dim3A = arith.constant 0.000000e+00 : f32
    %broadcast_in_dim3A_2 = vector.broadcast %broadcast_in_dim3A : f32 to vector<16xf32>
    %scan3A = arith.constant 0 : i32
    %scan3A_3 = arith.constant 0 : i32
    %scan3A_4 = arith.constant 632 : i32
    %scan3A_5 = arith.addi %scan3A_3, %scan3A_4 : i32
    %scan3A_6 = arith.constant 1 : i32
    %scan3A_7 = scf.for %scan3A_21 = %scan3A_3 to %scan3A_5 step %scan3A_6 iter_args(%scan3A_22 = %scan3A) -> (i32)  : i32 {
      %scan3A_23 = arith.constant 0 : i32
      %scan3A_24 = arith.constant 0 : i32
      %scan3A_25 = arith.constant 3 : i32
      %scan3A_26 = arith.addi %scan3A_24, %scan3A_25 : i32
      %scan3A_27 = arith.constant 1 : i32
      %scan3A_28 = scf.for %scan3A_30 = %scan3A_24 to %scan3A_26 step %scan3A_27 iter_args(%scan3A_31 = %scan3A_23) -> (i32)  : i32 {
        %mul3A_32 = arith.constant 16 : i32
        %mul3A_33 = arith.muli %scan3A_30, %mul3A_32 : i32
        %swap3A = arith.index_cast %scan3A_21 : i32 to index
        %swap3A_34 = arith.index_cast %mul3A_33 : i32 to index
        %swap3A_35 = tpu.vector_load %arg9[%swap3A, %swap3A_34] {strides = array<i32>} : memref<632x48xf32, #tpu.memory_space<vmem>>, vector<1x16xf32>,
        %swap3A_36 = vector.shape_cast %swap3A_35 : vector<1x16xf32> to vector<16xf32>
        %swap3A_37 = vector.shape_cast %broadcast_in_dim3A_2 : vector<16xf32> to vector<1x16xf32>
        tpu.vector_store %arg9[%swap3A, %swap3A_34], %swap3A_37 {strides = array<i32>} : memref<632x48xf32, #tpu.memory_space<vmem>>, vector<1x16xf32>,
        %scan3A_38 = arith.constant 0 : i32
        scf.yield %scan3A_38 : i32
      }
      %scan3A_29 = arith.constant 3 : i32
      scf.yield %scan3A_28 : i32
    }
    %scan3A_8 = arith.constant 632 : i32
    "tpu.region"() ({
      %run_scoped3A = tpu.sem_alloc : memref<!tpu.dma_semaphore, #tpu.memory_space<semaphore_mem>>
      %dma_start3A = arith.constant 0 : i32
      %dma_start3A_21 = tpu.memref_slice %arg10[%multiple_of3A, %dma_start3A] : memref<10000x48xf32, #tpu.memory_space<vmem_shared>> -> memref<632x48xf32, #tpu.memory_space<vmem_shared>>
      %dma_start3A_22 = arith.constant 0 : i32
      %dma_start3A_23 = tpu.memref_slice %arg10[%multiple_of3A, %dma_start3A_22] : memref<10000x48xf32, #tpu.memory_space<vmem_shared>> -> memref<632x48xf32, #tpu.memory_space<vmem_shared>>
      tpu.enqueue_dma source(%arg9 : memref<632x48xf32, #tpu.memory_space<vmem>>) target(%dma_start3A_23 : memref<632x48xf32, #tpu.memory_space<vmem_shared>>) target_semaphore(%run_scoped3A : memref<!tpu.dma_semaphore, #tpu.memory_space<semaphore_mem>>)
      %dma_wait3A = arith.constant 0 : i32
      %dma_wait3A_24 = tpu.memref_slice %arg10[%multiple_of3A, %dma_wait3A] : memref<10000x48xf32, #tpu.memory_space<vmem_shared>> -> memref<632x48xf32, #tpu.memory_space<vmem_shared>>
      %dma_wait3A_25 = arith.constant 0 : i32
      %dma_wait3A_26 = tpu.memref_slice %arg10[%multiple_of3A, %dma_wait3A_25] : memref<10000x48xf32, #tpu.memory_space<vmem_shared>> -> memref<632x48xf32, #tpu.memory_space<vmem_shared>>
      tpu.wait_dma2 semaphore(%run_scoped3A : memref<!tpu.dma_semaphore, #tpu.memory_space<semaphore_mem>>) src(%arg9 : memref<632x48xf32, #tpu.memory_space<vmem>>) dst(%dma_wait3A_26 : memref<632x48xf32, #tpu.memory_space<vmem_shared>>)
      tpu.yield
    }) : () -> ()
    %barrier3A = arith.constant 0 : index
    tpu.barrier barrier_id(%barrier3A)
    %mul3A_9 = arith.constant 16 : i32
    %mul3A_10 = arith.muli %arg0, %mul3A_9 : i32
    %add3A = arith.addi %mul3A_10, %arg1 : i32
    %mul3A_11 = arith.constant 10000 : i32
    %mul3A_12 = arith.muli %add3A, %mul3A_11 : i32
    %scan3A_13 = arith.constant 0 : i32
    %scan3A_14 = arith.constant 0 : i32
    %scan3A_15 = arith.constant 125 : i32
    %scan3A_16 = arith.addi %scan3A_14, %scan3A_15 : i32
    %scan3A_17 = arith.constant 1 : i32
    %scan3A_18 = scf.for %scan3A_21 = %scan3A_14 to %scan3A_16 step %scan3A_17 iter_args(%scan3A_22 = %scan3A_13) -> (i32)  : i32 {
      %mul3A_23 = arith.constant 80 : i32
      %mul3A_24 = arith.muli %scan3A_21, %mul3A_23 : i32
      %add3A_25 = arith.addi %mul3A_12, %mul3A_24 : i32
      "tpu.region"() ({
        %run_scoped3A = tpu.sem_alloc : memref<!tpu.dma_semaphore, #tpu.memory_space<semaphore_mem>>
        %dma_start3A_31 = tpu.memref_slice %arg3[%add3A_25] : memref<320000xi32, #tpu.memory_space<hbm>> -> memref<80xi32, #tpu.memory_space<hbm>>
        %dma_start3A_32 = tpu.memref_slice %arg3[%add3A_25] : memref<320000xi32, #tpu.memory_space<hbm>> -> memref<80xi32, #tpu.memory_space<hbm>>
        tpu.enqueue_dma source(%dma_start3A_32 : memref<80xi32, #tpu.memory_space<hbm>>) target(%arg6 : memref<80xi32, #tpu.memory_space<vmem>>) target_semaphore(%run_scoped3A : memref<!tpu.dma_semaphore, #tpu.memory_space<semaphore_mem>>)
        %dma_wait3A_33 = tpu.memref_slice %arg3[%add3A_25] : memref<320000xi32, #tpu.memory_space<hbm>> -> memref<80xi32, #tpu.memory_space<hbm>>
        %dma_wait3A_34 = tpu.memref_slice %arg3[%add3A_25] : memref<320000xi32, #tpu.memory_space<hbm>> -> memref<80xi32, #tpu.memory_space<hbm>>
        tpu.wait_dma2 semaphore(%run_scoped3A : memref<!tpu.dma_semaphore, #tpu.memory_space<semaphore_mem>>) src(%dma_wait3A_34 : memref<80xi32, #tpu.memory_space<hbm>>) dst(%arg6 : memref<80xi32, #tpu.memory_space<vmem>>)
        tpu.yield
      }) : () -> ()
      %dma_start3A = arith.constant 0 : i32
      %dma_start3A_26 = arith.constant 0 : i32
      %dma_start3A_27 = tpu.memref_slice %arg2[%dma_start3A, %dma_start3A_26] : memref<10000x48xf32, #tpu.memory_space<hbm>> -> memref<10000x48xf32, #tpu.memory_space<hbm>>
      tpu.enqueue_indirect_dma source(%dma_start3A_27 : memref<10000x48xf32, #tpu.memory_space<hbm>>) target(%arg8 : memref<80x48xf32, #tpu.memory_space<vmem>>) offsets(%arg6 : memref<80xi32, #tpu.memory_space<vmem>>) semaphore(%arg11 : memref<!tpu.dma_semaphore, #tpu.memory_space<semaphore_mem>>)
      %dma_wait3A = arith.constant 0 : i32
      %dma_wait3A_28 = arith.constant 0 : i32
      %dma_wait3A_29 = tpu.memref_slice %arg2[%dma_wait3A, %dma_wait3A_28] : memref<10000x48xf32, #tpu.memory_space<hbm>> -> memref<10000x48xf32, #tpu.memory_space<hbm>>
      tpu.wait_indirect_dma semaphore(%arg11 : memref<!tpu.dma_semaphore, #tpu.memory_space<semaphore_mem>>) src(%dma_wait3A_29 : memref<10000x48xf32, #tpu.memory_space<hbm>>) dst(%arg8 : memref<80x48xf32, #tpu.memory_space<vmem>>)
      "tpu.region"() ({
        %run_scoped3A = tpu.sem_alloc : memref<!tpu.dma_semaphore, #tpu.memory_space<semaphore_mem>>
        %dma_start3A_31 = tpu.memref_slice %arg4[%add3A_25] : memref<320000xi32, #tpu.memory_space<hbm>> -> memref<80xi32, #tpu.memory_space<hbm>>
        %dma_start3A_32 = tpu.memref_slice %arg4[%add3A_25] : memref<320000xi32, #tpu.memory_space<hbm>> -> memref<80xi32, #tpu.memory_space<hbm>>
        tpu.enqueue_dma source(%dma_start3A_32 : memref<80xi32, #tpu.memory_space<hbm>>) target(%arg7 : memref<80xi32, #tpu.memory_space<vmem>>) target_semaphore(%run_scoped3A : memref<!tpu.dma_semaphore, #tpu.memory_space<semaphore_mem>>)
        %dma_wait3A_33 = tpu.memref_slice %arg4[%add3A_25] : memref<320000xi32, #tpu.memory_space<hbm>> -> memref<80xi32, #tpu.memory_space<hbm>>
        %dma_wait3A_34 = tpu.memref_slice %arg4[%add3A_25] : memref<320000xi32, #tpu.memory_space<hbm>> -> memref<80xi32, #tpu.memory_space<hbm>>
        tpu.wait_dma2 semaphore(%run_scoped3A : memref<!tpu.dma_semaphore, #tpu.memory_space<semaphore_mem>>) src(%dma_wait3A_34 : memref<80xi32, #tpu.memory_space<hbm>>) dst(%arg7 : memref<80xi32, #tpu.memory_space<vmem>>)
        tpu.yield
      }) : () -> ()
      "tpu.region"() ({
        %run_scoped3A = tpu.sem_alloc : memref<!tpu.dma_semaphore, #tpu.memory_space<semaphore_mem>>
        %dma_start3A_31 = arith.constant 0 : i32
        %dma_start3A_32 = arith.constant 0 : i32
        %dma_start3A_33 = tpu.memref_slice %arg10[%dma_start3A_31, %dma_start3A_32] : memref<10000x48xf32, #tpu.memory_space<vmem_shared>> -> memref<10000x48xf32, #tpu.memory_space<vmem_shared>>
        tpu.enqueue_indirect_dma source(%arg8 : memref<80x48xf32, #tpu.memory_space<vmem>>) target(%dma_start3A_33 : memref<10000x48xf32, #tpu.memory_space<vmem_shared>>) offsets(%arg7 : memref<80xi32, #tpu.memory_space<vmem>>) semaphore(%run_scoped3A : memref<!tpu.dma_semaphore, #tpu.memory_space<semaphore_mem>>) {add = true}
        %dma_wait3A_34 = arith.constant 0 : i32
        %dma_wait3A_35 = arith.constant 0 : i32
        %dma_wait3A_36 = tpu.memref_slice %arg10[%dma_wait3A_34, %dma_wait3A_35] : memref<10000x48xf32, #tpu.memory_space<vmem_shared>> -> memref<10000x48xf32, #tpu.memory_space<vmem_shared>>
        tpu.wait_indirect_dma semaphore(%run_scoped3A : memref<!tpu.dma_semaphore, #tpu.memory_space<semaphore_mem>>) src(%arg8 : memref<80x48xf32, #tpu.memory_space<vmem>>) dst(%dma_wait3A_36 : memref<10000x48xf32, #tpu.memory_space<vmem_shared>>)
        tpu.yield
      }) : () -> ()
      %scan3A_30 = arith.constant 0 : i32
      scf.yield %scan3A_30 : i32
    }
    %scan3A_19 = arith.constant 125 : i32
    %barrier3A_20 = arith.constant 0 : index
    tpu.barrier barrier_id(%barrier3A_20)
    "tpu.region"() ({
      %run_scoped3A = tpu.sem_alloc : memref<!tpu.dma_semaphore, #tpu.memory_space<semaphore_mem>>
      %dma_start3A = arith.constant 0 : i32
      %dma_start3A_21 = tpu.memref_slice %arg5[%arg0, %multiple_of3A, %dma_start3A] : memref<2x10000x48xf32, #tpu.memory_space<hbm>> -> memref<1x632x48xf32, #tpu.memory_space<hbm>>
      %dma_start3A_22 = tpu.memref_squeeze %dma_start3A_21 : memref<1x632x48xf32, #tpu.memory_space<hbm>> -> memref<632x48xf32, #tpu.memory_space<hbm>>
      %dma_start3A_23 = arith.constant 0 : i32
      %dma_start3A_24 = tpu.memref_slice %arg10[%multiple_of3A, %dma_start3A_23] : memref<10000x48xf32, #tpu.memory_space<vmem_shared>> -> memref<632x48xf32, #tpu.memory_space<vmem_shared>>
      tpu.enqueue_dma source(%dma_start3A_24 : memref<632x48xf32, #tpu.memory_space<vmem_shared>>) target(%dma_start3A_22 : memref<632x48xf32, #tpu.memory_space<hbm>>) target_semaphore(%run_scoped3A : memref<!tpu.dma_semaphore, #tpu.memory_space<semaphore_mem>>)
      %dma_wait3A = arith.constant 0 : i32
      %dma_wait3A_25 = tpu.memref_slice %arg5[%arg0, %multiple_of3A, %dma_wait3A] : memref<2x10000x48xf32, #tpu.memory_space<hbm>> -> memref<1x632x48xf32, #tpu.memory_space<hbm>>
      %dma_wait3A_26 = tpu.memref_squeeze %dma_wait3A_25 : memref<1x632x48xf32, #tpu.memory_space<hbm>> -> memref<632x48xf32, #tpu.memory_space<hbm>>
      %dma_wait3A_27 = arith.constant 0 : i32
      %dma_wait3A_28 = tpu.memref_slice %arg10[%multiple_of3A, %dma_wait3A_27] : memref<10000x48xf32, #tpu.memory_space<vmem_shared>> -> memref<632x48xf32, #tpu.memory_space<vmem_shared>>
      tpu.wait_dma2 semaphore(%run_scoped3A : memref<!tpu.dma_semaphore, #tpu.memory_space<semaphore_mem>>) src(%dma_wait3A_28 : memref<632x48xf32, #tpu.memory_space<vmem_shared>>) dst(%dma_wait3A_26 : memref<632x48xf32, #tpu.memory_space<hbm>>)
      tpu.yield
    }) : () -> ()
    return
  }
}

#map = affine_map<(d0, d1) -> (0, 0)>
#map1 = affine_map<(d0, d1) -> (0)>
#map2 = affine_map<(d0, d1) -> (0, 0, 0)>
module attributes {stable_mosaic.version = 14 : i64} {
  func.func @prop(%arg0: i32, %arg1: i32, %arg2: memref<10000x48xf32, #tpu.memory_space<hbm>>, %arg3: memref<320000xi32, #tpu.memory_space<hbm>>, %arg4: memref<320000xi32, #tpu.memory_space<hbm>>, %arg5: memref<2x10000x48xf32, #tpu.memory_space<hbm>>, %arg6: memref<80xi32, #tpu.memory_space<vmem>>, %arg7: memref<80xi32, #tpu.memory_space<vmem>>, %arg8: memref<80x48xf32, #tpu.memory_space<vmem>>, %arg9: memref<632x48xf32, #tpu.memory_space<vmem>>, %arg10: memref<10000x48xf32, #tpu.memory_space<vmem_shared>>, %arg11: memref<!tpu.dma_semaphore, #tpu.memory_space<semaphore_mem>>) attributes {dimension_semantics = [#tpu.dimension_semantics<core_parallel>, #tpu.dimension_semantics<subcore_parallel>], iteration_bounds = array<i64: 2, 16>, scalar_prefetch = 0 : i64, scratch_operands = 6 : i64, tpu.core_type = #tpu.core_type<sc_vector_subcore>, window_params = [{transform_indices = #map}, {transform_indices = #map1}, {transform_indices = #map1}, {transform_indices = #map2}]} {
    %eq3A = arith.constant 15 : i32
    %eq3A_0 = arith.cmpi eq, %arg1, %eq3A : i32
    %mul3A = arith.constant 632 : i32
    %mul3A_1 = arith.muli %arg1, %mul3A : i32
    %jit3A = arith.constant 9368 : i32
    %select_n3A = arith.select %eq3A_0, %jit3A, %mul3A_1 : i32
    %multiple_of3A = tpu.assume_multiple %select_n3A, 8 : i32
    %broadcast_in_dim3A = arith.constant 0.000000e+00 : f32
    %broadcast_in_dim3A_2 = vector.broadcast %broadcast_in_dim3A : f32 to vector<16xf32>
    %scan3A = arith.constant 0 : i32
    %scan3A_3 = arith.constant 0 : i32
    %scan3A_4 = arith.constant 632 : i32
    %scan3A_5 = arith.addi %scan3A_3, %scan3A_4 : i32
    %scan3A_6 = arith.constant 1 : i32
    %scan3A_7 = scf.for %scan3A_21 = %scan3A_3 to %scan3A_5 step %scan3A_6 iter_args(%scan3A_22 = %scan3A) -> (i32)  : i32 {
      %scan3A_23 = arith.constant 0 : i32
      %scan3A_24 = arith.constant 0 : i32
      %scan3A_25 = arith.constant 3 : i32
      %scan3A_26 = arith.addi %scan3A_24, %scan3A_25 : i32
      %scan3A_27 = arith.constant 1 : i32
      %scan3A_28 = scf.for %scan3A_30 = %scan3A_24 to %scan3A_26 step %scan3A_27 iter_args(%scan3A_31 = %scan3A_23) -> (i32)  : i32 {
        %mul3A_32 = arith.constant 16 : i32
        %mul3A_33 = arith.muli %scan3A_30, %mul3A_32 : i32
        %swap3A = arith.index_cast %scan3A_21 : i32 to index
        %swap3A_34 = arith.index_cast %mul3A_33 : i32 to index
        %swap3A_35 = tpu.vector_load %arg9[%swap3A, %swap3A_34] {strides = array<i32>} : memref<632x48xf32, #tpu.memory_space<vmem>>, vector<1x16xf32>,
        %swap3A_36 = vector.shape_cast %swap3A_35 : vector<1x16xf32> to vector<16xf32>
        %swap3A_37 = vector.shape_cast %broadcast_in_dim3A_2 : vector<16xf32> to vector<1x16xf32>
        tpu.vector_store %arg9[%swap3A, %swap3A_34], %swap3A_37 {strides = array<i32>} : memref<632x48xf32, #tpu.memory_space<vmem>>, vector<1x16xf32>,
        %scan3A_38 = arith.constant 0 : i32
        scf.yield %scan3A_38 : i32
      }
      %scan3A_29 = arith.constant 3 : i32
      scf.yield %scan3A_28 : i32
    }
    %scan3A_8 = arith.constant 632 : i32
    "tpu.region"() ({
      %run_scoped3A = tpu.sem_alloc : memref<!tpu.dma_semaphore, #tpu.memory_space<semaphore_mem>>
      %dma_start3A = arith.constant 0 : i32
      %dma_start3A_21 = tpu.memref_slice %arg10[%multiple_of3A, %dma_start3A] : memref<10000x48xf32, #tpu.memory_space<vmem_shared>> -> memref<632x48xf32, #tpu.memory_space<vmem_shared>>
      %dma_start3A_22 = arith.constant 0 : i32
      %dma_start3A_23 = tpu.memref_slice %arg10[%multiple_of3A, %dma_start3A_22] : memref<10000x48xf32, #tpu.memory_space<vmem_shared>> -> memref<632x48xf32, #tpu.memory_space<vmem_shared>>
      tpu.enqueue_dma source(%arg9 : memref<632x48xf32, #tpu.memory_space<vmem>>) target(%dma_start3A_23 : memref<632x48xf32, #tpu.memory_space<vmem_shared>>) target_semaphore(%run_scoped3A : memref<!tpu.dma_semaphore, #tpu.memory_space<semaphore_mem>>)
      %dma_wait3A = arith.constant 0 : i32
      %dma_wait3A_24 = tpu.memref_slice %arg10[%multiple_of3A, %dma_wait3A] : memref<10000x48xf32, #tpu.memory_space<vmem_shared>> -> memref<632x48xf32, #tpu.memory_space<vmem_shared>>
      %dma_wait3A_25 = arith.constant 0 : i32
      %dma_wait3A_26 = tpu.memref_slice %arg10[%multiple_of3A, %dma_wait3A_25] : memref<10000x48xf32, #tpu.memory_space<vmem_shared>> -> memref<632x48xf32, #tpu.memory_space<vmem_shared>>
      tpu.wait_dma2 semaphore(%run_scoped3A : memref<!tpu.dma_semaphore, #tpu.memory_space<semaphore_mem>>) src(%arg9 : memref<632x48xf32, #tpu.memory_space<vmem>>) dst(%dma_wait3A_26 : memref<632x48xf32, #tpu.memory_space<vmem_shared>>)
      tpu.yield
    }) : () -> ()
    %barrier3A = arith.constant 0 : index
    tpu.barrier barrier_id(%barrier3A)
    %mul3A_9 = arith.constant 16 : i32
    %mul3A_10 = arith.muli %arg0, %mul3A_9 : i32
    %add3A = arith.addi %mul3A_10, %arg1 : i32
    %mul3A_11 = arith.constant 10000 : i32
    %mul3A_12 = arith.muli %add3A, %mul3A_11 : i32
    %scan3A_13 = arith.constant 0 : i32
    %scan3A_14 = arith.constant 0 : i32
    %scan3A_15 = arith.constant 125 : i32
    %scan3A_16 = arith.addi %scan3A_14, %scan3A_15 : i32
    %scan3A_17 = arith.constant 1 : i32
    %scan3A_18 = scf.for %scan3A_21 = %scan3A_14 to %scan3A_16 step %scan3A_17 iter_args(%scan3A_22 = %scan3A_13) -> (i32)  : i32 {
      %mul3A_23 = arith.constant 80 : i32
      %mul3A_24 = arith.muli %scan3A_21, %mul3A_23 : i32
      %add3A_25 = arith.addi %mul3A_12, %mul3A_24 : i32
      "tpu.region"() ({
        %run_scoped3A = tpu.sem_alloc : memref<!tpu.dma_semaphore, #tpu.memory_space<semaphore_mem>>
        %dma_start3A_31 = tpu.memref_slice %arg3[%add3A_25] : memref<320000xi32, #tpu.memory_space<hbm>> -> memref<80xi32, #tpu.memory_space<hbm>>
        %dma_start3A_32 = tpu.memref_slice %arg3[%add3A_25] : memref<320000xi32, #tpu.memory_space<hbm>> -> memref<80xi32, #tpu.memory_space<hbm>>
        tpu.enqueue_dma source(%dma_start3A_32 : memref<80xi32, #tpu.memory_space<hbm>>) target(%arg6 : memref<80xi32, #tpu.memory_space<vmem>>) target_semaphore(%run_scoped3A : memref<!tpu.dma_semaphore, #tpu.memory_space<semaphore_mem>>)
        %dma_wait3A_33 = tpu.memref_slice %arg3[%add3A_25] : memref<320000xi32, #tpu.memory_space<hbm>> -> memref<80xi32, #tpu.memory_space<hbm>>
        %dma_wait3A_34 = tpu.memref_slice %arg3[%add3A_25] : memref<320000xi32, #tpu.memory_space<hbm>> -> memref<80xi32, #tpu.memory_space<hbm>>
        tpu.wait_dma2 semaphore(%run_scoped3A : memref<!tpu.dma_semaphore, #tpu.memory_space<semaphore_mem>>) src(%dma_wait3A_34 : memref<80xi32, #tpu.memory_space<hbm>>) dst(%arg6 : memref<80xi32, #tpu.memory_space<vmem>>)
        tpu.yield
      }) : () -> ()
      %dma_start3A = arith.constant 0 : i32
      %dma_start3A_26 = arith.constant 0 : i32
      %dma_start3A_27 = tpu.memref_slice %arg2[%dma_start3A, %dma_start3A_26] : memref<10000x48xf32, #tpu.memory_space<hbm>> -> memref<10000x48xf32, #tpu.memory_space<hbm>>
      tpu.enqueue_indirect_dma source(%dma_start3A_27 : memref<10000x48xf32, #tpu.memory_space<hbm>>) target(%arg8 : memref<80x48xf32, #tpu.memory_space<vmem>>) offsets(%arg6 : memref<80xi32, #tpu.memory_space<vmem>>) semaphore(%arg11 : memref<!tpu.dma_semaphore, #tpu.memory_space<semaphore_mem>>)
      %dma_wait3A = arith.constant 0 : i32
      %dma_wait3A_28 = arith.constant 0 : i32
      %dma_wait3A_29 = tpu.memref_slice %arg2[%dma_wait3A, %dma_wait3A_28] : memref<10000x48xf32, #tpu.memory_space<hbm>> -> memref<10000x48xf32, #tpu.memory_space<hbm>>
      tpu.wait_indirect_dma semaphore(%arg11 : memref<!tpu.dma_semaphore, #tpu.memory_space<semaphore_mem>>) src(%dma_wait3A_29 : memref<10000x48xf32, #tpu.memory_space<hbm>>) dst(%arg8 : memref<80x48xf32, #tpu.memory_space<vmem>>)
      "tpu.region"() ({
        %run_scoped3A = tpu.sem_alloc : memref<!tpu.dma_semaphore, #tpu.memory_space<semaphore_mem>>
        %dma_start3A_31 = tpu.memref_slice %arg4[%add3A_25] : memref<320000xi32, #tpu.memory_space<hbm>> -> memref<80xi32, #tpu.memory_space<hbm>>
        %dma_start3A_32 = tpu.memref_slice %arg4[%add3A_25] : memref<320000xi32, #tpu.memory_space<hbm>> -> memref<80xi32, #tpu.memory_space<hbm>>
        tpu.enqueue_dma source(%dma_start3A_32 : memref<80xi32, #tpu.memory_space<hbm>>) target(%arg7 : memref<80xi32, #tpu.memory_space<vmem>>) target_semaphore(%run_scoped3A : memref<!tpu.dma_semaphore, #tpu.memory_space<semaphore_mem>>)
        %dma_wait3A_33 = tpu.memref_slice %arg4[%add3A_25] : memref<320000xi32, #tpu.memory_space<hbm>> -> memref<80xi32, #tpu.memory_space<hbm>>
        %dma_wait3A_34 = tpu.memref_slice %arg4[%add3A_25] : memref<320000xi32, #tpu.memory_space<hbm>> -> memref<80xi32, #tpu.memory_space<hbm>>
        tpu.wait_dma2 semaphore(%run_scoped3A : memref<!tpu.dma_semaphore, #tpu.memory_space<semaphore_mem>>) src(%dma_wait3A_34 : memref<80xi32, #tpu.memory_space<hbm>>) dst(%arg7 : memref<80xi32, #tpu.memory_space<vmem>>)
        tpu.yield
      }) : () -> ()
      "tpu.region"() ({
        %run_scoped3A = tpu.sem_alloc : memref<!tpu.dma_semaphore, #tpu.memory_space<semaphore_mem>>
        %dma_start3A_31 = arith.constant 0 : i32
        %dma_start3A_32 = arith.constant 0 : i32
        %dma_start3A_33 = tpu.memref_slice %arg10[%dma_start3A_31, %dma_start3A_32] : memref<10000x48xf32, #tpu.memory_space<vmem_shared>> -> memref<10000x48xf32, #tpu.memory_space<vmem_shared>>
        tpu.enqueue_indirect_dma source(%arg8 : memref<80x48xf32, #tpu.memory_space<vmem>>) target(%dma_start3A_33 : memref<10000x48xf32, #tpu.memory_space<vmem_shared>>) offsets(%arg7 : memref<80xi32, #tpu.memory_space<vmem>>) semaphore(%run_scoped3A : memref<!tpu.dma_semaphore, #tpu.memory_space<semaphore_mem>>) {add = true}
        %dma_wait3A_34 = arith.constant 0 : i32
        %dma_wait3A_35 = arith.constant 0 : i32
        %dma_wait3A_36 = tpu.memref_slice %arg10[%dma_wait3A_34, %dma_wait3A_35] : memref<10000x48xf32, #tpu.memory_space<vmem_shared>> -> memref<10000x48xf32, #tpu.memory_space<vmem_shared>>
        tpu.wait_indirect_dma semaphore(%run_scoped3A : memref<!tpu.dma_semaphore, #tpu.memory_space<semaphore_mem>>) src(%arg8 : memref<80x48xf32, #tpu.memory_space<vmem>>) dst(%dma_wait3A_36 : memref<10000x48xf32, #tpu.memory_space<vmem_shared>>)
        tpu.yield
      }) : () -> ()
      %scan3A_30 = arith.constant 0 : i32
      scf.yield %scan3A_30 : i32
    }
    %scan3A_19 = arith.constant 125 : i32
    %barrier3A_20 = arith.constant 0 : index
    tpu.barrier barrier_id(%barrier3A_20)
    "tpu.region"() ({
      %run_scoped3A = tpu.sem_alloc : memref<!tpu.dma_semaphore, #tpu.memory_space<semaphore_mem>>
      %dma_start3A = arith.constant 0 : i32
      %dma_start3A_21 = tpu.memref_slice %arg5[%arg0, %multiple_of3A, %dma_start3A] : memref<2x10000x48xf32, #tpu.memory_space<hbm>> -> memref<1x632x48xf32, #tpu.memory_space<hbm>>
      %dma_start3A_22 = tpu.memref_squeeze %dma_start3A_21 : memref<1x632x48xf32, #tpu.memory_space<hbm>> -> memref<632x48xf32, #tpu.memory_space<hbm>>
      %dma_start3A_23 = arith.constant 0 : i32
      %dma_start3A_24 = tpu.memref_slice %arg10[%multiple_of3A, %dma_start3A_23] : memref<10000x48xf32, #tpu.memory_space<vmem_shared>> -> memref<632x48xf32, #tpu.memory_space<vmem_shared>>
      tpu.enqueue_dma source(%dma_start3A_24 : memref<632x48xf32, #tpu.memory_space<vmem_shared>>) target(%dma_start3A_22 : memref<632x48xf32, #tpu.memory_space<hbm>>) target_semaphore(%run_scoped3A : memref<!tpu.dma_semaphore, #tpu.memory_space<semaphore_mem>>)
      %dma_wait3A = arith.constant 0 : i32
      %dma_wait3A_25 = tpu.memref_slice %arg5[%arg0, %multiple_of3A, %dma_wait3A] : memref<2x10000x48xf32, #tpu.memory_space<hbm>> -> memref<1x632x48xf32, #tpu.memory_space<hbm>>
      %dma_wait3A_26 = tpu.memref_squeeze %dma_wait3A_25 : memref<1x632x48xf32, #tpu.memory_space<hbm>> -> memref<632x48xf32, #tpu.memory_space<hbm>>
      %dma_wait3A_27 = arith.constant 0 : i32
      %dma_wait3A_28 = tpu.memref_slice %arg10[%multiple_of3A, %dma_wait3A_27] : memref<10000x48xf32, #tpu.memory_space<vmem_shared>> -> memref<632x48xf32, #tpu.memory_space<vmem_shared>>
      tpu.wait_dma2 semaphore(%run_scoped3A : memref<!tpu.dma_semaphore, #tpu.memory_space<semaphore_mem>>) src(%dma_wait3A_28 : memref<632x48xf32, #tpu.memory_space<vmem_shared>>) dst(%dma_wait3A_26 : memref<632x48xf32, #tpu.memory_space<hbm>>)
      tpu.yield
    }) : () -> ()
    return
  }
}

#map = affine_map<(d0, d1) -> (0, 0)>
#map1 = affine_map<(d0, d1) -> (0)>
#map2 = affine_map<(d0, d1) -> (0, 0, 0)>
module attributes {stable_mosaic.version = 14 : i64} {
  func.func @prop(%arg0: i32, %arg1: i32, %arg2: memref<10000x96xf32, #tpu.memory_space<hbm>>, %arg3: memref<320000xi32, #tpu.memory_space<hbm>>, %arg4: memref<320000xi32, #tpu.memory_space<hbm>>, %arg5: memref<2x10000x96xf32, #tpu.memory_space<hbm>>, %arg6: memref<80xi32, #tpu.memory_space<vmem>>, %arg7: memref<80xi32, #tpu.memory_space<vmem>>, %arg8: memref<80x96xf32, #tpu.memory_space<vmem>>, %arg9: memref<632x96xf32, #tpu.memory_space<vmem>>, %arg10: memref<10000x96xf32, #tpu.memory_space<vmem_shared>>, %arg11: memref<!tpu.dma_semaphore, #tpu.memory_space<semaphore_mem>>) attributes {dimension_semantics = [#tpu.dimension_semantics<core_parallel>, #tpu.dimension_semantics<subcore_parallel>], iteration_bounds = array<i64: 2, 16>, scalar_prefetch = 0 : i64, scratch_operands = 6 : i64, tpu.core_type = #tpu.core_type<sc_vector_subcore>, window_params = [{transform_indices = #map}, {transform_indices = #map1}, {transform_indices = #map1}, {transform_indices = #map2}]} {
    %eq3A = arith.constant 15 : i32
    %eq3A_0 = arith.cmpi eq, %arg1, %eq3A : i32
    %mul3A = arith.constant 632 : i32
    %mul3A_1 = arith.muli %arg1, %mul3A : i32
    %jit3A = arith.constant 9368 : i32
    %select_n3A = arith.select %eq3A_0, %jit3A, %mul3A_1 : i32
    %multiple_of3A = tpu.assume_multiple %select_n3A, 8 : i32
    %broadcast_in_dim3A = arith.constant 0.000000e+00 : f32
    %broadcast_in_dim3A_2 = vector.broadcast %broadcast_in_dim3A : f32 to vector<16xf32>
    %scan3A = arith.constant 0 : i32
    %scan3A_3 = arith.constant 0 : i32
    %scan3A_4 = arith.constant 632 : i32
    %scan3A_5 = arith.addi %scan3A_3, %scan3A_4 : i32
    %scan3A_6 = arith.constant 1 : i32
    %scan3A_7 = scf.for %scan3A_21 = %scan3A_3 to %scan3A_5 step %scan3A_6 iter_args(%scan3A_22 = %scan3A) -> (i32)  : i32 {
      %scan3A_23 = arith.constant 0 : i32
      %scan3A_24 = arith.constant 0 : i32
      %scan3A_25 = arith.constant 6 : i32
      %scan3A_26 = arith.addi %scan3A_24, %scan3A_25 : i32
      %scan3A_27 = arith.constant 1 : i32
      %scan3A_28 = scf.for %scan3A_30 = %scan3A_24 to %scan3A_26 step %scan3A_27 iter_args(%scan3A_31 = %scan3A_23) -> (i32)  : i32 {
        %mul3A_32 = arith.constant 16 : i32
        %mul3A_33 = arith.muli %scan3A_30, %mul3A_32 : i32
        %swap3A = arith.index_cast %scan3A_21 : i32 to index
        %swap3A_34 = arith.index_cast %mul3A_33 : i32 to index
        %swap3A_35 = tpu.vector_load %arg9[%swap3A, %swap3A_34] {strides = array<i32>} : memref<632x96xf32, #tpu.memory_space<vmem>>, vector<1x16xf32>,
        %swap3A_36 = vector.shape_cast %swap3A_35 : vector<1x16xf32> to vector<16xf32>
        %swap3A_37 = vector.shape_cast %broadcast_in_dim3A_2 : vector<16xf32> to vector<1x16xf32>
        tpu.vector_store %arg9[%swap3A, %swap3A_34], %swap3A_37 {strides = array<i32>} : memref<632x96xf32, #tpu.memory_space<vmem>>, vector<1x16xf32>,
        %scan3A_38 = arith.constant 0 : i32
        scf.yield %scan3A_38 : i32
      }
      %scan3A_29 = arith.constant 6 : i32
      scf.yield %scan3A_28 : i32
    }
    %scan3A_8 = arith.constant 632 : i32
    "tpu.region"() ({
      %run_scoped3A = tpu.sem_alloc : memref<!tpu.dma_semaphore, #tpu.memory_space<semaphore_mem>>
      %dma_start3A = arith.constant 0 : i32
      %dma_start3A_21 = tpu.memref_slice %arg10[%multiple_of3A, %dma_start3A] : memref<10000x96xf32, #tpu.memory_space<vmem_shared>> -> memref<632x96xf32, #tpu.memory_space<vmem_shared>>
      %dma_start3A_22 = arith.constant 0 : i32
      %dma_start3A_23 = tpu.memref_slice %arg10[%multiple_of3A, %dma_start3A_22] : memref<10000x96xf32, #tpu.memory_space<vmem_shared>> -> memref<632x96xf32, #tpu.memory_space<vmem_shared>>
      tpu.enqueue_dma source(%arg9 : memref<632x96xf32, #tpu.memory_space<vmem>>) target(%dma_start3A_23 : memref<632x96xf32, #tpu.memory_space<vmem_shared>>) target_semaphore(%run_scoped3A : memref<!tpu.dma_semaphore, #tpu.memory_space<semaphore_mem>>)
      %dma_wait3A = arith.constant 0 : i32
      %dma_wait3A_24 = tpu.memref_slice %arg10[%multiple_of3A, %dma_wait3A] : memref<10000x96xf32, #tpu.memory_space<vmem_shared>> -> memref<632x96xf32, #tpu.memory_space<vmem_shared>>
      %dma_wait3A_25 = arith.constant 0 : i32
      %dma_wait3A_26 = tpu.memref_slice %arg10[%multiple_of3A, %dma_wait3A_25] : memref<10000x96xf32, #tpu.memory_space<vmem_shared>> -> memref<632x96xf32, #tpu.memory_space<vmem_shared>>
      tpu.wait_dma2 semaphore(%run_scoped3A : memref<!tpu.dma_semaphore, #tpu.memory_space<semaphore_mem>>) src(%arg9 : memref<632x96xf32, #tpu.memory_space<vmem>>) dst(%dma_wait3A_26 : memref<632x96xf32, #tpu.memory_space<vmem_shared>>)
      tpu.yield
    }) : () -> ()
    %barrier3A = arith.constant 0 : index
    tpu.barrier barrier_id(%barrier3A)
    %mul3A_9 = arith.constant 16 : i32
    %mul3A_10 = arith.muli %arg0, %mul3A_9 : i32
    %add3A = arith.addi %mul3A_10, %arg1 : i32
    %mul3A_11 = arith.constant 10000 : i32
    %mul3A_12 = arith.muli %add3A, %mul3A_11 : i32
    %scan3A_13 = arith.constant 0 : i32
    %scan3A_14 = arith.constant 0 : i32
    %scan3A_15 = arith.constant 125 : i32
    %scan3A_16 = arith.addi %scan3A_14, %scan3A_15 : i32
    %scan3A_17 = arith.constant 1 : i32
    %scan3A_18 = scf.for %scan3A_21 = %scan3A_14 to %scan3A_16 step %scan3A_17 iter_args(%scan3A_22 = %scan3A_13) -> (i32)  : i32 {
      %mul3A_23 = arith.constant 80 : i32
      %mul3A_24 = arith.muli %scan3A_21, %mul3A_23 : i32
      %add3A_25 = arith.addi %mul3A_12, %mul3A_24 : i32
      "tpu.region"() ({
        %run_scoped3A = tpu.sem_alloc : memref<!tpu.dma_semaphore, #tpu.memory_space<semaphore_mem>>
        %dma_start3A_31 = tpu.memref_slice %arg3[%add3A_25] : memref<320000xi32, #tpu.memory_space<hbm>> -> memref<80xi32, #tpu.memory_space<hbm>>
        %dma_start3A_32 = tpu.memref_slice %arg3[%add3A_25] : memref<320000xi32, #tpu.memory_space<hbm>> -> memref<80xi32, #tpu.memory_space<hbm>>
        tpu.enqueue_dma source(%dma_start3A_32 : memref<80xi32, #tpu.memory_space<hbm>>) target(%arg6 : memref<80xi32, #tpu.memory_space<vmem>>) target_semaphore(%run_scoped3A : memref<!tpu.dma_semaphore, #tpu.memory_space<semaphore_mem>>)
        %dma_wait3A_33 = tpu.memref_slice %arg3[%add3A_25] : memref<320000xi32, #tpu.memory_space<hbm>> -> memref<80xi32, #tpu.memory_space<hbm>>
        %dma_wait3A_34 = tpu.memref_slice %arg3[%add3A_25] : memref<320000xi32, #tpu.memory_space<hbm>> -> memref<80xi32, #tpu.memory_space<hbm>>
        tpu.wait_dma2 semaphore(%run_scoped3A : memref<!tpu.dma_semaphore, #tpu.memory_space<semaphore_mem>>) src(%dma_wait3A_34 : memref<80xi32, #tpu.memory_space<hbm>>) dst(%arg6 : memref<80xi32, #tpu.memory_space<vmem>>)
        tpu.yield
      }) : () -> ()
      %dma_start3A = arith.constant 0 : i32
      %dma_start3A_26 = arith.constant 0 : i32
      %dma_start3A_27 = tpu.memref_slice %arg2[%dma_start3A, %dma_start3A_26] : memref<10000x96xf32, #tpu.memory_space<hbm>> -> memref<10000x96xf32, #tpu.memory_space<hbm>>
      tpu.enqueue_indirect_dma source(%dma_start3A_27 : memref<10000x96xf32, #tpu.memory_space<hbm>>) target(%arg8 : memref<80x96xf32, #tpu.memory_space<vmem>>) offsets(%arg6 : memref<80xi32, #tpu.memory_space<vmem>>) semaphore(%arg11 : memref<!tpu.dma_semaphore, #tpu.memory_space<semaphore_mem>>)
      %dma_wait3A = arith.constant 0 : i32
      %dma_wait3A_28 = arith.constant 0 : i32
      %dma_wait3A_29 = tpu.memref_slice %arg2[%dma_wait3A, %dma_wait3A_28] : memref<10000x96xf32, #tpu.memory_space<hbm>> -> memref<10000x96xf32, #tpu.memory_space<hbm>>
      tpu.wait_indirect_dma semaphore(%arg11 : memref<!tpu.dma_semaphore, #tpu.memory_space<semaphore_mem>>) src(%dma_wait3A_29 : memref<10000x96xf32, #tpu.memory_space<hbm>>) dst(%arg8 : memref<80x96xf32, #tpu.memory_space<vmem>>)
      "tpu.region"() ({
        %run_scoped3A = tpu.sem_alloc : memref<!tpu.dma_semaphore, #tpu.memory_space<semaphore_mem>>
        %dma_start3A_31 = tpu.memref_slice %arg4[%add3A_25] : memref<320000xi32, #tpu.memory_space<hbm>> -> memref<80xi32, #tpu.memory_space<hbm>>
        %dma_start3A_32 = tpu.memref_slice %arg4[%add3A_25] : memref<320000xi32, #tpu.memory_space<hbm>> -> memref<80xi32, #tpu.memory_space<hbm>>
        tpu.enqueue_dma source(%dma_start3A_32 : memref<80xi32, #tpu.memory_space<hbm>>) target(%arg7 : memref<80xi32, #tpu.memory_space<vmem>>) target_semaphore(%run_scoped3A : memref<!tpu.dma_semaphore, #tpu.memory_space<semaphore_mem>>)
        %dma_wait3A_33 = tpu.memref_slice %arg4[%add3A_25] : memref<320000xi32, #tpu.memory_space<hbm>> -> memref<80xi32, #tpu.memory_space<hbm>>
        %dma_wait3A_34 = tpu.memref_slice %arg4[%add3A_25] : memref<320000xi32, #tpu.memory_space<hbm>> -> memref<80xi32, #tpu.memory_space<hbm>>
        tpu.wait_dma2 semaphore(%run_scoped3A : memref<!tpu.dma_semaphore, #tpu.memory_space<semaphore_mem>>) src(%dma_wait3A_34 : memref<80xi32, #tpu.memory_space<hbm>>) dst(%arg7 : memref<80xi32, #tpu.memory_space<vmem>>)
        tpu.yield
      }) : () -> ()
      "tpu.region"() ({
        %run_scoped3A = tpu.sem_alloc : memref<!tpu.dma_semaphore, #tpu.memory_space<semaphore_mem>>
        %dma_start3A_31 = arith.constant 0 : i32
        %dma_start3A_32 = arith.constant 0 : i32
        %dma_start3A_33 = tpu.memref_slice %arg10[%dma_start3A_31, %dma_start3A_32] : memref<10000x96xf32, #tpu.memory_space<vmem_shared>> -> memref<10000x96xf32, #tpu.memory_space<vmem_shared>>
        tpu.enqueue_indirect_dma source(%arg8 : memref<80x96xf32, #tpu.memory_space<vmem>>) target(%dma_start3A_33 : memref<10000x96xf32, #tpu.memory_space<vmem_shared>>) offsets(%arg7 : memref<80xi32, #tpu.memory_space<vmem>>) semaphore(%run_scoped3A : memref<!tpu.dma_semaphore, #tpu.memory_space<semaphore_mem>>) {add = true}
        %dma_wait3A_34 = arith.constant 0 : i32
        %dma_wait3A_35 = arith.constant 0 : i32
        %dma_wait3A_36 = tpu.memref_slice %arg10[%dma_wait3A_34, %dma_wait3A_35] : memref<10000x96xf32, #tpu.memory_space<vmem_shared>> -> memref<10000x96xf32, #tpu.memory_space<vmem_shared>>
        tpu.wait_indirect_dma semaphore(%run_scoped3A : memref<!tpu.dma_semaphore, #tpu.memory_space<semaphore_mem>>) src(%arg8 : memref<80x96xf32, #tpu.memory_space<vmem>>) dst(%dma_wait3A_36 : memref<10000x96xf32, #tpu.memory_space<vmem_shared>>)
        tpu.yield
      }) : () -> ()
      %scan3A_30 = arith.constant 0 : i32
      scf.yield %scan3A_30 : i32
    }
    %scan3A_19 = arith.constant 125 : i32
    %barrier3A_20 = arith.constant 0 : index
    tpu.barrier barrier_id(%barrier3A_20)
    "tpu.region"() ({
      %run_scoped3A = tpu.sem_alloc : memref<!tpu.dma_semaphore, #tpu.memory_space<semaphore_mem>>
      %dma_start3A = arith.constant 0 : i32
      %dma_start3A_21 = tpu.memref_slice %arg5[%arg0, %multiple_of3A, %dma_start3A] : memref<2x10000x96xf32, #tpu.memory_space<hbm>> -> memref<1x632x96xf32, #tpu.memory_space<hbm>>
      %dma_start3A_22 = tpu.memref_squeeze %dma_start3A_21 : memref<1x632x96xf32, #tpu.memory_space<hbm>> -> memref<632x96xf32, #tpu.memory_space<hbm>>
      %dma_start3A_23 = arith.constant 0 : i32
      %dma_start3A_24 = tpu.memref_slice %arg10[%multiple_of3A, %dma_start3A_23] : memref<10000x96xf32, #tpu.memory_space<vmem_shared>> -> memref<632x96xf32, #tpu.memory_space<vmem_shared>>
      tpu.enqueue_dma source(%dma_start3A_24 : memref<632x96xf32, #tpu.memory_space<vmem_shared>>) target(%dma_start3A_22 : memref<632x96xf32, #tpu.memory_space<hbm>>) target_semaphore(%run_scoped3A : memref<!tpu.dma_semaphore, #tpu.memory_space<semaphore_mem>>)
      %dma_wait3A = arith.constant 0 : i32
      %dma_wait3A_25 = tpu.memref_slice %arg5[%arg0, %multiple_of3A, %dma_wait3A] : memref<2x10000x96xf32, #tpu.memory_space<hbm>> -> memref<1x632x96xf32, #tpu.memory_space<hbm>>
      %dma_wait3A_26 = tpu.memref_squeeze %dma_wait3A_25 : memref<1x632x96xf32, #tpu.memory_space<hbm>> -> memref<632x96xf32, #tpu.memory_space<hbm>>
      %dma_wait3A_27 = arith.constant 0 : i32
      %dma_wait3A_28 = tpu.memref_slice %arg10[%multiple_of3A, %dma_wait3A_27] : memref<10000x96xf32, #tpu.memory_space<vmem_shared>> -> memref<632x96xf32, #tpu.memory_space<vmem_shared>>
      tpu.wait_dma2 semaphore(%run_scoped3A : memref<!tpu.dma_semaphore, #tpu.memory_space<semaphore_mem>>) src(%dma_wait3A_28 : memref<632x96xf32, #tpu.memory_space<vmem_shared>>) dst(%dma_wait3A_26 : memref<632x96xf32, #tpu.memory_space<hbm>>)
      tpu.yield
    }) : () -> ()
    return
  }
}

#map = affine_map<(d0, d1) -> (0, 0)>
#map1 = affine_map<(d0, d1) -> (0)>
#map2 = affine_map<(d0, d1) -> (0, 0, 0)>
module attributes {stable_mosaic.version = 14 : i64} {
  func.func @prop(%arg0: i32, %arg1: i32, %arg2: memref<10000x48xf32, #tpu.memory_space<hbm>>, %arg3: memref<320000xi32, #tpu.memory_space<hbm>>, %arg4: memref<320000xi32, #tpu.memory_space<hbm>>, %arg5: memref<2x10000x48xf32, #tpu.memory_space<hbm>>, %arg6: memref<80xi32, #tpu.memory_space<vmem>>, %arg7: memref<80xi32, #tpu.memory_space<vmem>>, %arg8: memref<80x48xf32, #tpu.memory_space<vmem>>, %arg9: memref<632x48xf32, #tpu.memory_space<vmem>>, %arg10: memref<10000x48xf32, #tpu.memory_space<vmem_shared>>, %arg11: memref<!tpu.dma_semaphore, #tpu.memory_space<semaphore_mem>>) attributes {dimension_semantics = [#tpu.dimension_semantics<core_parallel>, #tpu.dimension_semantics<subcore_parallel>], iteration_bounds = array<i64: 2, 16>, scalar_prefetch = 0 : i64, scratch_operands = 6 : i64, tpu.core_type = #tpu.core_type<sc_vector_subcore>, window_params = [{transform_indices = #map}, {transform_indices = #map1}, {transform_indices = #map1}, {transform_indices = #map2}]} {
    %eq3A = arith.constant 15 : i32
    %eq3A_0 = arith.cmpi eq, %arg1, %eq3A : i32
    %mul3A = arith.constant 632 : i32
    %mul3A_1 = arith.muli %arg1, %mul3A : i32
    %jit3A = arith.constant 9368 : i32
    %select_n3A = arith.select %eq3A_0, %jit3A, %mul3A_1 : i32
    %multiple_of3A = tpu.assume_multiple %select_n3A, 8 : i32
    %broadcast_in_dim3A = arith.constant 0.000000e+00 : f32
    %broadcast_in_dim3A_2 = vector.broadcast %broadcast_in_dim3A : f32 to vector<16xf32>
    %scan3A = arith.constant 0 : i32
    %scan3A_3 = arith.constant 0 : i32
    %scan3A_4 = arith.constant 632 : i32
    %scan3A_5 = arith.addi %scan3A_3, %scan3A_4 : i32
    %scan3A_6 = arith.constant 1 : i32
    %scan3A_7 = scf.for %scan3A_21 = %scan3A_3 to %scan3A_5 step %scan3A_6 iter_args(%scan3A_22 = %scan3A) -> (i32)  : i32 {
      %scan3A_23 = arith.constant 0 : i32
      %scan3A_24 = arith.constant 0 : i32
      %scan3A_25 = arith.constant 3 : i32
      %scan3A_26 = arith.addi %scan3A_24, %scan3A_25 : i32
      %scan3A_27 = arith.constant 1 : i32
      %scan3A_28 = scf.for %scan3A_30 = %scan3A_24 to %scan3A_26 step %scan3A_27 iter_args(%scan3A_31 = %scan3A_23) -> (i32)  : i32 {
        %mul3A_32 = arith.constant 16 : i32
        %mul3A_33 = arith.muli %scan3A_30, %mul3A_32 : i32
        %swap3A = arith.index_cast %scan3A_21 : i32 to index
        %swap3A_34 = arith.index_cast %mul3A_33 : i32 to index
        %swap3A_35 = tpu.vector_load %arg9[%swap3A, %swap3A_34] {strides = array<i32>} : memref<632x48xf32, #tpu.memory_space<vmem>>, vector<1x16xf32>,
        %swap3A_36 = vector.shape_cast %swap3A_35 : vector<1x16xf32> to vector<16xf32>
        %swap3A_37 = vector.shape_cast %broadcast_in_dim3A_2 : vector<16xf32> to vector<1x16xf32>
        tpu.vector_store %arg9[%swap3A, %swap3A_34], %swap3A_37 {strides = array<i32>} : memref<632x48xf32, #tpu.memory_space<vmem>>, vector<1x16xf32>,
        %scan3A_38 = arith.constant 0 : i32
        scf.yield %scan3A_38 : i32
      }
      %scan3A_29 = arith.constant 3 : i32
      scf.yield %scan3A_28 : i32
    }
    %scan3A_8 = arith.constant 632 : i32
    "tpu.region"() ({
      %run_scoped3A = tpu.sem_alloc : memref<!tpu.dma_semaphore, #tpu.memory_space<semaphore_mem>>
      %dma_start3A = arith.constant 0 : i32
      %dma_start3A_21 = tpu.memref_slice %arg10[%multiple_of3A, %dma_start3A] : memref<10000x48xf32, #tpu.memory_space<vmem_shared>> -> memref<632x48xf32, #tpu.memory_space<vmem_shared>>
      %dma_start3A_22 = arith.constant 0 : i32
      %dma_start3A_23 = tpu.memref_slice %arg10[%multiple_of3A, %dma_start3A_22] : memref<10000x48xf32, #tpu.memory_space<vmem_shared>> -> memref<632x48xf32, #tpu.memory_space<vmem_shared>>
      tpu.enqueue_dma source(%arg9 : memref<632x48xf32, #tpu.memory_space<vmem>>) target(%dma_start3A_23 : memref<632x48xf32, #tpu.memory_space<vmem_shared>>) target_semaphore(%run_scoped3A : memref<!tpu.dma_semaphore, #tpu.memory_space<semaphore_mem>>)
      %dma_wait3A = arith.constant 0 : i32
      %dma_wait3A_24 = tpu.memref_slice %arg10[%multiple_of3A, %dma_wait3A] : memref<10000x48xf32, #tpu.memory_space<vmem_shared>> -> memref<632x48xf32, #tpu.memory_space<vmem_shared>>
      %dma_wait3A_25 = arith.constant 0 : i32
      %dma_wait3A_26 = tpu.memref_slice %arg10[%multiple_of3A, %dma_wait3A_25] : memref<10000x48xf32, #tpu.memory_space<vmem_shared>> -> memref<632x48xf32, #tpu.memory_space<vmem_shared>>
      tpu.wait_dma2 semaphore(%run_scoped3A : memref<!tpu.dma_semaphore, #tpu.memory_space<semaphore_mem>>) src(%arg9 : memref<632x48xf32, #tpu.memory_space<vmem>>) dst(%dma_wait3A_26 : memref<632x48xf32, #tpu.memory_space<vmem_shared>>)
      tpu.yield
    }) : () -> ()
    %barrier3A = arith.constant 0 : index
    tpu.barrier barrier_id(%barrier3A)
    %mul3A_9 = arith.constant 16 : i32
    %mul3A_10 = arith.muli %arg0, %mul3A_9 : i32
    %add3A = arith.addi %mul3A_10, %arg1 : i32
    %mul3A_11 = arith.constant 10000 : i32
    %mul3A_12 = arith.muli %add3A, %mul3A_11 : i32
    %scan3A_13 = arith.constant 0 : i32
    %scan3A_14 = arith.constant 0 : i32
    %scan3A_15 = arith.constant 125 : i32
    %scan3A_16 = arith.addi %scan3A_14, %scan3A_15 : i32
    %scan3A_17 = arith.constant 1 : i32
    %scan3A_18 = scf.for %scan3A_21 = %scan3A_14 to %scan3A_16 step %scan3A_17 iter_args(%scan3A_22 = %scan3A_13) -> (i32)  : i32 {
      %mul3A_23 = arith.constant 80 : i32
      %mul3A_24 = arith.muli %scan3A_21, %mul3A_23 : i32
      %add3A_25 = arith.addi %mul3A_12, %mul3A_24 : i32
      "tpu.region"() ({
        %run_scoped3A = tpu.sem_alloc : memref<!tpu.dma_semaphore, #tpu.memory_space<semaphore_mem>>
        %dma_start3A_31 = tpu.memref_slice %arg3[%add3A_25] : memref<320000xi32, #tpu.memory_space<hbm>> -> memref<80xi32, #tpu.memory_space<hbm>>
        %dma_start3A_32 = tpu.memref_slice %arg3[%add3A_25] : memref<320000xi32, #tpu.memory_space<hbm>> -> memref<80xi32, #tpu.memory_space<hbm>>
        tpu.enqueue_dma source(%dma_start3A_32 : memref<80xi32, #tpu.memory_space<hbm>>) target(%arg6 : memref<80xi32, #tpu.memory_space<vmem>>) target_semaphore(%run_scoped3A : memref<!tpu.dma_semaphore, #tpu.memory_space<semaphore_mem>>)
        %dma_wait3A_33 = tpu.memref_slice %arg3[%add3A_25] : memref<320000xi32, #tpu.memory_space<hbm>> -> memref<80xi32, #tpu.memory_space<hbm>>
        %dma_wait3A_34 = tpu.memref_slice %arg3[%add3A_25] : memref<320000xi32, #tpu.memory_space<hbm>> -> memref<80xi32, #tpu.memory_space<hbm>>
        tpu.wait_dma2 semaphore(%run_scoped3A : memref<!tpu.dma_semaphore, #tpu.memory_space<semaphore_mem>>) src(%dma_wait3A_34 : memref<80xi32, #tpu.memory_space<hbm>>) dst(%arg6 : memref<80xi32, #tpu.memory_space<vmem>>)
        tpu.yield
      }) : () -> ()
      %dma_start3A = arith.constant 0 : i32
      %dma_start3A_26 = arith.constant 0 : i32
      %dma_start3A_27 = tpu.memref_slice %arg2[%dma_start3A, %dma_start3A_26] : memref<10000x48xf32, #tpu.memory_space<hbm>> -> memref<10000x48xf32, #tpu.memory_space<hbm>>
      tpu.enqueue_indirect_dma source(%dma_start3A_27 : memref<10000x48xf32, #tpu.memory_space<hbm>>) target(%arg8 : memref<80x48xf32, #tpu.memory_space<vmem>>) offsets(%arg6 : memref<80xi32, #tpu.memory_space<vmem>>) semaphore(%arg11 : memref<!tpu.dma_semaphore, #tpu.memory_space<semaphore_mem>>)
      %dma_wait3A = arith.constant 0 : i32
      %dma_wait3A_28 = arith.constant 0 : i32
      %dma_wait3A_29 = tpu.memref_slice %arg2[%dma_wait3A, %dma_wait3A_28] : memref<10000x48xf32, #tpu.memory_space<hbm>> -> memref<10000x48xf32, #tpu.memory_space<hbm>>
      tpu.wait_indirect_dma semaphore(%arg11 : memref<!tpu.dma_semaphore, #tpu.memory_space<semaphore_mem>>) src(%dma_wait3A_29 : memref<10000x48xf32, #tpu.memory_space<hbm>>) dst(%arg8 : memref<80x48xf32, #tpu.memory_space<vmem>>)
      "tpu.region"() ({
        %run_scoped3A = tpu.sem_alloc : memref<!tpu.dma_semaphore, #tpu.memory_space<semaphore_mem>>
        %dma_start3A_31 = tpu.memref_slice %arg4[%add3A_25] : memref<320000xi32, #tpu.memory_space<hbm>> -> memref<80xi32, #tpu.memory_space<hbm>>
        %dma_start3A_32 = tpu.memref_slice %arg4[%add3A_25] : memref<320000xi32, #tpu.memory_space<hbm>> -> memref<80xi32, #tpu.memory_space<hbm>>
        tpu.enqueue_dma source(%dma_start3A_32 : memref<80xi32, #tpu.memory_space<hbm>>) target(%arg7 : memref<80xi32, #tpu.memory_space<vmem>>) target_semaphore(%run_scoped3A : memref<!tpu.dma_semaphore, #tpu.memory_space<semaphore_mem>>)
        %dma_wait3A_33 = tpu.memref_slice %arg4[%add3A_25] : memref<320000xi32, #tpu.memory_space<hbm>> -> memref<80xi32, #tpu.memory_space<hbm>>
        %dma_wait3A_34 = tpu.memref_slice %arg4[%add3A_25] : memref<320000xi32, #tpu.memory_space<hbm>> -> memref<80xi32, #tpu.memory_space<hbm>>
        tpu.wait_dma2 semaphore(%run_scoped3A : memref<!tpu.dma_semaphore, #tpu.memory_space<semaphore_mem>>) src(%dma_wait3A_34 : memref<80xi32, #tpu.memory_space<hbm>>) dst(%arg7 : memref<80xi32, #tpu.memory_space<vmem>>)
        tpu.yield
      }) : () -> ()
      "tpu.region"() ({
        %run_scoped3A = tpu.sem_alloc : memref<!tpu.dma_semaphore, #tpu.memory_space<semaphore_mem>>
        %dma_start3A_31 = arith.constant 0 : i32
        %dma_start3A_32 = arith.constant 0 : i32
        %dma_start3A_33 = tpu.memref_slice %arg10[%dma_start3A_31, %dma_start3A_32] : memref<10000x48xf32, #tpu.memory_space<vmem_shared>> -> memref<10000x48xf32, #tpu.memory_space<vmem_shared>>
        tpu.enqueue_indirect_dma source(%arg8 : memref<80x48xf32, #tpu.memory_space<vmem>>) target(%dma_start3A_33 : memref<10000x48xf32, #tpu.memory_space<vmem_shared>>) offsets(%arg7 : memref<80xi32, #tpu.memory_space<vmem>>) semaphore(%run_scoped3A : memref<!tpu.dma_semaphore, #tpu.memory_space<semaphore_mem>>) {add = true}
        %dma_wait3A_34 = arith.constant 0 : i32
        %dma_wait3A_35 = arith.constant 0 : i32
        %dma_wait3A_36 = tpu.memref_slice %arg10[%dma_wait3A_34, %dma_wait3A_35] : memref<10000x48xf32, #tpu.memory_space<vmem_shared>> -> memref<10000x48xf32, #tpu.memory_space<vmem_shared>>
        tpu.wait_indirect_dma semaphore(%run_scoped3A : memref<!tpu.dma_semaphore, #tpu.memory_space<semaphore_mem>>) src(%arg8 : memref<80x48xf32, #tpu.memory_space<vmem>>) dst(%dma_wait3A_36 : memref<10000x48xf32, #tpu.memory_space<vmem_shared>>)
        tpu.yield
      }) : () -> ()
      %scan3A_30 = arith.constant 0 : i32
      scf.yield %scan3A_30 : i32
    }
    %scan3A_19 = arith.constant 125 : i32
    %barrier3A_20 = arith.constant 0 : index
    tpu.barrier barrier_id(%barrier3A_20)
    "tpu.region"() ({
      %run_scoped3A = tpu.sem_alloc : memref<!tpu.dma_semaphore, #tpu.memory_space<semaphore_mem>>
      %dma_start3A = arith.constant 0 : i32
      %dma_start3A_21 = tpu.memref_slice %arg5[%arg0, %multiple_of3A, %dma_start3A] : memref<2x10000x48xf32, #tpu.memory_space<hbm>> -> memref<1x632x48xf32, #tpu.memory_space<hbm>>
      %dma_start3A_22 = tpu.memref_squeeze %dma_start3A_21 : memref<1x632x48xf32, #tpu.memory_space<hbm>> -> memref<632x48xf32, #tpu.memory_space<hbm>>
      %dma_start3A_23 = arith.constant 0 : i32
      %dma_start3A_24 = tpu.memref_slice %arg10[%multiple_of3A, %dma_start3A_23] : memref<10000x48xf32, #tpu.memory_space<vmem_shared>> -> memref<632x48xf32, #tpu.memory_space<vmem_shared>>
      tpu.enqueue_dma source(%dma_start3A_24 : memref<632x48xf32, #tpu.memory_space<vmem_shared>>) target(%dma_start3A_22 : memref<632x48xf32, #tpu.memory_space<hbm>>) target_semaphore(%run_scoped3A : memref<!tpu.dma_semaphore, #tpu.memory_space<semaphore_mem>>)
      %dma_wait3A = arith.constant 0 : i32
      %dma_wait3A_25 = tpu.memref_slice %arg5[%arg0, %multiple_of3A, %dma_wait3A] : memref<2x10000x48xf32, #tpu.memory_space<hbm>> -> memref<1x632x48xf32, #tpu.memory_space<hbm>>
      %dma_wait3A_26 = tpu.memref_squeeze %dma_wait3A_25 : memref<1x632x48xf32, #tpu.memory_space<hbm>> -> memref<632x48xf32, #tpu.memory_space<hbm>>
      %dma_wait3A_27 = arith.constant 0 : i32
      %dma_wait3A_28 = tpu.memref_slice %arg10[%multiple_of3A, %dma_wait3A_27] : memref<10000x48xf32, #tpu.memory_space<vmem_shared>> -> memref<632x48xf32, #tpu.memory_space<vmem_shared>>
      tpu.wait_dma2 semaphore(%run_scoped3A : memref<!tpu.dma_semaphore, #tpu.memory_space<semaphore_mem>>) src(%dma_wait3A_28 : memref<632x48xf32, #tpu.memory_space<vmem_shared>>) dst(%dma_wait3A_26 : memref<632x48xf32, #tpu.memory_space<hbm>>)
      tpu.yield
    }) : () -> ()
    return
  }
}

#map = affine_map<(d0, d1) -> (0, 0)>
#map1 = affine_map<(d0, d1) -> (0)>
#map2 = affine_map<(d0, d1) -> (0, 0, 0)>
module attributes {stable_mosaic.version = 14 : i64} {
  func.func @prop(%arg0: i32, %arg1: i32, %arg2: memref<10000x48xf32, #tpu.memory_space<hbm>>, %arg3: memref<320000xi32, #tpu.memory_space<hbm>>, %arg4: memref<320000xi32, #tpu.memory_space<hbm>>, %arg5: memref<2x10000x48xf32, #tpu.memory_space<hbm>>, %arg6: memref<80xi32, #tpu.memory_space<vmem>>, %arg7: memref<80xi32, #tpu.memory_space<vmem>>, %arg8: memref<80x48xf32, #tpu.memory_space<vmem>>, %arg9: memref<632x48xf32, #tpu.memory_space<vmem>>, %arg10: memref<10000x48xf32, #tpu.memory_space<vmem_shared>>, %arg11: memref<!tpu.dma_semaphore, #tpu.memory_space<semaphore_mem>>) attributes {dimension_semantics = [#tpu.dimension_semantics<core_parallel>, #tpu.dimension_semantics<subcore_parallel>], iteration_bounds = array<i64: 2, 16>, scalar_prefetch = 0 : i64, scratch_operands = 6 : i64, tpu.core_type = #tpu.core_type<sc_vector_subcore>, window_params = [{transform_indices = #map}, {transform_indices = #map1}, {transform_indices = #map1}, {transform_indices = #map2}]} {
    %eq3A = arith.constant 15 : i32
    %eq3A_0 = arith.cmpi eq, %arg1, %eq3A : i32
    %mul3A = arith.constant 632 : i32
    %mul3A_1 = arith.muli %arg1, %mul3A : i32
    %jit3A = arith.constant 9368 : i32
    %select_n3A = arith.select %eq3A_0, %jit3A, %mul3A_1 : i32
    %multiple_of3A = tpu.assume_multiple %select_n3A, 8 : i32
    %broadcast_in_dim3A = arith.constant 0.000000e+00 : f32
    %broadcast_in_dim3A_2 = vector.broadcast %broadcast_in_dim3A : f32 to vector<16xf32>
    %scan3A = arith.constant 0 : i32
    %scan3A_3 = arith.constant 0 : i32
    %scan3A_4 = arith.constant 632 : i32
    %scan3A_5 = arith.addi %scan3A_3, %scan3A_4 : i32
    %scan3A_6 = arith.constant 1 : i32
    %scan3A_7 = scf.for %scan3A_21 = %scan3A_3 to %scan3A_5 step %scan3A_6 iter_args(%scan3A_22 = %scan3A) -> (i32)  : i32 {
      %scan3A_23 = arith.constant 0 : i32
      %scan3A_24 = arith.constant 0 : i32
      %scan3A_25 = arith.constant 3 : i32
      %scan3A_26 = arith.addi %scan3A_24, %scan3A_25 : i32
      %scan3A_27 = arith.constant 1 : i32
      %scan3A_28 = scf.for %scan3A_30 = %scan3A_24 to %scan3A_26 step %scan3A_27 iter_args(%scan3A_31 = %scan3A_23) -> (i32)  : i32 {
        %mul3A_32 = arith.constant 16 : i32
        %mul3A_33 = arith.muli %scan3A_30, %mul3A_32 : i32
        %swap3A = arith.index_cast %scan3A_21 : i32 to index
        %swap3A_34 = arith.index_cast %mul3A_33 : i32 to index
        %swap3A_35 = tpu.vector_load %arg9[%swap3A, %swap3A_34] {strides = array<i32>} : memref<632x48xf32, #tpu.memory_space<vmem>>, vector<1x16xf32>,
        %swap3A_36 = vector.shape_cast %swap3A_35 : vector<1x16xf32> to vector<16xf32>
        %swap3A_37 = vector.shape_cast %broadcast_in_dim3A_2 : vector<16xf32> to vector<1x16xf32>
        tpu.vector_store %arg9[%swap3A, %swap3A_34], %swap3A_37 {strides = array<i32>} : memref<632x48xf32, #tpu.memory_space<vmem>>, vector<1x16xf32>,
        %scan3A_38 = arith.constant 0 : i32
        scf.yield %scan3A_38 : i32
      }
      %scan3A_29 = arith.constant 3 : i32
      scf.yield %scan3A_28 : i32
    }
    %scan3A_8 = arith.constant 632 : i32
    "tpu.region"() ({
      %run_scoped3A = tpu.sem_alloc : memref<!tpu.dma_semaphore, #tpu.memory_space<semaphore_mem>>
      %dma_start3A = arith.constant 0 : i32
      %dma_start3A_21 = tpu.memref_slice %arg10[%multiple_of3A, %dma_start3A] : memref<10000x48xf32, #tpu.memory_space<vmem_shared>> -> memref<632x48xf32, #tpu.memory_space<vmem_shared>>
      %dma_start3A_22 = arith.constant 0 : i32
      %dma_start3A_23 = tpu.memref_slice %arg10[%multiple_of3A, %dma_start3A_22] : memref<10000x48xf32, #tpu.memory_space<vmem_shared>> -> memref<632x48xf32, #tpu.memory_space<vmem_shared>>
      tpu.enqueue_dma source(%arg9 : memref<632x48xf32, #tpu.memory_space<vmem>>) target(%dma_start3A_23 : memref<632x48xf32, #tpu.memory_space<vmem_shared>>) target_semaphore(%run_scoped3A : memref<!tpu.dma_semaphore, #tpu.memory_space<semaphore_mem>>)
      %dma_wait3A = arith.constant 0 : i32
      %dma_wait3A_24 = tpu.memref_slice %arg10[%multiple_of3A, %dma_wait3A] : memref<10000x48xf32, #tpu.memory_space<vmem_shared>> -> memref<632x48xf32, #tpu.memory_space<vmem_shared>>
      %dma_wait3A_25 = arith.constant 0 : i32
      %dma_wait3A_26 = tpu.memref_slice %arg10[%multiple_of3A, %dma_wait3A_25] : memref<10000x48xf32, #tpu.memory_space<vmem_shared>> -> memref<632x48xf32, #tpu.memory_space<vmem_shared>>
      tpu.wait_dma2 semaphore(%run_scoped3A : memref<!tpu.dma_semaphore, #tpu.memory_space<semaphore_mem>>) src(%arg9 : memref<632x48xf32, #tpu.memory_space<vmem>>) dst(%dma_wait3A_26 : memref<632x48xf32, #tpu.memory_space<vmem_shared>>)
      tpu.yield
    }) : () -> ()
    %barrier3A = arith.constant 0 : index
    tpu.barrier barrier_id(%barrier3A)
    %mul3A_9 = arith.constant 16 : i32
    %mul3A_10 = arith.muli %arg0, %mul3A_9 : i32
    %add3A = arith.addi %mul3A_10, %arg1 : i32
    %mul3A_11 = arith.constant 10000 : i32
    %mul3A_12 = arith.muli %add3A, %mul3A_11 : i32
    %scan3A_13 = arith.constant 0 : i32
    %scan3A_14 = arith.constant 0 : i32
    %scan3A_15 = arith.constant 125 : i32
    %scan3A_16 = arith.addi %scan3A_14, %scan3A_15 : i32
    %scan3A_17 = arith.constant 1 : i32
    %scan3A_18 = scf.for %scan3A_21 = %scan3A_14 to %scan3A_16 step %scan3A_17 iter_args(%scan3A_22 = %scan3A_13) -> (i32)  : i32 {
      %mul3A_23 = arith.constant 80 : i32
      %mul3A_24 = arith.muli %scan3A_21, %mul3A_23 : i32
      %add3A_25 = arith.addi %mul3A_12, %mul3A_24 : i32
      "tpu.region"() ({
        %run_scoped3A = tpu.sem_alloc : memref<!tpu.dma_semaphore, #tpu.memory_space<semaphore_mem>>
        %dma_start3A_31 = tpu.memref_slice %arg3[%add3A_25] : memref<320000xi32, #tpu.memory_space<hbm>> -> memref<80xi32, #tpu.memory_space<hbm>>
        %dma_start3A_32 = tpu.memref_slice %arg3[%add3A_25] : memref<320000xi32, #tpu.memory_space<hbm>> -> memref<80xi32, #tpu.memory_space<hbm>>
        tpu.enqueue_dma source(%dma_start3A_32 : memref<80xi32, #tpu.memory_space<hbm>>) target(%arg6 : memref<80xi32, #tpu.memory_space<vmem>>) target_semaphore(%run_scoped3A : memref<!tpu.dma_semaphore, #tpu.memory_space<semaphore_mem>>)
        %dma_wait3A_33 = tpu.memref_slice %arg3[%add3A_25] : memref<320000xi32, #tpu.memory_space<hbm>> -> memref<80xi32, #tpu.memory_space<hbm>>
        %dma_wait3A_34 = tpu.memref_slice %arg3[%add3A_25] : memref<320000xi32, #tpu.memory_space<hbm>> -> memref<80xi32, #tpu.memory_space<hbm>>
        tpu.wait_dma2 semaphore(%run_scoped3A : memref<!tpu.dma_semaphore, #tpu.memory_space<semaphore_mem>>) src(%dma_wait3A_34 : memref<80xi32, #tpu.memory_space<hbm>>) dst(%arg6 : memref<80xi32, #tpu.memory_space<vmem>>)
        tpu.yield
      }) : () -> ()
      %dma_start3A = arith.constant 0 : i32
      %dma_start3A_26 = arith.constant 0 : i32
      %dma_start3A_27 = tpu.memref_slice %arg2[%dma_start3A, %dma_start3A_26] : memref<10000x48xf32, #tpu.memory_space<hbm>> -> memref<10000x48xf32, #tpu.memory_space<hbm>>
      tpu.enqueue_indirect_dma source(%dma_start3A_27 : memref<10000x48xf32, #tpu.memory_space<hbm>>) target(%arg8 : memref<80x48xf32, #tpu.memory_space<vmem>>) offsets(%arg6 : memref<80xi32, #tpu.memory_space<vmem>>) semaphore(%arg11 : memref<!tpu.dma_semaphore, #tpu.memory_space<semaphore_mem>>)
      %dma_wait3A = arith.constant 0 : i32
      %dma_wait3A_28 = arith.constant 0 : i32
      %dma_wait3A_29 = tpu.memref_slice %arg2[%dma_wait3A, %dma_wait3A_28] : memref<10000x48xf32, #tpu.memory_space<hbm>> -> memref<10000x48xf32, #tpu.memory_space<hbm>>
      tpu.wait_indirect_dma semaphore(%arg11 : memref<!tpu.dma_semaphore, #tpu.memory_space<semaphore_mem>>) src(%dma_wait3A_29 : memref<10000x48xf32, #tpu.memory_space<hbm>>) dst(%arg8 : memref<80x48xf32, #tpu.memory_space<vmem>>)
      "tpu.region"() ({
        %run_scoped3A = tpu.sem_alloc : memref<!tpu.dma_semaphore, #tpu.memory_space<semaphore_mem>>
        %dma_start3A_31 = tpu.memref_slice %arg4[%add3A_25] : memref<320000xi32, #tpu.memory_space<hbm>> -> memref<80xi32, #tpu.memory_space<hbm>>
        %dma_start3A_32 = tpu.memref_slice %arg4[%add3A_25] : memref<320000xi32, #tpu.memory_space<hbm>> -> memref<80xi32, #tpu.memory_space<hbm>>
        tpu.enqueue_dma source(%dma_start3A_32 : memref<80xi32, #tpu.memory_space<hbm>>) target(%arg7 : memref<80xi32, #tpu.memory_space<vmem>>) target_semaphore(%run_scoped3A : memref<!tpu.dma_semaphore, #tpu.memory_space<semaphore_mem>>)
        %dma_wait3A_33 = tpu.memref_slice %arg4[%add3A_25] : memref<320000xi32, #tpu.memory_space<hbm>> -> memref<80xi32, #tpu.memory_space<hbm>>
        %dma_wait3A_34 = tpu.memref_slice %arg4[%add3A_25] : memref<320000xi32, #tpu.memory_space<hbm>> -> memref<80xi32, #tpu.memory_space<hbm>>
        tpu.wait_dma2 semaphore(%run_scoped3A : memref<!tpu.dma_semaphore, #tpu.memory_space<semaphore_mem>>) src(%dma_wait3A_34 : memref<80xi32, #tpu.memory_space<hbm>>) dst(%arg7 : memref<80xi32, #tpu.memory_space<vmem>>)
        tpu.yield
      }) : () -> ()
      "tpu.region"() ({
        %run_scoped3A = tpu.sem_alloc : memref<!tpu.dma_semaphore, #tpu.memory_space<semaphore_mem>>
        %dma_start3A_31 = arith.constant 0 : i32
        %dma_start3A_32 = arith.constant 0 : i32
        %dma_start3A_33 = tpu.memref_slice %arg10[%dma_start3A_31, %dma_start3A_32] : memref<10000x48xf32, #tpu.memory_space<vmem_shared>> -> memref<10000x48xf32, #tpu.memory_space<vmem_shared>>
        tpu.enqueue_indirect_dma source(%arg8 : memref<80x48xf32, #tpu.memory_space<vmem>>) target(%dma_start3A_33 : memref<10000x48xf32, #tpu.memory_space<vmem_shared>>) offsets(%arg7 : memref<80xi32, #tpu.memory_space<vmem>>) semaphore(%run_scoped3A : memref<!tpu.dma_semaphore, #tpu.memory_space<semaphore_mem>>) {add = true}
        %dma_wait3A_34 = arith.constant 0 : i32
        %dma_wait3A_35 = arith.constant 0 : i32
        %dma_wait3A_36 = tpu.memref_slice %arg10[%dma_wait3A_34, %dma_wait3A_35] : memref<10000x48xf32, #tpu.memory_space<vmem_shared>> -> memref<10000x48xf32, #tpu.memory_space<vmem_shared>>
        tpu.wait_indirect_dma semaphore(%run_scoped3A : memref<!tpu.dma_semaphore, #tpu.memory_space<semaphore_mem>>) src(%arg8 : memref<80x48xf32, #tpu.memory_space<vmem>>) dst(%dma_wait3A_36 : memref<10000x48xf32, #tpu.memory_space<vmem_shared>>)
        tpu.yield
      }) : () -> ()
      %scan3A_30 = arith.constant 0 : i32
      scf.yield %scan3A_30 : i32
    }
    %scan3A_19 = arith.constant 125 : i32
    %barrier3A_20 = arith.constant 0 : index
    tpu.barrier barrier_id(%barrier3A_20)
    "tpu.region"() ({
      %run_scoped3A = tpu.sem_alloc : memref<!tpu.dma_semaphore, #tpu.memory_space<semaphore_mem>>
      %dma_start3A = arith.constant 0 : i32
      %dma_start3A_21 = tpu.memref_slice %arg5[%arg0, %multiple_of3A, %dma_start3A] : memref<2x10000x48xf32, #tpu.memory_space<hbm>> -> memref<1x632x48xf32, #tpu.memory_space<hbm>>
      %dma_start3A_22 = tpu.memref_squeeze %dma_start3A_21 : memref<1x632x48xf32, #tpu.memory_space<hbm>> -> memref<632x48xf32, #tpu.memory_space<hbm>>
      %dma_start3A_23 = arith.constant 0 : i32
      %dma_start3A_24 = tpu.memref_slice %arg10[%multiple_of3A, %dma_start3A_23] : memref<10000x48xf32, #tpu.memory_space<vmem_shared>> -> memref<632x48xf32, #tpu.memory_space<vmem_shared>>
      tpu.enqueue_dma source(%dma_start3A_24 : memref<632x48xf32, #tpu.memory_space<vmem_shared>>) target(%dma_start3A_22 : memref<632x48xf32, #tpu.memory_space<hbm>>) target_semaphore(%run_scoped3A : memref<!tpu.dma_semaphore, #tpu.memory_space<semaphore_mem>>)
      %dma_wait3A = arith.constant 0 : i32
      %dma_wait3A_25 = tpu.memref_slice %arg5[%arg0, %multiple_of3A, %dma_wait3A] : memref<2x10000x48xf32, #tpu.memory_space<hbm>> -> memref<1x632x48xf32, #tpu.memory_space<hbm>>
      %dma_wait3A_26 = tpu.memref_squeeze %dma_wait3A_25 : memref<1x632x48xf32, #tpu.memory_space<hbm>> -> memref<632x48xf32, #tpu.memory_space<hbm>>
      %dma_wait3A_27 = arith.constant 0 : i32
      %dma_wait3A_28 = tpu.memref_slice %arg10[%multiple_of3A, %dma_wait3A_27] : memref<10000x48xf32, #tpu.memory_space<vmem_shared>> -> memref<632x48xf32, #tpu.memory_space<vmem_shared>>
      tpu.wait_dma2 semaphore(%run_scoped3A : memref<!tpu.dma_semaphore, #tpu.memory_space<semaphore_mem>>) src(%dma_wait3A_28 : memref<632x48xf32, #tpu.memory_space<vmem_shared>>) dst(%dma_wait3A_26 : memref<632x48xf32, #tpu.memory_space<hbm>>)
      tpu.yield
    }) : () -> ()
    return
  }
}

#map = affine_map<(d0, d1) -> (0, 0)>
#map1 = affine_map<(d0, d1) -> (0)>
#map2 = affine_map<(d0, d1) -> (0, 0, 0)>
module attributes {stable_mosaic.version = 14 : i64} {
  func.func @prop(%arg0: i32, %arg1: i32, %arg2: memref<10000x48xf32, #tpu.memory_space<hbm>>, %arg3: memref<320000xi32, #tpu.memory_space<hbm>>, %arg4: memref<320000xi32, #tpu.memory_space<hbm>>, %arg5: memref<2x10000x48xf32, #tpu.memory_space<hbm>>, %arg6: memref<80xi32, #tpu.memory_space<vmem>>, %arg7: memref<80xi32, #tpu.memory_space<vmem>>, %arg8: memref<80x48xf32, #tpu.memory_space<vmem>>, %arg9: memref<632x48xf32, #tpu.memory_space<vmem>>, %arg10: memref<10000x48xf32, #tpu.memory_space<vmem_shared>>, %arg11: memref<!tpu.dma_semaphore, #tpu.memory_space<semaphore_mem>>) attributes {dimension_semantics = [#tpu.dimension_semantics<core_parallel>, #tpu.dimension_semantics<subcore_parallel>], iteration_bounds = array<i64: 2, 16>, scalar_prefetch = 0 : i64, scratch_operands = 6 : i64, tpu.core_type = #tpu.core_type<sc_vector_subcore>, window_params = [{transform_indices = #map}, {transform_indices = #map1}, {transform_indices = #map1}, {transform_indices = #map2}]} {
    %eq3A = arith.constant 15 : i32
    %eq3A_0 = arith.cmpi eq, %arg1, %eq3A : i32
    %mul3A = arith.constant 632 : i32
    %mul3A_1 = arith.muli %arg1, %mul3A : i32
    %jit3A = arith.constant 9368 : i32
    %select_n3A = arith.select %eq3A_0, %jit3A, %mul3A_1 : i32
    %multiple_of3A = tpu.assume_multiple %select_n3A, 8 : i32
    %broadcast_in_dim3A = arith.constant 0.000000e+00 : f32
    %broadcast_in_dim3A_2 = vector.broadcast %broadcast_in_dim3A : f32 to vector<16xf32>
    %scan3A = arith.constant 0 : i32
    %scan3A_3 = arith.constant 0 : i32
    %scan3A_4 = arith.constant 632 : i32
    %scan3A_5 = arith.addi %scan3A_3, %scan3A_4 : i32
    %scan3A_6 = arith.constant 1 : i32
    %scan3A_7 = scf.for %scan3A_21 = %scan3A_3 to %scan3A_5 step %scan3A_6 iter_args(%scan3A_22 = %scan3A) -> (i32)  : i32 {
      %scan3A_23 = arith.constant 0 : i32
      %scan3A_24 = arith.constant 0 : i32
      %scan3A_25 = arith.constant 3 : i32
      %scan3A_26 = arith.addi %scan3A_24, %scan3A_25 : i32
      %scan3A_27 = arith.constant 1 : i32
      %scan3A_28 = scf.for %scan3A_30 = %scan3A_24 to %scan3A_26 step %scan3A_27 iter_args(%scan3A_31 = %scan3A_23) -> (i32)  : i32 {
        %mul3A_32 = arith.constant 16 : i32
        %mul3A_33 = arith.muli %scan3A_30, %mul3A_32 : i32
        %swap3A = arith.index_cast %scan3A_21 : i32 to index
        %swap3A_34 = arith.index_cast %mul3A_33 : i32 to index
        %swap3A_35 = tpu.vector_load %arg9[%swap3A, %swap3A_34] {strides = array<i32>} : memref<632x48xf32, #tpu.memory_space<vmem>>, vector<1x16xf32>,
        %swap3A_36 = vector.shape_cast %swap3A_35 : vector<1x16xf32> to vector<16xf32>
        %swap3A_37 = vector.shape_cast %broadcast_in_dim3A_2 : vector<16xf32> to vector<1x16xf32>
        tpu.vector_store %arg9[%swap3A, %swap3A_34], %swap3A_37 {strides = array<i32>} : memref<632x48xf32, #tpu.memory_space<vmem>>, vector<1x16xf32>,
        %scan3A_38 = arith.constant 0 : i32
        scf.yield %scan3A_38 : i32
      }
      %scan3A_29 = arith.constant 3 : i32
      scf.yield %scan3A_28 : i32
    }
    %scan3A_8 = arith.constant 632 : i32
    "tpu.region"() ({
      %run_scoped3A = tpu.sem_alloc : memref<!tpu.dma_semaphore, #tpu.memory_space<semaphore_mem>>
      %dma_start3A = arith.constant 0 : i32
      %dma_start3A_21 = tpu.memref_slice %arg10[%multiple_of3A, %dma_start3A] : memref<10000x48xf32, #tpu.memory_space<vmem_shared>> -> memref<632x48xf32, #tpu.memory_space<vmem_shared>>
      %dma_start3A_22 = arith.constant 0 : i32
      %dma_start3A_23 = tpu.memref_slice %arg10[%multiple_of3A, %dma_start3A_22] : memref<10000x48xf32, #tpu.memory_space<vmem_shared>> -> memref<632x48xf32, #tpu.memory_space<vmem_shared>>
      tpu.enqueue_dma source(%arg9 : memref<632x48xf32, #tpu.memory_space<vmem>>) target(%dma_start3A_23 : memref<632x48xf32, #tpu.memory_space<vmem_shared>>) target_semaphore(%run_scoped3A : memref<!tpu.dma_semaphore, #tpu.memory_space<semaphore_mem>>)
      %dma_wait3A = arith.constant 0 : i32
      %dma_wait3A_24 = tpu.memref_slice %arg10[%multiple_of3A, %dma_wait3A] : memref<10000x48xf32, #tpu.memory_space<vmem_shared>> -> memref<632x48xf32, #tpu.memory_space<vmem_shared>>
      %dma_wait3A_25 = arith.constant 0 : i32
      %dma_wait3A_26 = tpu.memref_slice %arg10[%multiple_of3A, %dma_wait3A_25] : memref<10000x48xf32, #tpu.memory_space<vmem_shared>> -> memref<632x48xf32, #tpu.memory_space<vmem_shared>>
      tpu.wait_dma2 semaphore(%run_scoped3A : memref<!tpu.dma_semaphore, #tpu.memory_space<semaphore_mem>>) src(%arg9 : memref<632x48xf32, #tpu.memory_space<vmem>>) dst(%dma_wait3A_26 : memref<632x48xf32, #tpu.memory_space<vmem_shared>>)
      tpu.yield
    }) : () -> ()
    %barrier3A = arith.constant 0 : index
    tpu.barrier barrier_id(%barrier3A)
    %mul3A_9 = arith.constant 16 : i32
    %mul3A_10 = arith.muli %arg0, %mul3A_9 : i32
    %add3A = arith.addi %mul3A_10, %arg1 : i32
    %mul3A_11 = arith.constant 10000 : i32
    %mul3A_12 = arith.muli %add3A, %mul3A_11 : i32
    %scan3A_13 = arith.constant 0 : i32
    %scan3A_14 = arith.constant 0 : i32
    %scan3A_15 = arith.constant 125 : i32
    %scan3A_16 = arith.addi %scan3A_14, %scan3A_15 : i32
    %scan3A_17 = arith.constant 1 : i32
    %scan3A_18 = scf.for %scan3A_21 = %scan3A_14 to %scan3A_16 step %scan3A_17 iter_args(%scan3A_22 = %scan3A_13) -> (i32)  : i32 {
      %mul3A_23 = arith.constant 80 : i32
      %mul3A_24 = arith.muli %scan3A_21, %mul3A_23 : i32
      %add3A_25 = arith.addi %mul3A_12, %mul3A_24 : i32
      "tpu.region"() ({
        %run_scoped3A = tpu.sem_alloc : memref<!tpu.dma_semaphore, #tpu.memory_space<semaphore_mem>>
        %dma_start3A_31 = tpu.memref_slice %arg3[%add3A_25] : memref<320000xi32, #tpu.memory_space<hbm>> -> memref<80xi32, #tpu.memory_space<hbm>>
        %dma_start3A_32 = tpu.memref_slice %arg3[%add3A_25] : memref<320000xi32, #tpu.memory_space<hbm>> -> memref<80xi32, #tpu.memory_space<hbm>>
        tpu.enqueue_dma source(%dma_start3A_32 : memref<80xi32, #tpu.memory_space<hbm>>) target(%arg6 : memref<80xi32, #tpu.memory_space<vmem>>) target_semaphore(%run_scoped3A : memref<!tpu.dma_semaphore, #tpu.memory_space<semaphore_mem>>)
        %dma_wait3A_33 = tpu.memref_slice %arg3[%add3A_25] : memref<320000xi32, #tpu.memory_space<hbm>> -> memref<80xi32, #tpu.memory_space<hbm>>
        %dma_wait3A_34 = tpu.memref_slice %arg3[%add3A_25] : memref<320000xi32, #tpu.memory_space<hbm>> -> memref<80xi32, #tpu.memory_space<hbm>>
        tpu.wait_dma2 semaphore(%run_scoped3A : memref<!tpu.dma_semaphore, #tpu.memory_space<semaphore_mem>>) src(%dma_wait3A_34 : memref<80xi32, #tpu.memory_space<hbm>>) dst(%arg6 : memref<80xi32, #tpu.memory_space<vmem>>)
        tpu.yield
      }) : () -> ()
      %dma_start3A = arith.constant 0 : i32
      %dma_start3A_26 = arith.constant 0 : i32
      %dma_start3A_27 = tpu.memref_slice %arg2[%dma_start3A, %dma_start3A_26] : memref<10000x48xf32, #tpu.memory_space<hbm>> -> memref<10000x48xf32, #tpu.memory_space<hbm>>
      tpu.enqueue_indirect_dma source(%dma_start3A_27 : memref<10000x48xf32, #tpu.memory_space<hbm>>) target(%arg8 : memref<80x48xf32, #tpu.memory_space<vmem>>) offsets(%arg6 : memref<80xi32, #tpu.memory_space<vmem>>) semaphore(%arg11 : memref<!tpu.dma_semaphore, #tpu.memory_space<semaphore_mem>>)
      %dma_wait3A = arith.constant 0 : i32
      %dma_wait3A_28 = arith.constant 0 : i32
      %dma_wait3A_29 = tpu.memref_slice %arg2[%dma_wait3A, %dma_wait3A_28] : memref<10000x48xf32, #tpu.memory_space<hbm>> -> memref<10000x48xf32, #tpu.memory_space<hbm>>
      tpu.wait_indirect_dma semaphore(%arg11 : memref<!tpu.dma_semaphore, #tpu.memory_space<semaphore_mem>>) src(%dma_wait3A_29 : memref<10000x48xf32, #tpu.memory_space<hbm>>) dst(%arg8 : memref<80x48xf32, #tpu.memory_space<vmem>>)
      "tpu.region"() ({
        %run_scoped3A = tpu.sem_alloc : memref<!tpu.dma_semaphore, #tpu.memory_space<semaphore_mem>>
        %dma_start3A_31 = tpu.memref_slice %arg4[%add3A_25] : memref<320000xi32, #tpu.memory_space<hbm>> -> memref<80xi32, #tpu.memory_space<hbm>>
        %dma_start3A_32 = tpu.memref_slice %arg4[%add3A_25] : memref<320000xi32, #tpu.memory_space<hbm>> -> memref<80xi32, #tpu.memory_space<hbm>>
        tpu.enqueue_dma source(%dma_start3A_32 : memref<80xi32, #tpu.memory_space<hbm>>) target(%arg7 : memref<80xi32, #tpu.memory_space<vmem>>) target_semaphore(%run_scoped3A : memref<!tpu.dma_semaphore, #tpu.memory_space<semaphore_mem>>)
        %dma_wait3A_33 = tpu.memref_slice %arg4[%add3A_25] : memref<320000xi32, #tpu.memory_space<hbm>> -> memref<80xi32, #tpu.memory_space<hbm>>
        %dma_wait3A_34 = tpu.memref_slice %arg4[%add3A_25] : memref<320000xi32, #tpu.memory_space<hbm>> -> memref<80xi32, #tpu.memory_space<hbm>>
        tpu.wait_dma2 semaphore(%run_scoped3A : memref<!tpu.dma_semaphore, #tpu.memory_space<semaphore_mem>>) src(%dma_wait3A_34 : memref<80xi32, #tpu.memory_space<hbm>>) dst(%arg7 : memref<80xi32, #tpu.memory_space<vmem>>)
        tpu.yield
      }) : () -> ()
      "tpu.region"() ({
        %run_scoped3A = tpu.sem_alloc : memref<!tpu.dma_semaphore, #tpu.memory_space<semaphore_mem>>
        %dma_start3A_31 = arith.constant 0 : i32
        %dma_start3A_32 = arith.constant 0 : i32
        %dma_start3A_33 = tpu.memref_slice %arg10[%dma_start3A_31, %dma_start3A_32] : memref<10000x48xf32, #tpu.memory_space<vmem_shared>> -> memref<10000x48xf32, #tpu.memory_space<vmem_shared>>
        tpu.enqueue_indirect_dma source(%arg8 : memref<80x48xf32, #tpu.memory_space<vmem>>) target(%dma_start3A_33 : memref<10000x48xf32, #tpu.memory_space<vmem_shared>>) offsets(%arg7 : memref<80xi32, #tpu.memory_space<vmem>>) semaphore(%run_scoped3A : memref<!tpu.dma_semaphore, #tpu.memory_space<semaphore_mem>>) {add = true}
        %dma_wait3A_34 = arith.constant 0 : i32
        %dma_wait3A_35 = arith.constant 0 : i32
        %dma_wait3A_36 = tpu.memref_slice %arg10[%dma_wait3A_34, %dma_wait3A_35] : memref<10000x48xf32, #tpu.memory_space<vmem_shared>> -> memref<10000x48xf32, #tpu.memory_space<vmem_shared>>
        tpu.wait_indirect_dma semaphore(%run_scoped3A : memref<!tpu.dma_semaphore, #tpu.memory_space<semaphore_mem>>) src(%arg8 : memref<80x48xf32, #tpu.memory_space<vmem>>) dst(%dma_wait3A_36 : memref<10000x48xf32, #tpu.memory_space<vmem_shared>>)
        tpu.yield
      }) : () -> ()
      %scan3A_30 = arith.constant 0 : i32
      scf.yield %scan3A_30 : i32
    }
    %scan3A_19 = arith.constant 125 : i32
    %barrier3A_20 = arith.constant 0 : index
    tpu.barrier barrier_id(%barrier3A_20)
    "tpu.region"() ({
      %run_scoped3A = tpu.sem_alloc : memref<!tpu.dma_semaphore, #tpu.memory_space<semaphore_mem>>
      %dma_start3A = arith.constant 0 : i32
      %dma_start3A_21 = tpu.memref_slice %arg5[%arg0, %multiple_of3A, %dma_start3A] : memref<2x10000x48xf32, #tpu.memory_space<hbm>> -> memref<1x632x48xf32, #tpu.memory_space<hbm>>
      %dma_start3A_22 = tpu.memref_squeeze %dma_start3A_21 : memref<1x632x48xf32, #tpu.memory_space<hbm>> -> memref<632x48xf32, #tpu.memory_space<hbm>>
      %dma_start3A_23 = arith.constant 0 : i32
      %dma_start3A_24 = tpu.memref_slice %arg10[%multiple_of3A, %dma_start3A_23] : memref<10000x48xf32, #tpu.memory_space<vmem_shared>> -> memref<632x48xf32, #tpu.memory_space<vmem_shared>>
      tpu.enqueue_dma source(%dma_start3A_24 : memref<632x48xf32, #tpu.memory_space<vmem_shared>>) target(%dma_start3A_22 : memref<632x48xf32, #tpu.memory_space<hbm>>) target_semaphore(%run_scoped3A : memref<!tpu.dma_semaphore, #tpu.memory_space<semaphore_mem>>)
      %dma_wait3A = arith.constant 0 : i32
      %dma_wait3A_25 = tpu.memref_slice %arg5[%arg0, %multiple_of3A, %dma_wait3A] : memref<2x10000x48xf32, #tpu.memory_space<hbm>> -> memref<1x632x48xf32, #tpu.memory_space<hbm>>
      %dma_wait3A_26 = tpu.memref_squeeze %dma_wait3A_25 : memref<1x632x48xf32, #tpu.memory_space<hbm>> -> memref<632x48xf32, #tpu.memory_space<hbm>>
      %dma_wait3A_27 = arith.constant 0 : i32
      %dma_wait3A_28 = tpu.memref_slice %arg10[%multiple_of3A, %dma_wait3A_27] : memref<10000x48xf32, #tpu.memory_space<vmem_shared>> -> memref<632x48xf32, #tpu.memory_space<vmem_shared>>
      tpu.wait_dma2 semaphore(%run_scoped3A : memref<!tpu.dma_semaphore, #tpu.memory_space<semaphore_mem>>) src(%dma_wait3A_28 : memref<632x48xf32, #tpu.memory_space<vmem_shared>>) dst(%dma_wait3A_26 : memref<632x48xf32, #tpu.memory_space<hbm>>)
      tpu.yield
    }) : () -> ()
    return
  }
}

#map = affine_map<(d0, d1) -> (0, 0)>
#map1 = affine_map<(d0, d1) -> (0)>
#map2 = affine_map<(d0, d1) -> (0, 0, 0)>
module attributes {stable_mosaic.version = 14 : i64} {
  func.func @prop(%arg0: i32, %arg1: i32, %arg2: memref<10000x48xf32, #tpu.memory_space<hbm>>, %arg3: memref<320000xi32, #tpu.memory_space<hbm>>, %arg4: memref<320000xi32, #tpu.memory_space<hbm>>, %arg5: memref<2x10000x48xf32, #tpu.memory_space<hbm>>, %arg6: memref<80xi32, #tpu.memory_space<vmem>>, %arg7: memref<80xi32, #tpu.memory_space<vmem>>, %arg8: memref<80x48xf32, #tpu.memory_space<vmem>>, %arg9: memref<632x48xf32, #tpu.memory_space<vmem>>, %arg10: memref<10000x48xf32, #tpu.memory_space<vmem_shared>>, %arg11: memref<!tpu.dma_semaphore, #tpu.memory_space<semaphore_mem>>) attributes {dimension_semantics = [#tpu.dimension_semantics<core_parallel>, #tpu.dimension_semantics<subcore_parallel>], iteration_bounds = array<i64: 2, 16>, scalar_prefetch = 0 : i64, scratch_operands = 6 : i64, tpu.core_type = #tpu.core_type<sc_vector_subcore>, window_params = [{transform_indices = #map}, {transform_indices = #map1}, {transform_indices = #map1}, {transform_indices = #map2}]} {
    %eq3A = arith.constant 15 : i32
    %eq3A_0 = arith.cmpi eq, %arg1, %eq3A : i32
    %mul3A = arith.constant 632 : i32
    %mul3A_1 = arith.muli %arg1, %mul3A : i32
    %jit3A = arith.constant 9368 : i32
    %select_n3A = arith.select %eq3A_0, %jit3A, %mul3A_1 : i32
    %multiple_of3A = tpu.assume_multiple %select_n3A, 8 : i32
    %broadcast_in_dim3A = arith.constant 0.000000e+00 : f32
    %broadcast_in_dim3A_2 = vector.broadcast %broadcast_in_dim3A : f32 to vector<16xf32>
    %scan3A = arith.constant 0 : i32
    %scan3A_3 = arith.constant 0 : i32
    %scan3A_4 = arith.constant 632 : i32
    %scan3A_5 = arith.addi %scan3A_3, %scan3A_4 : i32
    %scan3A_6 = arith.constant 1 : i32
    %scan3A_7 = scf.for %scan3A_21 = %scan3A_3 to %scan3A_5 step %scan3A_6 iter_args(%scan3A_22 = %scan3A) -> (i32)  : i32 {
      %scan3A_23 = arith.constant 0 : i32
      %scan3A_24 = arith.constant 0 : i32
      %scan3A_25 = arith.constant 3 : i32
      %scan3A_26 = arith.addi %scan3A_24, %scan3A_25 : i32
      %scan3A_27 = arith.constant 1 : i32
      %scan3A_28 = scf.for %scan3A_30 = %scan3A_24 to %scan3A_26 step %scan3A_27 iter_args(%scan3A_31 = %scan3A_23) -> (i32)  : i32 {
        %mul3A_32 = arith.constant 16 : i32
        %mul3A_33 = arith.muli %scan3A_30, %mul3A_32 : i32
        %swap3A = arith.index_cast %scan3A_21 : i32 to index
        %swap3A_34 = arith.index_cast %mul3A_33 : i32 to index
        %swap3A_35 = tpu.vector_load %arg9[%swap3A, %swap3A_34] {strides = array<i32>} : memref<632x48xf32, #tpu.memory_space<vmem>>, vector<1x16xf32>,
        %swap3A_36 = vector.shape_cast %swap3A_35 : vector<1x16xf32> to vector<16xf32>
        %swap3A_37 = vector.shape_cast %broadcast_in_dim3A_2 : vector<16xf32> to vector<1x16xf32>
        tpu.vector_store %arg9[%swap3A, %swap3A_34], %swap3A_37 {strides = array<i32>} : memref<632x48xf32, #tpu.memory_space<vmem>>, vector<1x16xf32>,
        %scan3A_38 = arith.constant 0 : i32
        scf.yield %scan3A_38 : i32
      }
      %scan3A_29 = arith.constant 3 : i32
      scf.yield %scan3A_28 : i32
    }
    %scan3A_8 = arith.constant 632 : i32
    "tpu.region"() ({
      %run_scoped3A = tpu.sem_alloc : memref<!tpu.dma_semaphore, #tpu.memory_space<semaphore_mem>>
      %dma_start3A = arith.constant 0 : i32
      %dma_start3A_21 = tpu.memref_slice %arg10[%multiple_of3A, %dma_start3A] : memref<10000x48xf32, #tpu.memory_space<vmem_shared>> -> memref<632x48xf32, #tpu.memory_space<vmem_shared>>
      %dma_start3A_22 = arith.constant 0 : i32
      %dma_start3A_23 = tpu.memref_slice %arg10[%multiple_of3A, %dma_start3A_22] : memref<10000x48xf32, #tpu.memory_space<vmem_shared>> -> memref<632x48xf32, #tpu.memory_space<vmem_shared>>
      tpu.enqueue_dma source(%arg9 : memref<632x48xf32, #tpu.memory_space<vmem>>) target(%dma_start3A_23 : memref<632x48xf32, #tpu.memory_space<vmem_shared>>) target_semaphore(%run_scoped3A : memref<!tpu.dma_semaphore, #tpu.memory_space<semaphore_mem>>)
      %dma_wait3A = arith.constant 0 : i32
      %dma_wait3A_24 = tpu.memref_slice %arg10[%multiple_of3A, %dma_wait3A] : memref<10000x48xf32, #tpu.memory_space<vmem_shared>> -> memref<632x48xf32, #tpu.memory_space<vmem_shared>>
      %dma_wait3A_25 = arith.constant 0 : i32
      %dma_wait3A_26 = tpu.memref_slice %arg10[%multiple_of3A, %dma_wait3A_25] : memref<10000x48xf32, #tpu.memory_space<vmem_shared>> -> memref<632x48xf32, #tpu.memory_space<vmem_shared>>
      tpu.wait_dma2 semaphore(%run_scoped3A : memref<!tpu.dma_semaphore, #tpu.memory_space<semaphore_mem>>) src(%arg9 : memref<632x48xf32, #tpu.memory_space<vmem>>) dst(%dma_wait3A_26 : memref<632x48xf32, #tpu.memory_space<vmem_shared>>)
      tpu.yield
    }) : () -> ()
    %barrier3A = arith.constant 0 : index
    tpu.barrier barrier_id(%barrier3A)
    %mul3A_9 = arith.constant 16 : i32
    %mul3A_10 = arith.muli %arg0, %mul3A_9 : i32
    %add3A = arith.addi %mul3A_10, %arg1 : i32
    %mul3A_11 = arith.constant 10000 : i32
    %mul3A_12 = arith.muli %add3A, %mul3A_11 : i32
    %scan3A_13 = arith.constant 0 : i32
    %scan3A_14 = arith.constant 0 : i32
    %scan3A_15 = arith.constant 125 : i32
    %scan3A_16 = arith.addi %scan3A_14, %scan3A_15 : i32
    %scan3A_17 = arith.constant 1 : i32
    %scan3A_18 = scf.for %scan3A_21 = %scan3A_14 to %scan3A_16 step %scan3A_17 iter_args(%scan3A_22 = %scan3A_13) -> (i32)  : i32 {
      %mul3A_23 = arith.constant 80 : i32
      %mul3A_24 = arith.muli %scan3A_21, %mul3A_23 : i32
      %add3A_25 = arith.addi %mul3A_12, %mul3A_24 : i32
      "tpu.region"() ({
        %run_scoped3A = tpu.sem_alloc : memref<!tpu.dma_semaphore, #tpu.memory_space<semaphore_mem>>
        %dma_start3A_31 = tpu.memref_slice %arg3[%add3A_25] : memref<320000xi32, #tpu.memory_space<hbm>> -> memref<80xi32, #tpu.memory_space<hbm>>
        %dma_start3A_32 = tpu.memref_slice %arg3[%add3A_25] : memref<320000xi32, #tpu.memory_space<hbm>> -> memref<80xi32, #tpu.memory_space<hbm>>
        tpu.enqueue_dma source(%dma_start3A_32 : memref<80xi32, #tpu.memory_space<hbm>>) target(%arg6 : memref<80xi32, #tpu.memory_space<vmem>>) target_semaphore(%run_scoped3A : memref<!tpu.dma_semaphore, #tpu.memory_space<semaphore_mem>>)
        %dma_wait3A_33 = tpu.memref_slice %arg3[%add3A_25] : memref<320000xi32, #tpu.memory_space<hbm>> -> memref<80xi32, #tpu.memory_space<hbm>>
        %dma_wait3A_34 = tpu.memref_slice %arg3[%add3A_25] : memref<320000xi32, #tpu.memory_space<hbm>> -> memref<80xi32, #tpu.memory_space<hbm>>
        tpu.wait_dma2 semaphore(%run_scoped3A : memref<!tpu.dma_semaphore, #tpu.memory_space<semaphore_mem>>) src(%dma_wait3A_34 : memref<80xi32, #tpu.memory_space<hbm>>) dst(%arg6 : memref<80xi32, #tpu.memory_space<vmem>>)
        tpu.yield
      }) : () -> ()
      %dma_start3A = arith.constant 0 : i32
      %dma_start3A_26 = arith.constant 0 : i32
      %dma_start3A_27 = tpu.memref_slice %arg2[%dma_start3A, %dma_start3A_26] : memref<10000x48xf32, #tpu.memory_space<hbm>> -> memref<10000x48xf32, #tpu.memory_space<hbm>>
      tpu.enqueue_indirect_dma source(%dma_start3A_27 : memref<10000x48xf32, #tpu.memory_space<hbm>>) target(%arg8 : memref<80x48xf32, #tpu.memory_space<vmem>>) offsets(%arg6 : memref<80xi32, #tpu.memory_space<vmem>>) semaphore(%arg11 : memref<!tpu.dma_semaphore, #tpu.memory_space<semaphore_mem>>)
      %dma_wait3A = arith.constant 0 : i32
      %dma_wait3A_28 = arith.constant 0 : i32
      %dma_wait3A_29 = tpu.memref_slice %arg2[%dma_wait3A, %dma_wait3A_28] : memref<10000x48xf32, #tpu.memory_space<hbm>> -> memref<10000x48xf32, #tpu.memory_space<hbm>>
      tpu.wait_indirect_dma semaphore(%arg11 : memref<!tpu.dma_semaphore, #tpu.memory_space<semaphore_mem>>) src(%dma_wait3A_29 : memref<10000x48xf32, #tpu.memory_space<hbm>>) dst(%arg8 : memref<80x48xf32, #tpu.memory_space<vmem>>)
      "tpu.region"() ({
        %run_scoped3A = tpu.sem_alloc : memref<!tpu.dma_semaphore, #tpu.memory_space<semaphore_mem>>
        %dma_start3A_31 = tpu.memref_slice %arg4[%add3A_25] : memref<320000xi32, #tpu.memory_space<hbm>> -> memref<80xi32, #tpu.memory_space<hbm>>
        %dma_start3A_32 = tpu.memref_slice %arg4[%add3A_25] : memref<320000xi32, #tpu.memory_space<hbm>> -> memref<80xi32, #tpu.memory_space<hbm>>
        tpu.enqueue_dma source(%dma_start3A_32 : memref<80xi32, #tpu.memory_space<hbm>>) target(%arg7 : memref<80xi32, #tpu.memory_space<vmem>>) target_semaphore(%run_scoped3A : memref<!tpu.dma_semaphore, #tpu.memory_space<semaphore_mem>>)
        %dma_wait3A_33 = tpu.memref_slice %arg4[%add3A_25] : memref<320000xi32, #tpu.memory_space<hbm>> -> memref<80xi32, #tpu.memory_space<hbm>>
        %dma_wait3A_34 = tpu.memref_slice %arg4[%add3A_25] : memref<320000xi32, #tpu.memory_space<hbm>> -> memref<80xi32, #tpu.memory_space<hbm>>
        tpu.wait_dma2 semaphore(%run_scoped3A : memref<!tpu.dma_semaphore, #tpu.memory_space<semaphore_mem>>) src(%dma_wait3A_34 : memref<80xi32, #tpu.memory_space<hbm>>) dst(%arg7 : memref<80xi32, #tpu.memory_space<vmem>>)
        tpu.yield
      }) : () -> ()
      "tpu.region"() ({
        %run_scoped3A = tpu.sem_alloc : memref<!tpu.dma_semaphore, #tpu.memory_space<semaphore_mem>>
        %dma_start3A_31 = arith.constant 0 : i32
        %dma_start3A_32 = arith.constant 0 : i32
        %dma_start3A_33 = tpu.memref_slice %arg10[%dma_start3A_31, %dma_start3A_32] : memref<10000x48xf32, #tpu.memory_space<vmem_shared>> -> memref<10000x48xf32, #tpu.memory_space<vmem_shared>>
        tpu.enqueue_indirect_dma source(%arg8 : memref<80x48xf32, #tpu.memory_space<vmem>>) target(%dma_start3A_33 : memref<10000x48xf32, #tpu.memory_space<vmem_shared>>) offsets(%arg7 : memref<80xi32, #tpu.memory_space<vmem>>) semaphore(%run_scoped3A : memref<!tpu.dma_semaphore, #tpu.memory_space<semaphore_mem>>) {add = true}
        %dma_wait3A_34 = arith.constant 0 : i32
        %dma_wait3A_35 = arith.constant 0 : i32
        %dma_wait3A_36 = tpu.memref_slice %arg10[%dma_wait3A_34, %dma_wait3A_35] : memref<10000x48xf32, #tpu.memory_space<vmem_shared>> -> memref<10000x48xf32, #tpu.memory_space<vmem_shared>>
        tpu.wait_indirect_dma semaphore(%run_scoped3A : memref<!tpu.dma_semaphore, #tpu.memory_space<semaphore_mem>>) src(%arg8 : memref<80x48xf32, #tpu.memory_space<vmem>>) dst(%dma_wait3A_36 : memref<10000x48xf32, #tpu.memory_space<vmem_shared>>)
        tpu.yield
      }) : () -> ()
      %scan3A_30 = arith.constant 0 : i32
      scf.yield %scan3A_30 : i32
    }
    %scan3A_19 = arith.constant 125 : i32
    %barrier3A_20 = arith.constant 0 : index
    tpu.barrier barrier_id(%barrier3A_20)
    "tpu.region"() ({
      %run_scoped3A = tpu.sem_alloc : memref<!tpu.dma_semaphore, #tpu.memory_space<semaphore_mem>>
      %dma_start3A = arith.constant 0 : i32
      %dma_start3A_21 = tpu.memref_slice %arg5[%arg0, %multiple_of3A, %dma_start3A] : memref<2x10000x48xf32, #tpu.memory_space<hbm>> -> memref<1x632x48xf32, #tpu.memory_space<hbm>>
      %dma_start3A_22 = tpu.memref_squeeze %dma_start3A_21 : memref<1x632x48xf32, #tpu.memory_space<hbm>> -> memref<632x48xf32, #tpu.memory_space<hbm>>
      %dma_start3A_23 = arith.constant 0 : i32
      %dma_start3A_24 = tpu.memref_slice %arg10[%multiple_of3A, %dma_start3A_23] : memref<10000x48xf32, #tpu.memory_space<vmem_shared>> -> memref<632x48xf32, #tpu.memory_space<vmem_shared>>
      tpu.enqueue_dma source(%dma_start3A_24 : memref<632x48xf32, #tpu.memory_space<vmem_shared>>) target(%dma_start3A_22 : memref<632x48xf32, #tpu.memory_space<hbm>>) target_semaphore(%run_scoped3A : memref<!tpu.dma_semaphore, #tpu.memory_space<semaphore_mem>>)
      %dma_wait3A = arith.constant 0 : i32
      %dma_wait3A_25 = tpu.memref_slice %arg5[%arg0, %multiple_of3A, %dma_wait3A] : memref<2x10000x48xf32, #tpu.memory_space<hbm>> -> memref<1x632x48xf32, #tpu.memory_space<hbm>>
      %dma_wait3A_26 = tpu.memref_squeeze %dma_wait3A_25 : memref<1x632x48xf32, #tpu.memory_space<hbm>> -> memref<632x48xf32, #tpu.memory_space<hbm>>
      %dma_wait3A_27 = arith.constant 0 : i32
      %dma_wait3A_28 = tpu.memref_slice %arg10[%multiple_of3A, %dma_wait3A_27] : memref<10000x48xf32, #tpu.memory_space<vmem_shared>> -> memref<632x48xf32, #tpu.memory_space<vmem_shared>>
      tpu.wait_dma2 semaphore(%run_scoped3A : memref<!tpu.dma_semaphore, #tpu.memory_space<semaphore_mem>>) src(%dma_wait3A_28 : memref<632x48xf32, #tpu.memory_space<vmem_shared>>) dst(%dma_wait3A_26 : memref<632x48xf32, #tpu.memory_space<hbm>>)
      tpu.yield
    }) : () -> ()
    return
  }
}

#map = affine_map<(d0, d1) -> (0, 0)>
#map1 = affine_map<(d0, d1) -> (0)>
#map2 = affine_map<(d0, d1) -> (0, 0, 0)>
module attributes {stable_mosaic.version = 14 : i64} {
  func.func @prop(%arg0: i32, %arg1: i32, %arg2: memref<10000x48xf32, #tpu.memory_space<hbm>>, %arg3: memref<320000xi32, #tpu.memory_space<hbm>>, %arg4: memref<320000xi32, #tpu.memory_space<hbm>>, %arg5: memref<2x10000x48xf32, #tpu.memory_space<hbm>>, %arg6: memref<80xi32, #tpu.memory_space<vmem>>, %arg7: memref<80xi32, #tpu.memory_space<vmem>>, %arg8: memref<80x48xf32, #tpu.memory_space<vmem>>, %arg9: memref<632x48xf32, #tpu.memory_space<vmem>>, %arg10: memref<10000x48xf32, #tpu.memory_space<vmem_shared>>, %arg11: memref<!tpu.dma_semaphore, #tpu.memory_space<semaphore_mem>>) attributes {dimension_semantics = [#tpu.dimension_semantics<core_parallel>, #tpu.dimension_semantics<subcore_parallel>], iteration_bounds = array<i64: 2, 16>, scalar_prefetch = 0 : i64, scratch_operands = 6 : i64, tpu.core_type = #tpu.core_type<sc_vector_subcore>, window_params = [{transform_indices = #map}, {transform_indices = #map1}, {transform_indices = #map1}, {transform_indices = #map2}]} {
    %eq3A = arith.constant 15 : i32
    %eq3A_0 = arith.cmpi eq, %arg1, %eq3A : i32
    %mul3A = arith.constant 632 : i32
    %mul3A_1 = arith.muli %arg1, %mul3A : i32
    %jit3A = arith.constant 9368 : i32
    %select_n3A = arith.select %eq3A_0, %jit3A, %mul3A_1 : i32
    %multiple_of3A = tpu.assume_multiple %select_n3A, 8 : i32
    %broadcast_in_dim3A = arith.constant 0.000000e+00 : f32
    %broadcast_in_dim3A_2 = vector.broadcast %broadcast_in_dim3A : f32 to vector<16xf32>
    %scan3A = arith.constant 0 : i32
    %scan3A_3 = arith.constant 0 : i32
    %scan3A_4 = arith.constant 632 : i32
    %scan3A_5 = arith.addi %scan3A_3, %scan3A_4 : i32
    %scan3A_6 = arith.constant 1 : i32
    %scan3A_7 = scf.for %scan3A_21 = %scan3A_3 to %scan3A_5 step %scan3A_6 iter_args(%scan3A_22 = %scan3A) -> (i32)  : i32 {
      %scan3A_23 = arith.constant 0 : i32
      %scan3A_24 = arith.constant 0 : i32
      %scan3A_25 = arith.constant 3 : i32
      %scan3A_26 = arith.addi %scan3A_24, %scan3A_25 : i32
      %scan3A_27 = arith.constant 1 : i32
      %scan3A_28 = scf.for %scan3A_30 = %scan3A_24 to %scan3A_26 step %scan3A_27 iter_args(%scan3A_31 = %scan3A_23) -> (i32)  : i32 {
        %mul3A_32 = arith.constant 16 : i32
        %mul3A_33 = arith.muli %scan3A_30, %mul3A_32 : i32
        %swap3A = arith.index_cast %scan3A_21 : i32 to index
        %swap3A_34 = arith.index_cast %mul3A_33 : i32 to index
        %swap3A_35 = tpu.vector_load %arg9[%swap3A, %swap3A_34] {strides = array<i32>} : memref<632x48xf32, #tpu.memory_space<vmem>>, vector<1x16xf32>,
        %swap3A_36 = vector.shape_cast %swap3A_35 : vector<1x16xf32> to vector<16xf32>
        %swap3A_37 = vector.shape_cast %broadcast_in_dim3A_2 : vector<16xf32> to vector<1x16xf32>
        tpu.vector_store %arg9[%swap3A, %swap3A_34], %swap3A_37 {strides = array<i32>} : memref<632x48xf32, #tpu.memory_space<vmem>>, vector<1x16xf32>,
        %scan3A_38 = arith.constant 0 : i32
        scf.yield %scan3A_38 : i32
      }
      %scan3A_29 = arith.constant 3 : i32
      scf.yield %scan3A_28 : i32
    }
    %scan3A_8 = arith.constant 632 : i32
    "tpu.region"() ({
      %run_scoped3A = tpu.sem_alloc : memref<!tpu.dma_semaphore, #tpu.memory_space<semaphore_mem>>
      %dma_start3A = arith.constant 0 : i32
      %dma_start3A_21 = tpu.memref_slice %arg10[%multiple_of3A, %dma_start3A] : memref<10000x48xf32, #tpu.memory_space<vmem_shared>> -> memref<632x48xf32, #tpu.memory_space<vmem_shared>>
      %dma_start3A_22 = arith.constant 0 : i32
      %dma_start3A_23 = tpu.memref_slice %arg10[%multiple_of3A, %dma_start3A_22] : memref<10000x48xf32, #tpu.memory_space<vmem_shared>> -> memref<632x48xf32, #tpu.memory_space<vmem_shared>>
      tpu.enqueue_dma source(%arg9 : memref<632x48xf32, #tpu.memory_space<vmem>>) target(%dma_start3A_23 : memref<632x48xf32, #tpu.memory_space<vmem_shared>>) target_semaphore(%run_scoped3A : memref<!tpu.dma_semaphore, #tpu.memory_space<semaphore_mem>>)
      %dma_wait3A = arith.constant 0 : i32
      %dma_wait3A_24 = tpu.memref_slice %arg10[%multiple_of3A, %dma_wait3A] : memref<10000x48xf32, #tpu.memory_space<vmem_shared>> -> memref<632x48xf32, #tpu.memory_space<vmem_shared>>
      %dma_wait3A_25 = arith.constant 0 : i32
      %dma_wait3A_26 = tpu.memref_slice %arg10[%multiple_of3A, %dma_wait3A_25] : memref<10000x48xf32, #tpu.memory_space<vmem_shared>> -> memref<632x48xf32, #tpu.memory_space<vmem_shared>>
      tpu.wait_dma2 semaphore(%run_scoped3A : memref<!tpu.dma_semaphore, #tpu.memory_space<semaphore_mem>>) src(%arg9 : memref<632x48xf32, #tpu.memory_space<vmem>>) dst(%dma_wait3A_26 : memref<632x48xf32, #tpu.memory_space<vmem_shared>>)
      tpu.yield
    }) : () -> ()
    %barrier3A = arith.constant 0 : index
    tpu.barrier barrier_id(%barrier3A)
    %mul3A_9 = arith.constant 16 : i32
    %mul3A_10 = arith.muli %arg0, %mul3A_9 : i32
    %add3A = arith.addi %mul3A_10, %arg1 : i32
    %mul3A_11 = arith.constant 10000 : i32
    %mul3A_12 = arith.muli %add3A, %mul3A_11 : i32
    %scan3A_13 = arith.constant 0 : i32
    %scan3A_14 = arith.constant 0 : i32
    %scan3A_15 = arith.constant 125 : i32
    %scan3A_16 = arith.addi %scan3A_14, %scan3A_15 : i32
    %scan3A_17 = arith.constant 1 : i32
    %scan3A_18 = scf.for %scan3A_21 = %scan3A_14 to %scan3A_16 step %scan3A_17 iter_args(%scan3A_22 = %scan3A_13) -> (i32)  : i32 {
      %mul3A_23 = arith.constant 80 : i32
      %mul3A_24 = arith.muli %scan3A_21, %mul3A_23 : i32
      %add3A_25 = arith.addi %mul3A_12, %mul3A_24 : i32
      "tpu.region"() ({
        %run_scoped3A = tpu.sem_alloc : memref<!tpu.dma_semaphore, #tpu.memory_space<semaphore_mem>>
        %dma_start3A_31 = tpu.memref_slice %arg3[%add3A_25] : memref<320000xi32, #tpu.memory_space<hbm>> -> memref<80xi32, #tpu.memory_space<hbm>>
        %dma_start3A_32 = tpu.memref_slice %arg3[%add3A_25] : memref<320000xi32, #tpu.memory_space<hbm>> -> memref<80xi32, #tpu.memory_space<hbm>>
        tpu.enqueue_dma source(%dma_start3A_32 : memref<80xi32, #tpu.memory_space<hbm>>) target(%arg6 : memref<80xi32, #tpu.memory_space<vmem>>) target_semaphore(%run_scoped3A : memref<!tpu.dma_semaphore, #tpu.memory_space<semaphore_mem>>)
        %dma_wait3A_33 = tpu.memref_slice %arg3[%add3A_25] : memref<320000xi32, #tpu.memory_space<hbm>> -> memref<80xi32, #tpu.memory_space<hbm>>
        %dma_wait3A_34 = tpu.memref_slice %arg3[%add3A_25] : memref<320000xi32, #tpu.memory_space<hbm>> -> memref<80xi32, #tpu.memory_space<hbm>>
        tpu.wait_dma2 semaphore(%run_scoped3A : memref<!tpu.dma_semaphore, #tpu.memory_space<semaphore_mem>>) src(%dma_wait3A_34 : memref<80xi32, #tpu.memory_space<hbm>>) dst(%arg6 : memref<80xi32, #tpu.memory_space<vmem>>)
        tpu.yield
      }) : () -> ()
      %dma_start3A = arith.constant 0 : i32
      %dma_start3A_26 = arith.constant 0 : i32
      %dma_start3A_27 = tpu.memref_slice %arg2[%dma_start3A, %dma_start3A_26] : memref<10000x48xf32, #tpu.memory_space<hbm>> -> memref<10000x48xf32, #tpu.memory_space<hbm>>
      tpu.enqueue_indirect_dma source(%dma_start3A_27 : memref<10000x48xf32, #tpu.memory_space<hbm>>) target(%arg8 : memref<80x48xf32, #tpu.memory_space<vmem>>) offsets(%arg6 : memref<80xi32, #tpu.memory_space<vmem>>) semaphore(%arg11 : memref<!tpu.dma_semaphore, #tpu.memory_space<semaphore_mem>>)
      %dma_wait3A = arith.constant 0 : i32
      %dma_wait3A_28 = arith.constant 0 : i32
      %dma_wait3A_29 = tpu.memref_slice %arg2[%dma_wait3A, %dma_wait3A_28] : memref<10000x48xf32, #tpu.memory_space<hbm>> -> memref<10000x48xf32, #tpu.memory_space<hbm>>
      tpu.wait_indirect_dma semaphore(%arg11 : memref<!tpu.dma_semaphore, #tpu.memory_space<semaphore_mem>>) src(%dma_wait3A_29 : memref<10000x48xf32, #tpu.memory_space<hbm>>) dst(%arg8 : memref<80x48xf32, #tpu.memory_space<vmem>>)
      "tpu.region"() ({
        %run_scoped3A = tpu.sem_alloc : memref<!tpu.dma_semaphore, #tpu.memory_space<semaphore_mem>>
        %dma_start3A_31 = tpu.memref_slice %arg4[%add3A_25] : memref<320000xi32, #tpu.memory_space<hbm>> -> memref<80xi32, #tpu.memory_space<hbm>>
        %dma_start3A_32 = tpu.memref_slice %arg4[%add3A_25] : memref<320000xi32, #tpu.memory_space<hbm>> -> memref<80xi32, #tpu.memory_space<hbm>>
        tpu.enqueue_dma source(%dma_start3A_32 : memref<80xi32, #tpu.memory_space<hbm>>) target(%arg7 : memref<80xi32, #tpu.memory_space<vmem>>) target_semaphore(%run_scoped3A : memref<!tpu.dma_semaphore, #tpu.memory_space<semaphore_mem>>)
        %dma_wait3A_33 = tpu.memref_slice %arg4[%add3A_25] : memref<320000xi32, #tpu.memory_space<hbm>> -> memref<80xi32, #tpu.memory_space<hbm>>
        %dma_wait3A_34 = tpu.memref_slice %arg4[%add3A_25] : memref<320000xi32, #tpu.memory_space<hbm>> -> memref<80xi32, #tpu.memory_space<hbm>>
        tpu.wait_dma2 semaphore(%run_scoped3A : memref<!tpu.dma_semaphore, #tpu.memory_space<semaphore_mem>>) src(%dma_wait3A_34 : memref<80xi32, #tpu.memory_space<hbm>>) dst(%arg7 : memref<80xi32, #tpu.memory_space<vmem>>)
        tpu.yield
      }) : () -> ()
      "tpu.region"() ({
        %run_scoped3A = tpu.sem_alloc : memref<!tpu.dma_semaphore, #tpu.memory_space<semaphore_mem>>
        %dma_start3A_31 = arith.constant 0 : i32
        %dma_start3A_32 = arith.constant 0 : i32
        %dma_start3A_33 = tpu.memref_slice %arg10[%dma_start3A_31, %dma_start3A_32] : memref<10000x48xf32, #tpu.memory_space<vmem_shared>> -> memref<10000x48xf32, #tpu.memory_space<vmem_shared>>
        tpu.enqueue_indirect_dma source(%arg8 : memref<80x48xf32, #tpu.memory_space<vmem>>) target(%dma_start3A_33 : memref<10000x48xf32, #tpu.memory_space<vmem_shared>>) offsets(%arg7 : memref<80xi32, #tpu.memory_space<vmem>>) semaphore(%run_scoped3A : memref<!tpu.dma_semaphore, #tpu.memory_space<semaphore_mem>>) {add = true}
        %dma_wait3A_34 = arith.constant 0 : i32
        %dma_wait3A_35 = arith.constant 0 : i32
        %dma_wait3A_36 = tpu.memref_slice %arg10[%dma_wait3A_34, %dma_wait3A_35] : memref<10000x48xf32, #tpu.memory_space<vmem_shared>> -> memref<10000x48xf32, #tpu.memory_space<vmem_shared>>
        tpu.wait_indirect_dma semaphore(%run_scoped3A : memref<!tpu.dma_semaphore, #tpu.memory_space<semaphore_mem>>) src(%arg8 : memref<80x48xf32, #tpu.memory_space<vmem>>) dst(%dma_wait3A_36 : memref<10000x48xf32, #tpu.memory_space<vmem_shared>>)
        tpu.yield
      }) : () -> ()
      %scan3A_30 = arith.constant 0 : i32
      scf.yield %scan3A_30 : i32
    }
    %scan3A_19 = arith.constant 125 : i32
    %barrier3A_20 = arith.constant 0 : index
    tpu.barrier barrier_id(%barrier3A_20)
    "tpu.region"() ({
      %run_scoped3A = tpu.sem_alloc : memref<!tpu.dma_semaphore, #tpu.memory_space<semaphore_mem>>
      %dma_start3A = arith.constant 0 : i32
      %dma_start3A_21 = tpu.memref_slice %arg5[%arg0, %multiple_of3A, %dma_start3A] : memref<2x10000x48xf32, #tpu.memory_space<hbm>> -> memref<1x632x48xf32, #tpu.memory_space<hbm>>
      %dma_start3A_22 = tpu.memref_squeeze %dma_start3A_21 : memref<1x632x48xf32, #tpu.memory_space<hbm>> -> memref<632x48xf32, #tpu.memory_space<hbm>>
      %dma_start3A_23 = arith.constant 0 : i32
      %dma_start3A_24 = tpu.memref_slice %arg10[%multiple_of3A, %dma_start3A_23] : memref<10000x48xf32, #tpu.memory_space<vmem_shared>> -> memref<632x48xf32, #tpu.memory_space<vmem_shared>>
      tpu.enqueue_dma source(%dma_start3A_24 : memref<632x48xf32, #tpu.memory_space<vmem_shared>>) target(%dma_start3A_22 : memref<632x48xf32, #tpu.memory_space<hbm>>) target_semaphore(%run_scoped3A : memref<!tpu.dma_semaphore, #tpu.memory_space<semaphore_mem>>)
      %dma_wait3A = arith.constant 0 : i32
      %dma_wait3A_25 = tpu.memref_slice %arg5[%arg0, %multiple_of3A, %dma_wait3A] : memref<2x10000x48xf32, #tpu.memory_space<hbm>> -> memref<1x632x48xf32, #tpu.memory_space<hbm>>
      %dma_wait3A_26 = tpu.memref_squeeze %dma_wait3A_25 : memref<1x632x48xf32, #tpu.memory_space<hbm>> -> memref<632x48xf32, #tpu.memory_space<hbm>>
      %dma_wait3A_27 = arith.constant 0 : i32
      %dma_wait3A_28 = tpu.memref_slice %arg10[%multiple_of3A, %dma_wait3A_27] : memref<10000x48xf32, #tpu.memory_space<vmem_shared>> -> memref<632x48xf32, #tpu.memory_space<vmem_shared>>
      tpu.wait_dma2 semaphore(%run_scoped3A : memref<!tpu.dma_semaphore, #tpu.memory_space<semaphore_mem>>) src(%dma_wait3A_28 : memref<632x48xf32, #tpu.memory_space<vmem_shared>>) dst(%dma_wait3A_26 : memref<632x48xf32, #tpu.memory_space<hbm>>)
      tpu.yield
    }) : () -> ()
    return
  }
}

#map = affine_map<(d0, d1) -> (0, 0)>
#map1 = affine_map<(d0, d1) -> (0)>
#map2 = affine_map<(d0, d1) -> (0, 0, 0)>
module attributes {stable_mosaic.version = 14 : i64} {
  func.func @prop(%arg0: i32, %arg1: i32, %arg2: memref<10000x48xf32, #tpu.memory_space<hbm>>, %arg3: memref<320000xi32, #tpu.memory_space<hbm>>, %arg4: memref<320000xi32, #tpu.memory_space<hbm>>, %arg5: memref<2x10000x48xf32, #tpu.memory_space<hbm>>, %arg6: memref<80xi32, #tpu.memory_space<vmem>>, %arg7: memref<80xi32, #tpu.memory_space<vmem>>, %arg8: memref<80x48xf32, #tpu.memory_space<vmem>>, %arg9: memref<632x48xf32, #tpu.memory_space<vmem>>, %arg10: memref<10000x48xf32, #tpu.memory_space<vmem_shared>>, %arg11: memref<!tpu.dma_semaphore, #tpu.memory_space<semaphore_mem>>) attributes {dimension_semantics = [#tpu.dimension_semantics<core_parallel>, #tpu.dimension_semantics<subcore_parallel>], iteration_bounds = array<i64: 2, 16>, scalar_prefetch = 0 : i64, scratch_operands = 6 : i64, tpu.core_type = #tpu.core_type<sc_vector_subcore>, window_params = [{transform_indices = #map}, {transform_indices = #map1}, {transform_indices = #map1}, {transform_indices = #map2}]} {
    %eq3A = arith.constant 15 : i32
    %eq3A_0 = arith.cmpi eq, %arg1, %eq3A : i32
    %mul3A = arith.constant 632 : i32
    %mul3A_1 = arith.muli %arg1, %mul3A : i32
    %jit3A = arith.constant 9368 : i32
    %select_n3A = arith.select %eq3A_0, %jit3A, %mul3A_1 : i32
    %multiple_of3A = tpu.assume_multiple %select_n3A, 8 : i32
    %broadcast_in_dim3A = arith.constant 0.000000e+00 : f32
    %broadcast_in_dim3A_2 = vector.broadcast %broadcast_in_dim3A : f32 to vector<16xf32>
    %scan3A = arith.constant 0 : i32
    %scan3A_3 = arith.constant 0 : i32
    %scan3A_4 = arith.constant 632 : i32
    %scan3A_5 = arith.addi %scan3A_3, %scan3A_4 : i32
    %scan3A_6 = arith.constant 1 : i32
    %scan3A_7 = scf.for %scan3A_21 = %scan3A_3 to %scan3A_5 step %scan3A_6 iter_args(%scan3A_22 = %scan3A) -> (i32)  : i32 {
      %scan3A_23 = arith.constant 0 : i32
      %scan3A_24 = arith.constant 0 : i32
      %scan3A_25 = arith.constant 3 : i32
      %scan3A_26 = arith.addi %scan3A_24, %scan3A_25 : i32
      %scan3A_27 = arith.constant 1 : i32
      %scan3A_28 = scf.for %scan3A_30 = %scan3A_24 to %scan3A_26 step %scan3A_27 iter_args(%scan3A_31 = %scan3A_23) -> (i32)  : i32 {
        %mul3A_32 = arith.constant 16 : i32
        %mul3A_33 = arith.muli %scan3A_30, %mul3A_32 : i32
        %swap3A = arith.index_cast %scan3A_21 : i32 to index
        %swap3A_34 = arith.index_cast %mul3A_33 : i32 to index
        %swap3A_35 = tpu.vector_load %arg9[%swap3A, %swap3A_34] {strides = array<i32>} : memref<632x48xf32, #tpu.memory_space<vmem>>, vector<1x16xf32>,
        %swap3A_36 = vector.shape_cast %swap3A_35 : vector<1x16xf32> to vector<16xf32>
        %swap3A_37 = vector.shape_cast %broadcast_in_dim3A_2 : vector<16xf32> to vector<1x16xf32>
        tpu.vector_store %arg9[%swap3A, %swap3A_34], %swap3A_37 {strides = array<i32>} : memref<632x48xf32, #tpu.memory_space<vmem>>, vector<1x16xf32>,
        %scan3A_38 = arith.constant 0 : i32
        scf.yield %scan3A_38 : i32
      }
      %scan3A_29 = arith.constant 3 : i32
      scf.yield %scan3A_28 : i32
    }
    %scan3A_8 = arith.constant 632 : i32
    "tpu.region"() ({
      %run_scoped3A = tpu.sem_alloc : memref<!tpu.dma_semaphore, #tpu.memory_space<semaphore_mem>>
      %dma_start3A = arith.constant 0 : i32
      %dma_start3A_21 = tpu.memref_slice %arg10[%multiple_of3A, %dma_start3A] : memref<10000x48xf32, #tpu.memory_space<vmem_shared>> -> memref<632x48xf32, #tpu.memory_space<vmem_shared>>
      %dma_start3A_22 = arith.constant 0 : i32
      %dma_start3A_23 = tpu.memref_slice %arg10[%multiple_of3A, %dma_start3A_22] : memref<10000x48xf32, #tpu.memory_space<vmem_shared>> -> memref<632x48xf32, #tpu.memory_space<vmem_shared>>
      tpu.enqueue_dma source(%arg9 : memref<632x48xf32, #tpu.memory_space<vmem>>) target(%dma_start3A_23 : memref<632x48xf32, #tpu.memory_space<vmem_shared>>) target_semaphore(%run_scoped3A : memref<!tpu.dma_semaphore, #tpu.memory_space<semaphore_mem>>)
      %dma_wait3A = arith.constant 0 : i32
      %dma_wait3A_24 = tpu.memref_slice %arg10[%multiple_of3A, %dma_wait3A] : memref<10000x48xf32, #tpu.memory_space<vmem_shared>> -> memref<632x48xf32, #tpu.memory_space<vmem_shared>>
      %dma_wait3A_25 = arith.constant 0 : i32
      %dma_wait3A_26 = tpu.memref_slice %arg10[%multiple_of3A, %dma_wait3A_25] : memref<10000x48xf32, #tpu.memory_space<vmem_shared>> -> memref<632x48xf32, #tpu.memory_space<vmem_shared>>
      tpu.wait_dma2 semaphore(%run_scoped3A : memref<!tpu.dma_semaphore, #tpu.memory_space<semaphore_mem>>) src(%arg9 : memref<632x48xf32, #tpu.memory_space<vmem>>) dst(%dma_wait3A_26 : memref<632x48xf32, #tpu.memory_space<vmem_shared>>)
      tpu.yield
    }) : () -> ()
    %barrier3A = arith.constant 0 : index
    tpu.barrier barrier_id(%barrier3A)
    %mul3A_9 = arith.constant 16 : i32
    %mul3A_10 = arith.muli %arg0, %mul3A_9 : i32
    %add3A = arith.addi %mul3A_10, %arg1 : i32
    %mul3A_11 = arith.constant 10000 : i32
    %mul3A_12 = arith.muli %add3A, %mul3A_11 : i32
    %scan3A_13 = arith.constant 0 : i32
    %scan3A_14 = arith.constant 0 : i32
    %scan3A_15 = arith.constant 125 : i32
    %scan3A_16 = arith.addi %scan3A_14, %scan3A_15 : i32
    %scan3A_17 = arith.constant 1 : i32
    %scan3A_18 = scf.for %scan3A_21 = %scan3A_14 to %scan3A_16 step %scan3A_17 iter_args(%scan3A_22 = %scan3A_13) -> (i32)  : i32 {
      %mul3A_23 = arith.constant 80 : i32
      %mul3A_24 = arith.muli %scan3A_21, %mul3A_23 : i32
      %add3A_25 = arith.addi %mul3A_12, %mul3A_24 : i32
      "tpu.region"() ({
        %run_scoped3A = tpu.sem_alloc : memref<!tpu.dma_semaphore, #tpu.memory_space<semaphore_mem>>
        %dma_start3A_31 = tpu.memref_slice %arg3[%add3A_25] : memref<320000xi32, #tpu.memory_space<hbm>> -> memref<80xi32, #tpu.memory_space<hbm>>
        %dma_start3A_32 = tpu.memref_slice %arg3[%add3A_25] : memref<320000xi32, #tpu.memory_space<hbm>> -> memref<80xi32, #tpu.memory_space<hbm>>
        tpu.enqueue_dma source(%dma_start3A_32 : memref<80xi32, #tpu.memory_space<hbm>>) target(%arg6 : memref<80xi32, #tpu.memory_space<vmem>>) target_semaphore(%run_scoped3A : memref<!tpu.dma_semaphore, #tpu.memory_space<semaphore_mem>>)
        %dma_wait3A_33 = tpu.memref_slice %arg3[%add3A_25] : memref<320000xi32, #tpu.memory_space<hbm>> -> memref<80xi32, #tpu.memory_space<hbm>>
        %dma_wait3A_34 = tpu.memref_slice %arg3[%add3A_25] : memref<320000xi32, #tpu.memory_space<hbm>> -> memref<80xi32, #tpu.memory_space<hbm>>
        tpu.wait_dma2 semaphore(%run_scoped3A : memref<!tpu.dma_semaphore, #tpu.memory_space<semaphore_mem>>) src(%dma_wait3A_34 : memref<80xi32, #tpu.memory_space<hbm>>) dst(%arg6 : memref<80xi32, #tpu.memory_space<vmem>>)
        tpu.yield
      }) : () -> ()
      %dma_start3A = arith.constant 0 : i32
      %dma_start3A_26 = arith.constant 0 : i32
      %dma_start3A_27 = tpu.memref_slice %arg2[%dma_start3A, %dma_start3A_26] : memref<10000x48xf32, #tpu.memory_space<hbm>> -> memref<10000x48xf32, #tpu.memory_space<hbm>>
      tpu.enqueue_indirect_dma source(%dma_start3A_27 : memref<10000x48xf32, #tpu.memory_space<hbm>>) target(%arg8 : memref<80x48xf32, #tpu.memory_space<vmem>>) offsets(%arg6 : memref<80xi32, #tpu.memory_space<vmem>>) semaphore(%arg11 : memref<!tpu.dma_semaphore, #tpu.memory_space<semaphore_mem>>)
      %dma_wait3A = arith.constant 0 : i32
      %dma_wait3A_28 = arith.constant 0 : i32
      %dma_wait3A_29 = tpu.memref_slice %arg2[%dma_wait3A, %dma_wait3A_28] : memref<10000x48xf32, #tpu.memory_space<hbm>> -> memref<10000x48xf32, #tpu.memory_space<hbm>>
      tpu.wait_indirect_dma semaphore(%arg11 : memref<!tpu.dma_semaphore, #tpu.memory_space<semaphore_mem>>) src(%dma_wait3A_29 : memref<10000x48xf32, #tpu.memory_space<hbm>>) dst(%arg8 : memref<80x48xf32, #tpu.memory_space<vmem>>)
      "tpu.region"() ({
        %run_scoped3A = tpu.sem_alloc : memref<!tpu.dma_semaphore, #tpu.memory_space<semaphore_mem>>
        %dma_start3A_31 = tpu.memref_slice %arg4[%add3A_25] : memref<320000xi32, #tpu.memory_space<hbm>> -> memref<80xi32, #tpu.memory_space<hbm>>
        %dma_start3A_32 = tpu.memref_slice %arg4[%add3A_25] : memref<320000xi32, #tpu.memory_space<hbm>> -> memref<80xi32, #tpu.memory_space<hbm>>
        tpu.enqueue_dma source(%dma_start3A_32 : memref<80xi32, #tpu.memory_space<hbm>>) target(%arg7 : memref<80xi32, #tpu.memory_space<vmem>>) target_semaphore(%run_scoped3A : memref<!tpu.dma_semaphore, #tpu.memory_space<semaphore_mem>>)
        %dma_wait3A_33 = tpu.memref_slice %arg4[%add3A_25] : memref<320000xi32, #tpu.memory_space<hbm>> -> memref<80xi32, #tpu.memory_space<hbm>>
        %dma_wait3A_34 = tpu.memref_slice %arg4[%add3A_25] : memref<320000xi32, #tpu.memory_space<hbm>> -> memref<80xi32, #tpu.memory_space<hbm>>
        tpu.wait_dma2 semaphore(%run_scoped3A : memref<!tpu.dma_semaphore, #tpu.memory_space<semaphore_mem>>) src(%dma_wait3A_34 : memref<80xi32, #tpu.memory_space<hbm>>) dst(%arg7 : memref<80xi32, #tpu.memory_space<vmem>>)
        tpu.yield
      }) : () -> ()
      "tpu.region"() ({
        %run_scoped3A = tpu.sem_alloc : memref<!tpu.dma_semaphore, #tpu.memory_space<semaphore_mem>>
        %dma_start3A_31 = arith.constant 0 : i32
        %dma_start3A_32 = arith.constant 0 : i32
        %dma_start3A_33 = tpu.memref_slice %arg10[%dma_start3A_31, %dma_start3A_32] : memref<10000x48xf32, #tpu.memory_space<vmem_shared>> -> memref<10000x48xf32, #tpu.memory_space<vmem_shared>>
        tpu.enqueue_indirect_dma source(%arg8 : memref<80x48xf32, #tpu.memory_space<vmem>>) target(%dma_start3A_33 : memref<10000x48xf32, #tpu.memory_space<vmem_shared>>) offsets(%arg7 : memref<80xi32, #tpu.memory_space<vmem>>) semaphore(%run_scoped3A : memref<!tpu.dma_semaphore, #tpu.memory_space<semaphore_mem>>) {add = true}
        %dma_wait3A_34 = arith.constant 0 : i32
        %dma_wait3A_35 = arith.constant 0 : i32
        %dma_wait3A_36 = tpu.memref_slice %arg10[%dma_wait3A_34, %dma_wait3A_35] : memref<10000x48xf32, #tpu.memory_space<vmem_shared>> -> memref<10000x48xf32, #tpu.memory_space<vmem_shared>>
        tpu.wait_indirect_dma semaphore(%run_scoped3A : memref<!tpu.dma_semaphore, #tpu.memory_space<semaphore_mem>>) src(%arg8 : memref<80x48xf32, #tpu.memory_space<vmem>>) dst(%dma_wait3A_36 : memref<10000x48xf32, #tpu.memory_space<vmem_shared>>)
        tpu.yield
      }) : () -> ()
      %scan3A_30 = arith.constant 0 : i32
      scf.yield %scan3A_30 : i32
    }
    %scan3A_19 = arith.constant 125 : i32
    %barrier3A_20 = arith.constant 0 : index
    tpu.barrier barrier_id(%barrier3A_20)
    "tpu.region"() ({
      %run_scoped3A = tpu.sem_alloc : memref<!tpu.dma_semaphore, #tpu.memory_space<semaphore_mem>>
      %dma_start3A = arith.constant 0 : i32
      %dma_start3A_21 = tpu.memref_slice %arg5[%arg0, %multiple_of3A, %dma_start3A] : memref<2x10000x48xf32, #tpu.memory_space<hbm>> -> memref<1x632x48xf32, #tpu.memory_space<hbm>>
      %dma_start3A_22 = tpu.memref_squeeze %dma_start3A_21 : memref<1x632x48xf32, #tpu.memory_space<hbm>> -> memref<632x48xf32, #tpu.memory_space<hbm>>
      %dma_start3A_23 = arith.constant 0 : i32
      %dma_start3A_24 = tpu.memref_slice %arg10[%multiple_of3A, %dma_start3A_23] : memref<10000x48xf32, #tpu.memory_space<vmem_shared>> -> memref<632x48xf32, #tpu.memory_space<vmem_shared>>
      tpu.enqueue_dma source(%dma_start3A_24 : memref<632x48xf32, #tpu.memory_space<vmem_shared>>) target(%dma_start3A_22 : memref<632x48xf32, #tpu.memory_space<hbm>>) target_semaphore(%run_scoped3A : memref<!tpu.dma_semaphore, #tpu.memory_space<semaphore_mem>>)
      %dma_wait3A = arith.constant 0 : i32
      %dma_wait3A_25 = tpu.memref_slice %arg5[%arg0, %multiple_of3A, %dma_wait3A] : memref<2x10000x48xf32, #tpu.memory_space<hbm>> -> memref<1x632x48xf32, #tpu.memory_space<hbm>>
      %dma_wait3A_26 = tpu.memref_squeeze %dma_wait3A_25 : memref<1x632x48xf32, #tpu.memory_space<hbm>> -> memref<632x48xf32, #tpu.memory_space<hbm>>
      %dma_wait3A_27 = arith.constant 0 : i32
      %dma_wait3A_28 = tpu.memref_slice %arg10[%multiple_of3A, %dma_wait3A_27] : memref<10000x48xf32, #tpu.memory_space<vmem_shared>> -> memref<632x48xf32, #tpu.memory_space<vmem_shared>>
      tpu.wait_dma2 semaphore(%run_scoped3A : memref<!tpu.dma_semaphore, #tpu.memory_space<semaphore_mem>>) src(%dma_wait3A_28 : memref<632x48xf32, #tpu.memory_space<vmem_shared>>) dst(%dma_wait3A_26 : memref<632x48xf32, #tpu.memory_space<hbm>>)
      tpu.yield
    }) : () -> ()
    return
  }
}

#map = affine_map<(d0, d1) -> (0, 0)>
#map1 = affine_map<(d0, d1) -> (0)>
#map2 = affine_map<(d0, d1) -> (0, 0, 0)>
module attributes {stable_mosaic.version = 14 : i64} {
  func.func @prop(%arg0: i32, %arg1: i32, %arg2: memref<10000x48xf32, #tpu.memory_space<hbm>>, %arg3: memref<320000xi32, #tpu.memory_space<hbm>>, %arg4: memref<320000xi32, #tpu.memory_space<hbm>>, %arg5: memref<2x10000x48xf32, #tpu.memory_space<hbm>>, %arg6: memref<80xi32, #tpu.memory_space<vmem>>, %arg7: memref<80xi32, #tpu.memory_space<vmem>>, %arg8: memref<80x48xf32, #tpu.memory_space<vmem>>, %arg9: memref<632x48xf32, #tpu.memory_space<vmem>>, %arg10: memref<10000x48xf32, #tpu.memory_space<vmem_shared>>, %arg11: memref<!tpu.dma_semaphore, #tpu.memory_space<semaphore_mem>>) attributes {dimension_semantics = [#tpu.dimension_semantics<core_parallel>, #tpu.dimension_semantics<subcore_parallel>], iteration_bounds = array<i64: 2, 16>, scalar_prefetch = 0 : i64, scratch_operands = 6 : i64, tpu.core_type = #tpu.core_type<sc_vector_subcore>, window_params = [{transform_indices = #map}, {transform_indices = #map1}, {transform_indices = #map1}, {transform_indices = #map2}]} {
    %eq3A = arith.constant 15 : i32
    %eq3A_0 = arith.cmpi eq, %arg1, %eq3A : i32
    %mul3A = arith.constant 632 : i32
    %mul3A_1 = arith.muli %arg1, %mul3A : i32
    %jit3A = arith.constant 9368 : i32
    %select_n3A = arith.select %eq3A_0, %jit3A, %mul3A_1 : i32
    %multiple_of3A = tpu.assume_multiple %select_n3A, 8 : i32
    %broadcast_in_dim3A = arith.constant 0.000000e+00 : f32
    %broadcast_in_dim3A_2 = vector.broadcast %broadcast_in_dim3A : f32 to vector<16xf32>
    %scan3A = arith.constant 0 : i32
    %scan3A_3 = arith.constant 0 : i32
    %scan3A_4 = arith.constant 632 : i32
    %scan3A_5 = arith.addi %scan3A_3, %scan3A_4 : i32
    %scan3A_6 = arith.constant 1 : i32
    %scan3A_7 = scf.for %scan3A_21 = %scan3A_3 to %scan3A_5 step %scan3A_6 iter_args(%scan3A_22 = %scan3A) -> (i32)  : i32 {
      %scan3A_23 = arith.constant 0 : i32
      %scan3A_24 = arith.constant 0 : i32
      %scan3A_25 = arith.constant 3 : i32
      %scan3A_26 = arith.addi %scan3A_24, %scan3A_25 : i32
      %scan3A_27 = arith.constant 1 : i32
      %scan3A_28 = scf.for %scan3A_30 = %scan3A_24 to %scan3A_26 step %scan3A_27 iter_args(%scan3A_31 = %scan3A_23) -> (i32)  : i32 {
        %mul3A_32 = arith.constant 16 : i32
        %mul3A_33 = arith.muli %scan3A_30, %mul3A_32 : i32
        %swap3A = arith.index_cast %scan3A_21 : i32 to index
        %swap3A_34 = arith.index_cast %mul3A_33 : i32 to index
        %swap3A_35 = tpu.vector_load %arg9[%swap3A, %swap3A_34] {strides = array<i32>} : memref<632x48xf32, #tpu.memory_space<vmem>>, vector<1x16xf32>,
        %swap3A_36 = vector.shape_cast %swap3A_35 : vector<1x16xf32> to vector<16xf32>
        %swap3A_37 = vector.shape_cast %broadcast_in_dim3A_2 : vector<16xf32> to vector<1x16xf32>
        tpu.vector_store %arg9[%swap3A, %swap3A_34], %swap3A_37 {strides = array<i32>} : memref<632x48xf32, #tpu.memory_space<vmem>>, vector<1x16xf32>,
        %scan3A_38 = arith.constant 0 : i32
        scf.yield %scan3A_38 : i32
      }
      %scan3A_29 = arith.constant 3 : i32
      scf.yield %scan3A_28 : i32
    }
    %scan3A_8 = arith.constant 632 : i32
    "tpu.region"() ({
      %run_scoped3A = tpu.sem_alloc : memref<!tpu.dma_semaphore, #tpu.memory_space<semaphore_mem>>
      %dma_start3A = arith.constant 0 : i32
      %dma_start3A_21 = tpu.memref_slice %arg10[%multiple_of3A, %dma_start3A] : memref<10000x48xf32, #tpu.memory_space<vmem_shared>> -> memref<632x48xf32, #tpu.memory_space<vmem_shared>>
      %dma_start3A_22 = arith.constant 0 : i32
      %dma_start3A_23 = tpu.memref_slice %arg10[%multiple_of3A, %dma_start3A_22] : memref<10000x48xf32, #tpu.memory_space<vmem_shared>> -> memref<632x48xf32, #tpu.memory_space<vmem_shared>>
      tpu.enqueue_dma source(%arg9 : memref<632x48xf32, #tpu.memory_space<vmem>>) target(%dma_start3A_23 : memref<632x48xf32, #tpu.memory_space<vmem_shared>>) target_semaphore(%run_scoped3A : memref<!tpu.dma_semaphore, #tpu.memory_space<semaphore_mem>>)
      %dma_wait3A = arith.constant 0 : i32
      %dma_wait3A_24 = tpu.memref_slice %arg10[%multiple_of3A, %dma_wait3A] : memref<10000x48xf32, #tpu.memory_space<vmem_shared>> -> memref<632x48xf32, #tpu.memory_space<vmem_shared>>
      %dma_wait3A_25 = arith.constant 0 : i32
      %dma_wait3A_26 = tpu.memref_slice %arg10[%multiple_of3A, %dma_wait3A_25] : memref<10000x48xf32, #tpu.memory_space<vmem_shared>> -> memref<632x48xf32, #tpu.memory_space<vmem_shared>>
      tpu.wait_dma2 semaphore(%run_scoped3A : memref<!tpu.dma_semaphore, #tpu.memory_space<semaphore_mem>>) src(%arg9 : memref<632x48xf32, #tpu.memory_space<vmem>>) dst(%dma_wait3A_26 : memref<632x48xf32, #tpu.memory_space<vmem_shared>>)
      tpu.yield
    }) : () -> ()
    %barrier3A = arith.constant 0 : index
    tpu.barrier barrier_id(%barrier3A)
    %mul3A_9 = arith.constant 16 : i32
    %mul3A_10 = arith.muli %arg0, %mul3A_9 : i32
    %add3A = arith.addi %mul3A_10, %arg1 : i32
    %mul3A_11 = arith.constant 10000 : i32
    %mul3A_12 = arith.muli %add3A, %mul3A_11 : i32
    %scan3A_13 = arith.constant 0 : i32
    %scan3A_14 = arith.constant 0 : i32
    %scan3A_15 = arith.constant 125 : i32
    %scan3A_16 = arith.addi %scan3A_14, %scan3A_15 : i32
    %scan3A_17 = arith.constant 1 : i32
    %scan3A_18 = scf.for %scan3A_21 = %scan3A_14 to %scan3A_16 step %scan3A_17 iter_args(%scan3A_22 = %scan3A_13) -> (i32)  : i32 {
      %mul3A_23 = arith.constant 80 : i32
      %mul3A_24 = arith.muli %scan3A_21, %mul3A_23 : i32
      %add3A_25 = arith.addi %mul3A_12, %mul3A_24 : i32
      "tpu.region"() ({
        %run_scoped3A = tpu.sem_alloc : memref<!tpu.dma_semaphore, #tpu.memory_space<semaphore_mem>>
        %dma_start3A_31 = tpu.memref_slice %arg3[%add3A_25] : memref<320000xi32, #tpu.memory_space<hbm>> -> memref<80xi32, #tpu.memory_space<hbm>>
        %dma_start3A_32 = tpu.memref_slice %arg3[%add3A_25] : memref<320000xi32, #tpu.memory_space<hbm>> -> memref<80xi32, #tpu.memory_space<hbm>>
        tpu.enqueue_dma source(%dma_start3A_32 : memref<80xi32, #tpu.memory_space<hbm>>) target(%arg6 : memref<80xi32, #tpu.memory_space<vmem>>) target_semaphore(%run_scoped3A : memref<!tpu.dma_semaphore, #tpu.memory_space<semaphore_mem>>)
        %dma_wait3A_33 = tpu.memref_slice %arg3[%add3A_25] : memref<320000xi32, #tpu.memory_space<hbm>> -> memref<80xi32, #tpu.memory_space<hbm>>
        %dma_wait3A_34 = tpu.memref_slice %arg3[%add3A_25] : memref<320000xi32, #tpu.memory_space<hbm>> -> memref<80xi32, #tpu.memory_space<hbm>>
        tpu.wait_dma2 semaphore(%run_scoped3A : memref<!tpu.dma_semaphore, #tpu.memory_space<semaphore_mem>>) src(%dma_wait3A_34 : memref<80xi32, #tpu.memory_space<hbm>>) dst(%arg6 : memref<80xi32, #tpu.memory_space<vmem>>)
        tpu.yield
      }) : () -> ()
      %dma_start3A = arith.constant 0 : i32
      %dma_start3A_26 = arith.constant 0 : i32
      %dma_start3A_27 = tpu.memref_slice %arg2[%dma_start3A, %dma_start3A_26] : memref<10000x48xf32, #tpu.memory_space<hbm>> -> memref<10000x48xf32, #tpu.memory_space<hbm>>
      tpu.enqueue_indirect_dma source(%dma_start3A_27 : memref<10000x48xf32, #tpu.memory_space<hbm>>) target(%arg8 : memref<80x48xf32, #tpu.memory_space<vmem>>) offsets(%arg6 : memref<80xi32, #tpu.memory_space<vmem>>) semaphore(%arg11 : memref<!tpu.dma_semaphore, #tpu.memory_space<semaphore_mem>>)
      %dma_wait3A = arith.constant 0 : i32
      %dma_wait3A_28 = arith.constant 0 : i32
      %dma_wait3A_29 = tpu.memref_slice %arg2[%dma_wait3A, %dma_wait3A_28] : memref<10000x48xf32, #tpu.memory_space<hbm>> -> memref<10000x48xf32, #tpu.memory_space<hbm>>
      tpu.wait_indirect_dma semaphore(%arg11 : memref<!tpu.dma_semaphore, #tpu.memory_space<semaphore_mem>>) src(%dma_wait3A_29 : memref<10000x48xf32, #tpu.memory_space<hbm>>) dst(%arg8 : memref<80x48xf32, #tpu.memory_space<vmem>>)
      "tpu.region"() ({
        %run_scoped3A = tpu.sem_alloc : memref<!tpu.dma_semaphore, #tpu.memory_space<semaphore_mem>>
        %dma_start3A_31 = tpu.memref_slice %arg4[%add3A_25] : memref<320000xi32, #tpu.memory_space<hbm>> -> memref<80xi32, #tpu.memory_space<hbm>>
        %dma_start3A_32 = tpu.memref_slice %arg4[%add3A_25] : memref<320000xi32, #tpu.memory_space<hbm>> -> memref<80xi32, #tpu.memory_space<hbm>>
        tpu.enqueue_dma source(%dma_start3A_32 : memref<80xi32, #tpu.memory_space<hbm>>) target(%arg7 : memref<80xi32, #tpu.memory_space<vmem>>) target_semaphore(%run_scoped3A : memref<!tpu.dma_semaphore, #tpu.memory_space<semaphore_mem>>)
        %dma_wait3A_33 = tpu.memref_slice %arg4[%add3A_25] : memref<320000xi32, #tpu.memory_space<hbm>> -> memref<80xi32, #tpu.memory_space<hbm>>
        %dma_wait3A_34 = tpu.memref_slice %arg4[%add3A_25] : memref<320000xi32, #tpu.memory_space<hbm>> -> memref<80xi32, #tpu.memory_space<hbm>>
        tpu.wait_dma2 semaphore(%run_scoped3A : memref<!tpu.dma_semaphore, #tpu.memory_space<semaphore_mem>>) src(%dma_wait3A_34 : memref<80xi32, #tpu.memory_space<hbm>>) dst(%arg7 : memref<80xi32, #tpu.memory_space<vmem>>)
        tpu.yield
      }) : () -> ()
      "tpu.region"() ({
        %run_scoped3A = tpu.sem_alloc : memref<!tpu.dma_semaphore, #tpu.memory_space<semaphore_mem>>
        %dma_start3A_31 = arith.constant 0 : i32
        %dma_start3A_32 = arith.constant 0 : i32
        %dma_start3A_33 = tpu.memref_slice %arg10[%dma_start3A_31, %dma_start3A_32] : memref<10000x48xf32, #tpu.memory_space<vmem_shared>> -> memref<10000x48xf32, #tpu.memory_space<vmem_shared>>
        tpu.enqueue_indirect_dma source(%arg8 : memref<80x48xf32, #tpu.memory_space<vmem>>) target(%dma_start3A_33 : memref<10000x48xf32, #tpu.memory_space<vmem_shared>>) offsets(%arg7 : memref<80xi32, #tpu.memory_space<vmem>>) semaphore(%run_scoped3A : memref<!tpu.dma_semaphore, #tpu.memory_space<semaphore_mem>>) {add = true}
        %dma_wait3A_34 = arith.constant 0 : i32
        %dma_wait3A_35 = arith.constant 0 : i32
        %dma_wait3A_36 = tpu.memref_slice %arg10[%dma_wait3A_34, %dma_wait3A_35] : memref<10000x48xf32, #tpu.memory_space<vmem_shared>> -> memref<10000x48xf32, #tpu.memory_space<vmem_shared>>
        tpu.wait_indirect_dma semaphore(%run_scoped3A : memref<!tpu.dma_semaphore, #tpu.memory_space<semaphore_mem>>) src(%arg8 : memref<80x48xf32, #tpu.memory_space<vmem>>) dst(%dma_wait3A_36 : memref<10000x48xf32, #tpu.memory_space<vmem_shared>>)
        tpu.yield
      }) : () -> ()
      %scan3A_30 = arith.constant 0 : i32
      scf.yield %scan3A_30 : i32
    }
    %scan3A_19 = arith.constant 125 : i32
    %barrier3A_20 = arith.constant 0 : index
    tpu.barrier barrier_id(%barrier3A_20)
    "tpu.region"() ({
      %run_scoped3A = tpu.sem_alloc : memref<!tpu.dma_semaphore, #tpu.memory_space<semaphore_mem>>
      %dma_start3A = arith.constant 0 : i32
      %dma_start3A_21 = tpu.memref_slice %arg5[%arg0, %multiple_of3A, %dma_start3A] : memref<2x10000x48xf32, #tpu.memory_space<hbm>> -> memref<1x632x48xf32, #tpu.memory_space<hbm>>
      %dma_start3A_22 = tpu.memref_squeeze %dma_start3A_21 : memref<1x632x48xf32, #tpu.memory_space<hbm>> -> memref<632x48xf32, #tpu.memory_space<hbm>>
      %dma_start3A_23 = arith.constant 0 : i32
      %dma_start3A_24 = tpu.memref_slice %arg10[%multiple_of3A, %dma_start3A_23] : memref<10000x48xf32, #tpu.memory_space<vmem_shared>> -> memref<632x48xf32, #tpu.memory_space<vmem_shared>>
      tpu.enqueue_dma source(%dma_start3A_24 : memref<632x48xf32, #tpu.memory_space<vmem_shared>>) target(%dma_start3A_22 : memref<632x48xf32, #tpu.memory_space<hbm>>) target_semaphore(%run_scoped3A : memref<!tpu.dma_semaphore, #tpu.memory_space<semaphore_mem>>)
      %dma_wait3A = arith.constant 0 : i32
      %dma_wait3A_25 = tpu.memref_slice %arg5[%arg0, %multiple_of3A, %dma_wait3A] : memref<2x10000x48xf32, #tpu.memory_space<hbm>> -> memref<1x632x48xf32, #tpu.memory_space<hbm>>
      %dma_wait3A_26 = tpu.memref_squeeze %dma_wait3A_25 : memref<1x632x48xf32, #tpu.memory_space<hbm>> -> memref<632x48xf32, #tpu.memory_space<hbm>>
      %dma_wait3A_27 = arith.constant 0 : i32
      %dma_wait3A_28 = tpu.memref_slice %arg10[%multiple_of3A, %dma_wait3A_27] : memref<10000x48xf32, #tpu.memory_space<vmem_shared>> -> memref<632x48xf32, #tpu.memory_space<vmem_shared>>
      tpu.wait_dma2 semaphore(%run_scoped3A : memref<!tpu.dma_semaphore, #tpu.memory_space<semaphore_mem>>) src(%dma_wait3A_28 : memref<632x48xf32, #tpu.memory_space<vmem_shared>>) dst(%dma_wait3A_26 : memref<632x48xf32, #tpu.memory_space<hbm>>)
      tpu.yield
    }) : () -> ()
    return
  }
}

#map = affine_map<(d0, d1) -> (0, 0)>
#map1 = affine_map<(d0, d1) -> (0)>
#map2 = affine_map<(d0, d1) -> (0, 0, 0)>
module attributes {stable_mosaic.version = 14 : i64} {
  func.func @prop(%arg0: i32, %arg1: i32, %arg2: memref<10000x48xf32, #tpu.memory_space<hbm>>, %arg3: memref<320000xi32, #tpu.memory_space<hbm>>, %arg4: memref<320000xi32, #tpu.memory_space<hbm>>, %arg5: memref<2x10000x48xf32, #tpu.memory_space<hbm>>, %arg6: memref<80xi32, #tpu.memory_space<vmem>>, %arg7: memref<80xi32, #tpu.memory_space<vmem>>, %arg8: memref<80x48xf32, #tpu.memory_space<vmem>>, %arg9: memref<632x48xf32, #tpu.memory_space<vmem>>, %arg10: memref<10000x48xf32, #tpu.memory_space<vmem_shared>>, %arg11: memref<!tpu.dma_semaphore, #tpu.memory_space<semaphore_mem>>) attributes {dimension_semantics = [#tpu.dimension_semantics<core_parallel>, #tpu.dimension_semantics<subcore_parallel>], iteration_bounds = array<i64: 2, 16>, scalar_prefetch = 0 : i64, scratch_operands = 6 : i64, tpu.core_type = #tpu.core_type<sc_vector_subcore>, window_params = [{transform_indices = #map}, {transform_indices = #map1}, {transform_indices = #map1}, {transform_indices = #map2}]} {
    %eq3A = arith.constant 15 : i32
    %eq3A_0 = arith.cmpi eq, %arg1, %eq3A : i32
    %mul3A = arith.constant 632 : i32
    %mul3A_1 = arith.muli %arg1, %mul3A : i32
    %jit3A = arith.constant 9368 : i32
    %select_n3A = arith.select %eq3A_0, %jit3A, %mul3A_1 : i32
    %multiple_of3A = tpu.assume_multiple %select_n3A, 8 : i32
    %broadcast_in_dim3A = arith.constant 0.000000e+00 : f32
    %broadcast_in_dim3A_2 = vector.broadcast %broadcast_in_dim3A : f32 to vector<16xf32>
    %scan3A = arith.constant 0 : i32
    %scan3A_3 = arith.constant 0 : i32
    %scan3A_4 = arith.constant 632 : i32
    %scan3A_5 = arith.addi %scan3A_3, %scan3A_4 : i32
    %scan3A_6 = arith.constant 1 : i32
    %scan3A_7 = scf.for %scan3A_21 = %scan3A_3 to %scan3A_5 step %scan3A_6 iter_args(%scan3A_22 = %scan3A) -> (i32)  : i32 {
      %scan3A_23 = arith.constant 0 : i32
      %scan3A_24 = arith.constant 0 : i32
      %scan3A_25 = arith.constant 3 : i32
      %scan3A_26 = arith.addi %scan3A_24, %scan3A_25 : i32
      %scan3A_27 = arith.constant 1 : i32
      %scan3A_28 = scf.for %scan3A_30 = %scan3A_24 to %scan3A_26 step %scan3A_27 iter_args(%scan3A_31 = %scan3A_23) -> (i32)  : i32 {
        %mul3A_32 = arith.constant 16 : i32
        %mul3A_33 = arith.muli %scan3A_30, %mul3A_32 : i32
        %swap3A = arith.index_cast %scan3A_21 : i32 to index
        %swap3A_34 = arith.index_cast %mul3A_33 : i32 to index
        %swap3A_35 = tpu.vector_load %arg9[%swap3A, %swap3A_34] {strides = array<i32>} : memref<632x48xf32, #tpu.memory_space<vmem>>, vector<1x16xf32>,
        %swap3A_36 = vector.shape_cast %swap3A_35 : vector<1x16xf32> to vector<16xf32>
        %swap3A_37 = vector.shape_cast %broadcast_in_dim3A_2 : vector<16xf32> to vector<1x16xf32>
        tpu.vector_store %arg9[%swap3A, %swap3A_34], %swap3A_37 {strides = array<i32>} : memref<632x48xf32, #tpu.memory_space<vmem>>, vector<1x16xf32>,
        %scan3A_38 = arith.constant 0 : i32
        scf.yield %scan3A_38 : i32
      }
      %scan3A_29 = arith.constant 3 : i32
      scf.yield %scan3A_28 : i32
    }
    %scan3A_8 = arith.constant 632 : i32
    "tpu.region"() ({
      %run_scoped3A = tpu.sem_alloc : memref<!tpu.dma_semaphore, #tpu.memory_space<semaphore_mem>>
      %dma_start3A = arith.constant 0 : i32
      %dma_start3A_21 = tpu.memref_slice %arg10[%multiple_of3A, %dma_start3A] : memref<10000x48xf32, #tpu.memory_space<vmem_shared>> -> memref<632x48xf32, #tpu.memory_space<vmem_shared>>
      %dma_start3A_22 = arith.constant 0 : i32
      %dma_start3A_23 = tpu.memref_slice %arg10[%multiple_of3A, %dma_start3A_22] : memref<10000x48xf32, #tpu.memory_space<vmem_shared>> -> memref<632x48xf32, #tpu.memory_space<vmem_shared>>
      tpu.enqueue_dma source(%arg9 : memref<632x48xf32, #tpu.memory_space<vmem>>) target(%dma_start3A_23 : memref<632x48xf32, #tpu.memory_space<vmem_shared>>) target_semaphore(%run_scoped3A : memref<!tpu.dma_semaphore, #tpu.memory_space<semaphore_mem>>)
      %dma_wait3A = arith.constant 0 : i32
      %dma_wait3A_24 = tpu.memref_slice %arg10[%multiple_of3A, %dma_wait3A] : memref<10000x48xf32, #tpu.memory_space<vmem_shared>> -> memref<632x48xf32, #tpu.memory_space<vmem_shared>>
      %dma_wait3A_25 = arith.constant 0 : i32
      %dma_wait3A_26 = tpu.memref_slice %arg10[%multiple_of3A, %dma_wait3A_25] : memref<10000x48xf32, #tpu.memory_space<vmem_shared>> -> memref<632x48xf32, #tpu.memory_space<vmem_shared>>
      tpu.wait_dma2 semaphore(%run_scoped3A : memref<!tpu.dma_semaphore, #tpu.memory_space<semaphore_mem>>) src(%arg9 : memref<632x48xf32, #tpu.memory_space<vmem>>) dst(%dma_wait3A_26 : memref<632x48xf32, #tpu.memory_space<vmem_shared>>)
      tpu.yield
    }) : () -> ()
    %barrier3A = arith.constant 0 : index
    tpu.barrier barrier_id(%barrier3A)
    %mul3A_9 = arith.constant 16 : i32
    %mul3A_10 = arith.muli %arg0, %mul3A_9 : i32
    %add3A = arith.addi %mul3A_10, %arg1 : i32
    %mul3A_11 = arith.constant 10000 : i32
    %mul3A_12 = arith.muli %add3A, %mul3A_11 : i32
    %scan3A_13 = arith.constant 0 : i32
    %scan3A_14 = arith.constant 0 : i32
    %scan3A_15 = arith.constant 125 : i32
    %scan3A_16 = arith.addi %scan3A_14, %scan3A_15 : i32
    %scan3A_17 = arith.constant 1 : i32
    %scan3A_18 = scf.for %scan3A_21 = %scan3A_14 to %scan3A_16 step %scan3A_17 iter_args(%scan3A_22 = %scan3A_13) -> (i32)  : i32 {
      %mul3A_23 = arith.constant 80 : i32
      %mul3A_24 = arith.muli %scan3A_21, %mul3A_23 : i32
      %add3A_25 = arith.addi %mul3A_12, %mul3A_24 : i32
      "tpu.region"() ({
        %run_scoped3A = tpu.sem_alloc : memref<!tpu.dma_semaphore, #tpu.memory_space<semaphore_mem>>
        %dma_start3A_31 = tpu.memref_slice %arg3[%add3A_25] : memref<320000xi32, #tpu.memory_space<hbm>> -> memref<80xi32, #tpu.memory_space<hbm>>
        %dma_start3A_32 = tpu.memref_slice %arg3[%add3A_25] : memref<320000xi32, #tpu.memory_space<hbm>> -> memref<80xi32, #tpu.memory_space<hbm>>
        tpu.enqueue_dma source(%dma_start3A_32 : memref<80xi32, #tpu.memory_space<hbm>>) target(%arg6 : memref<80xi32, #tpu.memory_space<vmem>>) target_semaphore(%run_scoped3A : memref<!tpu.dma_semaphore, #tpu.memory_space<semaphore_mem>>)
        %dma_wait3A_33 = tpu.memref_slice %arg3[%add3A_25] : memref<320000xi32, #tpu.memory_space<hbm>> -> memref<80xi32, #tpu.memory_space<hbm>>
        %dma_wait3A_34 = tpu.memref_slice %arg3[%add3A_25] : memref<320000xi32, #tpu.memory_space<hbm>> -> memref<80xi32, #tpu.memory_space<hbm>>
        tpu.wait_dma2 semaphore(%run_scoped3A : memref<!tpu.dma_semaphore, #tpu.memory_space<semaphore_mem>>) src(%dma_wait3A_34 : memref<80xi32, #tpu.memory_space<hbm>>) dst(%arg6 : memref<80xi32, #tpu.memory_space<vmem>>)
        tpu.yield
      }) : () -> ()
      %dma_start3A = arith.constant 0 : i32
      %dma_start3A_26 = arith.constant 0 : i32
      %dma_start3A_27 = tpu.memref_slice %arg2[%dma_start3A, %dma_start3A_26] : memref<10000x48xf32, #tpu.memory_space<hbm>> -> memref<10000x48xf32, #tpu.memory_space<hbm>>
      tpu.enqueue_indirect_dma source(%dma_start3A_27 : memref<10000x48xf32, #tpu.memory_space<hbm>>) target(%arg8 : memref<80x48xf32, #tpu.memory_space<vmem>>) offsets(%arg6 : memref<80xi32, #tpu.memory_space<vmem>>) semaphore(%arg11 : memref<!tpu.dma_semaphore, #tpu.memory_space<semaphore_mem>>)
      %dma_wait3A = arith.constant 0 : i32
      %dma_wait3A_28 = arith.constant 0 : i32
      %dma_wait3A_29 = tpu.memref_slice %arg2[%dma_wait3A, %dma_wait3A_28] : memref<10000x48xf32, #tpu.memory_space<hbm>> -> memref<10000x48xf32, #tpu.memory_space<hbm>>
      tpu.wait_indirect_dma semaphore(%arg11 : memref<!tpu.dma_semaphore, #tpu.memory_space<semaphore_mem>>) src(%dma_wait3A_29 : memref<10000x48xf32, #tpu.memory_space<hbm>>) dst(%arg8 : memref<80x48xf32, #tpu.memory_space<vmem>>)
      "tpu.region"() ({
        %run_scoped3A = tpu.sem_alloc : memref<!tpu.dma_semaphore, #tpu.memory_space<semaphore_mem>>
        %dma_start3A_31 = tpu.memref_slice %arg4[%add3A_25] : memref<320000xi32, #tpu.memory_space<hbm>> -> memref<80xi32, #tpu.memory_space<hbm>>
        %dma_start3A_32 = tpu.memref_slice %arg4[%add3A_25] : memref<320000xi32, #tpu.memory_space<hbm>> -> memref<80xi32, #tpu.memory_space<hbm>>
        tpu.enqueue_dma source(%dma_start3A_32 : memref<80xi32, #tpu.memory_space<hbm>>) target(%arg7 : memref<80xi32, #tpu.memory_space<vmem>>) target_semaphore(%run_scoped3A : memref<!tpu.dma_semaphore, #tpu.memory_space<semaphore_mem>>)
        %dma_wait3A_33 = tpu.memref_slice %arg4[%add3A_25] : memref<320000xi32, #tpu.memory_space<hbm>> -> memref<80xi32, #tpu.memory_space<hbm>>
        %dma_wait3A_34 = tpu.memref_slice %arg4[%add3A_25] : memref<320000xi32, #tpu.memory_space<hbm>> -> memref<80xi32, #tpu.memory_space<hbm>>
        tpu.wait_dma2 semaphore(%run_scoped3A : memref<!tpu.dma_semaphore, #tpu.memory_space<semaphore_mem>>) src(%dma_wait3A_34 : memref<80xi32, #tpu.memory_space<hbm>>) dst(%arg7 : memref<80xi32, #tpu.memory_space<vmem>>)
        tpu.yield
      }) : () -> ()
      "tpu.region"() ({
        %run_scoped3A = tpu.sem_alloc : memref<!tpu.dma_semaphore, #tpu.memory_space<semaphore_mem>>
        %dma_start3A_31 = arith.constant 0 : i32
        %dma_start3A_32 = arith.constant 0 : i32
        %dma_start3A_33 = tpu.memref_slice %arg10[%dma_start3A_31, %dma_start3A_32] : memref<10000x48xf32, #tpu.memory_space<vmem_shared>> -> memref<10000x48xf32, #tpu.memory_space<vmem_shared>>
        tpu.enqueue_indirect_dma source(%arg8 : memref<80x48xf32, #tpu.memory_space<vmem>>) target(%dma_start3A_33 : memref<10000x48xf32, #tpu.memory_space<vmem_shared>>) offsets(%arg7 : memref<80xi32, #tpu.memory_space<vmem>>) semaphore(%run_scoped3A : memref<!tpu.dma_semaphore, #tpu.memory_space<semaphore_mem>>) {add = true}
        %dma_wait3A_34 = arith.constant 0 : i32
        %dma_wait3A_35 = arith.constant 0 : i32
        %dma_wait3A_36 = tpu.memref_slice %arg10[%dma_wait3A_34, %dma_wait3A_35] : memref<10000x48xf32, #tpu.memory_space<vmem_shared>> -> memref<10000x48xf32, #tpu.memory_space<vmem_shared>>
        tpu.wait_indirect_dma semaphore(%run_scoped3A : memref<!tpu.dma_semaphore, #tpu.memory_space<semaphore_mem>>) src(%arg8 : memref<80x48xf32, #tpu.memory_space<vmem>>) dst(%dma_wait3A_36 : memref<10000x48xf32, #tpu.memory_space<vmem_shared>>)
        tpu.yield
      }) : () -> ()
      %scan3A_30 = arith.constant 0 : i32
      scf.yield %scan3A_30 : i32
    }
    %scan3A_19 = arith.constant 125 : i32
    %barrier3A_20 = arith.constant 0 : index
    tpu.barrier barrier_id(%barrier3A_20)
    "tpu.region"() ({
      %run_scoped3A = tpu.sem_alloc : memref<!tpu.dma_semaphore, #tpu.memory_space<semaphore_mem>>
      %dma_start3A = arith.constant 0 : i32
      %dma_start3A_21 = tpu.memref_slice %arg5[%arg0, %multiple_of3A, %dma_start3A] : memref<2x10000x48xf32, #tpu.memory_space<hbm>> -> memref<1x632x48xf32, #tpu.memory_space<hbm>>
      %dma_start3A_22 = tpu.memref_squeeze %dma_start3A_21 : memref<1x632x48xf32, #tpu.memory_space<hbm>> -> memref<632x48xf32, #tpu.memory_space<hbm>>
      %dma_start3A_23 = arith.constant 0 : i32
      %dma_start3A_24 = tpu.memref_slice %arg10[%multiple_of3A, %dma_start3A_23] : memref<10000x48xf32, #tpu.memory_space<vmem_shared>> -> memref<632x48xf32, #tpu.memory_space<vmem_shared>>
      tpu.enqueue_dma source(%dma_start3A_24 : memref<632x48xf32, #tpu.memory_space<vmem_shared>>) target(%dma_start3A_22 : memref<632x48xf32, #tpu.memory_space<hbm>>) target_semaphore(%run_scoped3A : memref<!tpu.dma_semaphore, #tpu.memory_space<semaphore_mem>>)
      %dma_wait3A = arith.constant 0 : i32
      %dma_wait3A_25 = tpu.memref_slice %arg5[%arg0, %multiple_of3A, %dma_wait3A] : memref<2x10000x48xf32, #tpu.memory_space<hbm>> -> memref<1x632x48xf32, #tpu.memory_space<hbm>>
      %dma_wait3A_26 = tpu.memref_squeeze %dma_wait3A_25 : memref<1x632x48xf32, #tpu.memory_space<hbm>> -> memref<632x48xf32, #tpu.memory_space<hbm>>
      %dma_wait3A_27 = arith.constant 0 : i32
      %dma_wait3A_28 = tpu.memref_slice %arg10[%multiple_of3A, %dma_wait3A_27] : memref<10000x48xf32, #tpu.memory_space<vmem_shared>> -> memref<632x48xf32, #tpu.memory_space<vmem_shared>>
      tpu.wait_dma2 semaphore(%run_scoped3A : memref<!tpu.dma_semaphore, #tpu.memory_space<semaphore_mem>>) src(%dma_wait3A_28 : memref<632x48xf32, #tpu.memory_space<vmem_shared>>) dst(%dma_wait3A_26 : memref<632x48xf32, #tpu.memory_space<hbm>>)
      tpu.yield
    }) : () -> ()
    return
  }
}

#map = affine_map<(d0, d1) -> (0, 0)>
#map1 = affine_map<(d0, d1) -> (0)>
#map2 = affine_map<(d0, d1) -> (0, 0, 0)>
module attributes {stable_mosaic.version = 14 : i64} {
  func.func @prop(%arg0: i32, %arg1: i32, %arg2: memref<10000x48xf32, #tpu.memory_space<hbm>>, %arg3: memref<320000xi32, #tpu.memory_space<hbm>>, %arg4: memref<320000xi32, #tpu.memory_space<hbm>>, %arg5: memref<2x10000x48xf32, #tpu.memory_space<hbm>>, %arg6: memref<80xi32, #tpu.memory_space<vmem>>, %arg7: memref<80xi32, #tpu.memory_space<vmem>>, %arg8: memref<80x48xf32, #tpu.memory_space<vmem>>, %arg9: memref<632x48xf32, #tpu.memory_space<vmem>>, %arg10: memref<10000x48xf32, #tpu.memory_space<vmem_shared>>, %arg11: memref<!tpu.dma_semaphore, #tpu.memory_space<semaphore_mem>>) attributes {dimension_semantics = [#tpu.dimension_semantics<core_parallel>, #tpu.dimension_semantics<subcore_parallel>], iteration_bounds = array<i64: 2, 16>, scalar_prefetch = 0 : i64, scratch_operands = 6 : i64, tpu.core_type = #tpu.core_type<sc_vector_subcore>, window_params = [{transform_indices = #map}, {transform_indices = #map1}, {transform_indices = #map1}, {transform_indices = #map2}]} {
    %eq3A = arith.constant 15 : i32
    %eq3A_0 = arith.cmpi eq, %arg1, %eq3A : i32
    %mul3A = arith.constant 632 : i32
    %mul3A_1 = arith.muli %arg1, %mul3A : i32
    %jit3A = arith.constant 9368 : i32
    %select_n3A = arith.select %eq3A_0, %jit3A, %mul3A_1 : i32
    %multiple_of3A = tpu.assume_multiple %select_n3A, 8 : i32
    %broadcast_in_dim3A = arith.constant 0.000000e+00 : f32
    %broadcast_in_dim3A_2 = vector.broadcast %broadcast_in_dim3A : f32 to vector<16xf32>
    %scan3A = arith.constant 0 : i32
    %scan3A_3 = arith.constant 0 : i32
    %scan3A_4 = arith.constant 632 : i32
    %scan3A_5 = arith.addi %scan3A_3, %scan3A_4 : i32
    %scan3A_6 = arith.constant 1 : i32
    %scan3A_7 = scf.for %scan3A_21 = %scan3A_3 to %scan3A_5 step %scan3A_6 iter_args(%scan3A_22 = %scan3A) -> (i32)  : i32 {
      %scan3A_23 = arith.constant 0 : i32
      %scan3A_24 = arith.constant 0 : i32
      %scan3A_25 = arith.constant 3 : i32
      %scan3A_26 = arith.addi %scan3A_24, %scan3A_25 : i32
      %scan3A_27 = arith.constant 1 : i32
      %scan3A_28 = scf.for %scan3A_30 = %scan3A_24 to %scan3A_26 step %scan3A_27 iter_args(%scan3A_31 = %scan3A_23) -> (i32)  : i32 {
        %mul3A_32 = arith.constant 16 : i32
        %mul3A_33 = arith.muli %scan3A_30, %mul3A_32 : i32
        %swap3A = arith.index_cast %scan3A_21 : i32 to index
        %swap3A_34 = arith.index_cast %mul3A_33 : i32 to index
        %swap3A_35 = tpu.vector_load %arg9[%swap3A, %swap3A_34] {strides = array<i32>} : memref<632x48xf32, #tpu.memory_space<vmem>>, vector<1x16xf32>,
        %swap3A_36 = vector.shape_cast %swap3A_35 : vector<1x16xf32> to vector<16xf32>
        %swap3A_37 = vector.shape_cast %broadcast_in_dim3A_2 : vector<16xf32> to vector<1x16xf32>
        tpu.vector_store %arg9[%swap3A, %swap3A_34], %swap3A_37 {strides = array<i32>} : memref<632x48xf32, #tpu.memory_space<vmem>>, vector<1x16xf32>,
        %scan3A_38 = arith.constant 0 : i32
        scf.yield %scan3A_38 : i32
      }
      %scan3A_29 = arith.constant 3 : i32
      scf.yield %scan3A_28 : i32
    }
    %scan3A_8 = arith.constant 632 : i32
    "tpu.region"() ({
      %run_scoped3A = tpu.sem_alloc : memref<!tpu.dma_semaphore, #tpu.memory_space<semaphore_mem>>
      %dma_start3A = arith.constant 0 : i32
      %dma_start3A_21 = tpu.memref_slice %arg10[%multiple_of3A, %dma_start3A] : memref<10000x48xf32, #tpu.memory_space<vmem_shared>> -> memref<632x48xf32, #tpu.memory_space<vmem_shared>>
      %dma_start3A_22 = arith.constant 0 : i32
      %dma_start3A_23 = tpu.memref_slice %arg10[%multiple_of3A, %dma_start3A_22] : memref<10000x48xf32, #tpu.memory_space<vmem_shared>> -> memref<632x48xf32, #tpu.memory_space<vmem_shared>>
      tpu.enqueue_dma source(%arg9 : memref<632x48xf32, #tpu.memory_space<vmem>>) target(%dma_start3A_23 : memref<632x48xf32, #tpu.memory_space<vmem_shared>>) target_semaphore(%run_scoped3A : memref<!tpu.dma_semaphore, #tpu.memory_space<semaphore_mem>>)
      %dma_wait3A = arith.constant 0 : i32
      %dma_wait3A_24 = tpu.memref_slice %arg10[%multiple_of3A, %dma_wait3A] : memref<10000x48xf32, #tpu.memory_space<vmem_shared>> -> memref<632x48xf32, #tpu.memory_space<vmem_shared>>
      %dma_wait3A_25 = arith.constant 0 : i32
      %dma_wait3A_26 = tpu.memref_slice %arg10[%multiple_of3A, %dma_wait3A_25] : memref<10000x48xf32, #tpu.memory_space<vmem_shared>> -> memref<632x48xf32, #tpu.memory_space<vmem_shared>>
      tpu.wait_dma2 semaphore(%run_scoped3A : memref<!tpu.dma_semaphore, #tpu.memory_space<semaphore_mem>>) src(%arg9 : memref<632x48xf32, #tpu.memory_space<vmem>>) dst(%dma_wait3A_26 : memref<632x48xf32, #tpu.memory_space<vmem_shared>>)
      tpu.yield
    }) : () -> ()
    %barrier3A = arith.constant 0 : index
    tpu.barrier barrier_id(%barrier3A)
    %mul3A_9 = arith.constant 16 : i32
    %mul3A_10 = arith.muli %arg0, %mul3A_9 : i32
    %add3A = arith.addi %mul3A_10, %arg1 : i32
    %mul3A_11 = arith.constant 10000 : i32
    %mul3A_12 = arith.muli %add3A, %mul3A_11 : i32
    %scan3A_13 = arith.constant 0 : i32
    %scan3A_14 = arith.constant 0 : i32
    %scan3A_15 = arith.constant 125 : i32
    %scan3A_16 = arith.addi %scan3A_14, %scan3A_15 : i32
    %scan3A_17 = arith.constant 1 : i32
    %scan3A_18 = scf.for %scan3A_21 = %scan3A_14 to %scan3A_16 step %scan3A_17 iter_args(%scan3A_22 = %scan3A_13) -> (i32)  : i32 {
      %mul3A_23 = arith.constant 80 : i32
      %mul3A_24 = arith.muli %scan3A_21, %mul3A_23 : i32
      %add3A_25 = arith.addi %mul3A_12, %mul3A_24 : i32
      "tpu.region"() ({
        %run_scoped3A = tpu.sem_alloc : memref<!tpu.dma_semaphore, #tpu.memory_space<semaphore_mem>>
        %dma_start3A_31 = tpu.memref_slice %arg3[%add3A_25] : memref<320000xi32, #tpu.memory_space<hbm>> -> memref<80xi32, #tpu.memory_space<hbm>>
        %dma_start3A_32 = tpu.memref_slice %arg3[%add3A_25] : memref<320000xi32, #tpu.memory_space<hbm>> -> memref<80xi32, #tpu.memory_space<hbm>>
        tpu.enqueue_dma source(%dma_start3A_32 : memref<80xi32, #tpu.memory_space<hbm>>) target(%arg6 : memref<80xi32, #tpu.memory_space<vmem>>) target_semaphore(%run_scoped3A : memref<!tpu.dma_semaphore, #tpu.memory_space<semaphore_mem>>)
        %dma_wait3A_33 = tpu.memref_slice %arg3[%add3A_25] : memref<320000xi32, #tpu.memory_space<hbm>> -> memref<80xi32, #tpu.memory_space<hbm>>
        %dma_wait3A_34 = tpu.memref_slice %arg3[%add3A_25] : memref<320000xi32, #tpu.memory_space<hbm>> -> memref<80xi32, #tpu.memory_space<hbm>>
        tpu.wait_dma2 semaphore(%run_scoped3A : memref<!tpu.dma_semaphore, #tpu.memory_space<semaphore_mem>>) src(%dma_wait3A_34 : memref<80xi32, #tpu.memory_space<hbm>>) dst(%arg6 : memref<80xi32, #tpu.memory_space<vmem>>)
        tpu.yield
      }) : () -> ()
      %dma_start3A = arith.constant 0 : i32
      %dma_start3A_26 = arith.constant 0 : i32
      %dma_start3A_27 = tpu.memref_slice %arg2[%dma_start3A, %dma_start3A_26] : memref<10000x48xf32, #tpu.memory_space<hbm>> -> memref<10000x48xf32, #tpu.memory_space<hbm>>
      tpu.enqueue_indirect_dma source(%dma_start3A_27 : memref<10000x48xf32, #tpu.memory_space<hbm>>) target(%arg8 : memref<80x48xf32, #tpu.memory_space<vmem>>) offsets(%arg6 : memref<80xi32, #tpu.memory_space<vmem>>) semaphore(%arg11 : memref<!tpu.dma_semaphore, #tpu.memory_space<semaphore_mem>>)
      %dma_wait3A = arith.constant 0 : i32
      %dma_wait3A_28 = arith.constant 0 : i32
      %dma_wait3A_29 = tpu.memref_slice %arg2[%dma_wait3A, %dma_wait3A_28] : memref<10000x48xf32, #tpu.memory_space<hbm>> -> memref<10000x48xf32, #tpu.memory_space<hbm>>
      tpu.wait_indirect_dma semaphore(%arg11 : memref<!tpu.dma_semaphore, #tpu.memory_space<semaphore_mem>>) src(%dma_wait3A_29 : memref<10000x48xf32, #tpu.memory_space<hbm>>) dst(%arg8 : memref<80x48xf32, #tpu.memory_space<vmem>>)
      "tpu.region"() ({
        %run_scoped3A = tpu.sem_alloc : memref<!tpu.dma_semaphore, #tpu.memory_space<semaphore_mem>>
        %dma_start3A_31 = tpu.memref_slice %arg4[%add3A_25] : memref<320000xi32, #tpu.memory_space<hbm>> -> memref<80xi32, #tpu.memory_space<hbm>>
        %dma_start3A_32 = tpu.memref_slice %arg4[%add3A_25] : memref<320000xi32, #tpu.memory_space<hbm>> -> memref<80xi32, #tpu.memory_space<hbm>>
        tpu.enqueue_dma source(%dma_start3A_32 : memref<80xi32, #tpu.memory_space<hbm>>) target(%arg7 : memref<80xi32, #tpu.memory_space<vmem>>) target_semaphore(%run_scoped3A : memref<!tpu.dma_semaphore, #tpu.memory_space<semaphore_mem>>)
        %dma_wait3A_33 = tpu.memref_slice %arg4[%add3A_25] : memref<320000xi32, #tpu.memory_space<hbm>> -> memref<80xi32, #tpu.memory_space<hbm>>
        %dma_wait3A_34 = tpu.memref_slice %arg4[%add3A_25] : memref<320000xi32, #tpu.memory_space<hbm>> -> memref<80xi32, #tpu.memory_space<hbm>>
        tpu.wait_dma2 semaphore(%run_scoped3A : memref<!tpu.dma_semaphore, #tpu.memory_space<semaphore_mem>>) src(%dma_wait3A_34 : memref<80xi32, #tpu.memory_space<hbm>>) dst(%arg7 : memref<80xi32, #tpu.memory_space<vmem>>)
        tpu.yield
      }) : () -> ()
      "tpu.region"() ({
        %run_scoped3A = tpu.sem_alloc : memref<!tpu.dma_semaphore, #tpu.memory_space<semaphore_mem>>
        %dma_start3A_31 = arith.constant 0 : i32
        %dma_start3A_32 = arith.constant 0 : i32
        %dma_start3A_33 = tpu.memref_slice %arg10[%dma_start3A_31, %dma_start3A_32] : memref<10000x48xf32, #tpu.memory_space<vmem_shared>> -> memref<10000x48xf32, #tpu.memory_space<vmem_shared>>
        tpu.enqueue_indirect_dma source(%arg8 : memref<80x48xf32, #tpu.memory_space<vmem>>) target(%dma_start3A_33 : memref<10000x48xf32, #tpu.memory_space<vmem_shared>>) offsets(%arg7 : memref<80xi32, #tpu.memory_space<vmem>>) semaphore(%run_scoped3A : memref<!tpu.dma_semaphore, #tpu.memory_space<semaphore_mem>>) {add = true}
        %dma_wait3A_34 = arith.constant 0 : i32
        %dma_wait3A_35 = arith.constant 0 : i32
        %dma_wait3A_36 = tpu.memref_slice %arg10[%dma_wait3A_34, %dma_wait3A_35] : memref<10000x48xf32, #tpu.memory_space<vmem_shared>> -> memref<10000x48xf32, #tpu.memory_space<vmem_shared>>
        tpu.wait_indirect_dma semaphore(%run_scoped3A : memref<!tpu.dma_semaphore, #tpu.memory_space<semaphore_mem>>) src(%arg8 : memref<80x48xf32, #tpu.memory_space<vmem>>) dst(%dma_wait3A_36 : memref<10000x48xf32, #tpu.memory_space<vmem_shared>>)
        tpu.yield
      }) : () -> ()
      %scan3A_30 = arith.constant 0 : i32
      scf.yield %scan3A_30 : i32
    }
    %scan3A_19 = arith.constant 125 : i32
    %barrier3A_20 = arith.constant 0 : index
    tpu.barrier barrier_id(%barrier3A_20)
    "tpu.region"() ({
      %run_scoped3A = tpu.sem_alloc : memref<!tpu.dma_semaphore, #tpu.memory_space<semaphore_mem>>
      %dma_start3A = arith.constant 0 : i32
      %dma_start3A_21 = tpu.memref_slice %arg5[%arg0, %multiple_of3A, %dma_start3A] : memref<2x10000x48xf32, #tpu.memory_space<hbm>> -> memref<1x632x48xf32, #tpu.memory_space<hbm>>
      %dma_start3A_22 = tpu.memref_squeeze %dma_start3A_21 : memref<1x632x48xf32, #tpu.memory_space<hbm>> -> memref<632x48xf32, #tpu.memory_space<hbm>>
      %dma_start3A_23 = arith.constant 0 : i32
      %dma_start3A_24 = tpu.memref_slice %arg10[%multiple_of3A, %dma_start3A_23] : memref<10000x48xf32, #tpu.memory_space<vmem_shared>> -> memref<632x48xf32, #tpu.memory_space<vmem_shared>>
      tpu.enqueue_dma source(%dma_start3A_24 : memref<632x48xf32, #tpu.memory_space<vmem_shared>>) target(%dma_start3A_22 : memref<632x48xf32, #tpu.memory_space<hbm>>) target_semaphore(%run_scoped3A : memref<!tpu.dma_semaphore, #tpu.memory_space<semaphore_mem>>)
      %dma_wait3A = arith.constant 0 : i32
      %dma_wait3A_25 = tpu.memref_slice %arg5[%arg0, %multiple_of3A, %dma_wait3A] : memref<2x10000x48xf32, #tpu.memory_space<hbm>> -> memref<1x632x48xf32, #tpu.memory_space<hbm>>
      %dma_wait3A_26 = tpu.memref_squeeze %dma_wait3A_25 : memref<1x632x48xf32, #tpu.memory_space<hbm>> -> memref<632x48xf32, #tpu.memory_space<hbm>>
      %dma_wait3A_27 = arith.constant 0 : i32
      %dma_wait3A_28 = tpu.memref_slice %arg10[%multiple_of3A, %dma_wait3A_27] : memref<10000x48xf32, #tpu.memory_space<vmem_shared>> -> memref<632x48xf32, #tpu.memory_space<vmem_shared>>
      tpu.wait_dma2 semaphore(%run_scoped3A : memref<!tpu.dma_semaphore, #tpu.memory_space<semaphore_mem>>) src(%dma_wait3A_28 : memref<632x48xf32, #tpu.memory_space<vmem_shared>>) dst(%dma_wait3A_26 : memref<632x48xf32, #tpu.memory_space<hbm>>)
      tpu.yield
    }) : () -> ()
    return
  }
}

#map = affine_map<(d0, d1) -> (0, 0)>
#map1 = affine_map<(d0, d1) -> (0)>
#map2 = affine_map<(d0, d1) -> (0, 0, 0)>
module attributes {stable_mosaic.version = 14 : i64} {
  func.func @prop(%arg0: i32, %arg1: i32, %arg2: memref<10000x48xf32, #tpu.memory_space<hbm>>, %arg3: memref<320000xi32, #tpu.memory_space<hbm>>, %arg4: memref<320000xi32, #tpu.memory_space<hbm>>, %arg5: memref<2x10000x48xf32, #tpu.memory_space<hbm>>, %arg6: memref<80xi32, #tpu.memory_space<vmem>>, %arg7: memref<80xi32, #tpu.memory_space<vmem>>, %arg8: memref<80x48xf32, #tpu.memory_space<vmem>>, %arg9: memref<632x48xf32, #tpu.memory_space<vmem>>, %arg10: memref<10000x48xf32, #tpu.memory_space<vmem_shared>>, %arg11: memref<!tpu.dma_semaphore, #tpu.memory_space<semaphore_mem>>) attributes {dimension_semantics = [#tpu.dimension_semantics<core_parallel>, #tpu.dimension_semantics<subcore_parallel>], iteration_bounds = array<i64: 2, 16>, scalar_prefetch = 0 : i64, scratch_operands = 6 : i64, tpu.core_type = #tpu.core_type<sc_vector_subcore>, window_params = [{transform_indices = #map}, {transform_indices = #map1}, {transform_indices = #map1}, {transform_indices = #map2}]} {
    %eq3A = arith.constant 15 : i32
    %eq3A_0 = arith.cmpi eq, %arg1, %eq3A : i32
    %mul3A = arith.constant 632 : i32
    %mul3A_1 = arith.muli %arg1, %mul3A : i32
    %jit3A = arith.constant 9368 : i32
    %select_n3A = arith.select %eq3A_0, %jit3A, %mul3A_1 : i32
    %multiple_of3A = tpu.assume_multiple %select_n3A, 8 : i32
    %broadcast_in_dim3A = arith.constant 0.000000e+00 : f32
    %broadcast_in_dim3A_2 = vector.broadcast %broadcast_in_dim3A : f32 to vector<16xf32>
    %scan3A = arith.constant 0 : i32
    %scan3A_3 = arith.constant 0 : i32
    %scan3A_4 = arith.constant 632 : i32
    %scan3A_5 = arith.addi %scan3A_3, %scan3A_4 : i32
    %scan3A_6 = arith.constant 1 : i32
    %scan3A_7 = scf.for %scan3A_21 = %scan3A_3 to %scan3A_5 step %scan3A_6 iter_args(%scan3A_22 = %scan3A) -> (i32)  : i32 {
      %scan3A_23 = arith.constant 0 : i32
      %scan3A_24 = arith.constant 0 : i32
      %scan3A_25 = arith.constant 3 : i32
      %scan3A_26 = arith.addi %scan3A_24, %scan3A_25 : i32
      %scan3A_27 = arith.constant 1 : i32
      %scan3A_28 = scf.for %scan3A_30 = %scan3A_24 to %scan3A_26 step %scan3A_27 iter_args(%scan3A_31 = %scan3A_23) -> (i32)  : i32 {
        %mul3A_32 = arith.constant 16 : i32
        %mul3A_33 = arith.muli %scan3A_30, %mul3A_32 : i32
        %swap3A = arith.index_cast %scan3A_21 : i32 to index
        %swap3A_34 = arith.index_cast %mul3A_33 : i32 to index
        %swap3A_35 = tpu.vector_load %arg9[%swap3A, %swap3A_34] {strides = array<i32>} : memref<632x48xf32, #tpu.memory_space<vmem>>, vector<1x16xf32>,
        %swap3A_36 = vector.shape_cast %swap3A_35 : vector<1x16xf32> to vector<16xf32>
        %swap3A_37 = vector.shape_cast %broadcast_in_dim3A_2 : vector<16xf32> to vector<1x16xf32>
        tpu.vector_store %arg9[%swap3A, %swap3A_34], %swap3A_37 {strides = array<i32>} : memref<632x48xf32, #tpu.memory_space<vmem>>, vector<1x16xf32>,
        %scan3A_38 = arith.constant 0 : i32
        scf.yield %scan3A_38 : i32
      }
      %scan3A_29 = arith.constant 3 : i32
      scf.yield %scan3A_28 : i32
    }
    %scan3A_8 = arith.constant 632 : i32
    "tpu.region"() ({
      %run_scoped3A = tpu.sem_alloc : memref<!tpu.dma_semaphore, #tpu.memory_space<semaphore_mem>>
      %dma_start3A = arith.constant 0 : i32
      %dma_start3A_21 = tpu.memref_slice %arg10[%multiple_of3A, %dma_start3A] : memref<10000x48xf32, #tpu.memory_space<vmem_shared>> -> memref<632x48xf32, #tpu.memory_space<vmem_shared>>
      %dma_start3A_22 = arith.constant 0 : i32
      %dma_start3A_23 = tpu.memref_slice %arg10[%multiple_of3A, %dma_start3A_22] : memref<10000x48xf32, #tpu.memory_space<vmem_shared>> -> memref<632x48xf32, #tpu.memory_space<vmem_shared>>
      tpu.enqueue_dma source(%arg9 : memref<632x48xf32, #tpu.memory_space<vmem>>) target(%dma_start3A_23 : memref<632x48xf32, #tpu.memory_space<vmem_shared>>) target_semaphore(%run_scoped3A : memref<!tpu.dma_semaphore, #tpu.memory_space<semaphore_mem>>)
      %dma_wait3A = arith.constant 0 : i32
      %dma_wait3A_24 = tpu.memref_slice %arg10[%multiple_of3A, %dma_wait3A] : memref<10000x48xf32, #tpu.memory_space<vmem_shared>> -> memref<632x48xf32, #tpu.memory_space<vmem_shared>>
      %dma_wait3A_25 = arith.constant 0 : i32
      %dma_wait3A_26 = tpu.memref_slice %arg10[%multiple_of3A, %dma_wait3A_25] : memref<10000x48xf32, #tpu.memory_space<vmem_shared>> -> memref<632x48xf32, #tpu.memory_space<vmem_shared>>
      tpu.wait_dma2 semaphore(%run_scoped3A : memref<!tpu.dma_semaphore, #tpu.memory_space<semaphore_mem>>) src(%arg9 : memref<632x48xf32, #tpu.memory_space<vmem>>) dst(%dma_wait3A_26 : memref<632x48xf32, #tpu.memory_space<vmem_shared>>)
      tpu.yield
    }) : () -> ()
    %barrier3A = arith.constant 0 : index
    tpu.barrier barrier_id(%barrier3A)
    %mul3A_9 = arith.constant 16 : i32
    %mul3A_10 = arith.muli %arg0, %mul3A_9 : i32
    %add3A = arith.addi %mul3A_10, %arg1 : i32
    %mul3A_11 = arith.constant 10000 : i32
    %mul3A_12 = arith.muli %add3A, %mul3A_11 : i32
    %scan3A_13 = arith.constant 0 : i32
    %scan3A_14 = arith.constant 0 : i32
    %scan3A_15 = arith.constant 125 : i32
    %scan3A_16 = arith.addi %scan3A_14, %scan3A_15 : i32
    %scan3A_17 = arith.constant 1 : i32
    %scan3A_18 = scf.for %scan3A_21 = %scan3A_14 to %scan3A_16 step %scan3A_17 iter_args(%scan3A_22 = %scan3A_13) -> (i32)  : i32 {
      %mul3A_23 = arith.constant 80 : i32
      %mul3A_24 = arith.muli %scan3A_21, %mul3A_23 : i32
      %add3A_25 = arith.addi %mul3A_12, %mul3A_24 : i32
      "tpu.region"() ({
        %run_scoped3A = tpu.sem_alloc : memref<!tpu.dma_semaphore, #tpu.memory_space<semaphore_mem>>
        %dma_start3A_31 = tpu.memref_slice %arg3[%add3A_25] : memref<320000xi32, #tpu.memory_space<hbm>> -> memref<80xi32, #tpu.memory_space<hbm>>
        %dma_start3A_32 = tpu.memref_slice %arg3[%add3A_25] : memref<320000xi32, #tpu.memory_space<hbm>> -> memref<80xi32, #tpu.memory_space<hbm>>
        tpu.enqueue_dma source(%dma_start3A_32 : memref<80xi32, #tpu.memory_space<hbm>>) target(%arg6 : memref<80xi32, #tpu.memory_space<vmem>>) target_semaphore(%run_scoped3A : memref<!tpu.dma_semaphore, #tpu.memory_space<semaphore_mem>>)
        %dma_wait3A_33 = tpu.memref_slice %arg3[%add3A_25] : memref<320000xi32, #tpu.memory_space<hbm>> -> memref<80xi32, #tpu.memory_space<hbm>>
        %dma_wait3A_34 = tpu.memref_slice %arg3[%add3A_25] : memref<320000xi32, #tpu.memory_space<hbm>> -> memref<80xi32, #tpu.memory_space<hbm>>
        tpu.wait_dma2 semaphore(%run_scoped3A : memref<!tpu.dma_semaphore, #tpu.memory_space<semaphore_mem>>) src(%dma_wait3A_34 : memref<80xi32, #tpu.memory_space<hbm>>) dst(%arg6 : memref<80xi32, #tpu.memory_space<vmem>>)
        tpu.yield
      }) : () -> ()
      %dma_start3A = arith.constant 0 : i32
      %dma_start3A_26 = arith.constant 0 : i32
      %dma_start3A_27 = tpu.memref_slice %arg2[%dma_start3A, %dma_start3A_26] : memref<10000x48xf32, #tpu.memory_space<hbm>> -> memref<10000x48xf32, #tpu.memory_space<hbm>>
      tpu.enqueue_indirect_dma source(%dma_start3A_27 : memref<10000x48xf32, #tpu.memory_space<hbm>>) target(%arg8 : memref<80x48xf32, #tpu.memory_space<vmem>>) offsets(%arg6 : memref<80xi32, #tpu.memory_space<vmem>>) semaphore(%arg11 : memref<!tpu.dma_semaphore, #tpu.memory_space<semaphore_mem>>)
      %dma_wait3A = arith.constant 0 : i32
      %dma_wait3A_28 = arith.constant 0 : i32
      %dma_wait3A_29 = tpu.memref_slice %arg2[%dma_wait3A, %dma_wait3A_28] : memref<10000x48xf32, #tpu.memory_space<hbm>> -> memref<10000x48xf32, #tpu.memory_space<hbm>>
      tpu.wait_indirect_dma semaphore(%arg11 : memref<!tpu.dma_semaphore, #tpu.memory_space<semaphore_mem>>) src(%dma_wait3A_29 : memref<10000x48xf32, #tpu.memory_space<hbm>>) dst(%arg8 : memref<80x48xf32, #tpu.memory_space<vmem>>)
      "tpu.region"() ({
        %run_scoped3A = tpu.sem_alloc : memref<!tpu.dma_semaphore, #tpu.memory_space<semaphore_mem>>
        %dma_start3A_31 = tpu.memref_slice %arg4[%add3A_25] : memref<320000xi32, #tpu.memory_space<hbm>> -> memref<80xi32, #tpu.memory_space<hbm>>
        %dma_start3A_32 = tpu.memref_slice %arg4[%add3A_25] : memref<320000xi32, #tpu.memory_space<hbm>> -> memref<80xi32, #tpu.memory_space<hbm>>
        tpu.enqueue_dma source(%dma_start3A_32 : memref<80xi32, #tpu.memory_space<hbm>>) target(%arg7 : memref<80xi32, #tpu.memory_space<vmem>>) target_semaphore(%run_scoped3A : memref<!tpu.dma_semaphore, #tpu.memory_space<semaphore_mem>>)
        %dma_wait3A_33 = tpu.memref_slice %arg4[%add3A_25] : memref<320000xi32, #tpu.memory_space<hbm>> -> memref<80xi32, #tpu.memory_space<hbm>>
        %dma_wait3A_34 = tpu.memref_slice %arg4[%add3A_25] : memref<320000xi32, #tpu.memory_space<hbm>> -> memref<80xi32, #tpu.memory_space<hbm>>
        tpu.wait_dma2 semaphore(%run_scoped3A : memref<!tpu.dma_semaphore, #tpu.memory_space<semaphore_mem>>) src(%dma_wait3A_34 : memref<80xi32, #tpu.memory_space<hbm>>) dst(%arg7 : memref<80xi32, #tpu.memory_space<vmem>>)
        tpu.yield
      }) : () -> ()
      "tpu.region"() ({
        %run_scoped3A = tpu.sem_alloc : memref<!tpu.dma_semaphore, #tpu.memory_space<semaphore_mem>>
        %dma_start3A_31 = arith.constant 0 : i32
        %dma_start3A_32 = arith.constant 0 : i32
        %dma_start3A_33 = tpu.memref_slice %arg10[%dma_start3A_31, %dma_start3A_32] : memref<10000x48xf32, #tpu.memory_space<vmem_shared>> -> memref<10000x48xf32, #tpu.memory_space<vmem_shared>>
        tpu.enqueue_indirect_dma source(%arg8 : memref<80x48xf32, #tpu.memory_space<vmem>>) target(%dma_start3A_33 : memref<10000x48xf32, #tpu.memory_space<vmem_shared>>) offsets(%arg7 : memref<80xi32, #tpu.memory_space<vmem>>) semaphore(%run_scoped3A : memref<!tpu.dma_semaphore, #tpu.memory_space<semaphore_mem>>) {add = true}
        %dma_wait3A_34 = arith.constant 0 : i32
        %dma_wait3A_35 = arith.constant 0 : i32
        %dma_wait3A_36 = tpu.memref_slice %arg10[%dma_wait3A_34, %dma_wait3A_35] : memref<10000x48xf32, #tpu.memory_space<vmem_shared>> -> memref<10000x48xf32, #tpu.memory_space<vmem_shared>>
        tpu.wait_indirect_dma semaphore(%run_scoped3A : memref<!tpu.dma_semaphore, #tpu.memory_space<semaphore_mem>>) src(%arg8 : memref<80x48xf32, #tpu.memory_space<vmem>>) dst(%dma_wait3A_36 : memref<10000x48xf32, #tpu.memory_space<vmem_shared>>)
        tpu.yield
      }) : () -> ()
      %scan3A_30 = arith.constant 0 : i32
      scf.yield %scan3A_30 : i32
    }
    %scan3A_19 = arith.constant 125 : i32
    %barrier3A_20 = arith.constant 0 : index
    tpu.barrier barrier_id(%barrier3A_20)
    "tpu.region"() ({
      %run_scoped3A = tpu.sem_alloc : memref<!tpu.dma_semaphore, #tpu.memory_space<semaphore_mem>>
      %dma_start3A = arith.constant 0 : i32
      %dma_start3A_21 = tpu.memref_slice %arg5[%arg0, %multiple_of3A, %dma_start3A] : memref<2x10000x48xf32, #tpu.memory_space<hbm>> -> memref<1x632x48xf32, #tpu.memory_space<hbm>>
      %dma_start3A_22 = tpu.memref_squeeze %dma_start3A_21 : memref<1x632x48xf32, #tpu.memory_space<hbm>> -> memref<632x48xf32, #tpu.memory_space<hbm>>
      %dma_start3A_23 = arith.constant 0 : i32
      %dma_start3A_24 = tpu.memref_slice %arg10[%multiple_of3A, %dma_start3A_23] : memref<10000x48xf32, #tpu.memory_space<vmem_shared>> -> memref<632x48xf32, #tpu.memory_space<vmem_shared>>
      tpu.enqueue_dma source(%dma_start3A_24 : memref<632x48xf32, #tpu.memory_space<vmem_shared>>) target(%dma_start3A_22 : memref<632x48xf32, #tpu.memory_space<hbm>>) target_semaphore(%run_scoped3A : memref<!tpu.dma_semaphore, #tpu.memory_space<semaphore_mem>>)
      %dma_wait3A = arith.constant 0 : i32
      %dma_wait3A_25 = tpu.memref_slice %arg5[%arg0, %multiple_of3A, %dma_wait3A] : memref<2x10000x48xf32, #tpu.memory_space<hbm>> -> memref<1x632x48xf32, #tpu.memory_space<hbm>>
      %dma_wait3A_26 = tpu.memref_squeeze %dma_wait3A_25 : memref<1x632x48xf32, #tpu.memory_space<hbm>> -> memref<632x48xf32, #tpu.memory_space<hbm>>
      %dma_wait3A_27 = arith.constant 0 : i32
      %dma_wait3A_28 = tpu.memref_slice %arg10[%multiple_of3A, %dma_wait3A_27] : memref<10000x48xf32, #tpu.memory_space<vmem_shared>> -> memref<632x48xf32, #tpu.memory_space<vmem_shared>>
      tpu.wait_dma2 semaphore(%run_scoped3A : memref<!tpu.dma_semaphore, #tpu.memory_space<semaphore_mem>>) src(%dma_wait3A_28 : memref<632x48xf32, #tpu.memory_space<vmem_shared>>) dst(%dma_wait3A_26 : memref<632x48xf32, #tpu.memory_space<hbm>>)
      tpu.yield
    }) : () -> ()
    return
  }
}

#map = affine_map<(d0, d1) -> (0, 0)>
#map1 = affine_map<(d0, d1) -> (0)>
#map2 = affine_map<(d0, d1) -> (0, 0, 0)>
module attributes {stable_mosaic.version = 14 : i64} {
  func.func @prop(%arg0: i32, %arg1: i32, %arg2: memref<10000x48xf32, #tpu.memory_space<hbm>>, %arg3: memref<320000xi32, #tpu.memory_space<hbm>>, %arg4: memref<320000xi32, #tpu.memory_space<hbm>>, %arg5: memref<2x10000x48xf32, #tpu.memory_space<hbm>>, %arg6: memref<80xi32, #tpu.memory_space<vmem>>, %arg7: memref<80xi32, #tpu.memory_space<vmem>>, %arg8: memref<80x48xf32, #tpu.memory_space<vmem>>, %arg9: memref<632x48xf32, #tpu.memory_space<vmem>>, %arg10: memref<10000x48xf32, #tpu.memory_space<vmem_shared>>, %arg11: memref<!tpu.dma_semaphore, #tpu.memory_space<semaphore_mem>>) attributes {dimension_semantics = [#tpu.dimension_semantics<core_parallel>, #tpu.dimension_semantics<subcore_parallel>], iteration_bounds = array<i64: 2, 16>, scalar_prefetch = 0 : i64, scratch_operands = 6 : i64, tpu.core_type = #tpu.core_type<sc_vector_subcore>, window_params = [{transform_indices = #map}, {transform_indices = #map1}, {transform_indices = #map1}, {transform_indices = #map2}]} {
    %eq3A = arith.constant 15 : i32
    %eq3A_0 = arith.cmpi eq, %arg1, %eq3A : i32
    %mul3A = arith.constant 632 : i32
    %mul3A_1 = arith.muli %arg1, %mul3A : i32
    %jit3A = arith.constant 9368 : i32
    %select_n3A = arith.select %eq3A_0, %jit3A, %mul3A_1 : i32
    %multiple_of3A = tpu.assume_multiple %select_n3A, 8 : i32
    %broadcast_in_dim3A = arith.constant 0.000000e+00 : f32
    %broadcast_in_dim3A_2 = vector.broadcast %broadcast_in_dim3A : f32 to vector<16xf32>
    %scan3A = arith.constant 0 : i32
    %scan3A_3 = arith.constant 0 : i32
    %scan3A_4 = arith.constant 632 : i32
    %scan3A_5 = arith.addi %scan3A_3, %scan3A_4 : i32
    %scan3A_6 = arith.constant 1 : i32
    %scan3A_7 = scf.for %scan3A_21 = %scan3A_3 to %scan3A_5 step %scan3A_6 iter_args(%scan3A_22 = %scan3A) -> (i32)  : i32 {
      %scan3A_23 = arith.constant 0 : i32
      %scan3A_24 = arith.constant 0 : i32
      %scan3A_25 = arith.constant 3 : i32
      %scan3A_26 = arith.addi %scan3A_24, %scan3A_25 : i32
      %scan3A_27 = arith.constant 1 : i32
      %scan3A_28 = scf.for %scan3A_30 = %scan3A_24 to %scan3A_26 step %scan3A_27 iter_args(%scan3A_31 = %scan3A_23) -> (i32)  : i32 {
        %mul3A_32 = arith.constant 16 : i32
        %mul3A_33 = arith.muli %scan3A_30, %mul3A_32 : i32
        %swap3A = arith.index_cast %scan3A_21 : i32 to index
        %swap3A_34 = arith.index_cast %mul3A_33 : i32 to index
        %swap3A_35 = tpu.vector_load %arg9[%swap3A, %swap3A_34] {strides = array<i32>} : memref<632x48xf32, #tpu.memory_space<vmem>>, vector<1x16xf32>,
        %swap3A_36 = vector.shape_cast %swap3A_35 : vector<1x16xf32> to vector<16xf32>
        %swap3A_37 = vector.shape_cast %broadcast_in_dim3A_2 : vector<16xf32> to vector<1x16xf32>
        tpu.vector_store %arg9[%swap3A, %swap3A_34], %swap3A_37 {strides = array<i32>} : memref<632x48xf32, #tpu.memory_space<vmem>>, vector<1x16xf32>,
        %scan3A_38 = arith.constant 0 : i32
        scf.yield %scan3A_38 : i32
      }
      %scan3A_29 = arith.constant 3 : i32
      scf.yield %scan3A_28 : i32
    }
    %scan3A_8 = arith.constant 632 : i32
    "tpu.region"() ({
      %run_scoped3A = tpu.sem_alloc : memref<!tpu.dma_semaphore, #tpu.memory_space<semaphore_mem>>
      %dma_start3A = arith.constant 0 : i32
      %dma_start3A_21 = tpu.memref_slice %arg10[%multiple_of3A, %dma_start3A] : memref<10000x48xf32, #tpu.memory_space<vmem_shared>> -> memref<632x48xf32, #tpu.memory_space<vmem_shared>>
      %dma_start3A_22 = arith.constant 0 : i32
      %dma_start3A_23 = tpu.memref_slice %arg10[%multiple_of3A, %dma_start3A_22] : memref<10000x48xf32, #tpu.memory_space<vmem_shared>> -> memref<632x48xf32, #tpu.memory_space<vmem_shared>>
      tpu.enqueue_dma source(%arg9 : memref<632x48xf32, #tpu.memory_space<vmem>>) target(%dma_start3A_23 : memref<632x48xf32, #tpu.memory_space<vmem_shared>>) target_semaphore(%run_scoped3A : memref<!tpu.dma_semaphore, #tpu.memory_space<semaphore_mem>>)
      %dma_wait3A = arith.constant 0 : i32
      %dma_wait3A_24 = tpu.memref_slice %arg10[%multiple_of3A, %dma_wait3A] : memref<10000x48xf32, #tpu.memory_space<vmem_shared>> -> memref<632x48xf32, #tpu.memory_space<vmem_shared>>
      %dma_wait3A_25 = arith.constant 0 : i32
      %dma_wait3A_26 = tpu.memref_slice %arg10[%multiple_of3A, %dma_wait3A_25] : memref<10000x48xf32, #tpu.memory_space<vmem_shared>> -> memref<632x48xf32, #tpu.memory_space<vmem_shared>>
      tpu.wait_dma2 semaphore(%run_scoped3A : memref<!tpu.dma_semaphore, #tpu.memory_space<semaphore_mem>>) src(%arg9 : memref<632x48xf32, #tpu.memory_space<vmem>>) dst(%dma_wait3A_26 : memref<632x48xf32, #tpu.memory_space<vmem_shared>>)
      tpu.yield
    }) : () -> ()
    %barrier3A = arith.constant 0 : index
    tpu.barrier barrier_id(%barrier3A)
    %mul3A_9 = arith.constant 16 : i32
    %mul3A_10 = arith.muli %arg0, %mul3A_9 : i32
    %add3A = arith.addi %mul3A_10, %arg1 : i32
    %mul3A_11 = arith.constant 10000 : i32
    %mul3A_12 = arith.muli %add3A, %mul3A_11 : i32
    %scan3A_13 = arith.constant 0 : i32
    %scan3A_14 = arith.constant 0 : i32
    %scan3A_15 = arith.constant 125 : i32
    %scan3A_16 = arith.addi %scan3A_14, %scan3A_15 : i32
    %scan3A_17 = arith.constant 1 : i32
    %scan3A_18 = scf.for %scan3A_21 = %scan3A_14 to %scan3A_16 step %scan3A_17 iter_args(%scan3A_22 = %scan3A_13) -> (i32)  : i32 {
      %mul3A_23 = arith.constant 80 : i32
      %mul3A_24 = arith.muli %scan3A_21, %mul3A_23 : i32
      %add3A_25 = arith.addi %mul3A_12, %mul3A_24 : i32
      "tpu.region"() ({
        %run_scoped3A = tpu.sem_alloc : memref<!tpu.dma_semaphore, #tpu.memory_space<semaphore_mem>>
        %dma_start3A_31 = tpu.memref_slice %arg3[%add3A_25] : memref<320000xi32, #tpu.memory_space<hbm>> -> memref<80xi32, #tpu.memory_space<hbm>>
        %dma_start3A_32 = tpu.memref_slice %arg3[%add3A_25] : memref<320000xi32, #tpu.memory_space<hbm>> -> memref<80xi32, #tpu.memory_space<hbm>>
        tpu.enqueue_dma source(%dma_start3A_32 : memref<80xi32, #tpu.memory_space<hbm>>) target(%arg6 : memref<80xi32, #tpu.memory_space<vmem>>) target_semaphore(%run_scoped3A : memref<!tpu.dma_semaphore, #tpu.memory_space<semaphore_mem>>)
        %dma_wait3A_33 = tpu.memref_slice %arg3[%add3A_25] : memref<320000xi32, #tpu.memory_space<hbm>> -> memref<80xi32, #tpu.memory_space<hbm>>
        %dma_wait3A_34 = tpu.memref_slice %arg3[%add3A_25] : memref<320000xi32, #tpu.memory_space<hbm>> -> memref<80xi32, #tpu.memory_space<hbm>>
        tpu.wait_dma2 semaphore(%run_scoped3A : memref<!tpu.dma_semaphore, #tpu.memory_space<semaphore_mem>>) src(%dma_wait3A_34 : memref<80xi32, #tpu.memory_space<hbm>>) dst(%arg6 : memref<80xi32, #tpu.memory_space<vmem>>)
        tpu.yield
      }) : () -> ()
      %dma_start3A = arith.constant 0 : i32
      %dma_start3A_26 = arith.constant 0 : i32
      %dma_start3A_27 = tpu.memref_slice %arg2[%dma_start3A, %dma_start3A_26] : memref<10000x48xf32, #tpu.memory_space<hbm>> -> memref<10000x48xf32, #tpu.memory_space<hbm>>
      tpu.enqueue_indirect_dma source(%dma_start3A_27 : memref<10000x48xf32, #tpu.memory_space<hbm>>) target(%arg8 : memref<80x48xf32, #tpu.memory_space<vmem>>) offsets(%arg6 : memref<80xi32, #tpu.memory_space<vmem>>) semaphore(%arg11 : memref<!tpu.dma_semaphore, #tpu.memory_space<semaphore_mem>>)
      %dma_wait3A = arith.constant 0 : i32
      %dma_wait3A_28 = arith.constant 0 : i32
      %dma_wait3A_29 = tpu.memref_slice %arg2[%dma_wait3A, %dma_wait3A_28] : memref<10000x48xf32, #tpu.memory_space<hbm>> -> memref<10000x48xf32, #tpu.memory_space<hbm>>
      tpu.wait_indirect_dma semaphore(%arg11 : memref<!tpu.dma_semaphore, #tpu.memory_space<semaphore_mem>>) src(%dma_wait3A_29 : memref<10000x48xf32, #tpu.memory_space<hbm>>) dst(%arg8 : memref<80x48xf32, #tpu.memory_space<vmem>>)
      "tpu.region"() ({
        %run_scoped3A = tpu.sem_alloc : memref<!tpu.dma_semaphore, #tpu.memory_space<semaphore_mem>>
        %dma_start3A_31 = tpu.memref_slice %arg4[%add3A_25] : memref<320000xi32, #tpu.memory_space<hbm>> -> memref<80xi32, #tpu.memory_space<hbm>>
        %dma_start3A_32 = tpu.memref_slice %arg4[%add3A_25] : memref<320000xi32, #tpu.memory_space<hbm>> -> memref<80xi32, #tpu.memory_space<hbm>>
        tpu.enqueue_dma source(%dma_start3A_32 : memref<80xi32, #tpu.memory_space<hbm>>) target(%arg7 : memref<80xi32, #tpu.memory_space<vmem>>) target_semaphore(%run_scoped3A : memref<!tpu.dma_semaphore, #tpu.memory_space<semaphore_mem>>)
        %dma_wait3A_33 = tpu.memref_slice %arg4[%add3A_25] : memref<320000xi32, #tpu.memory_space<hbm>> -> memref<80xi32, #tpu.memory_space<hbm>>
        %dma_wait3A_34 = tpu.memref_slice %arg4[%add3A_25] : memref<320000xi32, #tpu.memory_space<hbm>> -> memref<80xi32, #tpu.memory_space<hbm>>
        tpu.wait_dma2 semaphore(%run_scoped3A : memref<!tpu.dma_semaphore, #tpu.memory_space<semaphore_mem>>) src(%dma_wait3A_34 : memref<80xi32, #tpu.memory_space<hbm>>) dst(%arg7 : memref<80xi32, #tpu.memory_space<vmem>>)
        tpu.yield
      }) : () -> ()
      "tpu.region"() ({
        %run_scoped3A = tpu.sem_alloc : memref<!tpu.dma_semaphore, #tpu.memory_space<semaphore_mem>>
        %dma_start3A_31 = arith.constant 0 : i32
        %dma_start3A_32 = arith.constant 0 : i32
        %dma_start3A_33 = tpu.memref_slice %arg10[%dma_start3A_31, %dma_start3A_32] : memref<10000x48xf32, #tpu.memory_space<vmem_shared>> -> memref<10000x48xf32, #tpu.memory_space<vmem_shared>>
        tpu.enqueue_indirect_dma source(%arg8 : memref<80x48xf32, #tpu.memory_space<vmem>>) target(%dma_start3A_33 : memref<10000x48xf32, #tpu.memory_space<vmem_shared>>) offsets(%arg7 : memref<80xi32, #tpu.memory_space<vmem>>) semaphore(%run_scoped3A : memref<!tpu.dma_semaphore, #tpu.memory_space<semaphore_mem>>) {add = true}
        %dma_wait3A_34 = arith.constant 0 : i32
        %dma_wait3A_35 = arith.constant 0 : i32
        %dma_wait3A_36 = tpu.memref_slice %arg10[%dma_wait3A_34, %dma_wait3A_35] : memref<10000x48xf32, #tpu.memory_space<vmem_shared>> -> memref<10000x48xf32, #tpu.memory_space<vmem_shared>>
        tpu.wait_indirect_dma semaphore(%run_scoped3A : memref<!tpu.dma_semaphore, #tpu.memory_space<semaphore_mem>>) src(%arg8 : memref<80x48xf32, #tpu.memory_space<vmem>>) dst(%dma_wait3A_36 : memref<10000x48xf32, #tpu.memory_space<vmem_shared>>)
        tpu.yield
      }) : () -> ()
      %scan3A_30 = arith.constant 0 : i32
      scf.yield %scan3A_30 : i32
    }
    %scan3A_19 = arith.constant 125 : i32
    %barrier3A_20 = arith.constant 0 : index
    tpu.barrier barrier_id(%barrier3A_20)
    "tpu.region"() ({
      %run_scoped3A = tpu.sem_alloc : memref<!tpu.dma_semaphore, #tpu.memory_space<semaphore_mem>>
      %dma_start3A = arith.constant 0 : i32
      %dma_start3A_21 = tpu.memref_slice %arg5[%arg0, %multiple_of3A, %dma_start3A] : memref<2x10000x48xf32, #tpu.memory_space<hbm>> -> memref<1x632x48xf32, #tpu.memory_space<hbm>>
      %dma_start3A_22 = tpu.memref_squeeze %dma_start3A_21 : memref<1x632x48xf32, #tpu.memory_space<hbm>> -> memref<632x48xf32, #tpu.memory_space<hbm>>
      %dma_start3A_23 = arith.constant 0 : i32
      %dma_start3A_24 = tpu.memref_slice %arg10[%multiple_of3A, %dma_start3A_23] : memref<10000x48xf32, #tpu.memory_space<vmem_shared>> -> memref<632x48xf32, #tpu.memory_space<vmem_shared>>
      tpu.enqueue_dma source(%dma_start3A_24 : memref<632x48xf32, #tpu.memory_space<vmem_shared>>) target(%dma_start3A_22 : memref<632x48xf32, #tpu.memory_space<hbm>>) target_semaphore(%run_scoped3A : memref<!tpu.dma_semaphore, #tpu.memory_space<semaphore_mem>>)
      %dma_wait3A = arith.constant 0 : i32
      %dma_wait3A_25 = tpu.memref_slice %arg5[%arg0, %multiple_of3A, %dma_wait3A] : memref<2x10000x48xf32, #tpu.memory_space<hbm>> -> memref<1x632x48xf32, #tpu.memory_space<hbm>>
      %dma_wait3A_26 = tpu.memref_squeeze %dma_wait3A_25 : memref<1x632x48xf32, #tpu.memory_space<hbm>> -> memref<632x48xf32, #tpu.memory_space<hbm>>
      %dma_wait3A_27 = arith.constant 0 : i32
      %dma_wait3A_28 = tpu.memref_slice %arg10[%multiple_of3A, %dma_wait3A_27] : memref<10000x48xf32, #tpu.memory_space<vmem_shared>> -> memref<632x48xf32, #tpu.memory_space<vmem_shared>>
      tpu.wait_dma2 semaphore(%run_scoped3A : memref<!tpu.dma_semaphore, #tpu.memory_space<semaphore_mem>>) src(%dma_wait3A_28 : memref<632x48xf32, #tpu.memory_space<vmem_shared>>) dst(%dma_wait3A_26 : memref<632x48xf32, #tpu.memory_space<hbm>>)
      tpu.yield
    }) : () -> ()
    return
  }
}

module attributes {stable_mosaic.version = 14 : i64} {
  func.func @_tc_proj1_body(%arg0: i32, %arg1: memref<1000x128xf32, #tpu.memory_space<vmem>>, %arg2: memref<128x384xf32, #tpu.memory_space<vmem>>, %arg3: memref<128x48xf32, #tpu.memory_space<vmem>>, %arg4: memref<1000x1xf32, #tpu.memory_space<vmem>>, %arg5: memref<1000x384xf32, #tpu.memory_space<vmem>>, %arg6: memref<1000x48xf32, #tpu.memory_space<vmem>>, %arg7: memref<1000x96xf32, #tpu.memory_space<vmem>>) attributes {dimension_semantics = [#tpu.dimension_semantics<arbitrary>], iteration_bounds = array<i64: 10>, scalar_prefetch = 0 : i64, scratch_operands = 0 : i64, tpu.core_type = #tpu.core_type<tc>, window_params = [{transform_indices = @transform_0, window_bounds = array<i64: 1000, 128>}, {pipeline_mode = #tpu.pipeline_mode<synchronous>, transform_indices = @transform_1, window_bounds = array<i64: 128, 384>}, {pipeline_mode = #tpu.pipeline_mode<synchronous>, transform_indices = @transform_2, window_bounds = array<i64: 128, 48>}, {transform_indices = @transform_3, window_bounds = array<i64: 1000, 1>}, {transform_indices = @transform_4, window_bounds = array<i64: 1000, 384>}, {transform_indices = @transform_5, window_bounds = array<i64: 1000, 48>}, {transform_indices = @transform_6, window_bounds = array<i64: 1000, 96>}]} {
    %get3A = arith.constant 0 : index
    %get3A_0 = arith.constant 0 : index
    %get3A_1 = vector.load %arg1[%get3A, %get3A_0] : memref<1000x128xf32, #tpu.memory_space<vmem>>, vector<1000x128xf32>
    %get3A_2 = arith.constant 0 : index
    %get3A_3 = arith.constant 0 : index
    %get3A_4 = vector.load %arg2[%get3A_2, %get3A_3] : memref<128x384xf32, #tpu.memory_space<vmem>>, vector<128x384xf32>
    %dot_general3A = arith.constant dense<0.000000e+00> : vector<1000x384xf32>
    %dot_general3A_5 = tpu.matmul %get3A_1, %get3A_4, %dot_general3A {dimension_numbers = #tpu.dot_dimension_numbers<[1], [0], [0], [1], [0, 0, 1, 1], [], []>, transpose_lhs_hint = false} : vector<1000x128xf32>, vector<128x384xf32>, vector<1000x384xf32> -> vector<1000x384xf32>
    %get3A_6 = arith.constant 0 : index
    %get3A_7 = arith.constant 0 : index
    %get3A_8 = vector.load %arg3[%get3A_6, %get3A_7] : memref<128x48xf32, #tpu.memory_space<vmem>>, vector<128x48xf32>
    %dot_general3A_9 = arith.constant dense<0.000000e+00> : vector<1000x48xf32>
    %dot_general3A_10 = tpu.matmul %get3A_1, %get3A_8, %dot_general3A_9 {dimension_numbers = #tpu.dot_dimension_numbers<[1], [0], [0], [1], [0, 0, 1, 1], [], []>, transpose_lhs_hint = false} : vector<1000x128xf32>, vector<128x48xf32>, vector<1000x48xf32> -> vector<1000x48xf32>
    %get3A_11 = arith.constant 0 : index
    %get3A_12 = arith.constant 0 : index
    %get3A_13 = vector.load %arg4[%get3A_11, %get3A_12] : memref<1000x1xf32, #tpu.memory_space<vmem>>, vector<1000x1xf32>
    %swap3A = arith.constant 0 : index
    %swap3A_14 = arith.constant 0 : index
    %swap3A_15 = vector.load %arg5[%swap3A, %swap3A_14] : memref<1000x384xf32, #tpu.memory_space<vmem>>, vector<1000x384xf32>
    tpu.vector_store %arg5[%swap3A, %swap3A_14], %dot_general3A_5 {strides = array<i32>} : memref<1000x384xf32, #tpu.memory_space<vmem>>, vector<1000x384xf32>,
    %swap3A_16 = arith.constant 0 : index
    %swap3A_17 = arith.constant 0 : index
    %swap3A_18 = vector.load %arg6[%swap3A_16, %swap3A_17] : memref<1000x48xf32, #tpu.memory_space<vmem>>, vector<1000x48xf32>
    tpu.vector_store %arg6[%swap3A_16, %swap3A_17], %dot_general3A_10 {strides = array<i32>} : memref<1000x48xf32, #tpu.memory_space<vmem>>, vector<1000x48xf32>,
    %slice3A = vector.extract_strided_slice %dot_general3A_5 {offsets = [0, 336], sizes = [1000, 48], strides = [1, 1]} : vector<1000x384xf32> to vector<1000x48xf32>
    %mul3A = vector.broadcast %get3A_13 : vector<1000x1xf32> to vector<1000x48xf32>
    %mul3A_19 = arith.mulf %mul3A, %slice3A : vector<1000x48xf32>
    %concatenate3A = tpu.concatenate %mul3A_19, %dot_general3A_10 in 1 : vector<1000x48xf32>, vector<1000x48xf32> -> vector<1000x96xf32>
    %swap3A_20 = arith.constant 0 : index
    %swap3A_21 = arith.constant 0 : index
    %swap3A_22 = vector.load %arg7[%swap3A_20, %swap3A_21] : memref<1000x96xf32, #tpu.memory_space<vmem>>, vector<1000x96xf32>
    tpu.vector_store %arg7[%swap3A_20, %swap3A_21], %concatenate3A {strides = array<i32>} : memref<1000x96xf32, #tpu.memory_space<vmem>>, vector<1000x96xf32>,
    return
  }
  func.func @transform_0(%arg0: i32) -> (i32, i32) {
    %c0_i32 = arith.constant 0 : i32
    %c0_i32_0 = arith.constant 0 : i32
    return %arg0, %c0_i32 : i32, i32
  }
  func.func @transform_1(%arg0: i32) -> (i32, i32) {
    %c0_i32 = arith.constant 0 : i32
    %c0_i32_0 = arith.constant 0 : i32
    %c0_i32_1 = arith.constant 0 : i32
    return %c0_i32, %c0_i32_0 : i32, i32
  }
  func.func @transform_2(%arg0: i32) -> (i32, i32) {
    %c0_i32 = arith.constant 0 : i32
    %c0_i32_0 = arith.constant 0 : i32
    %c0_i32_1 = arith.constant 0 : i32
    return %c0_i32, %c0_i32_0 : i32, i32
  }
  func.func @transform_3(%arg0: i32) -> (i32, i32) {
    %c0_i32 = arith.constant 0 : i32
    %c0_i32_0 = arith.constant 0 : i32
    return %arg0, %c0_i32 : i32, i32
  }
  func.func @transform_4(%arg0: i32) -> (i32, i32) {
    %c0_i32 = arith.constant 0 : i32
    %c0_i32_0 = arith.constant 0 : i32
    return %arg0, %c0_i32 : i32, i32
  }
  func.func @transform_5(%arg0: i32) -> (i32, i32) {
    %c0_i32 = arith.constant 0 : i32
    %c0_i32_0 = arith.constant 0 : i32
    return %arg0, %c0_i32 : i32, i32
  }
  func.func @transform_6(%arg0: i32) -> (i32, i32) {
    %c0_i32 = arith.constant 0 : i32
    %c0_i32_0 = arith.constant 0 : i32
    return %arg0, %c0_i32 : i32, i32
  }
}

module attributes {stable_mosaic.version = 14 : i64} {
  func.func @_tc_dinv_body(%arg0: memref<2x10000x16xf32, #tpu.memory_space<vmem>>, %arg1: memref<10000x1xf32, #tpu.memory_space<vmem>>) attributes {dimension_semantics = [], scalar_prefetch = 0 : i64, scratch_operands = 0 : i64, tpu.core_type = #tpu.core_type<tc>} {
    %get3A = arith.constant 0 : index
    %get3A_0 = arith.constant 0 : index
    %get3A_1 = arith.constant 0 : index
    %get3A_2 = vector.load %arg0[%get3A, %get3A_0, %get3A_1] : memref<2x10000x16xf32, #tpu.memory_space<vmem>>, vector<2x10000x16xf32>
    %slice3A = vector.extract_strided_slice %get3A_2 {offsets = [0, 0, 0], sizes = [1, 10000, 1], strides = [1, 1, 1]} : vector<2x10000x16xf32> to vector<1x10000x1xf32>
    %squeeze3A = vector.shape_cast %slice3A : vector<1x10000x1xf32> to vector<10000xf32>
    %slice3A_3 = vector.extract_strided_slice %get3A_2 {offsets = [1, 0, 0], sizes = [1, 10000, 1], strides = [1, 1, 1]} : vector<2x10000x16xf32> to vector<1x10000x1xf32>
    %squeeze3A_4 = vector.shape_cast %slice3A_3 : vector<1x10000x1xf32> to vector<10000xf32>
    %add3A = arith.addf %squeeze3A, %squeeze3A_4 : vector<10000xf32>
    %gt3A = arith.constant 0.000000e+00 : f32
    %gt3A_5 = vector.broadcast %gt3A : f32 to vector<10000xf32>
    %gt3A_6 = arith.cmpf ogt, %add3A, %gt3A_5 : vector<10000xf32>
    %max3A = arith.constant 1.000000e+00 : f32
    %max3A_7 = vector.broadcast %max3A : f32 to vector<10000xf32>
    %max3A_8 = arith.maximumf %add3A, %max3A_7 : vector<10000xf32>
    %rsqrt3A = math.rsqrt %max3A_8 : vector<10000xf32>
    %jit3A = arith.constant 0.000000e+00 : f32
    %broadcast_in_dim3A = vector.broadcast %jit3A : f32 to vector<10000xf32>
    %select_n3A = arith.select %gt3A_6, %rsqrt3A, %broadcast_in_dim3A : vector<10000xi1>, vector<10000xf32>
    %broadcast_in_dim3A_9 = vector.shape_cast %select_n3A : vector<10000xf32> to vector<10000x1xf32>
    %swap3A = arith.constant 0 : index
    %swap3A_10 = arith.constant 0 : index
    %swap3A_11 = vector.load %arg1[%swap3A, %swap3A_10] : memref<10000x1xf32, #tpu.memory_space<vmem>>, vector<10000x1xf32>
    tpu.vector_store %arg1[%swap3A, %swap3A_10], %broadcast_in_dim3A_9 {strides = array<i32>} : memref<10000x1xf32, #tpu.memory_space<vmem>>, vector<10000x1xf32>,
    return
  }
}

module attributes {stable_mosaic.version = 14 : i64} {
  func.func @_tc_comb1_body(%arg0: memref<2x10000x96xf32, #tpu.memory_space<vmem>>, %arg1: memref<10000x1xf32, #tpu.memory_space<vmem>>, %arg2: memref<10000x48xf32, #tpu.memory_space<vmem>>, %arg3: memref<10000x48xf32, #tpu.memory_space<vmem>>, %arg4: memref<1x48xf32, #tpu.memory_space<vmem>>, %arg5: memref<48x48xf32, #tpu.memory_space<vmem>>, %arg6: memref<1x48xf32, #tpu.memory_space<vmem>>, %arg7: memref<10000x48xf32, #tpu.memory_space<vmem>>, %arg8: memref<10000x48xf32, #tpu.memory_space<vmem>>, %arg9: memref<10000x48xf32, #tpu.memory_space<vmem>>) attributes {dimension_semantics = [], scalar_prefetch = 0 : i64, scratch_operands = 0 : i64, tpu.core_type = #tpu.core_type<tc>} {
    %get3A = arith.constant 0 : index
    %get3A_0 = arith.constant 0 : index
    %get3A_1 = arith.constant 0 : index
    %get3A_2 = vector.load %arg0[%get3A, %get3A_0, %get3A_1] : memref<2x10000x96xf32, #tpu.memory_space<vmem>>, vector<2x10000x96xf32>
    %get3A_3 = arith.constant 0 : index
    %get3A_4 = arith.constant 0 : index
    %get3A_5 = vector.load %arg1[%get3A_3, %get3A_4] : memref<10000x1xf32, #tpu.memory_space<vmem>>, vector<10000x1xf32>
    %slice3A = vector.extract_strided_slice %get3A_2 {offsets = [0, 0, 0], sizes = [1, 10000, 48], strides = [1, 1, 1]} : vector<2x10000x96xf32> to vector<1x10000x48xf32>
    %squeeze3A = vector.shape_cast %slice3A : vector<1x10000x48xf32> to vector<10000x48xf32>
    %slice3A_6 = vector.extract_strided_slice %get3A_2 {offsets = [1, 0, 0], sizes = [1, 10000, 48], strides = [1, 1, 1]} : vector<2x10000x96xf32> to vector<1x10000x48xf32>
    %squeeze3A_7 = vector.shape_cast %slice3A_6 : vector<1x10000x48xf32> to vector<10000x48xf32>
    %add3A = arith.addf %squeeze3A, %squeeze3A_7 : vector<10000x48xf32>
    %slice3A_8 = vector.extract_strided_slice %get3A_2 {offsets = [0, 0, 48], sizes = [1, 10000, 48], strides = [1, 1, 1]} : vector<2x10000x96xf32> to vector<1x10000x48xf32>
    %squeeze3A_9 = vector.shape_cast %slice3A_8 : vector<1x10000x48xf32> to vector<10000x48xf32>
    %slice3A_10 = vector.extract_strided_slice %get3A_2 {offsets = [1, 0, 48], sizes = [1, 10000, 48], strides = [1, 1, 1]} : vector<2x10000x96xf32> to vector<1x10000x48xf32>
    %squeeze3A_11 = vector.shape_cast %slice3A_10 : vector<1x10000x48xf32> to vector<10000x48xf32>
    %add3A_12 = arith.addf %squeeze3A_9, %squeeze3A_11 : vector<10000x48xf32>
    %get3A_13 = arith.constant 0 : index
    %get3A_14 = arith.constant 0 : index
    %get3A_15 = vector.load %arg2[%get3A_13, %get3A_14] : memref<10000x48xf32, #tpu.memory_space<vmem>>, vector<10000x48xf32>
    %mul3A = arith.constant 2.000000e+00 : f32
    %mul3A_16 = vector.broadcast %mul3A : f32 to vector<10000x1xf32>
    %mul3A_17 = arith.mulf %mul3A_16, %get3A_5 : vector<10000x1xf32>
    %mul3A_18 = vector.broadcast %mul3A_17 : vector<10000x1xf32> to vector<10000x48xf32>
    %mul3A_19 = arith.mulf %mul3A_18, %add3A : vector<10000x48xf32>
    %sub3A = arith.subf %get3A_15, %mul3A_19 : vector<10000x48xf32>
    %swap3A = arith.constant 0 : index
    %swap3A_20 = arith.constant 0 : index
    %swap3A_21 = vector.load %arg7[%swap3A, %swap3A_20] : memref<10000x48xf32, #tpu.memory_space<vmem>>, vector<10000x48xf32>
    tpu.vector_store %arg7[%swap3A, %swap3A_20], %sub3A {strides = array<i32>} : memref<10000x48xf32, #tpu.memory_space<vmem>>, vector<10000x48xf32>,
    %mul3A_22 = vector.broadcast %get3A_5 : vector<10000x1xf32> to vector<10000x48xf32>
    %mul3A_23 = arith.mulf %mul3A_22, %sub3A : vector<10000x48xf32>
    %swap3A_24 = arith.constant 0 : index
    %swap3A_25 = arith.constant 0 : index
    %swap3A_26 = vector.load %arg8[%swap3A_24, %swap3A_25] : memref<10000x48xf32, #tpu.memory_space<vmem>>, vector<10000x48xf32>
    tpu.vector_store %arg8[%swap3A_24, %swap3A_25], %mul3A_23 {strides = array<i32>} : memref<10000x48xf32, #tpu.memory_space<vmem>>, vector<10000x48xf32>,
    %get3A_27 = arith.constant 0 : index
    %get3A_28 = arith.constant 0 : index
    %get3A_29 = vector.load %arg3[%get3A_27, %get3A_28] : memref<10000x48xf32, #tpu.memory_space<vmem>>, vector<10000x48xf32>
    %add3A_30 = arith.addf %get3A_29, %add3A_12 : vector<10000x48xf32>
    %get3A_31 = arith.constant 0 : index
    %get3A_32 = arith.constant 0 : index
    %get3A_33 = vector.load %arg4[%get3A_31, %get3A_32] : memref<1x48xf32, #tpu.memory_space<vmem>>, vector<1x48xf32>
    %add3A_34 = vector.broadcast %get3A_33 : vector<1x48xf32> to vector<10000x48xf32>
    %add3A_35 = arith.addf %add3A_30, %add3A_34 : vector<10000x48xf32>
    %max3A = arith.constant 0.000000e+00 : f32
    %max3A_36 = vector.broadcast %max3A : f32 to vector<10000x48xf32>
    %max3A_37 = arith.maximumf %add3A_35, %max3A_36 : vector<10000x48xf32>
    %get3A_38 = arith.constant 0 : index
    %get3A_39 = arith.constant 0 : index
    %get3A_40 = vector.load %arg5[%get3A_38, %get3A_39] : memref<48x48xf32, #tpu.memory_space<vmem>>, vector<48x48xf32>
    %dot_general3A = arith.constant dense<0.000000e+00> : vector<10000x48xf32>
    %dot_general3A_41 = tpu.matmul %max3A_37, %get3A_40, %dot_general3A {dimension_numbers = #tpu.dot_dimension_numbers<[1], [0], [0], [1], [0, 0, 1, 1], [], []>, transpose_lhs_hint = false} : vector<10000x48xf32>, vector<48x48xf32>, vector<10000x48xf32> -> vector<10000x48xf32>
    %get3A_42 = arith.constant 0 : index
    %get3A_43 = arith.constant 0 : index
    %get3A_44 = vector.load %arg6[%get3A_42, %get3A_43] : memref<1x48xf32, #tpu.memory_space<vmem>>, vector<1x48xf32>
    %add3A_45 = vector.broadcast %get3A_44 : vector<1x48xf32> to vector<10000x48xf32>
    %add3A_46 = arith.addf %dot_general3A_41, %add3A_45 : vector<10000x48xf32>
    %max3A_47 = arith.constant 0.000000e+00 : f32
    %max3A_48 = vector.broadcast %max3A_47 : f32 to vector<10000x48xf32>
    %max3A_49 = arith.maximumf %add3A_46, %max3A_48 : vector<10000x48xf32>
    %reduce_sum3A = arith.constant dense<0.000000e+00> : vector<48xf32>
    %reduce_sum3A_50 = vector.multi_reduction <add>, %max3A_49, %reduce_sum3A [0] : vector<10000x48xf32> to vector<48xf32>
    %div3A = arith.constant 1.000000e+04 : f32
    %div3A_51 = vector.broadcast %div3A : f32 to vector<48xf32>
    %div3A_52 = arith.divf %reduce_sum3A_50, %div3A_51 : vector<48xf32>
    %broadcast_in_dim3A = vector.shape_cast %div3A_52 : vector<48xf32> to vector<1x48xf32>
    %sub3A_53 = vector.broadcast %broadcast_in_dim3A : vector<1x48xf32> to vector<10000x48xf32>
    %sub3A_54 = arith.subf %max3A_49, %sub3A_53 : vector<10000x48xf32>
    %integer_pow3A = arith.mulf %sub3A_54, %sub3A_54 : vector<10000x48xf32>
    %reduce_sum3A_55 = arith.constant dense<0.000000e+00> : vector<48xf32>
    %reduce_sum3A_56 = vector.multi_reduction <add>, %integer_pow3A, %reduce_sum3A_55 [0] : vector<10000x48xf32> to vector<48xf32>
    %div3A_57 = arith.constant 1.000000e+04 : f32
    %div3A_58 = vector.broadcast %div3A_57 : f32 to vector<48xf32>
    %div3A_59 = arith.divf %reduce_sum3A_56, %div3A_58 : vector<48xf32>
    %broadcast_in_dim3A_60 = vector.shape_cast %div3A_52 : vector<48xf32> to vector<1x48xf32>
    %sub3A_61 = vector.broadcast %broadcast_in_dim3A_60 : vector<1x48xf32> to vector<10000x48xf32>
    %sub3A_62 = arith.subf %max3A_49, %sub3A_61 : vector<10000x48xf32>
    %add3A_63 = arith.constant 9.99999974E-6 : f32
    %add3A_64 = vector.broadcast %add3A_63 : f32 to vector<48xf32>
    %add3A_65 = arith.addf %div3A_59, %add3A_64 : vector<48xf32>
    %sqrt3A = math.sqrt %add3A_65 : vector<48xf32>
    %broadcast_in_dim3A_66 = vector.shape_cast %sqrt3A : vector<48xf32> to vector<1x48xf32>
    %div3A_67 = vector.broadcast %broadcast_in_dim3A_66 : vector<1x48xf32> to vector<10000x48xf32>
    %div3A_68 = arith.divf %sub3A_62, %div3A_67 : vector<10000x48xf32>
    %swap3A_69 = arith.constant 0 : index
    %swap3A_70 = arith.constant 0 : index
    %swap3A_71 = vector.load %arg9[%swap3A_69, %swap3A_70] : memref<10000x48xf32, #tpu.memory_space<vmem>>, vector<10000x48xf32>
    tpu.vector_store %arg9[%swap3A_69, %swap3A_70], %div3A_68 {strides = array<i32>} : memref<10000x48xf32, #tpu.memory_space<vmem>>, vector<10000x48xf32>,
    return
  }
}

module attributes {stable_mosaic.version = 14 : i64} {
  func.func @_tc_comb_body(%arg0: memref<2x10000x48xf32, #tpu.memory_space<vmem>>, %arg1: memref<10000x1xf32, #tpu.memory_space<vmem>>, %arg2: memref<10000x48xf32, #tpu.memory_space<vmem>>, %arg3: memref<10000x48xf32, #tpu.memory_space<vmem>>, %arg4: memref<10000x48xf32, #tpu.memory_space<vmem>>, %arg5: memref<10000x48xf32, #tpu.memory_space<vmem>>) attributes {dimension_semantics = [], scalar_prefetch = 0 : i64, scratch_operands = 0 : i64, tpu.core_type = #tpu.core_type<tc>} {
    %get3A = arith.constant 0 : index
    %get3A_0 = arith.constant 0 : index
    %get3A_1 = arith.constant 0 : index
    %get3A_2 = vector.load %arg0[%get3A, %get3A_0, %get3A_1] : memref<2x10000x48xf32, #tpu.memory_space<vmem>>, vector<2x10000x48xf32>
    %get3A_3 = arith.constant 0 : index
    %get3A_4 = arith.constant 0 : index
    %get3A_5 = vector.load %arg1[%get3A_3, %get3A_4] : memref<10000x1xf32, #tpu.memory_space<vmem>>, vector<10000x1xf32>
    %get3A_6 = arith.constant 0 : index
    %get3A_7 = arith.constant 0 : index
    %get3A_8 = vector.load %arg2[%get3A_6, %get3A_7] : memref<10000x48xf32, #tpu.memory_space<vmem>>, vector<10000x48xf32>
    %mul3A = arith.constant 2.000000e+00 : f32
    %mul3A_9 = vector.broadcast %mul3A : f32 to vector<10000x1xf32>
    %mul3A_10 = arith.mulf %mul3A_9, %get3A_5 : vector<10000x1xf32>
    %slice3A = vector.extract_strided_slice %get3A_2 {offsets = [0, 0, 0], sizes = [1, 10000, 48], strides = [1, 1, 1]} : vector<2x10000x48xf32> to vector<1x10000x48xf32>
    %squeeze3A = vector.shape_cast %slice3A : vector<1x10000x48xf32> to vector<10000x48xf32>
    %slice3A_11 = vector.extract_strided_slice %get3A_2 {offsets = [1, 0, 0], sizes = [1, 10000, 48], strides = [1, 1, 1]} : vector<2x10000x48xf32> to vector<1x10000x48xf32>
    %squeeze3A_12 = vector.shape_cast %slice3A_11 : vector<1x10000x48xf32> to vector<10000x48xf32>
    %add3A = arith.addf %squeeze3A, %squeeze3A_12 : vector<10000x48xf32>
    %mul3A_13 = vector.broadcast %mul3A_10 : vector<10000x1xf32> to vector<10000x48xf32>
    %mul3A_14 = arith.mulf %mul3A_13, %add3A : vector<10000x48xf32>
    %sub3A = arith.subf %get3A_8, %mul3A_14 : vector<10000x48xf32>
    %get3A_15 = arith.constant 0 : index
    %get3A_16 = arith.constant 0 : index
    %get3A_17 = vector.load %arg3[%get3A_15, %get3A_16] : memref<10000x48xf32, #tpu.memory_space<vmem>>, vector<10000x48xf32>
    %sub3A_18 = arith.subf %sub3A, %get3A_17 : vector<10000x48xf32>
    %swap3A = arith.constant 0 : index
    %swap3A_19 = arith.constant 0 : index
    %swap3A_20 = vector.load %arg4[%swap3A, %swap3A_19] : memref<10000x48xf32, #tpu.memory_space<vmem>>, vector<10000x48xf32>
    tpu.vector_store %arg4[%swap3A, %swap3A_19], %sub3A_18 {strides = array<i32>} : memref<10000x48xf32, #tpu.memory_space<vmem>>, vector<10000x48xf32>,
    %mul3A_21 = vector.broadcast %get3A_5 : vector<10000x1xf32> to vector<10000x48xf32>
    %mul3A_22 = arith.mulf %mul3A_21, %sub3A_18 : vector<10000x48xf32>
    %swap3A_23 = arith.constant 0 : index
    %swap3A_24 = arith.constant 0 : index
    %swap3A_25 = vector.load %arg5[%swap3A_23, %swap3A_24] : memref<10000x48xf32, #tpu.memory_space<vmem>>, vector<10000x48xf32>
    tpu.vector_store %arg5[%swap3A_23, %swap3A_24], %mul3A_22 {strides = array<i32>} : memref<10000x48xf32, #tpu.memory_space<vmem>>, vector<10000x48xf32>,
    return
  }
}

module attributes {stable_mosaic.version = 14 : i64} {
  func.func @_tc_comb_body(%arg0: memref<2x10000x48xf32, #tpu.memory_space<vmem>>, %arg1: memref<10000x1xf32, #tpu.memory_space<vmem>>, %arg2: memref<10000x48xf32, #tpu.memory_space<vmem>>, %arg3: memref<10000x48xf32, #tpu.memory_space<vmem>>, %arg4: memref<10000x48xf32, #tpu.memory_space<vmem>>, %arg5: memref<10000x48xf32, #tpu.memory_space<vmem>>) attributes {dimension_semantics = [], scalar_prefetch = 0 : i64, scratch_operands = 0 : i64, tpu.core_type = #tpu.core_type<tc>} {
    %get3A = arith.constant 0 : index
    %get3A_0 = arith.constant 0 : index
    %get3A_1 = arith.constant 0 : index
    %get3A_2 = vector.load %arg0[%get3A, %get3A_0, %get3A_1] : memref<2x10000x48xf32, #tpu.memory_space<vmem>>, vector<2x10000x48xf32>
    %get3A_3 = arith.constant 0 : index
    %get3A_4 = arith.constant 0 : index
    %get3A_5 = vector.load %arg1[%get3A_3, %get3A_4] : memref<10000x1xf32, #tpu.memory_space<vmem>>, vector<10000x1xf32>
    %get3A_6 = arith.constant 0 : index
    %get3A_7 = arith.constant 0 : index
    %get3A_8 = vector.load %arg2[%get3A_6, %get3A_7] : memref<10000x48xf32, #tpu.memory_space<vmem>>, vector<10000x48xf32>
    %mul3A = arith.constant 2.000000e+00 : f32
    %mul3A_9 = vector.broadcast %mul3A : f32 to vector<10000x1xf32>
    %mul3A_10 = arith.mulf %mul3A_9, %get3A_5 : vector<10000x1xf32>
    %slice3A = vector.extract_strided_slice %get3A_2 {offsets = [0, 0, 0], sizes = [1, 10000, 48], strides = [1, 1, 1]} : vector<2x10000x48xf32> to vector<1x10000x48xf32>
    %squeeze3A = vector.shape_cast %slice3A : vector<1x10000x48xf32> to vector<10000x48xf32>
    %slice3A_11 = vector.extract_strided_slice %get3A_2 {offsets = [1, 0, 0], sizes = [1, 10000, 48], strides = [1, 1, 1]} : vector<2x10000x48xf32> to vector<1x10000x48xf32>
    %squeeze3A_12 = vector.shape_cast %slice3A_11 : vector<1x10000x48xf32> to vector<10000x48xf32>
    %add3A = arith.addf %squeeze3A, %squeeze3A_12 : vector<10000x48xf32>
    %mul3A_13 = vector.broadcast %mul3A_10 : vector<10000x1xf32> to vector<10000x48xf32>
    %mul3A_14 = arith.mulf %mul3A_13, %add3A : vector<10000x48xf32>
    %sub3A = arith.subf %get3A_8, %mul3A_14 : vector<10000x48xf32>
    %get3A_15 = arith.constant 0 : index
    %get3A_16 = arith.constant 0 : index
    %get3A_17 = vector.load %arg3[%get3A_15, %get3A_16] : memref<10000x48xf32, #tpu.memory_space<vmem>>, vector<10000x48xf32>
    %sub3A_18 = arith.subf %sub3A, %get3A_17 : vector<10000x48xf32>
    %swap3A = arith.constant 0 : index
    %swap3A_19 = arith.constant 0 : index
    %swap3A_20 = vector.load %arg4[%swap3A, %swap3A_19] : memref<10000x48xf32, #tpu.memory_space<vmem>>, vector<10000x48xf32>
    tpu.vector_store %arg4[%swap3A, %swap3A_19], %sub3A_18 {strides = array<i32>} : memref<10000x48xf32, #tpu.memory_space<vmem>>, vector<10000x48xf32>,
    %mul3A_21 = vector.broadcast %get3A_5 : vector<10000x1xf32> to vector<10000x48xf32>
    %mul3A_22 = arith.mulf %mul3A_21, %sub3A_18 : vector<10000x48xf32>
    %swap3A_23 = arith.constant 0 : index
    %swap3A_24 = arith.constant 0 : index
    %swap3A_25 = vector.load %arg5[%swap3A_23, %swap3A_24] : memref<10000x48xf32, #tpu.memory_space<vmem>>, vector<10000x48xf32>
    tpu.vector_store %arg5[%swap3A_23, %swap3A_24], %mul3A_22 {strides = array<i32>} : memref<10000x48xf32, #tpu.memory_space<vmem>>, vector<10000x48xf32>,
    return
  }
}

module attributes {stable_mosaic.version = 14 : i64} {
  func.func @_tc_l1end_body(%arg0: memref<2x10000x48xf32, #tpu.memory_space<vmem>>, %arg1: memref<10000x1xf32, #tpu.memory_space<vmem>>, %arg2: memref<10000x48xf32, #tpu.memory_space<vmem>>, %arg3: memref<10000x48xf32, #tpu.memory_space<vmem>>, %arg4: memref<1x48xf32, #tpu.memory_space<vmem>>, %arg5: memref<10000x48xf32, #tpu.memory_space<vmem>>) attributes {dimension_semantics = [], scalar_prefetch = 0 : i64, scratch_operands = 0 : i64, tpu.core_type = #tpu.core_type<tc>} {
    %get3A = arith.constant 0 : index
    %get3A_0 = arith.constant 0 : index
    %get3A_1 = arith.constant 0 : index
    %get3A_2 = vector.load %arg0[%get3A, %get3A_0, %get3A_1] : memref<2x10000x48xf32, #tpu.memory_space<vmem>>, vector<2x10000x48xf32>
    %get3A_3 = arith.constant 0 : index
    %get3A_4 = arith.constant 0 : index
    %get3A_5 = vector.load %arg1[%get3A_3, %get3A_4] : memref<10000x1xf32, #tpu.memory_space<vmem>>, vector<10000x1xf32>
    %get3A_6 = arith.constant 0 : index
    %get3A_7 = arith.constant 0 : index
    %get3A_8 = vector.load %arg2[%get3A_6, %get3A_7] : memref<10000x48xf32, #tpu.memory_space<vmem>>, vector<10000x48xf32>
    %slice3A = vector.extract_strided_slice %get3A_2 {offsets = [0, 0, 0], sizes = [1, 10000, 48], strides = [1, 1, 1]} : vector<2x10000x48xf32> to vector<1x10000x48xf32>
    %squeeze3A = vector.shape_cast %slice3A : vector<1x10000x48xf32> to vector<10000x48xf32>
    %slice3A_9 = vector.extract_strided_slice %get3A_2 {offsets = [1, 0, 0], sizes = [1, 10000, 48], strides = [1, 1, 1]} : vector<2x10000x48xf32> to vector<1x10000x48xf32>
    %squeeze3A_10 = vector.shape_cast %slice3A_9 : vector<1x10000x48xf32> to vector<10000x48xf32>
    %add3A = arith.addf %squeeze3A, %squeeze3A_10 : vector<10000x48xf32>
    %mul3A = vector.broadcast %get3A_5 : vector<10000x1xf32> to vector<10000x48xf32>
    %mul3A_11 = arith.mulf %mul3A, %add3A : vector<10000x48xf32>
    %sub3A = arith.subf %get3A_8, %mul3A_11 : vector<10000x48xf32>
    %get3A_12 = arith.constant 0 : index
    %get3A_13 = arith.constant 0 : index
    %get3A_14 = vector.load %arg3[%get3A_12, %get3A_13] : memref<10000x48xf32, #tpu.memory_space<vmem>>, vector<10000x48xf32>
    %sub3A_15 = arith.subf %sub3A, %get3A_14 : vector<10000x48xf32>
    %get3A_16 = arith.constant 0 : index
    %get3A_17 = arith.constant 0 : index
    %get3A_18 = vector.load %arg4[%get3A_16, %get3A_17] : memref<1x48xf32, #tpu.memory_space<vmem>>, vector<1x48xf32>
    %add3A_19 = vector.broadcast %get3A_18 : vector<1x48xf32> to vector<10000x48xf32>
    %add3A_20 = arith.addf %sub3A_15, %add3A_19 : vector<10000x48xf32>
    %reduce_sum3A = arith.constant dense<0.000000e+00> : vector<48xf32>
    %reduce_sum3A_21 = vector.multi_reduction <add>, %add3A_20, %reduce_sum3A [0] : vector<10000x48xf32> to vector<48xf32>
    %div3A = arith.constant 1.000000e+04 : f32
    %div3A_22 = vector.broadcast %div3A : f32 to vector<48xf32>
    %div3A_23 = arith.divf %reduce_sum3A_21, %div3A_22 : vector<48xf32>
    %broadcast_in_dim3A = vector.shape_cast %div3A_23 : vector<48xf32> to vector<1x48xf32>
    %sub3A_24 = vector.broadcast %broadcast_in_dim3A : vector<1x48xf32> to vector<10000x48xf32>
    %sub3A_25 = arith.subf %add3A_20, %sub3A_24 : vector<10000x48xf32>
    %integer_pow3A = arith.mulf %sub3A_25, %sub3A_25 : vector<10000x48xf32>
    %reduce_sum3A_26 = arith.constant dense<0.000000e+00> : vector<48xf32>
    %reduce_sum3A_27 = vector.multi_reduction <add>, %integer_pow3A, %reduce_sum3A_26 [0] : vector<10000x48xf32> to vector<48xf32>
    %div3A_28 = arith.constant 1.000000e+04 : f32
    %div3A_29 = vector.broadcast %div3A_28 : f32 to vector<48xf32>
    %div3A_30 = arith.divf %reduce_sum3A_27, %div3A_29 : vector<48xf32>
    %broadcast_in_dim3A_31 = vector.shape_cast %div3A_23 : vector<48xf32> to vector<1x48xf32>
    %sub3A_32 = vector.broadcast %broadcast_in_dim3A_31 : vector<1x48xf32> to vector<10000x48xf32>
    %sub3A_33 = arith.subf %add3A_20, %sub3A_32 : vector<10000x48xf32>
    %add3A_34 = arith.constant 9.99999974E-6 : f32
    %add3A_35 = vector.broadcast %add3A_34 : f32 to vector<48xf32>
    %add3A_36 = arith.addf %div3A_30, %add3A_35 : vector<48xf32>
    %sqrt3A = math.sqrt %add3A_36 : vector<48xf32>
    %broadcast_in_dim3A_37 = vector.shape_cast %sqrt3A : vector<48xf32> to vector<1x48xf32>
    %div3A_38 = vector.broadcast %broadcast_in_dim3A_37 : vector<1x48xf32> to vector<10000x48xf32>
    %div3A_39 = arith.divf %sub3A_33, %div3A_38 : vector<10000x48xf32>
    %max3A = arith.constant 0.000000e+00 : f32
    %max3A_40 = vector.broadcast %max3A : f32 to vector<10000x48xf32>
    %max3A_41 = arith.maximumf %div3A_39, %max3A_40 : vector<10000x48xf32>
    %swap3A = arith.constant 0 : index
    %swap3A_42 = arith.constant 0 : index
    %swap3A_43 = vector.load %arg5[%swap3A, %swap3A_42] : memref<10000x48xf32, #tpu.memory_space<vmem>>, vector<10000x48xf32>
    tpu.vector_store %arg5[%swap3A, %swap3A_42], %max3A_41 {strides = array<i32>} : memref<10000x48xf32, #tpu.memory_space<vmem>>, vector<10000x48xf32>,
    return
  }
}

module attributes {stable_mosaic.version = 14 : i64} {
  func.func @_tc_proj2_body(%arg0: i32, %arg1: memref<1000x48xf32, #tpu.memory_space<vmem>>, %arg2: memref<48x384xf32, #tpu.memory_space<vmem>>, %arg3: memref<1000x1xf32, #tpu.memory_space<vmem>>, %arg4: memref<1000x384xf32, #tpu.memory_space<vmem>>, %arg5: memref<1000x48xf32, #tpu.memory_space<vmem>>) attributes {dimension_semantics = [#tpu.dimension_semantics<arbitrary>], iteration_bounds = array<i64: 10>, scalar_prefetch = 0 : i64, scratch_operands = 0 : i64, tpu.core_type = #tpu.core_type<tc>, window_params = [{transform_indices = @transform_0, window_bounds = array<i64: 1000, 48>}, {pipeline_mode = #tpu.pipeline_mode<synchronous>, transform_indices = @transform_1, window_bounds = array<i64: 48, 384>}, {transform_indices = @transform_2, window_bounds = array<i64: 1000, 1>}, {transform_indices = @transform_3, window_bounds = array<i64: 1000, 384>}, {transform_indices = @transform_4, window_bounds = array<i64: 1000, 48>}]} {
    %get3A = arith.constant 0 : index
    %get3A_0 = arith.constant 0 : index
    %get3A_1 = vector.load %arg1[%get3A, %get3A_0] : memref<1000x48xf32, #tpu.memory_space<vmem>>, vector<1000x48xf32>
    %get3A_2 = arith.constant 0 : index
    %get3A_3 = arith.constant 0 : index
    %get3A_4 = vector.load %arg2[%get3A_2, %get3A_3] : memref<48x384xf32, #tpu.memory_space<vmem>>, vector<48x384xf32>
    %dot_general3A = arith.constant dense<0.000000e+00> : vector<1000x384xf32>
    %dot_general3A_5 = tpu.matmul %get3A_1, %get3A_4, %dot_general3A {dimension_numbers = #tpu.dot_dimension_numbers<[1], [0], [0], [1], [0, 0, 1, 1], [], []>, transpose_lhs_hint = false} : vector<1000x48xf32>, vector<48x384xf32>, vector<1000x384xf32> -> vector<1000x384xf32>
    %swap3A = arith.constant 0 : index
    %swap3A_6 = arith.constant 0 : index
    %swap3A_7 = vector.load %arg4[%swap3A, %swap3A_6] : memref<1000x384xf32, #tpu.memory_space<vmem>>, vector<1000x384xf32>
    tpu.vector_store %arg4[%swap3A, %swap3A_6], %dot_general3A_5 {strides = array<i32>} : memref<1000x384xf32, #tpu.memory_space<vmem>>, vector<1000x384xf32>,
    %get3A_8 = arith.constant 0 : index
    %get3A_9 = arith.constant 0 : index
    %get3A_10 = vector.load %arg3[%get3A_8, %get3A_9] : memref<1000x1xf32, #tpu.memory_space<vmem>>, vector<1000x1xf32>
    %slice3A = vector.extract_strided_slice %dot_general3A_5 {offsets = [0, 336], sizes = [1000, 48], strides = [1, 1]} : vector<1000x384xf32> to vector<1000x48xf32>
    %mul3A = vector.broadcast %get3A_10 : vector<1000x1xf32> to vector<1000x48xf32>
    %mul3A_11 = arith.mulf %mul3A, %slice3A : vector<1000x48xf32>
    %swap3A_12 = arith.constant 0 : index
    %swap3A_13 = arith.constant 0 : index
    %swap3A_14 = vector.load %arg5[%swap3A_12, %swap3A_13] : memref<1000x48xf32, #tpu.memory_space<vmem>>, vector<1000x48xf32>
    tpu.vector_store %arg5[%swap3A_12, %swap3A_13], %mul3A_11 {strides = array<i32>} : memref<1000x48xf32, #tpu.memory_space<vmem>>, vector<1000x48xf32>,
    return
  }
  func.func @transform_0(%arg0: i32) -> (i32, i32) {
    %c0_i32 = arith.constant 0 : i32
    %c0_i32_0 = arith.constant 0 : i32
    return %arg0, %c0_i32 : i32, i32
  }
  func.func @transform_1(%arg0: i32) -> (i32, i32) {
    %c0_i32 = arith.constant 0 : i32
    %c0_i32_0 = arith.constant 0 : i32
    %c0_i32_1 = arith.constant 0 : i32
    return %c0_i32, %c0_i32_0 : i32, i32
  }
  func.func @transform_2(%arg0: i32) -> (i32, i32) {
    %c0_i32 = arith.constant 0 : i32
    %c0_i32_0 = arith.constant 0 : i32
    return %arg0, %c0_i32 : i32, i32
  }
  func.func @transform_3(%arg0: i32) -> (i32, i32) {
    %c0_i32 = arith.constant 0 : i32
    %c0_i32_0 = arith.constant 0 : i32
    return %arg0, %c0_i32 : i32, i32
  }
  func.func @transform_4(%arg0: i32) -> (i32, i32) {
    %c0_i32 = arith.constant 0 : i32
    %c0_i32_0 = arith.constant 0 : i32
    return %arg0, %c0_i32 : i32, i32
  }
}

module attributes {stable_mosaic.version = 14 : i64} {
  func.func @_tc_l2end_body(%arg0: memref<2x10000x48xf32, #tpu.memory_space<vmem>>, %arg1: memref<10000x1xf32, #tpu.memory_space<vmem>>, %arg2: memref<10000x48xf32, #tpu.memory_space<vmem>>, %arg3: memref<10000x48xf32, #tpu.memory_space<vmem>>, %arg4: memref<1x48xf32, #tpu.memory_space<vmem>>, %arg5: memref<10000x48xf32, #tpu.memory_space<vmem>>, %arg6: memref<10000x48xf32, #tpu.memory_space<vmem>>, %arg7: memref<108x10xf32, #tpu.memory_space<vmem>>, %arg8: memref<1x10xf32, #tpu.memory_space<vmem>>, %arg9: memref<10000x10xf32, #tpu.memory_space<vmem>>) attributes {dimension_semantics = [], scalar_prefetch = 0 : i64, scratch_operands = 0 : i64, tpu.core_type = #tpu.core_type<tc>} {
    %get3A = arith.constant 0 : index
    %get3A_0 = arith.constant 0 : index
    %get3A_1 = arith.constant 0 : index
    %get3A_2 = vector.load %arg0[%get3A, %get3A_0, %get3A_1] : memref<2x10000x48xf32, #tpu.memory_space<vmem>>, vector<2x10000x48xf32>
    %get3A_3 = arith.constant 0 : index
    %get3A_4 = arith.constant 0 : index
    %get3A_5 = vector.load %arg1[%get3A_3, %get3A_4] : memref<10000x1xf32, #tpu.memory_space<vmem>>, vector<10000x1xf32>
    %get3A_6 = arith.constant 0 : index
    %get3A_7 = arith.constant 0 : index
    %get3A_8 = vector.load %arg2[%get3A_6, %get3A_7] : memref<10000x48xf32, #tpu.memory_space<vmem>>, vector<10000x48xf32>
    %slice3A = vector.extract_strided_slice %get3A_2 {offsets = [0, 0, 0], sizes = [1, 10000, 48], strides = [1, 1, 1]} : vector<2x10000x48xf32> to vector<1x10000x48xf32>
    %squeeze3A = vector.shape_cast %slice3A : vector<1x10000x48xf32> to vector<10000x48xf32>
    %slice3A_9 = vector.extract_strided_slice %get3A_2 {offsets = [1, 0, 0], sizes = [1, 10000, 48], strides = [1, 1, 1]} : vector<2x10000x48xf32> to vector<1x10000x48xf32>
    %squeeze3A_10 = vector.shape_cast %slice3A_9 : vector<1x10000x48xf32> to vector<10000x48xf32>
    %add3A = arith.addf %squeeze3A, %squeeze3A_10 : vector<10000x48xf32>
    %mul3A = vector.broadcast %get3A_5 : vector<10000x1xf32> to vector<10000x48xf32>
    %mul3A_11 = arith.mulf %mul3A, %add3A : vector<10000x48xf32>
    %sub3A = arith.subf %get3A_8, %mul3A_11 : vector<10000x48xf32>
    %get3A_12 = arith.constant 0 : index
    %get3A_13 = arith.constant 0 : index
    %get3A_14 = vector.load %arg3[%get3A_12, %get3A_13] : memref<10000x48xf32, #tpu.memory_space<vmem>>, vector<10000x48xf32>
    %sub3A_15 = arith.subf %sub3A, %get3A_14 : vector<10000x48xf32>
    %get3A_16 = arith.constant 0 : index
    %get3A_17 = arith.constant 0 : index
    %get3A_18 = vector.load %arg4[%get3A_16, %get3A_17] : memref<1x48xf32, #tpu.memory_space<vmem>>, vector<1x48xf32>
    %add3A_19 = vector.broadcast %get3A_18 : vector<1x48xf32> to vector<10000x48xf32>
    %add3A_20 = arith.addf %sub3A_15, %add3A_19 : vector<10000x48xf32>
    %reduce_sum3A = arith.constant dense<0.000000e+00> : vector<48xf32>
    %reduce_sum3A_21 = vector.multi_reduction <add>, %add3A_20, %reduce_sum3A [0] : vector<10000x48xf32> to vector<48xf32>
    %div3A = arith.constant 1.000000e+04 : f32
    %div3A_22 = vector.broadcast %div3A : f32 to vector<48xf32>
    %div3A_23 = arith.divf %reduce_sum3A_21, %div3A_22 : vector<48xf32>
    %broadcast_in_dim3A = vector.shape_cast %div3A_23 : vector<48xf32> to vector<1x48xf32>
    %sub3A_24 = vector.broadcast %broadcast_in_dim3A : vector<1x48xf32> to vector<10000x48xf32>
    %sub3A_25 = arith.subf %add3A_20, %sub3A_24 : vector<10000x48xf32>
    %integer_pow3A = arith.mulf %sub3A_25, %sub3A_25 : vector<10000x48xf32>
    %reduce_sum3A_26 = arith.constant dense<0.000000e+00> : vector<48xf32>
    %reduce_sum3A_27 = vector.multi_reduction <add>, %integer_pow3A, %reduce_sum3A_26 [0] : vector<10000x48xf32> to vector<48xf32>
    %div3A_28 = arith.constant 1.000000e+04 : f32
    %div3A_29 = vector.broadcast %div3A_28 : f32 to vector<48xf32>
    %div3A_30 = arith.divf %reduce_sum3A_27, %div3A_29 : vector<48xf32>
    %broadcast_in_dim3A_31 = vector.shape_cast %div3A_23 : vector<48xf32> to vector<1x48xf32>
    %sub3A_32 = vector.broadcast %broadcast_in_dim3A_31 : vector<1x48xf32> to vector<10000x48xf32>
    %sub3A_33 = arith.subf %add3A_20, %sub3A_32 : vector<10000x48xf32>
    %add3A_34 = arith.constant 9.99999974E-6 : f32
    %add3A_35 = vector.broadcast %add3A_34 : f32 to vector<48xf32>
    %add3A_36 = arith.addf %div3A_30, %add3A_35 : vector<48xf32>
    %sqrt3A = math.sqrt %add3A_36 : vector<48xf32>
    %broadcast_in_dim3A_37 = vector.shape_cast %sqrt3A : vector<48xf32> to vector<1x48xf32>
    %div3A_38 = vector.broadcast %broadcast_in_dim3A_37 : vector<1x48xf32> to vector<10000x48xf32>
    %div3A_39 = arith.divf %sub3A_33, %div3A_38 : vector<10000x48xf32>
    %max3A = arith.constant 0.000000e+00 : f32
    %max3A_40 = vector.broadcast %max3A : f32 to vector<10000x48xf32>
    %max3A_41 = arith.maximumf %div3A_39, %max3A_40 : vector<10000x48xf32>
    %get3A_42 = arith.constant 0 : index
    %get3A_43 = arith.constant 0 : index
    %get3A_44 = vector.load %arg5[%get3A_42, %get3A_43] : memref<10000x48xf32, #tpu.memory_space<vmem>>, vector<10000x48xf32>
    %slice3A_45 = vector.extract_strided_slice %get3A_44 {offsets = [0, 0], sizes = [10000, 36], strides = [1, 1]} : vector<10000x48xf32> to vector<10000x36xf32>
    %slice3A_46 = vector.extract_strided_slice %max3A_41 {offsets = [0, 0], sizes = [10000, 36], strides = [1, 1]} : vector<10000x48xf32> to vector<10000x36xf32>
    %get3A_47 = arith.constant 0 : index
    %get3A_48 = arith.constant 0 : index
    %get3A_49 = vector.load %arg6[%get3A_47, %get3A_48] : memref<10000x48xf32, #tpu.memory_space<vmem>>, vector<10000x48xf32>
    %slice3A_50 = vector.extract_strided_slice %get3A_49 {offsets = [0, 0], sizes = [10000, 36], strides = [1, 1]} : vector<10000x48xf32> to vector<10000x36xf32>
    %concatenate3A = tpu.concatenate %slice3A_45, %slice3A_46, %slice3A_50 in 1 : vector<10000x36xf32>, vector<10000x36xf32>, vector<10000x36xf32> -> vector<10000x108xf32>
    %get3A_51 = arith.constant 0 : index
    %get3A_52 = arith.constant 0 : index
    %get3A_53 = vector.load %arg7[%get3A_51, %get3A_52] : memref<108x10xf32, #tpu.memory_space<vmem>>, vector<108x10xf32>
    %dot_general3A = arith.constant dense<0.000000e+00> : vector<10000x10xf32>
    %dot_general3A_54 = tpu.matmul %concatenate3A, %get3A_53, %dot_general3A {dimension_numbers = #tpu.dot_dimension_numbers<[1], [0], [0], [1], [0, 0, 1, 1], [], []>, transpose_lhs_hint = false} : vector<10000x108xf32>, vector<108x10xf32>, vector<10000x10xf32> -> vector<10000x10xf32>
    %get3A_55 = arith.constant 0 : index
    %get3A_56 = arith.constant 0 : index
    %get3A_57 = vector.load %arg8[%get3A_55, %get3A_56] : memref<1x10xf32, #tpu.memory_space<vmem>>, vector<1x10xf32>
    %add3A_58 = vector.broadcast %get3A_57 : vector<1x10xf32> to vector<10000x10xf32>
    %add3A_59 = arith.addf %dot_general3A_54, %add3A_58 : vector<10000x10xf32>
    %swap3A = arith.constant 0 : index
    %swap3A_60 = arith.constant 0 : index
    %swap3A_61 = vector.load %arg9[%swap3A, %swap3A_60] : memref<10000x10xf32, #tpu.memory_space<vmem>>, vector<10000x10xf32>
    tpu.vector_store %arg9[%swap3A, %swap3A_60], %add3A_59 {strides = array<i32>} : memref<10000x10xf32, #tpu.memory_space<vmem>>, vector<10000x10xf32>,
    return
  }
}

</mosaic_0001>

<sc_bundles>
// kernel: kernel.34.cloned.1.call-start
scs
__scs_entry_jumppad:
0x0: {  	(pc) =	sbr.rel $0x88, $3  }
0x1: {  	(tag) =	ssettag $0x0;
	lr =	simm.s32 $0x1  }
0x2: {  	[smem:$0x3F95] =	sst lr;
	_ =	strace $0xD0000000  }
0x3: {  	_ = 	snop  }
0x4: {  	_ = 	snop  }
0x5: {  	_ = 	snop  }
0x6: {  	_ = 	snop  }
0x7: {  	_ = 	snop  }
__scs_overlays_trampoline_lowered:
0x8: {  	[smem:$0x3FA4] =	sst s0  }
0x9: {  	[smem:$0x3FA5] =	sst s1  }
0xa: {  	[smem:$0x3FA6] =	sst s2  }
0xb: {  	[smem:$0x3FA7] =	sst s3  }
0xc: {  	[smem:$0x3FA8] =	sst s4  }
0xd: {  	[smem:$0x3FA9] =	sst s5  }
0xe: {  	[smem:$0x3FAA] =	sst s6  }
0xf: {  	[smem:$0x3FAB] =	sst s7  }
0x10: {  	[smem:$0x3FAC] =	sst s8  }
0x11: {  	[smem:$0x3FAD] =	sst s9;
	s0 =	simm.s32 @!p0 $0x0  }
0x12: {  	s1 =	sld [smem:$0x3F93];
	s0 =	simm.s32 @p0 $0x1  }
0x13: {  	[smem:$0x3FAE] =	sst s0;
	s0 =	simm.s32 @!p1 $0x0  }
0x14: {  	s2 =	sld [smem:$0x3F92];
	s0 =	simm.s32 @p1 $0x1  }
0x15: {  	[smem:$0x3FAF] =	sst s0;
	s0 =	simm.s32 @!p2 $0x0  }
0x16: {  	s3 =	sld [smem:$0x3FDB];
	s0 =	simm.s32 @p2 $0x1  }
0x17: {  	s4 =	simm.s32 $0x1BF5;
	[smem:$0x3FB1] =	sst s0  }
0x18: {  	s0 =	sld [smem:$0x3F94];
	_ =	swait.ge [sflag:s4], $0x0  }
0x19: {  	s7 =	sld [smem:$0x3F95]  }
0x1a: {  	s8 =	sadd.s32 $0xFFFFE003, lr  }
0x1b: {  	s9 =	sadd.s32 $0xFFFFFEF7, lr;
	s5 =	simm.s32 $0xFFFFFFFF;
	p2 =	slt.u32 s8, $0xFFFFF086  }
0x1c: {  	p1 =	slt.u32 s9, $0xF7A;
	s5 =	simm.s32 @!p2 $0x0  }
0x1d: {  	s5 =	simm.s32 @p1 $0x1;
	p0 =	seq.s32 s7, s2  }
0x1e: {  	s7 =	smul.u32 @!p0 $0xF7A, s2;
	p2 =	seq.s32 @!p0 s5, $0x0  }
0x1f: {  	s9 =	smul.u32 $0xF7A, s1;
	s8 =	simm.s32 @!p0 $0x1BF5;
	p2 =	por !p2, p0  }
0x20: {  	[sflag:s8] =	ssyncset.s32 @!p0 $0xFFFFF086;
	s6 =	sadd.s32 @!p0 s3, s7;
	s7 =	simm.s32 @!p0 $0x108  }
0x21: {  	s3 =	sadd.s32 s3, s9;
	s6 =	sadd.s32 @!p0 $0x88, s6;
	s7 =	simm.s32 @p2 $0x1082  }
0x22: {  	[simem:s7], [sflag:s8] =	dma.local @!p0 [hbm:s6], $0xF7A  }
0x23: {  	s9 =	sor.u32 $0xD0000000, s2;
	s6 =	simm.s32 $0x108;
	_ =	swait.ge @!p0 [sflag:s8], $0x0  }
0x24: {  	s3 =	sadd.s32 $0x88, s3;
	s6 =	simm.s32 @!p1 $0x1082;
	[sflag:s4] =	ssyncset.s32 $0xFFFFF086  }
0x25: {  	[simem:s6], [sflag:s4] =	dma.local [hbm:s3], $0xF7A  }
0x26: {  	[smem:$0x3F95] =	sst s1;
	(tag) =	ssettag s2;
	_ =	strace s9  }
0x27: {  	s1 =	sld [smem:$0x3FA5]  }
0x28: {  	s2 =	sld [smem:$0x3FA6]  }
0x29: {  	s4 =	sld [smem:$0x3FA8]  }
0x2a: {  	p0 =	seq.s32 s5, $0x0;
	s5 =	sld [smem:$0x3FA9]  }
0x2b: {  	s6 =	sld [smem:$0x3FAA]  }
0x2c: {  	s7 =	sld [smem:$0x3FAB]  }
0x2d: {  	s3 =	simm.s32 $0x108;
	s8 =	sld [smem:$0x3FAC]  }
0x2e: {  	s3 =	simm.s32 @!p0 $0x1082;
	s9 =	sld [smem:$0x3FAD]  }
0x2f: {  	lr =	sadd.s32 s0, s3;
	s0 =	sld [smem:$0x3FA4]  }
0x30: {  	s3 =	sld [smem:$0x3FA7]  }
0x31: {  	[smem:$0x3FB0] =	sst s10  }
0x32: {  	s10 =	sld [smem:$0x3FAE];
	_ =	sdelay $0x3  }
0x33: {  	p0 =	seq.s32 s10, $0x1;
	s10 =	sld [smem:$0x3FB0];
	_ =	sdelay $0x3  }
0x34: {  	[smem:$0x3FB0] =	sst s10  }
0x35: {  	s10 =	sld [smem:$0x3FAF];
	_ =	sdelay $0x3  }
0x36: {  	p1 =	seq.s32 s10, $0x1;
	s10 =	sld [smem:$0x3FB0];
	_ =	sdelay $0x3  }
0x37: {  	[smem:$0x3FB0] =	sst s10  }
0x38: {  	s10 =	sld [smem:$0x3FB1]  }
0x39: {  	_ = 	snop;
	(pc) =	sbr.ind lr, $3  }
0x3a: {  	_ = 	snop  }
0x3b: {  	_ = 	snop  }
0x3c: {  	p2 =	seq.s32 s10, $0x1;
	s10 =	sld [smem:$0x3FB0]  }
0x3d: {  	_ =	shalt  }
0x3e: {  	_ =	shalt  }
0x3f: {  	_ =	shalt  }
0x40: {  	_ =	shalt  }
0x41: {  	_ =	shalt  }
0x42: {  	_ =	shalt  }
0x43: {  	_ =	shalt  }
0x44: {  	_ =	shalt  }
0x45: {  	_ =	shalt  }
0x46: {  	_ =	shalt  }
0x47: {  	_ =	shalt  }
0x48: {  	_ =	shalt  }
0x49: {  	_ =	shalt  }
0x4a: {  	_ =	shalt  }
0x4b: {  	_ =	shalt  }
0x4c: {  	_ =	shalt  }
0x4d: {  	_ =	shalt  }
0x4e: {  	_ =	shalt  }
0x4f: {  	_ =	shalt  }
0x50: {  	_ =	shalt  }
0x51: {  	_ =	shalt  }
0x52: {  	_ =	shalt  }
0x53: {  	_ =	shalt  }
0x54: {  	_ =	shalt  }
0x55: {  	_ =	shalt  }
0x56: {  	_ =	shalt  }
0x57: {  	_ =	shalt  }
0x58: {  	_ =	shalt  }
0x59: {  	_ =	shalt  }
0x5a: {  	_ =	shalt  }
0x5b: {  	_ =	shalt  }
0x5c: {  	_ =	shalt  }
0x5d: {  	_ =	shalt  }
0x5e: {  	_ =	shalt  }
0x5f: {  	_ =	shalt  }
0x60: {  	_ =	shalt  }
0x61: {  	_ =	shalt  }
0x62: {  	_ =	shalt  }
0x63: {  	_ =	shalt  }
0x64: {  	_ =	shalt  }
0x65: {  	_ =	shalt  }
0x66: {  	_ =	shalt  }
0x67: {  	_ =	shalt  }
0x68: {  	_ =	shalt  }
0x69: {  	_ =	shalt  }
0x6a: {  	_ =	shalt  }
0x6b: {  	_ =	shalt  }
0x6c: {  	_ =	shalt  }
0x6d: {  	_ =	shalt  }
0x6e: {  	_ =	shalt  }
0x6f: {  	_ =	shalt  }
0x70: {  	_ =	shalt  }
0x71: {  	_ =	shalt  }
0x72: {  	_ =	shalt  }
0x73: {  	_ =	shalt  }
0x74: {  	_ =	shalt  }
0x75: {  	_ =	shalt  }
0x76: {  	_ =	shalt  }
0x77: {  	_ =	shalt  }
0x78: {  	_ =	shalt  }
0x79: {  	_ =	shalt  }
0x7a: {  	_ =	shalt  }
0x7b: {  	_ =	shalt  }
0x7c: {  	_ =	shalt  }
0x7d: {  	_ =	shalt  }
0x7e: {  	_ =	shalt  }
0x7f: {  	_ =	shalt  }
0x80: {  	_ =	shalt  }
0x81: {  	_ =	shalt  }
0x82: {  	_ =	shalt  }
0x83: {  	_ =	shalt  }
0x84: {  	_ =	shalt  }
0x85: {  	_ =	shalt  }
0x86: {  	_ =	shalt  }
0x87: {  	_ =	shalt  }
.Lfunc_end0:
.L_simem_size_0:
called_computation_lowered:
.L_overlay_start_0:
0x88: {  	s2 =	sld [smem:$0x3FD9]  }
0x89: {  	s3 =	sld [smem:$0x3FFE];
	_ =	sdelay $0x1  }
0x8a: {  	s1 =	srdreg.scid  }
0x8b: {  	s0 =	sand.u32 $0x1, s1  }
0x8c: {  	s16 =	sshll.u32 s0, $0xA;
	s2 =	sadd.s32 s3, s2  }
0x8d: {  	s2 =	sadd.s32 s2, s16  }
0x8e: {  	[smem:$0x3FBC] =	sst s2  }
0x8f: {  	_ = 	snop  }
0x90: {  	(tm) =	ssettm $0x1  }
0x91: {  	s17 =	sld [smem:$0x3FFB];
	_ =	sdelay $0x3  }
0x92: {  	_ =	strace s17  }
0x93: {  	s2 =	sld [smem:$0x3FFC];
	_ =	sdelay $0x3  }
0x94: {  	_ =	strace s2  }
0x95: {  	s2 =	sld [smem:$0x3FFD];
	_ =	sdelay $0x3  }
0x96: {  	_ =	strace s2  }
0x97: {  	_ =	strace $0x8FFFFFFF  }
0x98: {  	s18 =	sld [smem:$0x3FDB];
	_ =	sdelay $0x1  }
0x99: {  	s19 =	simm.s32 $_scs_section_size  }
0x9a: {  	s4 =	simm.s32 $_size__tile_overlayer_lowered;
	s5 =	simm.s32 $_tile_overlayer_lowered  }
0x9b: {  	s22 =	simm.s32 $0x1BFF;
	s21 =	sshll.u32 s5, $0x1;
	s2 =	sadd.s32 s19, s18  }
0x9c: {  	s6 =	simm.s32 $0x0;
	s20 =	sshll.u32 s4, $0x1;
	s4 =	sadd.s32 s21, s2  }
0x9d: {  	[timem:s6], [sflag:s22] =	dma.local [hbm:s4], s20  }
0x9e: {  	_ =	swait.ge [sflag:s22], s20  }
0x9f: {  	s3 =	ssub.s32 $0x0, s20;
	[sflag:s22] =	ssyncset.done $0x0  }
0xa0: {  	[sflag:s22] =	ssyncadd.s32 s3;
	_ =	sdelay $0x1  }
0xa1: {  	s23 =	simm.s32 $0x1B8B  }
0xa2: {  	_ =	swait.ge [sflag:s23], $0x1  }
0xa3: {  	[sflag:s23] =	ssyncset.done $0x0  }
0xa4: {  	s25 =	simm.s32 $0x1B8E;
	s24 =	sld [smem:$0x3FFE];
	[sflag:s23] =	ssyncadd.s32 $0xFFFFFFFF  }
0xa5: {  	s26 =	simm.s32 $execute0_lowered;
	[smem:$0x3FD2] =	sst s25  }
0xa6: {  	s4 =	sshll.u32 s26, $0x1;
	_ =	strace $0x80000046;
	[dreg:$0x1] =	wrdreg $0xFFFFFFFF  }
0xa7: {  	s28 =	simm.s32 $_size_execute0_lowered;
	s2 =	sadd.s32 s2, s4;
	[dreg:$0x0] =	wrdreg $0x0  }
0xa8: {  	s4 =	sshll.u32 s28, $0x1;
	[dreg:$0x2] =	wrdreg s2  }
0xa9: {  	[dreg:$0x3] =	wrdreg s4  }
0xaa: {  	[dreg:$0x4] =	wrdreg $0xC0  }
0xab: {  	_ =	task [dreg:s6], $0x5FFFF  }
0xac: {  	[dreg:$0x1] =	wrdreg $0xFFFFFFFF  }
0xad: {  	[dreg:$0x0] =	wrdreg $0x60  }
0xae: {  	[dreg:$0x2] =	wrdreg s24  }
0xaf: {  	[dreg:$0x3] =	wrdreg $0x2CD00  }
0xb0: {  	[dreg:$0x4] =	wrdreg $0x9  }
0xb1: {  	_ =	task.clear_ibuf [dreg:s6], $0x5FFFF;
	_ =	strace $0x90000046  }
0xb2: {  	s29 =	simm.s32 $0x9;
	_ =	strace $0x80000048  }
0xb3: {  	_ =	swait.ge [sflag:s29], $0x1  }
0xb4: {  	[sflag:s29] =	ssyncadd.s32 $0xFFFFFFFF  }
0xb5: {  	_ =	strace $0x90000048  }
0xb6: {  	_ =	sfence  }
0xb7: {  	s30 =	sld [smem:$0x0];
	_ =	sdelay $0x2  }
0xb8: {  	s31 =	sshll.u32 s1, $0xD;
	s1 =	sshrl.u32 s1, $0x2  }
0xb9: {  	s3 =	sand.u32 $0x4000, s31;
	s1 =	sadd.s32 s1, s30  }
0xba: {  	s0 =	sor.u32 s3, s0;
	s1 =	sshll.u32 s1, $0x11  }
0xbb: {  	s0 =	sor.u32 s1, s0  }
0xbc: {  	s0 =	sadd.s32 $0x8F2B, s0  }
0xbd: {  	[sflag:s0] =	ssyncadd.remote.s32 $0x1  }
0xbe: {  	_ =	sfence.sel $0xFFFF  }
0xbf: {  	[dreg:$0x0] =	wrdreg $0xFFFFFFFF;
	(pc) =	sbr.abs _section_cstart, $3  }
0xc0: {  	[dreg:$0x1] =	wrdreg $0xFFFFFFFF  }
0xc1: {  	_ =	task.clear_ibuf [dreg:s6], $0x2FFFF;
	_ =	strace $0x9FFFFFFF  }
0xc2: {  	(tm) =	ssettm $0x7FFFFFFF  }
0xc3: {  	_ =	shalt  }
tec
execute0_lowered:
.L_overlay_start_1:
0x0: {  	(tag) =	ssettag $0x1  }
0x1: {  	s4 =	rddreg [dreg:$0x0];
	s0 =	srdreg.scid  }
0x2: {  	s2 =	rddreg [dreg:$0x1];
	s1 =	stileid.u32  }
0x3: {  	s3 =	simm.s32 $0x0;
	s10 =	simm.s32 $0x50;
	s13 =	simm.s32 $0x0  }
0x4: {  	s5 =	sand.u32 $0x1, s0;
	s0 =	rddreg [dreg:$0x2];
	s7 =	smul.u32 $0x2780, s1  }
0x5: {  	s8 =	smul.u32 $0x2710, s1;
	p0 =	seq.s32 s1, $0xF;
	[smem:$0x7FF] =	sst s3  }
0x6: {  	s11 =	sshll.u32 s1, $0x6;
	s6 =	smul.u32 $0x27100, s5;
	_ =	strace $0x80000047  }
0x7: {  	s5 =	ssub.s32 $0x2, s5;
	s11 =	sor.u32 $0x1C01, s11;
	s7 =	simm.s32 @p0 $0x24980  }
0x8: {  	s31 =	sshrl.u32 s5, $0x1;
	s8 =	sadd.s32 s8, s6;
	s6 =	sadd.s32 s6, s7  }
0x9: {  	s9 =	ssub.s32 s5, s31;
	s8 =	sshrl.u32 s8, $0x3;
	s6 =	sshrl.u32 s6, $0x3  }
0xa: {  	s8 =	sadd.s32 s8, s4;
	s6 =	sadd.s32 s6, s4;
	s4 =	sadd.s32 s7, s2  }
0xb: {  	s5 =	sadd.s32 $0x21800, s6;
	s6 =	smax.u32 s9, $0x1;
	s7 =	sadd.s32 $0x17A00, s8  }
0xc: {  	v0 =	vimm.f32 $0.0e+00;
	v1 =	vimm.f32 $1.000000000e+00;
	s8 =	simm.s32 $0x550;
	s9 =	simm.s32 $0x1;
	s12 =	sshrl.u32 s4, $0x3  }
.LBB2_1:
0xd: {  	s14 =	simm.s32 $0x40;
	s15 =	simm.s32 $0x0  }
.LBB2_2:
0xe: {  	p0 =	sne.s32 s14, $0x9DC0;
	[tilespmem:s15+$0x550] =	vst v0;
	s15 =	smov.u32 s14;
	s14 =	sadd.s32 $0x40, s14  }
.Ltmp0:
0xf: {  	(pc) =	sbr.rel @p0 .LBB2_2-.Ltmp0, $2  }
0x10: {  	_ =	sdelay $0x2  }
0x11: {  	s15 =	sshra.s32 s15, $0x2  }
0x12: {  	[tilespmem:s15+$0x550] =	vst v0  }
0x13: {  	[spmem:s4] =	stream.linear.scatter [tilespmem:s8], [sflag:$0x1], $0x2780, $0x38;
	[tilespmem:$0x53E0] =	vst v63  }
0x14: {  	_ =	swait.ge [sflag:s9], $0x2780  }
0x15: {  	[sflag:s9] =	ssyncset.done $0x0  }
0x16: {  	s14 =	simm.s32 $0x40;
	s15 =	simm.s32 $0x0;
	[sflag:s9] =	ssyncadd.s32 $0xFFFFD880  }
.LBB2_4:
0x17: {  	p0 =	sne.s32 s14, $0x13C0;
	[tilespmem:s15+$0x50] =	vst v1;
	s15 =	smov.u32 s14;
	s14 =	sadd.s32 $0x40, s14  }
.Ltmp1:
0x18: {  	(pc) =	sbr.rel @p0 .LBB2_4-.Ltmp1, $2  }
0x19: {  	_ =	sdelay $0x2  }
0x1a: {  	s15 =	sshra.s32 s15, $0x2  }
0x1b: {  	[tilespmem:s15+$0x50] =	vst v1  }
0x1c: {  	s14 =	sadd.s32 $0x0, s7;
	[bflag:$0x0] =	sbarrier.arrive $0xFFFF  }
0x1d: {  	[tilespmem:s3], [sflag:$0x1] =	stream.linear.gather [hbm4b:s14+s3], $0x50, $0x38;
	[tilespmem:$0x53E0] =	vst v63  }
0x1e: {  	_ =	swait.ge [sflag:s9], $0x50  }
0x1f: {  	[sflag:s9] =	ssyncset.done $0x0  }
0x20: {  	[sflag:s9] =	ssyncadd.s32 $0xFFFFFFB0  }
0x21: {  	[spmem:s2] =	stream.indirect.scatter.add.f32 [tilespmem:s10], [sflag:$0x1], $0x10, s3, s10, $0xb8;
	[tilespmem:$0x53E0] =	vst v63  }
0x22: {  	_ =	swait.ge [sflag:s9], $0x500  }
0x23: {  	s15 =	simm.s32 $0x14;
	s14 =	simm.s32 $0xA;
	[sflag:s9] =	ssyncset.done $0x0  }
.LBB2_6:
0x24: {  	s16 =	sadd.s32 s14, s7  }
0x25: {  	[sflag:s9] =	ssyncadd.s32 $0xFFFFFB00;
	s14 =	smov.u32 s15;
	s17 =	sadd.s32 $0xA, s15  }
0x26: {  	[tilespmem:s3], [sflag:$0x1] =	stream.linear.gather [hbm4b:s16+s3], $0x50, $0x38;
	[tilespmem:$0x53E0] =	vst v63  }
0x27: {  	p0 =	sne.s32 s15, $0x4D8;
	_ =	swait.ge [sflag:s9], $0x50  }
.Ltmp2:
0x28: {  	[sflag:s9] =	ssyncset.done $0x0;
	(pc) =	sbr.rel @p0 .LBB2_6-.Ltmp2, $4  }
0x29: {  	[sflag:s9] =	ssyncadd.s32 $0xFFFFFFB0  }
0x2a: {  	[spmem:s2] =	stream.indirect.scatter.add.f32 [tilespmem:s10], [sflag:$0x1], $0x10, s3, s10, $0xb8;
	[tilespmem:$0x53E0] =	vst v63  }
0x2b: {  	_ =	swait.ge [sflag:s9], $0x500  }
0x2c: {  	s15 =	smov.u32 s17;
	[sflag:s9] =	ssyncset.done $0x0  }
0x2d: {  	s14 =	sadd.s32 s14, s7;
	[sflag:s9] =	ssyncadd.s32 $0xFFFFFB00  }
0x2e: {  	[tilespmem:s3], [sflag:$0x1] =	stream.linear.gather [hbm4b:s14+s3], $0x50, $0x38;
	[tilespmem:$0x53E0] =	vst v63  }
0x2f: {  	_ =	swait.ge [sflag:s9], $0x50  }
0x30: {  	[sflag:s9] =	ssyncset.done $0x0  }
0x31: {  	[sflag:s9] =	ssyncadd.s32 $0xFFFFFFB0  }
0x32: {  	[spmem:s2] =	stream.indirect.scatter.add.f32 [tilespmem:s10], [sflag:$0x1], $0x10, s3, s10, $0xb8;
	[tilespmem:$0x53E0] =	vst v63  }
0x33: {  	_ =	swait.ge [sflag:s9], $0x500  }
0x34: {  	s13 =	sadd.s32 $0x1, s13;
	[sflag:s9] =	ssyncset.done $0x0  }
0x35: {  	p0 =	sne.s32 s13, s6;
	[sflag:s9] =	ssyncadd.s32 $0xFFFFFB00  }
.Ltmp3:
0x36: {  	[bflag:$0x0] =	sbarrier.arrive $0xFFFF;
	(pc) =	sbr.rel @p0 .LBB2_1-.Ltmp3, $4  }
0x37: {  	[hbm:s5], [sflag:s11] =	dma.local [spmem:s12], $0x4F0  }
0x38: {  	_ =	swait.ge [sflag:s9], $0x4F0  }
0x39: {  	[sflag:s9] =	ssyncset.done $0x0  }
0x3a: {  	[sflag:s9] =	ssyncadd.s32 $0xFFFFFB10  }
0x3b: {  	_ =	sfence.sel $0x180000  }
0x3c: {  	[bflag:$0x0] =	sbarrier.arrive $0xFFFF  }
0x3d: {  	p0 =	sne.s32 s1, $0x0;
	_ =	strace $0x90000047  }
0x3e: {  	s0 =	sadd.s32 @!p0 $0x100000, s0;
	[bflag:$0x2] =	sbarrier.arrive $0xFFFF  }
0x3f: {  	[sflag:s0] =	ssyncadd.tile.s32 @!p0 $0x1;
	_ =	shalt  }
.Lfunc_end2:
_tile_overlayer_lowered:
.L_overlay_start_2:
0x40: {  	(tag) =	ssettag $0x2  }
0x41: {  	s0 =	rddreg [dreg:$0x0];
	s2 =	stileid.u32  }
0x42: {  	s1 =	rddreg [dreg:$0x1];
	p0 =	sne.s32 s2, $0x0  }
0x43: {  	s3 =	rddreg [dreg:$0x2];
	[bflag:$0x3] =	sbarrier.arrive $0xFFFF;
	s2 =	simm.s32 @!p0 $0x1C01  }
0x44: {  	[timem:s3], [sflag:s2] =	dma.local @!p0 [hbm:s0], s1  }
0x45: {  	s0 =	simm.s32 @!p0 $0x1  }
0x46: {  	_ =	swait.ge @!p0 [sflag:s0], s1  }
0x47: {  	s1 =	ssub.s32 @!p0 $0x0, s1;
	[sflag:s0] =	ssyncset.done @!p0 $0x0  }
0x48: {  	[sflag:s0] =	ssyncadd.s32 @!p0 s1  }
0x49: {  	[bflag:$0x3] =	sbarrier.arrive $0xFFFF  }
0x4a: {  	_ =	shalt  }

// kernel: kernel.37.cloned.1.call-start
scs
__scs_entry_jumppad:
0x0: {  	(pc) =	sbr.rel $0x88, $3  }
0x1: {  	(tag) =	ssettag $0x0;
	lr =	simm.s32 $0x1  }
0x2: {  	[smem:$0x3F95] =	sst lr;
	_ =	strace $0xD0000000  }
0x3: {  	_ = 	snop  }
0x4: {  	_ = 	snop  }
0x5: {  	_ = 	snop  }
0x6: {  	_ = 	snop  }
0x7: {  	_ = 	snop  }
__scs_overlays_trampoline_lowered:
0x8: {  	[smem:$0x3FA4] =	sst s0  }
0x9: {  	[smem:$0x3FA5] =	sst s1  }
0xa: {  	[smem:$0x3FA6] =	sst s2  }
0xb: {  	[smem:$0x3FA7] =	sst s3  }
0xc: {  	[smem:$0x3FA8] =	sst s4  }
0xd: {  	[smem:$0x3FA9] =	sst s5  }
0xe: {  	[smem:$0x3FAA] =	sst s6  }
0xf: {  	[smem:$0x3FAB] =	sst s7  }
0x10: {  	[smem:$0x3FAC] =	sst s8  }
0x11: {  	[smem:$0x3FAD] =	sst s9;
	s0 =	simm.s32 @!p0 $0x0  }
0x12: {  	s1 =	sld [smem:$0x3F93];
	s0 =	simm.s32 @p0 $0x1  }
0x13: {  	[smem:$0x3FAE] =	sst s0;
	s0 =	simm.s32 @!p1 $0x0  }
0x14: {  	s2 =	sld [smem:$0x3F92];
	s0 =	simm.s32 @p1 $0x1  }
0x15: {  	[smem:$0x3FAF] =	sst s0;
	s0 =	simm.s32 @!p2 $0x0  }
0x16: {  	s3 =	sld [smem:$0x3FDB];
	s0 =	simm.s32 @p2 $0x1  }
0x17: {  	s4 =	simm.s32 $0x1BF5;
	[smem:$0x3FB1] =	sst s0  }
0x18: {  	s0 =	sld [smem:$0x3F94];
	_ =	swait.ge [sflag:s4], $0x0  }
0x19: {  	s7 =	sld [smem:$0x3F95]  }
0x1a: {  	s8 =	sadd.s32 $0xFFFFE003, lr  }
0x1b: {  	s9 =	sadd.s32 $0xFFFFFEF7, lr;
	s5 =	simm.s32 $0xFFFFFFFF;
	p2 =	slt.u32 s8, $0xFFFFF086  }
0x1c: {  	p1 =	slt.u32 s9, $0xF7A;
	s5 =	simm.s32 @!p2 $0x0  }
0x1d: {  	s5 =	simm.s32 @p1 $0x1;
	p0 =	seq.s32 s7, s2  }
0x1e: {  	s7 =	smul.u32 @!p0 $0xF7A, s2;
	p2 =	seq.s32 @!p0 s5, $0x0  }
0x1f: {  	s9 =	smul.u32 $0xF7A, s1;
	s8 =	simm.s32 @!p0 $0x1BF5;
	p2 =	por !p2, p0  }
0x20: {  	[sflag:s8] =	ssyncset.s32 @!p0 $0xFFFFF086;
	s6 =	sadd.s32 @!p0 s3, s7;
	s7 =	simm.s32 @!p0 $0x108  }
0x21: {  	s3 =	sadd.s32 s3, s9;
	s6 =	sadd.s32 @!p0 $0x88, s6;
	s7 =	simm.s32 @p2 $0x1082  }
0x22: {  	[simem:s7], [sflag:s8] =	dma.local @!p0 [hbm:s6], $0xF7A  }
0x23: {  	s9 =	sor.u32 $0xD0000000, s2;
	s6 =	simm.s32 $0x108;
	_ =	swait.ge @!p0 [sflag:s8], $0x0  }
0x24: {  	s3 =	sadd.s32 $0x88, s3;
	s6 =	simm.s32 @!p1 $0x1082;
	[sflag:s4] =	ssyncset.s32 $0xFFFFF086  }
0x25: {  	[simem:s6], [sflag:s4] =	dma.local [hbm:s3], $0xF7A  }
0x26: {  	[smem:$0x3F95] =	sst s1;
	(tag) =	ssettag s2;
	_ =	strace s9  }
0x27: {  	s1 =	sld [smem:$0x3FA5]  }
0x28: {  	s2 =	sld [smem:$0x3FA6]  }
0x29: {  	s4 =	sld [smem:$0x3FA8]  }
0x2a: {  	p0 =	seq.s32 s5, $0x0;
	s5 =	sld [smem:$0x3FA9]  }
0x2b: {  	s6 =	sld [smem:$0x3FAA]  }
0x2c: {  	s7 =	sld [smem:$0x3FAB]  }
0x2d: {  	s3 =	simm.s32 $0x108;
	s8 =	sld [smem:$0x3FAC]  }
0x2e: {  	s3 =	simm.s32 @!p0 $0x1082;
	s9 =	sld [smem:$0x3FAD]  }
0x2f: {  	lr =	sadd.s32 s0, s3;
	s0 =	sld [smem:$0x3FA4]  }
0x30: {  	s3 =	sld [smem:$0x3FA7]  }
0x31: {  	[smem:$0x3FB0] =	sst s10  }
0x32: {  	s10 =	sld [smem:$0x3FAE];
	_ =	sdelay $0x3  }
0x33: {  	p0 =	seq.s32 s10, $0x1;
	s10 =	sld [smem:$0x3FB0];
	_ =	sdelay $0x3  }
0x34: {  	[smem:$0x3FB0] =	sst s10  }
0x35: {  	s10 =	sld [smem:$0x3FAF];
	_ =	sdelay $0x3  }
0x36: {  	p1 =	seq.s32 s10, $0x1;
	s10 =	sld [smem:$0x3FB0];
	_ =	sdelay $0x3  }
0x37: {  	[smem:$0x3FB0] =	sst s10  }
0x38: {  	s10 =	sld [smem:$0x3FB1]  }
0x39: {  	_ = 	snop;
	(pc) =	sbr.ind lr, $3  }
0x3a: {  	_ = 	snop  }
0x3b: {  	_ = 	snop  }
0x3c: {  	p2 =	seq.s32 s10, $0x1;
	s10 =	sld [smem:$0x3FB0]  }
0x3d: {  	_ =	shalt  }
0x3e: {  	_ =	shalt  }
0x3f: {  	_ =	shalt  }
0x40: {  	_ =	shalt  }
0x41: {  	_ =	shalt  }
0x42: {  	_ =	shalt  }
0x43: {  	_ =	shalt  }
0x44: {  	_ =	shalt  }
0x45: {  	_ =	shalt  }
0x46: {  	_ =	shalt  }
0x47: {  	_ =	shalt  }
0x48: {  	_ =	shalt  }
0x49: {  	_ =	shalt  }
0x4a: {  	_ =	shalt  }
0x4b: {  	_ =	shalt  }
0x4c: {  	_ =	shalt  }
0x4d: {  	_ =	shalt  }
0x4e: {  	_ =	shalt  }
0x4f: {  	_ =	shalt  }
0x50: {  	_ =	shalt  }
0x51: {  	_ =	shalt  }
0x52: {  	_ =	shalt  }
0x53: {  	_ =	shalt  }
0x54: {  	_ =	shalt  }
0x55: {  	_ =	shalt  }
0x56: {  	_ =	shalt  }
0x57: {  	_ =	shalt  }
0x58: {  	_ =	shalt  }
0x59: {  	_ =	shalt  }
0x5a: {  	_ =	shalt  }
0x5b: {  	_ =	shalt  }
0x5c: {  	_ =	shalt  }
0x5d: {  	_ =	shalt  }
0x5e: {  	_ =	shalt  }
0x5f: {  	_ =	shalt  }
0x60: {  	_ =	shalt  }
0x61: {  	_ =	shalt  }
0x62: {  	_ =	shalt  }
0x63: {  	_ =	shalt  }
0x64: {  	_ =	shalt  }
0x65: {  	_ =	shalt  }
0x66: {  	_ =	shalt  }
0x67: {  	_ =	shalt  }
0x68: {  	_ =	shalt  }
0x69: {  	_ =	shalt  }
0x6a: {  	_ =	shalt  }
0x6b: {  	_ =	shalt  }
0x6c: {  	_ =	shalt  }
0x6d: {  	_ =	shalt  }
0x6e: {  	_ =	shalt  }
0x6f: {  	_ =	shalt  }
0x70: {  	_ =	shalt  }
0x71: {  	_ =	shalt  }
0x72: {  	_ =	shalt  }
0x73: {  	_ =	shalt  }
0x74: {  	_ =	shalt  }
0x75: {  	_ =	shalt  }
0x76: {  	_ =	shalt  }
0x77: {  	_ =	shalt  }
0x78: {  	_ =	shalt  }
0x79: {  	_ =	shalt  }
0x7a: {  	_ =	shalt  }
0x7b: {  	_ =	shalt  }
0x7c: {  	_ =	shalt  }
0x7d: {  	_ =	shalt  }
0x7e: {  	_ =	shalt  }
0x7f: {  	_ =	shalt  }
0x80: {  	_ =	shalt  }
0x81: {  	_ =	shalt  }
0x82: {  	_ =	shalt  }
0x83: {  	_ =	shalt  }
0x84: {  	_ =	shalt  }
0x85: {  	_ =	shalt  }
0x86: {  	_ =	shalt  }
0x87: {  	_ =	shalt  }
.Lfunc_end0:
.L_simem_size_0:
called_computation.1_lowered:
.L_overlay_start_0:
0x88: {  	s2 =	sld [smem:$0x3FD9]  }
0x89: {  	s3 =	sld [smem:$0x3FFE];
	_ =	sdelay $0x1  }
0x8a: {  	s1 =	srdreg.scid  }
0x8b: {  	s0 =	sand.u32 $0x1, s1  }
0x8c: {  	s16 =	sshll.u32 s0, $0xA;
	s2 =	sadd.s32 s3, s2  }
0x8d: {  	s2 =	sadd.s32 s2, s16  }
0x8e: {  	[smem:$0x3FBC] =	sst s2  }
0x8f: {  	_ = 	snop  }
0x90: {  	(tm) =	ssettm $0x1  }
0x91: {  	s17 =	sld [smem:$0x3FFB];
	_ =	sdelay $0x3  }
0x92: {  	_ =	strace s17  }
0x93: {  	s2 =	sld [smem:$0x3FFC];
	_ =	sdelay $0x3  }
0x94: {  	_ =	strace s2  }
0x95: {  	s2 =	sld [smem:$0x3FFD];
	_ =	sdelay $0x3  }
0x96: {  	_ =	strace s2  }
0x97: {  	_ =	strace $0x8FFFFFFF  }
0x98: {  	s18 =	sld [smem:$0x3FDB];
	_ =	sdelay $0x1  }
0x99: {  	s19 =	simm.s32 $_scs_section_size  }
0x9a: {  	s4 =	simm.s32 $_size__tile_overlayer_lowered;
	s5 =	simm.s32 $_tile_overlayer_lowered  }
0x9b: {  	s22 =	simm.s32 $0x1BFF;
	s21 =	sshll.u32 s5, $0x1;
	s2 =	sadd.s32 s19, s18  }
0x9c: {  	s6 =	simm.s32 $0x0;
	s20 =	sshll.u32 s4, $0x1;
	s4 =	sadd.s32 s21, s2  }
0x9d: {  	[timem:s6], [sflag:s22] =	dma.local [hbm:s4], s20  }
0x9e: {  	_ =	swait.ge [sflag:s22], s20  }
0x9f: {  	s3 =	ssub.s32 $0x0, s20;
	[sflag:s22] =	ssyncset.done $0x0  }
0xa0: {  	[sflag:s22] =	ssyncadd.s32 s3;
	_ =	sdelay $0x1  }
0xa1: {  	s23 =	simm.s32 $0x1B8B  }
0xa2: {  	_ =	swait.ge [sflag:s23], $0x1  }
0xa3: {  	[sflag:s23] =	ssyncset.done $0x0  }
0xa4: {  	s25 =	simm.s32 $0x1B8E;
	s24 =	sld [smem:$0x3FFE];
	[sflag:s23] =	ssyncadd.s32 $0xFFFFFFFF  }
0xa5: {  	s26 =	simm.s32 $execute0_lowered;
	[smem:$0x3FD2] =	sst s25  }
0xa6: {  	s4 =	sshll.u32 s26, $0x1;
	_ =	strace $0x80000049;
	[dreg:$0x1] =	wrdreg $0xFFFFFFFF  }
0xa7: {  	s28 =	simm.s32 $_size_execute0_lowered;
	s2 =	sadd.s32 s2, s4;
	[dreg:$0x0] =	wrdreg $0x0  }
0xa8: {  	s4 =	sshll.u32 s28, $0x1;
	[dreg:$0x2] =	wrdreg s2  }
0xa9: {  	[dreg:$0x3] =	wrdreg s4  }
0xaa: {  	[dreg:$0x4] =	wrdreg $0xC0  }
0xab: {  	_ =	task [dreg:s6], $0x5FFFF  }
0xac: {  	[dreg:$0x1] =	wrdreg $0xFFFFFFFF  }
0xad: {  	[dreg:$0x0] =	wrdreg $0x60  }
0xae: {  	[dreg:$0x2] =	wrdreg s24  }
0xaf: {  	[dreg:$0x3] =	wrdreg $0x10BA00  }
0xb0: {  	[dreg:$0x4] =	wrdreg $0x9  }
0xb1: {  	_ =	task.clear_ibuf [dreg:s6], $0x5FFFF;
	_ =	strace $0x90000049  }
0xb2: {  	s29 =	simm.s32 $0x9;
	_ =	strace $0x8000004B  }
0xb3: {  	_ =	swait.ge [sflag:s29], $0x1  }
0xb4: {  	[sflag:s29] =	ssyncadd.s32 $0xFFFFFFFF  }
0xb5: {  	_ =	strace $0x9000004B  }
0xb6: {  	_ =	sfence  }
0xb7: {  	s30 =	sld [smem:$0x0];
	_ =	sdelay $0x2  }
0xb8: {  	s31 =	sshll.u32 s1, $0xD;
	s1 =	sshrl.u32 s1, $0x2  }
0xb9: {  	s3 =	sand.u32 $0x4000, s31;
	s1 =	sadd.s32 s1, s30  }
0xba: {  	s0 =	sor.u32 s3, s0;
	s1 =	sshll.u32 s1, $0x11  }
0xbb: {  	s0 =	sor.u32 s1, s0  }
0xbc: {  	s0 =	sadd.s32 $0x8F2B, s0  }
0xbd: {  	[sflag:s0] =	ssyncadd.remote.s32 $0x1  }
0xbe: {  	_ =	sfence.sel $0xFFFF  }
0xbf: {  	[dreg:$0x0] =	wrdreg $0xFFFFFFFF;
	(pc) =	sbr.abs _section_cstart, $3  }
0xc0: {  	[dreg:$0x1] =	wrdreg $0xFFFFFFFF  }
0xc1: {  	_ =	task.clear_ibuf [dreg:s6], $0x2FFFF;
	_ =	strace $0x9FFFFFFF  }
0xc2: {  	(tm) =	ssettm $0x7FFFFFFF  }
0xc3: {  	_ =	shalt  }
tec
execute0_lowered:
.L_overlay_start_1:
0x0: {  	(tag) =	ssettag $0x1  }
0x1: {  	s5 =	rddreg [dreg:$0x0]  }
0x2: {  	s0 =	srdreg.scid;
	s2 =	rddreg [dreg:$0x1]  }
0x3: {  	s1 =	rddreg [dreg:$0x2];
	s3 =	simm.s32 $0x0;
	s11 =	simm.s32 $0x2  }
0x4: {  	s12 =	simm.s32 $0x50;
	s13 =	simm.s32 $0xA0;
	s6 =	sand.u32 $0x1, s0  }
0x5: {  	s14 =	simm.s32 $0x1;
	s0 =	stileid.u32;
	s7 =	smul.u32 $0x27100, s6  }
0x6: {  	s17 =	simm.s32 $0x0;
	[smem:$0x7FF] =	sst s3;
	s8 =	smul.u32 $0x2710, s0  }
0x7: {  	s4 =	sadd.s32 $0xBDE00, s5;
	s9 =	smul.u32 $0xED00, s0;
	p0 =	seq.s32 s0, $0xF  }
0x8: {  	s10 =	smul.u32 $0xEA600, s6;
	s6 =	ssub.s32 $0x2, s6;
	s15 =	sshll.u32 s0, $0x6  }
0x9: {  	_ =	strace $0x8000004A;
	s30 =	sshrl.u32 s6, $0x1;
	s15 =	sor.u32 $0x1C02, s15  }
0xa: {  	s9 =	simm.s32 @p0 $0xDB900;
	s7 =	sadd.s32 s8, s7;
	s31 =	ssub.s32 s6, s30  }
0xb: {  	s26 =	sadd.s32 s10, s9;
	s7 =	sshrl.u32 s7, $0x3;
	s10 =	simm.s32 $0x1EA0  }
0xc: {  	s8 =	sshrl.u32 s26, $0x3;
	s28 =	sadd.s32 s7, s5;
	s7 =	smax.u32 s31, $0x1  }
0xd: {  	s29 =	sadd.s32 s8, s5;
	s5 =	sadd.s32 s9, s2;
	s8 =	sadd.s32 $0xDC00, s28  }
0xe: {  	v0 =	vimm.f32 $0.0e+00;
	s9 =	sadd.s32 $0x17A00, s28;
	s6 =	sadd.s32 $0xDB400, s29;
	s16 =	sshrl.u32 s5, $0x3  }
.LBB2_1:
0xf: {  	s18 =	simm.s32 $0x50  }
0x10: {  	[tilespmem:s18+$0x1EA0] =	vst v0  }
0x11: {  	[tilespmem:s18+$0x1E50] =	vst v0  }
0x12: {  	[tilespmem:s18+$0x1E60] =	vst v0  }
0x13: {  	[tilespmem:s18+$0x1E70] =	vst v0  }
0x14: {  	s19 =	simm.s32 $0x2C0;
	[tilespmem:s18+$0x1E80] =	vst v0  }
.LBB2_2:
0x15: {  	p0 =	sne.s32 s19, $0x3B3C0;
	[tilespmem:s18+$0x1E90] =	vst v0;
	s18 =	sshra.s32 s19, $0x2;
	s19 =	sadd.s32 $0x180, s19  }
.Ltmp0:
0x16: {  	[tilespmem:s18+$0x1EA0] =	vst v0;
	(pc) =	sbr.rel @p0 .LBB2_2-.Ltmp0, $4  }
0x17: {  	[tilespmem:s18+$0x1E50] =	vst v0  }
0x18: {  	[tilespmem:s18+$0x1E60] =	vst v0  }
0x19: {  	[tilespmem:s18+$0x1E70] =	vst v0  }
0x1a: {  	[tilespmem:s18+$0x1E80] =	vst v0  }
0x1b: {  	[tilespmem:s18+$0x1E90] =	vst v0  }
0x1c: {  	[spmem:s5] =	stream.linear.scatter [tilespmem:s10], [sflag:$0x2], $0xED00, $0x38;
	[tilespmem:$0x1F600] =	vst v63  }
0x1d: {  	_ =	swait.ge [sflag:s11], $0xED00  }
0x1e: {  	[sflag:s11] =	ssyncset.done $0x0  }
0x1f: {  	[sflag:s11] =	ssyncadd.s32 $0xFFFF1300  }
0x20: {  	s30 =	sadd.s32 $0x0, s9;
	[bflag:$0x0] =	sbarrier.arrive $0xFFFF  }
0x21: {  	[tilespmem:s3], [sflag:$0x2] =	stream.linear.gather [hbm4b:s30+s3], $0x50, $0x38;
	[tilespmem:$0x1F600] =	vst v63  }
0x22: {  	_ =	swait.ge [sflag:s11], $0x50  }
0x23: {  	[sflag:s11] =	ssyncset.done $0x0  }
0x24: {  	[sflag:s11] =	ssyncadd.s32 $0xFFFFFFB0  }
0x25: {  	[tilespmem:s13], [sflag:$0x1] =	stream.indirect.gather [hbm4b:s4+s12], $0x60, s3, s12, $0xb8;
	[tilespmem:$0x1F600] =	vst v63  }
0x26: {  	_ =	swait.ge [sflag:s14], $0x1E00  }
0x27: {  	[sflag:s14] =	ssyncset.done $0x0  }
0x28: {  	s31 =	sadd.s32 $0x0, s8;
	[sflag:s14] =	ssyncadd.s32 $0xFFFFE200  }
0x29: {  	[tilespmem:s12], [sflag:$0x2] =	stream.linear.gather [hbm4b:s31+s3], $0x50, $0x38;
	[tilespmem:$0x1F600] =	vst v63  }
0x2a: {  	_ =	swait.ge [sflag:s11], $0x50  }
0x2b: {  	[sflag:s11] =	ssyncset.done $0x0  }
0x2c: {  	[sflag:s11] =	ssyncadd.s32 $0xFFFFFFB0  }
0x2d: {  	[spmem:s2] =	stream.indirect.scatter.add.f32 [tilespmem:s13], [sflag:$0x2], $0x60, s12, s12, $0xb8;
	[tilespmem:$0x1F600] =	vst v63  }
0x2e: {  	_ =	swait.ge [sflag:s11], $0x1E00  }
0x2f: {  	s18 =	simm.s32 $0xA;
	s19 =	simm.s32 $0x14;
	[sflag:s11] =	ssyncset.done $0x0  }
.LBB2_4:
0x30: {  	s20 =	sadd.s32 s18, s9  }
0x31: {  	[sflag:s11] =	ssyncadd.s32 $0xFFFFE200;
	s21 =	smov.u32 s19;
	s22 =	sadd.s32 $0xA, s19  }
0x32: {  	[tilespmem:s3], [sflag:$0x2] =	stream.linear.gather [hbm4b:s20+s3], $0x50, $0x38;
	[tilespmem:$0x1F600] =	vst v63  }
0x33: {  	p0 =	sne.s32 s19, $0x4D8;
	_ =	swait.ge [sflag:s11], $0x50  }
0x34: {  	[sflag:s11] =	ssyncset.done $0x0  }
0x35: {  	[sflag:s11] =	ssyncadd.s32 $0xFFFFFFB0  }
0x36: {  	[tilespmem:s13], [sflag:$0x1] =	stream.indirect.gather [hbm4b:s4+s12], $0x60, s3, s12, $0xb8;
	[tilespmem:$0x1F600] =	vst v63  }
0x37: {  	_ =	swait.ge [sflag:s14], $0x1E00  }
0x38: {  	[sflag:s14] =	ssyncset.done $0x0  }
0x39: {  	s19 =	sadd.s32 s18, s8;
	s18 =	smov.u32 s21;
	[sflag:s14] =	ssyncadd.s32 $0xFFFFE200  }
0x3a: {  	[tilespmem:s12], [sflag:$0x2] =	stream.linear.gather [hbm4b:s19+s3], $0x50, $0x38;
	[tilespmem:$0x1F600] =	vst v63  }
0x3b: {  	_ =	swait.ge [sflag:s11], $0x50  }
.Ltmp1:
0x3c: {  	[sflag:s11] =	ssyncset.done $0x0;
	(pc) =	sbr.rel @p0 .LBB2_4-.Ltmp1, $4  }
0x3d: {  	[sflag:s11] =	ssyncadd.s32 $0xFFFFFFB0  }
0x3e: {  	[spmem:s2] =	stream.indirect.scatter.add.f32 [tilespmem:s13], [sflag:$0x2], $0x60, s12, s12, $0xb8;
	[tilespmem:$0x1F600] =	vst v63  }
0x3f: {  	_ =	swait.ge [sflag:s11], $0x1E00  }
0x40: {  	s19 =	smov.u32 s22;
	[sflag:s11] =	ssyncset.done $0x0  }
0x41: {  	s19 =	sadd.s32 s18, s9;
	[sflag:s11] =	ssyncadd.s32 $0xFFFFE200  }
0x42: {  	[tilespmem:s3], [sflag:$0x2] =	stream.linear.gather [hbm4b:s19+s3], $0x50, $0x38;
	[tilespmem:$0x1F600] =	vst v63  }
0x43: {  	_ =	swait.ge [sflag:s11], $0x50  }
0x44: {  	[sflag:s11] =	ssyncset.done $0x0  }
0x45: {  	[sflag:s11] =	ssyncadd.s32 $0xFFFFFFB0  }
0x46: {  	[tilespmem:s13], [sflag:$0x1] =	stream.indirect.gather [hbm4b:s4+s12], $0x60, s3, s12, $0xb8;
	[tilespmem:$0x1F600] =	vst v63  }
0x47: {  	_ =	swait.ge [sflag:s14], $0x1E00  }
0x48: {  	[sflag:s14] =	ssyncset.done $0x0  }
0x49: {  	s31 =	sadd.s32 s18, s8;
	[sflag:s14] =	ssyncadd.s32 $0xFFFFE200  }
0x4a: {  	[tilespmem:s12], [sflag:$0x2] =	stream.linear.gather [hbm4b:s31+s3], $0x50, $0x38;
	[tilespmem:$0x1F600] =	vst v63  }
0x4b: {  	_ =	swait.ge [sflag:s11], $0x50  }
0x4c: {  	[sflag:s11] =	ssyncset.done $0x0  }
0x4d: {  	[sflag:s11] =	ssyncadd.s32 $0xFFFFFFB0  }
0x4e: {  	[spmem:s2] =	stream.indirect.scatter.add.f32 [tilespmem:s13], [sflag:$0x2], $0x60, s12, s12, $0xb8;
	[tilespmem:$0x1F600] =	vst v63  }
0x4f: {  	_ =	swait.ge [sflag:s11], $0x1E00  }
0x50: {  	s17 =	sadd.s32 $0x1, s17;
	[sflag:s11] =	ssyncset.done $0x0  }
0x51: {  	p0 =	sne.s32 s17, s7;
	[sflag:s11] =	ssyncadd.s32 $0xFFFFE200  }
.Ltmp2:
0x52: {  	[bflag:$0x0] =	sbarrier.arrive $0xFFFF;
	(pc) =	sbr.rel @p0 .LBB2_1-.Ltmp2, $4  }
0x53: {  	[hbm:s6], [sflag:s15] =	dma.local [spmem:s16], $0x1DA0  }
0x54: {  	_ =	swait.ge [sflag:s11], $0x1DA0  }
0x55: {  	[sflag:s11] =	ssyncset.done $0x0  }
0x56: {  	[sflag:s11] =	ssyncadd.s32 $0xFFFFE260  }
0x57: {  	_ =	sfence.sel $0x180000  }
0x58: {  	[bflag:$0x0] =	sbarrier.arrive $0xFFFF  }
0x59: {  	p0 =	sne.s32 s0, $0x0;
	_ =	strace $0x9000004A  }
0x5a: {  	s0 =	sadd.s32 @!p0 $0x100000, s1;
	[bflag:$0x2] =	sbarrier.arrive $0xFFFF  }
0x5b: {  	[sflag:s0] =	ssyncadd.tile.s32 @!p0 $0x1;
	_ =	shalt  }
.Lfunc_end2:
_tile_overlayer_lowered:
.L_overlay_start_2:
0x5c: {  	(tag) =	ssettag $0x2  }
0x5d: {  	s0 =	rddreg [dreg:$0x0];
	s2 =	stileid.u32  }
0x5e: {  	s1 =	rddreg [dreg:$0x1];
	p0 =	sne.s32 s2, $0x0  }
0x5f: {  	s3 =	rddreg [dreg:$0x2];
	[bflag:$0x3] =	sbarrier.arrive $0xFFFF;
	s2 =	simm.s32 @!p0 $0x1C02  }
0x60: {  	[timem:s3], [sflag:s2] =	dma.local @!p0 [hbm:s0], s1  }
0x61: {  	s0 =	simm.s32 @!p0 $0x2  }
0x62: {  	_ =	swait.ge @!p0 [sflag:s0], s1  }
0x63: {  	s1 =	ssub.s32 @!p0 $0x0, s1;
	[sflag:s0] =	ssyncset.done @!p0 $0x0  }
0x64: {  	[sflag:s0] =	ssyncadd.s32 @!p0 s1  }
0x65: {  	[bflag:$0x3] =	sbarrier.arrive $0xFFFF  }
0x66: {  	_ =	shalt  }

// kernel: kernel.40.cloned.1.call-start
scs
__scs_entry_jumppad:
0x0: {  	(pc) =	sbr.rel $0x88, $3  }
0x1: {  	(tag) =	ssettag $0x0;
	lr =	simm.s32 $0x1  }
0x2: {  	[smem:$0x3F95] =	sst lr;
	_ =	strace $0xD0000000  }
0x3: {  	_ = 	snop  }
0x4: {  	_ = 	snop  }
0x5: {  	_ = 	snop  }
0x6: {  	_ = 	snop  }
0x7: {  	_ = 	snop  }
__scs_overlays_trampoline_lowered:
0x8: {  	[smem:$0x3FA4] =	sst s0  }
0x9: {  	[smem:$0x3FA5] =	sst s1  }
0xa: {  	[smem:$0x3FA6] =	sst s2  }
0xb: {  	[smem:$0x3FA7] =	sst s3  }
0xc: {  	[smem:$0x3FA8] =	sst s4  }
0xd: {  	[smem:$0x3FA9] =	sst s5  }
0xe: {  	[smem:$0x3FAA] =	sst s6  }
0xf: {  	[smem:$0x3FAB] =	sst s7  }
0x10: {  	[smem:$0x3FAC] =	sst s8  }
0x11: {  	[smem:$0x3FAD] =	sst s9;
	s0 =	simm.s32 @!p0 $0x0  }
0x12: {  	s1 =	sld [smem:$0x3F93];
	s0 =	simm.s32 @p0 $0x1  }
0x13: {  	[smem:$0x3FAE] =	sst s0;
	s0 =	simm.s32 @!p1 $0x0  }
0x14: {  	s2 =	sld [smem:$0x3F92];
	s0 =	simm.s32 @p1 $0x1  }
0x15: {  	[smem:$0x3FAF] =	sst s0;
	s0 =	simm.s32 @!p2 $0x0  }
0x16: {  	s3 =	sld [smem:$0x3FDB];
	s0 =	simm.s32 @p2 $0x1  }
0x17: {  	s4 =	simm.s32 $0x1BF5;
	[smem:$0x3FB1] =	sst s0  }
0x18: {  	s0 =	sld [smem:$0x3F94];
	_ =	swait.ge [sflag:s4], $0x0  }
0x19: {  	s7 =	sld [smem:$0x3F95]  }
0x1a: {  	s8 =	sadd.s32 $0xFFFFE003, lr  }
0x1b: {  	s9 =	sadd.s32 $0xFFFFFEF7, lr;
	s5 =	simm.s32 $0xFFFFFFFF;
	p2 =	slt.u32 s8, $0xFFFFF086  }
0x1c: {  	p1 =	slt.u32 s9, $0xF7A;
	s5 =	simm.s32 @!p2 $0x0  }
0x1d: {  	s5 =	simm.s32 @p1 $0x1;
	p0 =	seq.s32 s7, s2  }
0x1e: {  	s7 =	smul.u32 @!p0 $0xF7A, s2;
	p2 =	seq.s32 @!p0 s5, $0x0  }
0x1f: {  	s9 =	smul.u32 $0xF7A, s1;
	s8 =	simm.s32 @!p0 $0x1BF5;
	p2 =	por !p2, p0  }
0x20: {  	[sflag:s8] =	ssyncset.s32 @!p0 $0xFFFFF086;
	s6 =	sadd.s32 @!p0 s3, s7;
	s7 =	simm.s32 @!p0 $0x108  }
0x21: {  	s3 =	sadd.s32 s3, s9;
	s6 =	sadd.s32 @!p0 $0x88, s6;
	s7 =	simm.s32 @p2 $0x1082  }
0x22: {  	[simem:s7], [sflag:s8] =	dma.local @!p0 [hbm:s6], $0xF7A  }
0x23: {  	s9 =	sor.u32 $0xD0000000, s2;
	s6 =	simm.s32 $0x108;
	_ =	swait.ge @!p0 [sflag:s8], $0x0  }
0x24: {  	s3 =	sadd.s32 $0x88, s3;
	s6 =	simm.s32 @!p1 $0x1082;
	[sflag:s4] =	ssyncset.s32 $0xFFFFF086  }
0x25: {  	[simem:s6], [sflag:s4] =	dma.local [hbm:s3], $0xF7A  }
0x26: {  	[smem:$0x3F95] =	sst s1;
	(tag) =	ssettag s2;
	_ =	strace s9  }
0x27: {  	s1 =	sld [smem:$0x3FA5]  }
0x28: {  	s2 =	sld [smem:$0x3FA6]  }
0x29: {  	s4 =	sld [smem:$0x3FA8]  }
0x2a: {  	p0 =	seq.s32 s5, $0x0;
	s5 =	sld [smem:$0x3FA9]  }
0x2b: {  	s6 =	sld [smem:$0x3FAA]  }
0x2c: {  	s7 =	sld [smem:$0x3FAB]  }
0x2d: {  	s3 =	simm.s32 $0x108;
	s8 =	sld [smem:$0x3FAC]  }
0x2e: {  	s3 =	simm.s32 @!p0 $0x1082;
	s9 =	sld [smem:$0x3FAD]  }
0x2f: {  	lr =	sadd.s32 s0, s3;
	s0 =	sld [smem:$0x3FA4]  }
0x30: {  	s3 =	sld [smem:$0x3FA7]  }
0x31: {  	[smem:$0x3FB0] =	sst s10  }
0x32: {  	s10 =	sld [smem:$0x3FAE];
	_ =	sdelay $0x3  }
0x33: {  	p0 =	seq.s32 s10, $0x1;
	s10 =	sld [smem:$0x3FB0];
	_ =	sdelay $0x3  }
0x34: {  	[smem:$0x3FB0] =	sst s10  }
0x35: {  	s10 =	sld [smem:$0x3FAF];
	_ =	sdelay $0x3  }
0x36: {  	p1 =	seq.s32 s10, $0x1;
	s10 =	sld [smem:$0x3FB0];
	_ =	sdelay $0x3  }
0x37: {  	[smem:$0x3FB0] =	sst s10  }
0x38: {  	s10 =	sld [smem:$0x3FB1]  }
0x39: {  	_ = 	snop;
	(pc) =	sbr.ind lr, $3  }
0x3a: {  	_ = 	snop  }
0x3b: {  	_ = 	snop  }
0x3c: {  	p2 =	seq.s32 s10, $0x1;
	s10 =	sld [smem:$0x3FB0]  }
0x3d: {  	_ =	shalt  }
0x3e: {  	_ =	shalt  }
0x3f: {  	_ =	shalt  }
0x40: {  	_ =	shalt  }
0x41: {  	_ =	shalt  }
0x42: {  	_ =	shalt  }
0x43: {  	_ =	shalt  }
0x44: {  	_ =	shalt  }
0x45: {  	_ =	shalt  }
0x46: {  	_ =	shalt  }
0x47: {  	_ =	shalt  }
0x48: {  	_ =	shalt  }
0x49: {  	_ =	shalt  }
0x4a: {  	_ =	shalt  }
0x4b: {  	_ =	shalt  }
0x4c: {  	_ =	shalt  }
0x4d: {  	_ =	shalt  }
0x4e: {  	_ =	shalt  }
0x4f: {  	_ =	shalt  }
0x50: {  	_ =	shalt  }
0x51: {  	_ =	shalt  }
0x52: {  	_ =	shalt  }
0x53: {  	_ =	shalt  }
0x54: {  	_ =	shalt  }
0x55: {  	_ =	shalt  }
0x56: {  	_ =	shalt  }
0x57: {  	_ =	shalt  }
0x58: {  	_ =	shalt  }
0x59: {  	_ =	shalt  }
0x5a: {  	_ =	shalt  }
0x5b: {  	_ =	shalt  }
0x5c: {  	_ =	shalt  }
0x5d: {  	_ =	shalt  }
0x5e: {  	_ =	shalt  }
0x5f: {  	_ =	shalt  }
0x60: {  	_ =	shalt  }
0x61: {  	_ =	shalt  }
0x62: {  	_ =	shalt  }
0x63: {  	_ =	shalt  }
0x64: {  	_ =	shalt  }
0x65: {  	_ =	shalt  }
0x66: {  	_ =	shalt  }
0x67: {  	_ =	shalt  }
0x68: {  	_ =	shalt  }
0x69: {  	_ =	shalt  }
0x6a: {  	_ =	shalt  }
0x6b: {  	_ =	shalt  }
0x6c: {  	_ =	shalt  }
0x6d: {  	_ =	shalt  }
0x6e: {  	_ =	shalt  }
0x6f: {  	_ =	shalt  }
0x70: {  	_ =	shalt  }
0x71: {  	_ =	shalt  }
0x72: {  	_ =	shalt  }
0x73: {  	_ =	shalt  }
0x74: {  	_ =	shalt  }
0x75: {  	_ =	shalt  }
0x76: {  	_ =	shalt  }
0x77: {  	_ =	shalt  }
0x78: {  	_ =	shalt  }
0x79: {  	_ =	shalt  }
0x7a: {  	_ =	shalt  }
0x7b: {  	_ =	shalt  }
0x7c: {  	_ =	shalt  }
0x7d: {  	_ =	shalt  }
0x7e: {  	_ =	shalt  }
0x7f: {  	_ =	shalt  }
0x80: {  	_ =	shalt  }
0x81: {  	_ =	shalt  }
0x82: {  	_ =	shalt  }
0x83: {  	_ =	shalt  }
0x84: {  	_ =	shalt  }
0x85: {  	_ =	shalt  }
0x86: {  	_ =	shalt  }
0x87: {  	_ =	shalt  }
.Lfunc_end0:
.L_simem_size_0:
called_computation.2_lowered:
.L_overlay_start_0:
0x88: {  	s2 =	sld [smem:$0x3FD9]  }
0x89: {  	s3 =	sld [smem:$0x3FFE];
	_ =	sdelay $0x1  }
0x8a: {  	s1 =	srdreg.scid  }
0x8b: {  	s0 =	sand.u32 $0x1, s1  }
0x8c: {  	s16 =	sshll.u32 s0, $0xA;
	s2 =	sadd.s32 s3, s2  }
0x8d: {  	s2 =	sadd.s32 s2, s16  }
0x8e: {  	[smem:$0x3FBC] =	sst s2  }
0x8f: {  	_ = 	snop  }
0x90: {  	(tm) =	ssettm $0x1  }
0x91: {  	s17 =	sld [smem:$0x3FFB];
	_ =	sdelay $0x3  }
0x92: {  	_ =	strace s17  }
0x93: {  	s2 =	sld [smem:$0x3FFC];
	_ =	sdelay $0x3  }
0x94: {  	_ =	strace s2  }
0x95: {  	s2 =	sld [smem:$0x3FFD];
	_ =	sdelay $0x3  }
0x96: {  	_ =	strace s2  }
0x97: {  	_ =	strace $0x8FFFFFFF  }
0x98: {  	s18 =	sld [smem:$0x3FDB];
	_ =	sdelay $0x1  }
0x99: {  	s19 =	simm.s32 $_scs_section_size  }
0x9a: {  	s4 =	simm.s32 $_size__tile_overlayer_lowered;
	s5 =	simm.s32 $_tile_overlayer_lowered  }
0x9b: {  	s22 =	simm.s32 $0x1BFF;
	s21 =	sshll.u32 s5, $0x1;
	s2 =	sadd.s32 s19, s18  }
0x9c: {  	s6 =	simm.s32 $0x0;
	s20 =	sshll.u32 s4, $0x1;
	s4 =	sadd.s32 s21, s2  }
0x9d: {  	[timem:s6], [sflag:s22] =	dma.local [hbm:s4], s20  }
0x9e: {  	_ =	swait.ge [sflag:s22], s20  }
0x9f: {  	s3 =	ssub.s32 $0x0, s20;
	[sflag:s22] =	ssyncset.done $0x0  }
0xa0: {  	[sflag:s22] =	ssyncadd.s32 s3;
	_ =	sdelay $0x1  }
0xa1: {  	s23 =	simm.s32 $0x1B8B  }
0xa2: {  	_ =	swait.ge [sflag:s23], $0x1  }
0xa3: {  	[sflag:s23] =	ssyncset.done $0x0  }
0xa4: {  	s25 =	simm.s32 $0x1B8E;
	s24 =	sld [smem:$0x3FFE];
	[sflag:s23] =	ssyncadd.s32 $0xFFFFFFFF  }
0xa5: {  	s26 =	simm.s32 $execute0_lowered;
	[smem:$0x3FD2] =	sst s25  }
0xa6: {  	s4 =	sshll.u32 s26, $0x1;
	_ =	strace $0x8000004C;
	[dreg:$0x1] =	wrdreg $0xFFFFFFFF  }
0xa7: {  	s28 =	simm.s32 $_size_execute0_lowered;
	s2 =	sadd.s32 s2, s4;
	[dreg:$0x0] =	wrdreg $0x0  }
0xa8: {  	s4 =	sshll.u32 s28, $0x1;
	[dreg:$0x2] =	wrdreg s2  }
0xa9: {  	[dreg:$0x3] =	wrdreg s4  }
0xaa: {  	[dreg:$0x4] =	wrdreg $0xC0  }
0xab: {  	_ =	task [dreg:s6], $0x5FFFF  }
0xac: {  	[dreg:$0x1] =	wrdreg $0xFFFFFFFF  }
0xad: {  	[dreg:$0x0] =	wrdreg $0x60  }
0xae: {  	[dreg:$0x2] =	wrdreg s24  }
0xaf: {  	[dreg:$0x3] =	wrdreg $0x86200  }
0xb0: {  	[dreg:$0x4] =	wrdreg $0x9  }
0xb1: {  	_ =	task.clear_ibuf [dreg:s6], $0x5FFFF;
	_ =	strace $0x9000004C  }
0xb2: {  	s29 =	simm.s32 $0x9;
	_ =	strace $0x8000004E  }
0xb3: {  	_ =	swait.ge [sflag:s29], $0x1  }
0xb4: {  	[sflag:s29] =	ssyncadd.s32 $0xFFFFFFFF  }
0xb5: {  	_ =	strace $0x9000004E  }
0xb6: {  	_ =	sfence  }
0xb7: {  	s30 =	sld [smem:$0x0];
	_ =	sdelay $0x2  }
0xb8: {  	s31 =	sshll.u32 s1, $0xD;
	s1 =	sshrl.u32 s1, $0x2  }
0xb9: {  	s3 =	sand.u32 $0x4000, s31;
	s1 =	sadd.s32 s1, s30  }
0xba: {  	s0 =	sor.u32 s3, s0;
	s1 =	sshll.u32 s1, $0x11  }
0xbb: {  	s0 =	sor.u32 s1, s0  }
0xbc: {  	s0 =	sadd.s32 $0x8F2B, s0  }
0xbd: {  	[sflag:s0] =	ssyncadd.remote.s32 $0x1  }
0xbe: {  	_ =	sfence.sel $0xFFFF  }
0xbf: {  	[dreg:$0x0] =	wrdreg $0xFFFFFFFF;
	(pc) =	sbr.abs _section_cstart, $3  }
0xc0: {  	[dreg:$0x1] =	wrdreg $0xFFFFFFFF  }
0xc1: {  	_ =	task.clear_ibuf [dreg:s6], $0x2FFFF;
	_ =	strace $0x9FFFFFFF  }
0xc2: {  	(tm) =	ssettm $0x7FFFFFFF  }
0xc3: {  	_ =	shalt  }
tec
execute0_lowered:
.L_overlay_start_1:
0x0: {  	(tag) =	ssettag $0x1  }
0x1: {  	s5 =	rddreg [dreg:$0x0]  }
0x2: {  	s0 =	srdreg.scid;
	s2 =	rddreg [dreg:$0x1]  }
0x3: {  	s1 =	rddreg [dreg:$0x2];
	s3 =	simm.s32 $0x0;
	s11 =	simm.s32 $0x2  }
0x4: {  	s12 =	simm.s32 $0x50;
	s13 =	simm.s32 $0xA0;
	s6 =	sand.u32 $0x1, s0  }
0x5: {  	s14 =	simm.s32 $0x1;
	s0 =	stileid.u32;
	s7 =	smul.u32 $0x27100, s6  }
0x6: {  	s17 =	simm.s32 $0x0;
	[smem:$0x7FF] =	sst s3;
	s8 =	smul.u32 $0x2710, s0  }
0x7: {  	s4 =	sadd.s32 $0x6FC00, s5;
	s9 =	smul.u32 $0x7680, s0;
	p0 =	seq.s32 s0, $0xF  }
0x8: {  	s10 =	smul.u32 $0x75300, s6;
	s6 =	ssub.s32 $0x2, s6;
	s15 =	sshll.u32 s0, $0x6  }
0x9: {  	_ =	strace $0x8000004D;
	s30 =	sshrl.u32 s6, $0x1;
	s15 =	sor.u32 $0x1C02, s15  }
0xa: {  	s9 =	simm.s32 @p0 $0x6DC80;
	s7 =	sadd.s32 s8, s7;
	s31 =	ssub.s32 s6, s30  }
0xb: {  	s26 =	sadd.s32 s10, s9;
	s7 =	sshrl.u32 s7, $0x3;
	s10 =	simm.s32 $0xFA0  }
0xc: {  	s8 =	sshrl.u32 s26, $0x3;
	s28 =	sadd.s32 s7, s5;
	s7 =	smax.u32 s31, $0x1  }
0xd: {  	s29 =	sadd.s32 s8, s5;
	s5 =	sadd.s32 s9, s2;
	s8 =	sadd.s32 $0xDC00, s28  }
0xe: {  	v0 =	vimm.f32 $0.0e+00;
	s9 =	sadd.s32 $0x17A00, s28;
	s6 =	sadd.s32 $0x7E800, s29;
	s16 =	sshrl.u32 s5, $0x3  }
.LBB2_1:
0xf: {  	s18 =	simm.s32 $0xC0;
	s19 =	simm.s32 $0x0  }
.LBB2_2:
0x10: {  	p0 =	sne.s32 s18, $0x1D940;
	[tilespmem:s19+$0xFC0] =	vst v0;
	s20 =	smov.u32 s18;
	s18 =	sadd.s32 $0xC0, s18  }
.Ltmp0:
0x11: {  	[tilespmem:s19+$0xFA0] =	vst v0;
	(pc) =	sbr.rel @p0 .LBB2_2-.Ltmp0, $2  }
0x12: {  	[tilespmem:s19+$0xFB0] =	vst v0;
	_ =	sdelay $0x2  }
0x13: {  	s19 =	sshra.s32 s20, $0x2  }
0x14: {  	[tilespmem:s19+$0xFC0] =	vst v0  }
0x15: {  	[tilespmem:s19+$0xFA0] =	vst v0  }
0x16: {  	[tilespmem:s19+$0xFB0] =	vst v0  }
0x17: {  	[spmem:s5] =	stream.linear.scatter [tilespmem:s10], [sflag:$0x2], $0x7680, $0x38;
	[tilespmem:$0xFB50] =	vst v63  }
0x18: {  	_ =	swait.ge [sflag:s11], $0x7680  }
0x19: {  	[sflag:s11] =	ssyncset.done $0x0  }
0x1a: {  	[sflag:s11] =	ssyncadd.s32 $0xFFFF8980  }
0x1b: {  	s18 =	sadd.s32 $0x0, s9;
	[bflag:$0x0] =	sbarrier.arrive $0xFFFF  }
0x1c: {  	[tilespmem:s3], [sflag:$0x2] =	stream.linear.gather [hbm4b:s18+s3], $0x50, $0x38;
	[tilespmem:$0xFB50] =	vst v63  }
0x1d: {  	_ =	swait.ge [sflag:s11], $0x50  }
0x1e: {  	[sflag:s11] =	ssyncset.done $0x0  }
0x1f: {  	[sflag:s11] =	ssyncadd.s32 $0xFFFFFFB0  }
0x20: {  	[tilespmem:s13], [sflag:$0x1] =	stream.indirect.gather [hbm4b:s4+s12], $0x30, s3, s12, $0xb8;
	[tilespmem:$0xFB50] =	vst v63  }
0x21: {  	_ =	swait.ge [sflag:s14], $0xF00  }
0x22: {  	[sflag:s14] =	ssyncset.done $0x0  }
0x23: {  	s31 =	sadd.s32 $0x0, s8;
	[sflag:s14] =	ssyncadd.s32 $0xFFFFF100  }
0x24: {  	[tilespmem:s12], [sflag:$0x2] =	stream.linear.gather [hbm4b:s31+s3], $0x50, $0x38;
	[tilespmem:$0xFB50] =	vst v63  }
0x25: {  	_ =	swait.ge [sflag:s11], $0x50  }
0x26: {  	[sflag:s11] =	ssyncset.done $0x0  }
0x27: {  	[sflag:s11] =	ssyncadd.s32 $0xFFFFFFB0  }
0x28: {  	[spmem:s2] =	stream.indirect.scatter.add.f32 [tilespmem:s13], [sflag:$0x2], $0x30, s12, s12, $0xb8;
	[tilespmem:$0xFB50] =	vst v63  }
0x29: {  	_ =	swait.ge [sflag:s11], $0xF00  }
0x2a: {  	s19 =	simm.s32 $0x14;
	s18 =	simm.s32 $0xA;
	[sflag:s11] =	ssyncset.done $0x0  }
.LBB2_4:
0x2b: {  	s20 =	sadd.s32 s18, s9  }
0x2c: {  	[sflag:s11] =	ssyncadd.s32 $0xFFFFF100;
	s21 =	smov.u32 s19;
	s22 =	sadd.s32 $0xA, s19  }
0x2d: {  	[tilespmem:s3], [sflag:$0x2] =	stream.linear.gather [hbm4b:s20+s3], $0x50, $0x38;
	[tilespmem:$0xFB50] =	vst v63  }
0x2e: {  	p0 =	sne.s32 s19, $0x4D8;
	_ =	swait.ge [sflag:s11], $0x50  }
0x2f: {  	[sflag:s11] =	ssyncset.done $0x0  }
0x30: {  	[sflag:s11] =	ssyncadd.s32 $0xFFFFFFB0  }
0x31: {  	[tilespmem:s13], [sflag:$0x1] =	stream.indirect.gather [hbm4b:s4+s12], $0x30, s3, s12, $0xb8;
	[tilespmem:$0xFB50] =	vst v63  }
0x32: {  	_ =	swait.ge [sflag:s14], $0xF00  }
0x33: {  	[sflag:s14] =	ssyncset.done $0x0  }
0x34: {  	s19 =	sadd.s32 s18, s8;
	s18 =	smov.u32 s21;
	[sflag:s14] =	ssyncadd.s32 $0xFFFFF100  }
0x35: {  	[tilespmem:s12], [sflag:$0x2] =	stream.linear.gather [hbm4b:s19+s3], $0x50, $0x38;
	[tilespmem:$0xFB50] =	vst v63  }
0x36: {  	_ =	swait.ge [sflag:s11], $0x50  }
.Ltmp1:
0x37: {  	[sflag:s11] =	ssyncset.done $0x0;
	(pc) =	sbr.rel @p0 .LBB2_4-.Ltmp1, $4  }
0x38: {  	[sflag:s11] =	ssyncadd.s32 $0xFFFFFFB0  }
0x39: {  	[spmem:s2] =	stream.indirect.scatter.add.f32 [tilespmem:s13], [sflag:$0x2], $0x30, s12, s12, $0xb8;
	[tilespmem:$0xFB50] =	vst v63  }
0x3a: {  	_ =	swait.ge [sflag:s11], $0xF00  }
0x3b: {  	s19 =	smov.u32 s22;
	[sflag:s11] =	ssyncset.done $0x0  }
0x3c: {  	s19 =	sadd.s32 s18, s9;
	[sflag:s11] =	ssyncadd.s32 $0xFFFFF100  }
0x3d: {  	[tilespmem:s3], [sflag:$0x2] =	stream.linear.gather [hbm4b:s19+s3], $0x50, $0x38;
	[tilespmem:$0xFB50] =	vst v63  }
0x3e: {  	_ =	swait.ge [sflag:s11], $0x50  }
0x3f: {  	[sflag:s11] =	ssyncset.done $0x0  }
0x40: {  	[sflag:s11] =	ssyncadd.s32 $0xFFFFFFB0  }
0x41: {  	[tilespmem:s13], [sflag:$0x1] =	stream.indirect.gather [hbm4b:s4+s12], $0x30, s3, s12, $0xb8;
	[tilespmem:$0xFB50] =	vst v63  }
0x42: {  	_ =	swait.ge [sflag:s14], $0xF00  }
0x43: {  	[sflag:s14] =	ssyncset.done $0x0  }
0x44: {  	s31 =	sadd.s32 s18, s8;
	[sflag:s14] =	ssyncadd.s32 $0xFFFFF100  }
0x45: {  	[tilespmem:s12], [sflag:$0x2] =	stream.linear.gather [hbm4b:s31+s3], $0x50, $0x38;
	[tilespmem:$0xFB50] =	vst v63  }
0x46: {  	_ =	swait.ge [sflag:s11], $0x50  }
0x47: {  	[sflag:s11] =	ssyncset.done $0x0  }
0x48: {  	[sflag:s11] =	ssyncadd.s32 $0xFFFFFFB0  }
0x49: {  	[spmem:s2] =	stream.indirect.scatter.add.f32 [tilespmem:s13], [sflag:$0x2], $0x30, s12, s12, $0xb8;
	[tilespmem:$0xFB50] =	vst v63  }
0x4a: {  	_ =	swait.ge [sflag:s11], $0xF00  }
0x4b: {  	s17 =	sadd.s32 $0x1, s17;
	[sflag:s11] =	ssyncset.done $0x0  }
0x4c: {  	p0 =	sne.s32 s17, s7;
	[sflag:s11] =	ssyncadd.s32 $0xFFFFF100  }
.Ltmp2:
0x4d: {  	[bflag:$0x0] =	sbarrier.arrive $0xFFFF;
	(pc) =	sbr.rel @p0 .LBB2_1-.Ltmp2, $4  }
0x4e: {  	[hbm:s6], [sflag:s15] =	dma.local [spmem:s16], $0xED0  }
0x4f: {  	_ =	swait.ge [sflag:s11], $0xED0  }
0x50: {  	[sflag:s11] =	ssyncset.done $0x0  }
0x51: {  	[sflag:s11] =	ssyncadd.s32 $0xFFFFF130  }
0x52: {  	_ =	sfence.sel $0x180000  }
0x53: {  	[bflag:$0x0] =	sbarrier.arrive $0xFFFF  }
0x54: {  	p0 =	sne.s32 s0, $0x0;
	_ =	strace $0x9000004D  }
0x55: {  	s0 =	sadd.s32 @!p0 $0x100000, s1;
	[bflag:$0x2] =	sbarrier.arrive $0xFFFF  }
0x56: {  	[sflag:s0] =	ssyncadd.tile.s32 @!p0 $0x1;
	_ =	shalt  }
.Lfunc_end2:
_tile_overlayer_lowered:
.L_overlay_start_2:
0x57: {  	(tag) =	ssettag $0x2  }
0x58: {  	s0 =	rddreg [dreg:$0x0];
	s2 =	stileid.u32  }
0x59: {  	s1 =	rddreg [dreg:$0x1];
	p0 =	sne.s32 s2, $0x0  }
0x5a: {  	s3 =	rddreg [dreg:$0x2];
	[bflag:$0x3] =	sbarrier.arrive $0xFFFF;
	s2 =	simm.s32 @!p0 $0x1C02  }
0x5b: {  	[timem:s3], [sflag:s2] =	dma.local @!p0 [hbm:s0], s1  }
0x5c: {  	s0 =	simm.s32 @!p0 $0x2  }
0x5d: {  	_ =	swait.ge @!p0 [sflag:s0], s1  }
0x5e: {  	s1 =	ssub.s32 @!p0 $0x0, s1;
	[sflag:s0] =	ssyncset.done @!p0 $0x0  }
0x5f: {  	[sflag:s0] =	ssyncadd.s32 @!p0 s1  }
0x60: {  	[bflag:$0x3] =	sbarrier.arrive $0xFFFF  }
0x61: {  	_ =	shalt  }

// kernel: kernel.43.cloned.1.call-start
scs
__scs_entry_jumppad:
0x0: {  	(pc) =	sbr.rel $0x88, $3  }
0x1: {  	(tag) =	ssettag $0x0;
	lr =	simm.s32 $0x1  }
0x2: {  	[smem:$0x3F95] =	sst lr;
	_ =	strace $0xD0000000  }
0x3: {  	_ = 	snop  }
0x4: {  	_ = 	snop  }
0x5: {  	_ = 	snop  }
0x6: {  	_ = 	snop  }
0x7: {  	_ = 	snop  }
__scs_overlays_trampoline_lowered:
0x8: {  	[smem:$0x3FA4] =	sst s0  }
0x9: {  	[smem:$0x3FA5] =	sst s1  }
0xa: {  	[smem:$0x3FA6] =	sst s2  }
0xb: {  	[smem:$0x3FA7] =	sst s3  }
0xc: {  	[smem:$0x3FA8] =	sst s4  }
0xd: {  	[smem:$0x3FA9] =	sst s5  }
0xe: {  	[smem:$0x3FAA] =	sst s6  }
0xf: {  	[smem:$0x3FAB] =	sst s7  }
0x10: {  	[smem:$0x3FAC] =	sst s8  }
0x11: {  	[smem:$0x3FAD] =	sst s9;
	s0 =	simm.s32 @!p0 $0x0  }
0x12: {  	s1 =	sld [smem:$0x3F93];
	s0 =	simm.s32 @p0 $0x1  }
0x13: {  	[smem:$0x3FAE] =	sst s0;
	s0 =	simm.s32 @!p1 $0x0  }
0x14: {  	s2 =	sld [smem:$0x3F92];
	s0 =	simm.s32 @p1 $0x1  }
0x15: {  	[smem:$0x3FAF] =	sst s0;
	s0 =	simm.s32 @!p2 $0x0  }
0x16: {  	s3 =	sld [smem:$0x3FDB];
	s0 =	simm.s32 @p2 $0x1  }
0x17: {  	s4 =	simm.s32 $0x1BF5;
	[smem:$0x3FB1] =	sst s0  }
0x18: {  	s0 =	sld [smem:$0x3F94];
	_ =	swait.ge [sflag:s4], $0x0  }
0x19: {  	s7 =	sld [smem:$0x3F95]  }
0x1a: {  	s8 =	sadd.s32 $0xFFFFE003, lr  }
0x1b: {  	s9 =	sadd.s32 $0xFFFFFEF7, lr;
	s5 =	simm.s32 $0xFFFFFFFF;
	p2 =	slt.u32 s8, $0xFFFFF086  }
0x1c: {  	p1 =	slt.u32 s9, $0xF7A;
	s5 =	simm.s32 @!p2 $0x0  }
0x1d: {  	s5 =	simm.s32 @p1 $0x1;
	p0 =	seq.s32 s7, s2  }
0x1e: {  	s7 =	smul.u32 @!p0 $0xF7A, s2;
	p2 =	seq.s32 @!p0 s5, $0x0  }
0x1f: {  	s9 =	smul.u32 $0xF7A, s1;
	s8 =	simm.s32 @!p0 $0x1BF5;
	p2 =	por !p2, p0  }
0x20: {  	[sflag:s8] =	ssyncset.s32 @!p0 $0xFFFFF086;
	s6 =	sadd.s32 @!p0 s3, s7;
	s7 =	simm.s32 @!p0 $0x108  }
0x21: {  	s3 =	sadd.s32 s3, s9;
	s6 =	sadd.s32 @!p0 $0x88, s6;
	s7 =	simm.s32 @p2 $0x1082  }
0x22: {  	[simem:s7], [sflag:s8] =	dma.local @!p0 [hbm:s6], $0xF7A  }
0x23: {  	s9 =	sor.u32 $0xD0000000, s2;
	s6 =	simm.s32 $0x108;
	_ =	swait.ge @!p0 [sflag:s8], $0x0  }
0x24: {  	s3 =	sadd.s32 $0x88, s3;
	s6 =	simm.s32 @!p1 $0x1082;
	[sflag:s4] =	ssyncset.s32 $0xFFFFF086  }
0x25: {  	[simem:s6], [sflag:s4] =	dma.local [hbm:s3], $0xF7A  }
0x26: {  	[smem:$0x3F95] =	sst s1;
	(tag) =	ssettag s2;
	_ =	strace s9  }
0x27: {  	s1 =	sld [smem:$0x3FA5]  }
0x28: {  	s2 =	sld [smem:$0x3FA6]  }
0x29: {  	s4 =	sld [smem:$0x3FA8]  }
0x2a: {  	p0 =	seq.s32 s5, $0x0;
	s5 =	sld [smem:$0x3FA9]  }
0x2b: {  	s6 =	sld [smem:$0x3FAA]  }
0x2c: {  	s7 =	sld [smem:$0x3FAB]  }
0x2d: {  	s3 =	simm.s32 $0x108;
	s8 =	sld [smem:$0x3FAC]  }
0x2e: {  	s3 =	simm.s32 @!p0 $0x1082;
	s9 =	sld [smem:$0x3FAD]  }
0x2f: {  	lr =	sadd.s32 s0, s3;
	s0 =	sld [smem:$0x3FA4]  }
0x30: {  	s3 =	sld [smem:$0x3FA7]  }
0x31: {  	[smem:$0x3FB0] =	sst s10  }
0x32: {  	s10 =	sld [smem:$0x3FAE];
	_ =	sdelay $0x3  }
0x33: {  	p0 =	seq.s32 s10, $0x1;
	s10 =	sld [smem:$0x3FB0];
	_ =	sdelay $0x3  }
0x34: {  	[smem:$0x3FB0] =	sst s10  }
0x35: {  	s10 =	sld [smem:$0x3FAF];
	_ =	sdelay $0x3  }
0x36: {  	p1 =	seq.s32 s10, $0x1;
	s10 =	sld [smem:$0x3FB0];
	_ =	sdelay $0x3  }
0x37: {  	[smem:$0x3FB0] =	sst s10  }
0x38: {  	s10 =	sld [smem:$0x3FB1]  }
0x39: {  	_ = 	snop;
	(pc) =	sbr.ind lr, $3  }
0x3a: {  	_ = 	snop  }
0x3b: {  	_ = 	snop  }
0x3c: {  	p2 =	seq.s32 s10, $0x1;
	s10 =	sld [smem:$0x3FB0]  }
0x3d: {  	_ =	shalt  }
0x3e: {  	_ =	shalt  }
0x3f: {  	_ =	shalt  }
0x40: {  	_ =	shalt  }
0x41: {  	_ =	shalt  }
0x42: {  	_ =	shalt  }
0x43: {  	_ =	shalt  }
0x44: {  	_ =	shalt  }
0x45: {  	_ =	shalt  }
0x46: {  	_ =	shalt  }
0x47: {  	_ =	shalt  }
0x48: {  	_ =	shalt  }
0x49: {  	_ =	shalt  }
0x4a: {  	_ =	shalt  }
0x4b: {  	_ =	shalt  }
0x4c: {  	_ =	shalt  }
0x4d: {  	_ =	shalt  }
0x4e: {  	_ =	shalt  }
0x4f: {  	_ =	shalt  }
0x50: {  	_ =	shalt  }
0x51: {  	_ =	shalt  }
0x52: {  	_ =	shalt  }
0x53: {  	_ =	shalt  }
0x54: {  	_ =	shalt  }
0x55: {  	_ =	shalt  }
0x56: {  	_ =	shalt  }
0x57: {  	_ =	shalt  }
0x58: {  	_ =	shalt  }
0x59: {  	_ =	shalt  }
0x5a: {  	_ =	shalt  }
0x5b: {  	_ =	shalt  }
0x5c: {  	_ =	shalt  }
0x5d: {  	_ =	shalt  }
0x5e: {  	_ =	shalt  }
0x5f: {  	_ =	shalt  }
0x60: {  	_ =	shalt  }
0x61: {  	_ =	shalt  }
0x62: {  	_ =	shalt  }
0x63: {  	_ =	shalt  }
0x64: {  	_ =	shalt  }
0x65: {  	_ =	shalt  }
0x66: {  	_ =	shalt  }
0x67: {  	_ =	shalt  }
0x68: {  	_ =	shalt  }
0x69: {  	_ =	shalt  }
0x6a: {  	_ =	shalt  }
0x6b: {  	_ =	shalt  }
0x6c: {  	_ =	shalt  }
0x6d: {  	_ =	shalt  }
0x6e: {  	_ =	shalt  }
0x6f: {  	_ =	shalt  }
0x70: {  	_ =	shalt  }
0x71: {  	_ =	shalt  }
0x72: {  	_ =	shalt  }
0x73: {  	_ =	shalt  }
0x74: {  	_ =	shalt  }
0x75: {  	_ =	shalt  }
0x76: {  	_ =	shalt  }
0x77: {  	_ =	shalt  }
0x78: {  	_ =	shalt  }
0x79: {  	_ =	shalt  }
0x7a: {  	_ =	shalt  }
0x7b: {  	_ =	shalt  }
0x7c: {  	_ =	shalt  }
0x7d: {  	_ =	shalt  }
0x7e: {  	_ =	shalt  }
0x7f: {  	_ =	shalt  }
0x80: {  	_ =	shalt  }
0x81: {  	_ =	shalt  }
0x82: {  	_ =	shalt  }
0x83: {  	_ =	shalt  }
0x84: {  	_ =	shalt  }
0x85: {  	_ =	shalt  }
0x86: {  	_ =	shalt  }
0x87: {  	_ =	shalt  }
.Lfunc_end0:
.L_simem_size_0:
called_computation.3_lowered:
.L_overlay_start_0:
0x88: {  	s2 =	sld [smem:$0x3FD9]  }
0x89: {  	s3 =	sld [smem:$0x3FFE];
	_ =	sdelay $0x1  }
0x8a: {  	s1 =	srdreg.scid  }
0x8b: {  	s0 =	sand.u32 $0x1, s1  }
0x8c: {  	s16 =	sshll.u32 s0, $0xA;
	s2 =	sadd.s32 s3, s2  }
0x8d: {  	s2 =	sadd.s32 s2, s16  }
0x8e: {  	[smem:$0x3FBC] =	sst s2  }
0x8f: {  	_ = 	snop  }
0x90: {  	(tm) =	ssettm $0x1  }
0x91: {  	s17 =	sld [smem:$0x3FFB];
	_ =	sdelay $0x3  }
0x92: {  	_ =	strace s17  }
0x93: {  	s2 =	sld [smem:$0x3FFC];
	_ =	sdelay $0x3  }
0x94: {  	_ =	strace s2  }
0x95: {  	s2 =	sld [smem:$0x3FFD];
	_ =	sdelay $0x3  }
0x96: {  	_ =	strace s2  }
0x97: {  	_ =	strace $0x8FFFFFFF  }
0x98: {  	s18 =	sld [smem:$0x3FDB];
	_ =	sdelay $0x1  }
0x99: {  	s19 =	simm.s32 $_scs_section_size  }
0x9a: {  	s4 =	simm.s32 $_size__tile_overlayer_lowered;
	s5 =	simm.s32 $_tile_overlayer_lowered  }
0x9b: {  	s22 =	simm.s32 $0x1BFF;
	s21 =	sshll.u32 s5, $0x1;
	s2 =	sadd.s32 s19, s18  }
0x9c: {  	s6 =	simm.s32 $0x0;
	s20 =	sshll.u32 s4, $0x1;
	s4 =	sadd.s32 s21, s2  }
0x9d: {  	[timem:s6], [sflag:s22] =	dma.local [hbm:s4], s20  }
0x9e: {  	_ =	swait.ge [sflag:s22], s20  }
0x9f: {  	s3 =	ssub.s32 $0x0, s20;
	[sflag:s22] =	ssyncset.done $0x0  }
0xa0: {  	[sflag:s22] =	ssyncadd.s32 s3;
	_ =	sdelay $0x1  }
0xa1: {  	s23 =	simm.s32 $0x1B8B  }
0xa2: {  	_ =	swait.ge [sflag:s23], $0x1  }
0xa3: {  	[sflag:s23] =	ssyncset.done $0x0  }
0xa4: {  	s25 =	simm.s32 $0x1B8E;
	s24 =	sld [smem:$0x3FFE];
	[sflag:s23] =	ssyncadd.s32 $0xFFFFFFFF  }
0xa5: {  	s26 =	simm.s32 $execute0_lowered;
	[smem:$0x3FD2] =	sst s25  }
0xa6: {  	s4 =	sshll.u32 s26, $0x1;
	_ =	strace $0x8000004F;
	[dreg:$0x1] =	wrdreg $0xFFFFFFFF  }
0xa7: {  	s28 =	simm.s32 $_size_execute0_lowered;
	s2 =	sadd.s32 s2, s4;
	[dreg:$0x0] =	wrdreg $0x0  }
0xa8: {  	s4 =	sshll.u32 s28, $0x1;
	[dreg:$0x2] =	wrdreg s2  }
0xa9: {  	[dreg:$0x3] =	wrdreg s4  }
0xaa: {  	[dreg:$0x4] =	wrdreg $0xC0  }
0xab: {  	_ =	task [dreg:s6], $0x5FFFF  }
0xac: {  	[dreg:$0x1] =	wrdreg $0xFFFFFFFF  }
0xad: {  	[dreg:$0x0] =	wrdreg $0x60  }
0xae: {  	[dreg:$0x2] =	wrdreg s24  }
0xaf: {  	[dreg:$0x3] =	wrdreg $0x86200  }
0xb0: {  	[dreg:$0x4] =	wrdreg $0x9  }
0xb1: {  	_ =	task.clear_ibuf [dreg:s6], $0x5FFFF;
	_ =	strace $0x9000004F  }
0xb2: {  	s29 =	simm.s32 $0x9;
	_ =	strace $0x80000051  }
0xb3: {  	_ =	swait.ge [sflag:s29], $0x1  }
0xb4: {  	[sflag:s29] =	ssyncadd.s32 $0xFFFFFFFF  }
0xb5: {  	_ =	strace $0x90000051  }
0xb6: {  	_ =	sfence  }
0xb7: {  	s30 =	sld [smem:$0x0];
	_ =	sdelay $0x2  }
0xb8: {  	s31 =	sshll.u32 s1, $0xD;
	s1 =	sshrl.u32 s1, $0x2  }
0xb9: {  	s3 =	sand.u32 $0x4000, s31;
	s1 =	sadd.s32 s1, s30  }
0xba: {  	s0 =	sor.u32 s3, s0;
	s1 =	sshll.u32 s1, $0x11  }
0xbb: {  	s0 =	sor.u32 s1, s0  }
0xbc: {  	s0 =	sadd.s32 $0x8F2B, s0  }
0xbd: {  	[sflag:s0] =	ssyncadd.remote.s32 $0x1  }
0xbe: {  	_ =	sfence.sel $0xFFFF  }
0xbf: {  	[dreg:$0x0] =	wrdreg $0xFFFFFFFF;
	(pc) =	sbr.abs _section_cstart, $3  }
0xc0: {  	[dreg:$0x1] =	wrdreg $0xFFFFFFFF  }
0xc1: {  	_ =	task.clear_ibuf [dreg:s6], $0x2FFFF;
	_ =	strace $0x9FFFFFFF  }
0xc2: {  	(tm) =	ssettm $0x7FFFFFFF  }
0xc3: {  	_ =	shalt  }
tec
execute0_lowered:
.L_overlay_start_1:
0x0: {  	(tag) =	ssettag $0x1  }
0x1: {  	s5 =	rddreg [dreg:$0x0]  }
0x2: {  	s0 =	srdreg.scid;
	s2 =	rddreg [dreg:$0x1]  }
0x3: {  	s1 =	rddreg [dreg:$0x2];
	s3 =	simm.s32 $0x0;
	s11 =	simm.s32 $0x2  }
0x4: {  	s12 =	simm.s32 $0x50;
	s13 =	simm.s32 $0xA0;
	s6 =	sand.u32 $0x1, s0  }
0x5: {  	s14 =	simm.s32 $0x1;
	s0 =	stileid.u32;
	s7 =	smul.u32 $0x27100, s6  }
0x6: {  	s17 =	simm.s32 $0x0;
	[smem:$0x7FF] =	sst s3;
	s8 =	smul.u32 $0x2710, s0  }
0x7: {  	s4 =	sadd.s32 $0x96E00, s5;
	s9 =	smul.u32 $0x7680, s0;
	p0 =	seq.s32 s0, $0xF  }
0x8: {  	s10 =	smul.u32 $0x75300, s6;
	s6 =	ssub.s32 $0x2, s6;
	s15 =	sshll.u32 s0, $0x6  }
0x9: {  	_ =	strace $0x80000050;
	s30 =	sshrl.u32 s6, $0x1;
	s15 =	sor.u32 $0x1C02, s15  }
0xa: {  	s9 =	simm.s32 @p0 $0x6DC80;
	s7 =	sadd.s32 s8, s7;
	s31 =	ssub.s32 s6, s30  }
0xb: {  	s26 =	sadd.s32 s10, s9;
	s7 =	sshrl.u32 s7, $0x3;
	s10 =	simm.s32 $0xFA0  }
0xc: {  	s8 =	sshrl.u32 s26, $0x3;
	s28 =	sadd.s32 s7, s5;
	s7 =	smax.u32 s31, $0x1  }
0xd: {  	s29 =	sadd.s32 s8, s5;
	s5 =	sadd.s32 s9, s2;
	s8 =	sadd.s32 $0xDC00, s28  }
0xe: {  	v0 =	vimm.f32 $0.0e+00;
	s9 =	sadd.s32 $0x17A00, s28;
	s6 =	sadd.s32 $0xA5A00, s29;
	s16 =	sshrl.u32 s5, $0x3  }
.LBB2_1:
0xf: {  	s18 =	simm.s32 $0xC0;
	s19 =	simm.s32 $0x0  }
.LBB2_2:
0x10: {  	p0 =	sne.s32 s18, $0x1D940;
	[tilespmem:s19+$0xFC0] =	vst v0;
	s20 =	smov.u32 s18;
	s18 =	sadd.s32 $0xC0, s18  }
.Ltmp0:
0x11: {  	[tilespmem:s19+$0xFA0] =	vst v0;
	(pc) =	sbr.rel @p0 .LBB2_2-.Ltmp0, $2  }
0x12: {  	[tilespmem:s19+$0xFB0] =	vst v0;
	_ =	sdelay $0x2  }
0x13: {  	s19 =	sshra.s32 s20, $0x2  }
0x14: {  	[tilespmem:s19+$0xFC0] =	vst v0  }
0x15: {  	[tilespmem:s19+$0xFA0] =	vst v0  }
0x16: {  	[tilespmem:s19+$0xFB0] =	vst v0  }
0x17: {  	[spmem:s5] =	stream.linear.scatter [tilespmem:s10], [sflag:$0x2], $0x7680, $0x38;
	[tilespmem:$0xFB50] =	vst v63  }
0x18: {  	_ =	swait.ge [sflag:s11], $0x7680  }
0x19: {  	[sflag:s11] =	ssyncset.done $0x0  }
0x1a: {  	[sflag:s11] =	ssyncadd.s32 $0xFFFF8980  }
0x1b: {  	s18 =	sadd.s32 $0x0, s9;
	[bflag:$0x0] =	sbarrier.arrive $0xFFFF  }
0x1c: {  	[tilespmem:s3], [sflag:$0x2] =	stream.linear.gather [hbm4b:s18+s3], $0x50, $0x38;
	[tilespmem:$0xFB50] =	vst v63  }
0x1d: {  	_ =	swait.ge [sflag:s11], $0x50  }
0x1e: {  	[sflag:s11] =	ssyncset.done $0x0  }
0x1f: {  	[sflag:s11] =	ssyncadd.s32 $0xFFFFFFB0  }
0x20: {  	[tilespmem:s13], [sflag:$0x1] =	stream.indirect.gather [hbm4b:s4+s12], $0x30, s3, s12, $0xb8;
	[tilespmem:$0xFB50] =	vst v63  }
0x21: {  	_ =	swait.ge [sflag:s14], $0xF00  }
0x22: {  	[sflag:s14] =	ssyncset.done $0x0  }
0x23: {  	s31 =	sadd.s32 $0x0, s8;
	[sflag:s14] =	ssyncadd.s32 $0xFFFFF100  }
0x24: {  	[tilespmem:s12], [sflag:$0x2] =	stream.linear.gather [hbm4b:s31+s3], $0x50, $0x38;
	[tilespmem:$0xFB50] =	vst v63  }
0x25: {  	_ =	swait.ge [sflag:s11], $0x50  }
0x26: {  	[sflag:s11] =	ssyncset.done $0x0  }
0x27: {  	[sflag:s11] =	ssyncadd.s32 $0xFFFFFFB0  }
0x28: {  	[spmem:s2] =	stream.indirect.scatter.add.f32 [tilespmem:s13], [sflag:$0x2], $0x30, s12, s12, $0xb8;
	[tilespmem:$0xFB50] =	vst v63  }
0x29: {  	_ =	swait.ge [sflag:s11], $0xF00  }
0x2a: {  	s19 =	simm.s32 $0x14;
	s18 =	simm.s32 $0xA;
	[sflag:s11] =	ssyncset.done $0x0  }
.LBB2_4:
0x2b: {  	s20 =	sadd.s32 s18, s9  }
0x2c: {  	[sflag:s11] =	ssyncadd.s32 $0xFFFFF100;
	s21 =	smov.u32 s19;
	s22 =	sadd.s32 $0xA, s19  }
0x2d: {  	[tilespmem:s3], [sflag:$0x2] =	stream.linear.gather [hbm4b:s20+s3], $0x50, $0x38;
	[tilespmem:$0xFB50] =	vst v63  }
0x2e: {  	p0 =	sne.s32 s19, $0x4D8;
	_ =	swait.ge [sflag:s11], $0x50  }
0x2f: {  	[sflag:s11] =	ssyncset.done $0x0  }
0x30: {  	[sflag:s11] =	ssyncadd.s32 $0xFFFFFFB0  }
0x31: {  	[tilespmem:s13], [sflag:$0x1] =	stream.indirect.gather [hbm4b:s4+s12], $0x30, s3, s12, $0xb8;
	[tilespmem:$0xFB50] =	vst v63  }
0x32: {  	_ =	swait.ge [sflag:s14], $0xF00  }
0x33: {  	[sflag:s14] =	ssyncset.done $0x0  }
0x34: {  	s19 =	sadd.s32 s18, s8;
	s18 =	smov.u32 s21;
	[sflag:s14] =	ssyncadd.s32 $0xFFFFF100  }
0x35: {  	[tilespmem:s12], [sflag:$0x2] =	stream.linear.gather [hbm4b:s19+s3], $0x50, $0x38;
	[tilespmem:$0xFB50] =	vst v63  }
0x36: {  	_ =	swait.ge [sflag:s11], $0x50  }
.Ltmp1:
0x37: {  	[sflag:s11] =	ssyncset.done $0x0;
	(pc) =	sbr.rel @p0 .LBB2_4-.Ltmp1, $4  }
0x38: {  	[sflag:s11] =	ssyncadd.s32 $0xFFFFFFB0  }
0x39: {  	[spmem:s2] =	stream.indirect.scatter.add.f32 [tilespmem:s13], [sflag:$0x2], $0x30, s12, s12, $0xb8;
	[tilespmem:$0xFB50] =	vst v63  }
0x3a: {  	_ =	swait.ge [sflag:s11], $0xF00  }
0x3b: {  	s19 =	smov.u32 s22;
	[sflag:s11] =	ssyncset.done $0x0  }
0x3c: {  	s19 =	sadd.s32 s18, s9;
	[sflag:s11] =	ssyncadd.s32 $0xFFFFF100  }
0x3d: {  	[tilespmem:s3], [sflag:$0x2] =	stream.linear.gather [hbm4b:s19+s3], $0x50, $0x38;
	[tilespmem:$0xFB50] =	vst v63  }
0x3e: {  	_ =	swait.ge [sflag:s11], $0x50  }
0x3f: {  	[sflag:s11] =	ssyncset.done $0x0  }
0x40: {  	[sflag:s11] =	ssyncadd.s32 $0xFFFFFFB0  }
0x41: {  	[tilespmem:s13], [sflag:$0x1] =	stream.indirect.gather [hbm4b:s4+s12], $0x30, s3, s12, $0xb8;
	[tilespmem:$0xFB50] =	vst v63  }
0x42: {  	_ =	swait.ge [sflag:s14], $0xF00  }
0x43: {  	[sflag:s14] =	ssyncset.done $0x0  }
0x44: {  	s31 =	sadd.s32 s18, s8;
	[sflag:s14] =	ssyncadd.s32 $0xFFFFF100  }
0x45: {  	[tilespmem:s12], [sflag:$0x2] =	stream.linear.gather [hbm4b:s31+s3], $0x50, $0x38;
	[tilespmem:$0xFB50] =	vst v63  }
0x46: {  	_ =	swait.ge [sflag:s11], $0x50  }
0x47: {  	[sflag:s11] =	ssyncset.done $0x0  }
0x48: {  	[sflag:s11] =	ssyncadd.s32 $0xFFFFFFB0  }
0x49: {  	[spmem:s2] =	stream.indirect.scatter.add.f32 [tilespmem:s13], [sflag:$0x2], $0x30, s12, s12, $0xb8;
	[tilespmem:$0xFB50] =	vst v63  }
0x4a: {  	_ =	swait.ge [sflag:s11], $0xF00  }
0x4b: {  	s17 =	sadd.s32 $0x1, s17;
	[sflag:s11] =	ssyncset.done $0x0  }
0x4c: {  	p0 =	sne.s32 s17, s7;
	[sflag:s11] =	ssyncadd.s32 $0xFFFFF100  }
.Ltmp2:
0x4d: {  	[bflag:$0x0] =	sbarrier.arrive $0xFFFF;
	(pc) =	sbr.rel @p0 .LBB2_1-.Ltmp2, $4  }
0x4e: {  	[hbm:s6], [sflag:s15] =	dma.local [spmem:s16], $0xED0  }
0x4f: {  	_ =	swait.ge [sflag:s11], $0xED0  }
0x50: {  	[sflag:s11] =	ssyncset.done $0x0  }
0x51: {  	[sflag:s11] =	ssyncadd.s32 $0xFFFFF130  }
0x52: {  	_ =	sfence.sel $0x180000  }
0x53: {  	[bflag:$0x0] =	sbarrier.arrive $0xFFFF  }
0x54: {  	p0 =	sne.s32 s0, $0x0;
	_ =	strace $0x90000050  }
0x55: {  	s0 =	sadd.s32 @!p0 $0x100000, s1;
	[bflag:$0x2] =	sbarrier.arrive $0xFFFF  }
0x56: {  	[sflag:s0] =	ssyncadd.tile.s32 @!p0 $0x1;
	_ =	shalt  }
.Lfunc_end2:
_tile_overlayer_lowered:
.L_overlay_start_2:
0x57: {  	(tag) =	ssettag $0x2  }
0x58: {  	s0 =	rddreg [dreg:$0x0];
	s2 =	stileid.u32  }
0x59: {  	s1 =	rddreg [dreg:$0x1];
	p0 =	sne.s32 s2, $0x0  }
0x5a: {  	s3 =	rddreg [dreg:$0x2];
	[bflag:$0x3] =	sbarrier.arrive $0xFFFF;
	s2 =	simm.s32 @!p0 $0x1C02  }
0x5b: {  	[timem:s3], [sflag:s2] =	dma.local @!p0 [hbm:s0], s1  }
0x5c: {  	s0 =	simm.s32 @!p0 $0x2  }
0x5d: {  	_ =	swait.ge @!p0 [sflag:s0], s1  }
0x5e: {  	s1 =	ssub.s32 @!p0 $0x0, s1;
	[sflag:s0] =	ssyncset.done @!p0 $0x0  }
0x5f: {  	[sflag:s0] =	ssyncadd.s32 @!p0 s1  }
0x60: {  	[bflag:$0x3] =	sbarrier.arrive $0xFFFF  }
0x61: {  	_ =	shalt  }

// kernel: kernel.46.cloned.1.call-start
scs
__scs_entry_jumppad:
0x0: {  	(pc) =	sbr.rel $0x88, $3  }
0x1: {  	(tag) =	ssettag $0x0;
	lr =	simm.s32 $0x1  }
0x2: {  	[smem:$0x3F95] =	sst lr;
	_ =	strace $0xD0000000  }
0x3: {  	_ = 	snop  }
0x4: {  	_ = 	snop  }
0x5: {  	_ = 	snop  }
0x6: {  	_ = 	snop  }
0x7: {  	_ = 	snop  }
__scs_overlays_trampoline_lowered:
0x8: {  	[smem:$0x3FA4] =	sst s0  }
0x9: {  	[smem:$0x3FA5] =	sst s1  }
0xa: {  	[smem:$0x3FA6] =	sst s2  }
0xb: {  	[smem:$0x3FA7] =	sst s3  }
0xc: {  	[smem:$0x3FA8] =	sst s4  }
0xd: {  	[smem:$0x3FA9] =	sst s5  }
0xe: {  	[smem:$0x3FAA] =	sst s6  }
0xf: {  	[smem:$0x3FAB] =	sst s7  }
0x10: {  	[smem:$0x3FAC] =	sst s8  }
0x11: {  	[smem:$0x3FAD] =	sst s9;
	s0 =	simm.s32 @!p0 $0x0  }
0x12: {  	s1 =	sld [smem:$0x3F93];
	s0 =	simm.s32 @p0 $0x1  }
0x13: {  	[smem:$0x3FAE] =	sst s0;
	s0 =	simm.s32 @!p1 $0x0  }
0x14: {  	s2 =	sld [smem:$0x3F92];
	s0 =	simm.s32 @p1 $0x1  }
0x15: {  	[smem:$0x3FAF] =	sst s0;
	s0 =	simm.s32 @!p2 $0x0  }
0x16: {  	s3 =	sld [smem:$0x3FDB];
	s0 =	simm.s32 @p2 $0x1  }
0x17: {  	s4 =	simm.s32 $0x1BF5;
	[smem:$0x3FB1] =	sst s0  }
0x18: {  	s0 =	sld [smem:$0x3F94];
	_ =	swait.ge [sflag:s4], $0x0  }
0x19: {  	s7 =	sld [smem:$0x3F95]  }
0x1a: {  	s8 =	sadd.s32 $0xFFFFE003, lr  }
0x1b: {  	s9 =	sadd.s32 $0xFFFFFEF7, lr;
	s5 =	simm.s32 $0xFFFFFFFF;
	p2 =	slt.u32 s8, $0xFFFFF086  }
0x1c: {  	p1 =	slt.u32 s9, $0xF7A;
	s5 =	simm.s32 @!p2 $0x0  }
0x1d: {  	s5 =	simm.s32 @p1 $0x1;
	p0 =	seq.s32 s7, s2  }
0x1e: {  	s7 =	smul.u32 @!p0 $0xF7A, s2;
	p2 =	seq.s32 @!p0 s5, $0x0  }
0x1f: {  	s9 =	smul.u32 $0xF7A, s1;
	s8 =	simm.s32 @!p0 $0x1BF5;
	p2 =	por !p2, p0  }
0x20: {  	[sflag:s8] =	ssyncset.s32 @!p0 $0xFFFFF086;
	s6 =	sadd.s32 @!p0 s3, s7;
	s7 =	simm.s32 @!p0 $0x108  }
0x21: {  	s3 =	sadd.s32 s3, s9;
	s6 =	sadd.s32 @!p0 $0x88, s6;
	s7 =	simm.s32 @p2 $0x1082  }
0x22: {  	[simem:s7], [sflag:s8] =	dma.local @!p0 [hbm:s6], $0xF7A  }
0x23: {  	s9 =	sor.u32 $0xD0000000, s2;
	s6 =	simm.s32 $0x108;
	_ =	swait.ge @!p0 [sflag:s8], $0x0  }
0x24: {  	s3 =	sadd.s32 $0x88, s3;
	s6 =	simm.s32 @!p1 $0x1082;
	[sflag:s4] =	ssyncset.s32 $0xFFFFF086  }
0x25: {  	[simem:s6], [sflag:s4] =	dma.local [hbm:s3], $0xF7A  }
0x26: {  	[smem:$0x3F95] =	sst s1;
	(tag) =	ssettag s2;
	_ =	strace s9  }
0x27: {  	s1 =	sld [smem:$0x3FA5]  }
0x28: {  	s2 =	sld [smem:$0x3FA6]  }
0x29: {  	s4 =	sld [smem:$0x3FA8]  }
0x2a: {  	p0 =	seq.s32 s5, $0x0;
	s5 =	sld [smem:$0x3FA9]  }
0x2b: {  	s6 =	sld [smem:$0x3FAA]  }
0x2c: {  	s7 =	sld [smem:$0x3FAB]  }
0x2d: {  	s3 =	simm.s32 $0x108;
	s8 =	sld [smem:$0x3FAC]  }
0x2e: {  	s3 =	simm.s32 @!p0 $0x1082;
	s9 =	sld [smem:$0x3FAD]  }
0x2f: {  	lr =	sadd.s32 s0, s3;
	s0 =	sld [smem:$0x3FA4]  }
0x30: {  	s3 =	sld [smem:$0x3FA7]  }
0x31: {  	[smem:$0x3FB0] =	sst s10  }
0x32: {  	s10 =	sld [smem:$0x3FAE];
	_ =	sdelay $0x3  }
0x33: {  	p0 =	seq.s32 s10, $0x1;
	s10 =	sld [smem:$0x3FB0];
	_ =	sdelay $0x3  }
0x34: {  	[smem:$0x3FB0] =	sst s10  }
0x35: {  	s10 =	sld [smem:$0x3FAF];
	_ =	sdelay $0x3  }
0x36: {  	p1 =	seq.s32 s10, $0x1;
	s10 =	sld [smem:$0x3FB0];
	_ =	sdelay $0x3  }
0x37: {  	[smem:$0x3FB0] =	sst s10  }
0x38: {  	s10 =	sld [smem:$0x3FB1]  }
0x39: {  	_ = 	snop;
	(pc) =	sbr.ind lr, $3  }
0x3a: {  	_ = 	snop  }
0x3b: {  	_ = 	snop  }
0x3c: {  	p2 =	seq.s32 s10, $0x1;
	s10 =	sld [smem:$0x3FB0]  }
0x3d: {  	_ =	shalt  }
0x3e: {  	_ =	shalt  }
0x3f: {  	_ =	shalt  }
0x40: {  	_ =	shalt  }
0x41: {  	_ =	shalt  }
0x42: {  	_ =	shalt  }
0x43: {  	_ =	shalt  }
0x44: {  	_ =	shalt  }
0x45: {  	_ =	shalt  }
0x46: {  	_ =	shalt  }
0x47: {  	_ =	shalt  }
0x48: {  	_ =	shalt  }
0x49: {  	_ =	shalt  }
0x4a: {  	_ =	shalt  }
0x4b: {  	_ =	shalt  }
0x4c: {  	_ =	shalt  }
0x4d: {  	_ =	shalt  }
0x4e: {  	_ =	shalt  }
0x4f: {  	_ =	shalt  }
0x50: {  	_ =	shalt  }
0x51: {  	_ =	shalt  }
0x52: {  	_ =	shalt  }
0x53: {  	_ =	shalt  }
0x54: {  	_ =	shalt  }
0x55: {  	_ =	shalt  }
0x56: {  	_ =	shalt  }
0x57: {  	_ =	shalt  }
0x58: {  	_ =	shalt  }
0x59: {  	_ =	shalt  }
0x5a: {  	_ =	shalt  }
0x5b: {  	_ =	shalt  }
0x5c: {  	_ =	shalt  }
0x5d: {  	_ =	shalt  }
0x5e: {  	_ =	shalt  }
0x5f: {  	_ =	shalt  }
0x60: {  	_ =	shalt  }
0x61: {  	_ =	shalt  }
0x62: {  	_ =	shalt  }
0x63: {  	_ =	shalt  }
0x64: {  	_ =	shalt  }
0x65: {  	_ =	shalt  }
0x66: {  	_ =	shalt  }
0x67: {  	_ =	shalt  }
0x68: {  	_ =	shalt  }
0x69: {  	_ =	shalt  }
0x6a: {  	_ =	shalt  }
0x6b: {  	_ =	shalt  }
0x6c: {  	_ =	shalt  }
0x6d: {  	_ =	shalt  }
0x6e: {  	_ =	shalt  }
0x6f: {  	_ =	shalt  }
0x70: {  	_ =	shalt  }
0x71: {  	_ =	shalt  }
0x72: {  	_ =	shalt  }
0x73: {  	_ =	shalt  }
0x74: {  	_ =	shalt  }
0x75: {  	_ =	shalt  }
0x76: {  	_ =	shalt  }
0x77: {  	_ =	shalt  }
0x78: {  	_ =	shalt  }
0x79: {  	_ =	shalt  }
0x7a: {  	_ =	shalt  }
0x7b: {  	_ =	shalt  }
0x7c: {  	_ =	shalt  }
0x7d: {  	_ =	shalt  }
0x7e: {  	_ =	shalt  }
0x7f: {  	_ =	shalt  }
0x80: {  	_ =	shalt  }
0x81: {  	_ =	shalt  }
0x82: {  	_ =	shalt  }
0x83: {  	_ =	shalt  }
0x84: {  	_ =	shalt  }
0x85: {  	_ =	shalt  }
0x86: {  	_ =	shalt  }
0x87: {  	_ =	shalt  }
.Lfunc_end0:
.L_simem_size_0:
called_computation.4_lowered:
.L_overlay_start_0:
0x88: {  	s2 =	sld [smem:$0x3FD9]  }
0x89: {  	s3 =	sld [smem:$0x3FFE];
	_ =	sdelay $0x1  }
0x8a: {  	s1 =	srdreg.scid  }
0x8b: {  	s0 =	sand.u32 $0x1, s1  }
0x8c: {  	s16 =	sshll.u32 s0, $0xA;
	s2 =	sadd.s32 s3, s2  }
0x8d: {  	s2 =	sadd.s32 s2, s16  }
0x8e: {  	[smem:$0x3FBC] =	sst s2  }
0x8f: {  	_ = 	snop  }
0x90: {  	(tm) =	ssettm $0x1  }
0x91: {  	s17 =	sld [smem:$0x3FFB];
	_ =	sdelay $0x3  }
0x92: {  	_ =	strace s17  }
0x93: {  	s2 =	sld [smem:$0x3FFC];
	_ =	sdelay $0x3  }
0x94: {  	_ =	strace s2  }
0x95: {  	s2 =	sld [smem:$0x3FFD];
	_ =	sdelay $0x3  }
0x96: {  	_ =	strace s2  }
0x97: {  	_ =	strace $0x8FFFFFFF  }
0x98: {  	s18 =	sld [smem:$0x3FDB];
	_ =	sdelay $0x1  }
0x99: {  	s19 =	simm.s32 $_scs_section_size  }
0x9a: {  	s4 =	simm.s32 $_size__tile_overlayer_lowered;
	s5 =	simm.s32 $_tile_overlayer_lowered  }
0x9b: {  	s22 =	simm.s32 $0x1BFF;
	s21 =	sshll.u32 s5, $0x1;
	s2 =	sadd.s32 s19, s18  }
0x9c: {  	s6 =	simm.s32 $0x0;
	s20 =	sshll.u32 s4, $0x1;
	s4 =	sadd.s32 s21, s2  }
0x9d: {  	[timem:s6], [sflag:s22] =	dma.local [hbm:s4], s20  }
0x9e: {  	_ =	swait.ge [sflag:s22], s20  }
0x9f: {  	s3 =	ssub.s32 $0x0, s20;
	[sflag:s22] =	ssyncset.done $0x0  }
0xa0: {  	[sflag:s22] =	ssyncadd.s32 s3;
	_ =	sdelay $0x1  }
0xa1: {  	s23 =	simm.s32 $0x1B8B  }
0xa2: {  	_ =	swait.ge [sflag:s23], $0x1  }
0xa3: {  	[sflag:s23] =	ssyncset.done $0x0  }
0xa4: {  	s25 =	simm.s32 $0x1B8E;
	s24 =	sld [smem:$0x3FFE];
	[sflag:s23] =	ssyncadd.s32 $0xFFFFFFFF  }
0xa5: {  	s26 =	simm.s32 $execute0_lowered;
	[smem:$0x3FD2] =	sst s25  }
0xa6: {  	s4 =	sshll.u32 s26, $0x1;
	_ =	strace $0x80000052;
	[dreg:$0x1] =	wrdreg $0xFFFFFFFF  }
0xa7: {  	s28 =	simm.s32 $_size_execute0_lowered;
	s2 =	sadd.s32 s2, s4;
	[dreg:$0x0] =	wrdreg $0x0  }
0xa8: {  	s4 =	sshll.u32 s28, $0x1;
	[dreg:$0x2] =	wrdreg s2  }
0xa9: {  	[dreg:$0x3] =	wrdreg s4  }
0xaa: {  	[dreg:$0x4] =	wrdreg $0xC0  }
0xab: {  	_ =	task [dreg:s6], $0x5FFFF  }
0xac: {  	[dreg:$0x1] =	wrdreg $0xFFFFFFFF  }
0xad: {  	[dreg:$0x0] =	wrdreg $0x60  }
0xae: {  	[dreg:$0x2] =	wrdreg s24  }
0xaf: {  	[dreg:$0x3] =	wrdreg $0x86200  }
0xb0: {  	[dreg:$0x4] =	wrdreg $0x9  }
0xb1: {  	_ =	task.clear_ibuf [dreg:s6], $0x5FFFF;
	_ =	strace $0x90000052  }
0xb2: {  	s29 =	simm.s32 $0x9;
	_ =	strace $0x80000054  }
0xb3: {  	_ =	swait.ge [sflag:s29], $0x1  }
0xb4: {  	[sflag:s29] =	ssyncadd.s32 $0xFFFFFFFF  }
0xb5: {  	_ =	strace $0x90000054  }
0xb6: {  	_ =	sfence  }
0xb7: {  	s30 =	sld [smem:$0x0];
	_ =	sdelay $0x2  }
0xb8: {  	s31 =	sshll.u32 s1, $0xD;
	s1 =	sshrl.u32 s1, $0x2  }
0xb9: {  	s3 =	sand.u32 $0x4000, s31;
	s1 =	sadd.s32 s1, s30  }
0xba: {  	s0 =	sor.u32 s3, s0;
	s1 =	sshll.u32 s1, $0x11  }
0xbb: {  	s0 =	sor.u32 s1, s0  }
0xbc: {  	s0 =	sadd.s32 $0x8F2B, s0  }
0xbd: {  	[sflag:s0] =	ssyncadd.remote.s32 $0x1  }
0xbe: {  	_ =	sfence.sel $0xFFFF  }
0xbf: {  	[dreg:$0x0] =	wrdreg $0xFFFFFFFF;
	(pc) =	sbr.abs _section_cstart, $3  }
0xc0: {  	[dreg:$0x1] =	wrdreg $0xFFFFFFFF  }
0xc1: {  	_ =	task.clear_ibuf [dreg:s6], $0x2FFFF;
	_ =	strace $0x9FFFFFFF  }
0xc2: {  	(tm) =	ssettm $0x7FFFFFFF  }
0xc3: {  	_ =	shalt  }
tec
execute0_lowered:
.L_overlay_start_1:
0x0: {  	(tag) =	ssettag $0x1  }
0x1: {  	s5 =	rddreg [dreg:$0x0]  }
0x2: {  	s0 =	srdreg.scid;
	s2 =	rddreg [dreg:$0x1]  }
0x3: {  	s1 =	rddreg [dreg:$0x2];
	s3 =	simm.s32 $0x0;
	s11 =	simm.s32 $0x2  }
0x4: {  	s12 =	simm.s32 $0x50;
	s13 =	simm.s32 $0xA0;
	s6 =	sand.u32 $0x1, s0  }
0x5: {  	s14 =	simm.s32 $0x1;
	s0 =	stileid.u32;
	s7 =	smul.u32 $0x27100, s6  }
0x6: {  	s17 =	simm.s32 $0x0;
	[smem:$0x7FF] =	sst s3;
	s8 =	smul.u32 $0x2710, s0  }
0x7: {  	s4 =	sadd.s32 $0x96E00, s5;
	s9 =	smul.u32 $0x7680, s0;
	p0 =	seq.s32 s0, $0xF  }
0x8: {  	s10 =	smul.u32 $0x75300, s6;
	s6 =	ssub.s32 $0x2, s6;
	s15 =	sshll.u32 s0, $0x6  }
0x9: {  	_ =	strace $0x80000053;
	s30 =	sshrl.u32 s6, $0x1;
	s15 =	sor.u32 $0x1C02, s15  }
0xa: {  	s9 =	simm.s32 @p0 $0x6DC80;
	s7 =	sadd.s32 s8, s7;
	s31 =	ssub.s32 s6, s30  }
0xb: {  	s26 =	sadd.s32 s10, s9;
	s7 =	sshrl.u32 s7, $0x3;
	s10 =	simm.s32 $0xFA0  }
0xc: {  	s8 =	sshrl.u32 s26, $0x3;
	s28 =	sadd.s32 s7, s5;
	s7 =	smax.u32 s31, $0x1  }
0xd: {  	s29 =	sadd.s32 s8, s5;
	s5 =	sadd.s32 s9, s2;
	s8 =	sadd.s32 $0xDC00, s28  }
0xe: {  	v0 =	vimm.f32 $0.0e+00;
	s9 =	sadd.s32 $0x17A00, s28;
	s6 =	sadd.s32 $0xA5A00, s29;
	s16 =	sshrl.u32 s5, $0x3  }
.LBB2_1:
0xf: {  	s18 =	simm.s32 $0xC0;
	s19 =	simm.s32 $0x0  }
.LBB2_2:
0x10: {  	p0 =	sne.s32 s18, $0x1D940;
	[tilespmem:s19+$0xFC0] =	vst v0;
	s20 =	smov.u32 s18;
	s18 =	sadd.s32 $0xC0, s18  }
.Ltmp0:
0x11: {  	[tilespmem:s19+$0xFA0] =	vst v0;
	(pc) =	sbr.rel @p0 .LBB2_2-.Ltmp0, $2  }
0x12: {  	[tilespmem:s19+$0xFB0] =	vst v0;
	_ =	sdelay $0x2  }
0x13: {  	s19 =	sshra.s32 s20, $0x2  }
0x14: {  	[tilespmem:s19+$0xFC0] =	vst v0  }
0x15: {  	[tilespmem:s19+$0xFA0] =	vst v0  }
0x16: {  	[tilespmem:s19+$0xFB0] =	vst v0  }
0x17: {  	[spmem:s5] =	stream.linear.scatter [tilespmem:s10], [sflag:$0x2], $0x7680, $0x38;
	[tilespmem:$0xFB50] =	vst v63  }
0x18: {  	_ =	swait.ge [sflag:s11], $0x7680  }
0x19: {  	[sflag:s11] =	ssyncset.done $0x0  }
0x1a: {  	[sflag:s11] =	ssyncadd.s32 $0xFFFF8980  }
0x1b: {  	s18 =	sadd.s32 $0x0, s9;
	[bflag:$0x0] =	sbarrier.arrive $0xFFFF  }
0x1c: {  	[tilespmem:s3], [sflag:$0x2] =	stream.linear.gather [hbm4b:s18+s3], $0x50, $0x38;
	[tilespmem:$0xFB50] =	vst v63  }
0x1d: {  	_ =	swait.ge [sflag:s11], $0x50  }
0x1e: {  	[sflag:s11] =	ssyncset.done $0x0  }
0x1f: {  	[sflag:s11] =	ssyncadd.s32 $0xFFFFFFB0  }
0x20: {  	[tilespmem:s13], [sflag:$0x1] =	stream.indirect.gather [hbm4b:s4+s12], $0x30, s3, s12, $0xb8;
	[tilespmem:$0xFB50] =	vst v63  }
0x21: {  	_ =	swait.ge [sflag:s14], $0xF00  }
0x22: {  	[sflag:s14] =	ssyncset.done $0x0  }
0x23: {  	s31 =	sadd.s32 $0x0, s8;
	[sflag:s14] =	ssyncadd.s32 $0xFFFFF100  }
0x24: {  	[tilespmem:s12], [sflag:$0x2] =	stream.linear.gather [hbm4b:s31+s3], $0x50, $0x38;
	[tilespmem:$0xFB50] =	vst v63  }
0x25: {  	_ =	swait.ge [sflag:s11], $0x50  }
0x26: {  	[sflag:s11] =	ssyncset.done $0x0  }
0x27: {  	[sflag:s11] =	ssyncadd.s32 $0xFFFFFFB0  }
0x28: {  	[spmem:s2] =	stream.indirect.scatter.add.f32 [tilespmem:s13], [sflag:$0x2], $0x30, s12, s12, $0xb8;
	[tilespmem:$0xFB50] =	vst v63  }
0x29: {  	_ =	swait.ge [sflag:s11], $0xF00  }
0x2a: {  	s19 =	simm.s32 $0x14;
	s18 =	simm.s32 $0xA;
	[sflag:s11] =	ssyncset.done $0x0  }
.LBB2_4:
0x2b: {  	s20 =	sadd.s32 s18, s9  }
0x2c: {  	[sflag:s11] =	ssyncadd.s32 $0xFFFFF100;
	s21 =	smov.u32 s19;
	s22 =	sadd.s32 $0xA, s19  }
0x2d: {  	[tilespmem:s3], [sflag:$0x2] =	stream.linear.gather [hbm4b:s20+s3], $0x50, $0x38;
	[tilespmem:$0xFB50] =	vst v63  }
0x2e: {  	p0 =	sne.s32 s19, $0x4D8;
	_ =	swait.ge [sflag:s11], $0x50  }
0x2f: {  	[sflag:s11] =	ssyncset.done $0x0  }
0x30: {  	[sflag:s11] =	ssyncadd.s32 $0xFFFFFFB0  }
0x31: {  	[tilespmem:s13], [sflag:$0x1] =	stream.indirect.gather [hbm4b:s4+s12], $0x30, s3, s12, $0xb8;
	[tilespmem:$0xFB50] =	vst v63  }
0x32: {  	_ =	swait.ge [sflag:s14], $0xF00  }
0x33: {  	[sflag:s14] =	ssyncset.done $0x0  }
0x34: {  	s19 =	sadd.s32 s18, s8;
	s18 =	smov.u32 s21;
	[sflag:s14] =	ssyncadd.s32 $0xFFFFF100  }
0x35: {  	[tilespmem:s12], [sflag:$0x2] =	stream.linear.gather [hbm4b:s19+s3], $0x50, $0x38;
	[tilespmem:$0xFB50] =	vst v63  }
0x36: {  	_ =	swait.ge [sflag:s11], $0x50  }
.Ltmp1:
0x37: {  	[sflag:s11] =	ssyncset.done $0x0;
	(pc) =	sbr.rel @p0 .LBB2_4-.Ltmp1, $4  }
0x38: {  	[sflag:s11] =	ssyncadd.s32 $0xFFFFFFB0  }
0x39: {  	[spmem:s2] =	stream.indirect.scatter.add.f32 [tilespmem:s13], [sflag:$0x2], $0x30, s12, s12, $0xb8;
	[tilespmem:$0xFB50] =	vst v63  }
0x3a: {  	_ =	swait.ge [sflag:s11], $0xF00  }
0x3b: {  	s19 =	smov.u32 s22;
	[sflag:s11] =	ssyncset.done $0x0  }
0x3c: {  	s19 =	sadd.s32 s18, s9;
	[sflag:s11] =	ssyncadd.s32 $0xFFFFF100  }
0x3d: {  	[tilespmem:s3], [sflag:$0x2] =	stream.linear.gather [hbm4b:s19+s3], $0x50, $0x38;
	[tilespmem:$0xFB50] =	vst v63  }
0x3e: {  	_ =	swait.ge [sflag:s11], $0x50  }
0x3f: {  	[sflag:s11] =	ssyncset.done $0x0  }
0x40: {  	[sflag:s11] =	ssyncadd.s32 $0xFFFFFFB0  }
0x41: {  	[tilespmem:s13], [sflag:$0x1] =	stream.indirect.gather [hbm4b:s4+s12], $0x30, s3, s12, $0xb8;
	[tilespmem:$0xFB50] =	vst v63  }
0x42: {  	_ =	swait.ge [sflag:s14], $0xF00  }
0x43: {  	[sflag:s14] =	ssyncset.done $0x0  }
0x44: {  	s31 =	sadd.s32 s18, s8;
	[sflag:s14] =	ssyncadd.s32 $0xFFFFF100  }
0x45: {  	[tilespmem:s12], [sflag:$0x2] =	stream.linear.gather [hbm4b:s31+s3], $0x50, $0x38;
	[tilespmem:$0xFB50] =	vst v63  }
0x46: {  	_ =	swait.ge [sflag:s11], $0x50  }
0x47: {  	[sflag:s11] =	ssyncset.done $0x0  }
0x48: {  	[sflag:s11] =	ssyncadd.s32 $0xFFFFFFB0  }
0x49: {  	[spmem:s2] =	stream.indirect.scatter.add.f32 [tilespmem:s13], [sflag:$0x2], $0x30, s12, s12, $0xb8;
	[tilespmem:$0xFB50] =	vst v63  }
0x4a: {  	_ =	swait.ge [sflag:s11], $0xF00  }
0x4b: {  	s17 =	sadd.s32 $0x1, s17;
	[sflag:s11] =	ssyncset.done $0x0  }
0x4c: {  	p0 =	sne.s32 s17, s7;
	[sflag:s11] =	ssyncadd.s32 $0xFFFFF100  }
.Ltmp2:
0x4d: {  	[bflag:$0x0] =	sbarrier.arrive $0xFFFF;
	(pc) =	sbr.rel @p0 .LBB2_1-.Ltmp2, $4  }
0x4e: {  	[hbm:s6], [sflag:s15] =	dma.local [spmem:s16], $0xED0  }
0x4f: {  	_ =	swait.ge [sflag:s11], $0xED0  }
0x50: {  	[sflag:s11] =	ssyncset.done $0x0  }
0x51: {  	[sflag:s11] =	ssyncadd.s32 $0xFFFFF130  }
0x52: {  	_ =	sfence.sel $0x180000  }
0x53: {  	[bflag:$0x0] =	sbarrier.arrive $0xFFFF  }
0x54: {  	p0 =	sne.s32 s0, $0x0;
	_ =	strace $0x90000053  }
0x55: {  	s0 =	sadd.s32 @!p0 $0x100000, s1;
	[bflag:$0x2] =	sbarrier.arrive $0xFFFF  }
0x56: {  	[sflag:s0] =	ssyncadd.tile.s32 @!p0 $0x1;
	_ =	shalt  }
.Lfunc_end2:
_tile_overlayer_lowered:
.L_overlay_start_2:
0x57: {  	(tag) =	ssettag $0x2  }
0x58: {  	s0 =	rddreg [dreg:$0x0];
	s2 =	stileid.u32  }
0x59: {  	s1 =	rddreg [dreg:$0x1];
	p0 =	sne.s32 s2, $0x0  }
0x5a: {  	s3 =	rddreg [dreg:$0x2];
	[bflag:$0x3] =	sbarrier.arrive $0xFFFF;
	s2 =	simm.s32 @!p0 $0x1C02  }
0x5b: {  	[timem:s3], [sflag:s2] =	dma.local @!p0 [hbm:s0], s1  }
0x5c: {  	s0 =	simm.s32 @!p0 $0x2  }
0x5d: {  	_ =	swait.ge @!p0 [sflag:s0], s1  }
0x5e: {  	s1 =	ssub.s32 @!p0 $0x0, s1;
	[sflag:s0] =	ssyncset.done @!p0 $0x0  }
0x5f: {  	[sflag:s0] =	ssyncadd.s32 @!p0 s1  }
0x60: {  	[bflag:$0x3] =	sbarrier.arrive $0xFFFF  }
0x61: {  	_ =	shalt  }

// kernel: kernel.49.cloned.1.call-start
scs
__scs_entry_jumppad:
0x0: {  	(pc) =	sbr.rel $0x88, $3  }
0x1: {  	(tag) =	ssettag $0x0;
	lr =	simm.s32 $0x1  }
0x2: {  	[smem:$0x3F95] =	sst lr;
	_ =	strace $0xD0000000  }
0x3: {  	_ = 	snop  }
0x4: {  	_ = 	snop  }
0x5: {  	_ = 	snop  }
0x6: {  	_ = 	snop  }
0x7: {  	_ = 	snop  }
__scs_overlays_trampoline_lowered:
0x8: {  	[smem:$0x3FA4] =	sst s0  }
0x9: {  	[smem:$0x3FA5] =	sst s1  }
0xa: {  	[smem:$0x3FA6] =	sst s2  }
0xb: {  	[smem:$0x3FA7] =	sst s3  }
0xc: {  	[smem:$0x3FA8] =	sst s4  }
0xd: {  	[smem:$0x3FA9] =	sst s5  }
0xe: {  	[smem:$0x3FAA] =	sst s6  }
0xf: {  	[smem:$0x3FAB] =	sst s7  }
0x10: {  	[smem:$0x3FAC] =	sst s8  }
0x11: {  	[smem:$0x3FAD] =	sst s9;
	s0 =	simm.s32 @!p0 $0x0  }
0x12: {  	s1 =	sld [smem:$0x3F93];
	s0 =	simm.s32 @p0 $0x1  }
0x13: {  	[smem:$0x3FAE] =	sst s0;
	s0 =	simm.s32 @!p1 $0x0  }
0x14: {  	s2 =	sld [smem:$0x3F92];
	s0 =	simm.s32 @p1 $0x1  }
0x15: {  	[smem:$0x3FAF] =	sst s0;
	s0 =	simm.s32 @!p2 $0x0  }
0x16: {  	s3 =	sld [smem:$0x3FDB];
	s0 =	simm.s32 @p2 $0x1  }
0x17: {  	s4 =	simm.s32 $0x1BF5;
	[smem:$0x3FB1] =	sst s0  }
0x18: {  	s0 =	sld [smem:$0x3F94];
	_ =	swait.ge [sflag:s4], $0x0  }
0x19: {  	s7 =	sld [smem:$0x3F95]  }
0x1a: {  	s8 =	sadd.s32 $0xFFFFE003, lr  }
0x1b: {  	s9 =	sadd.s32 $0xFFFFFEF7, lr;
	s5 =	simm.s32 $0xFFFFFFFF;
	p2 =	slt.u32 s8, $0xFFFFF086  }
0x1c: {  	p1 =	slt.u32 s9, $0xF7A;
	s5 =	simm.s32 @!p2 $0x0  }
0x1d: {  	s5 =	simm.s32 @p1 $0x1;
	p0 =	seq.s32 s7, s2  }
0x1e: {  	s7 =	smul.u32 @!p0 $0xF7A, s2;
	p2 =	seq.s32 @!p0 s5, $0x0  }
0x1f: {  	s9 =	smul.u32 $0xF7A, s1;
	s8 =	simm.s32 @!p0 $0x1BF5;
	p2 =	por !p2, p0  }
0x20: {  	[sflag:s8] =	ssyncset.s32 @!p0 $0xFFFFF086;
	s6 =	sadd.s32 @!p0 s3, s7;
	s7 =	simm.s32 @!p0 $0x108  }
0x21: {  	s3 =	sadd.s32 s3, s9;
	s6 =	sadd.s32 @!p0 $0x88, s6;
	s7 =	simm.s32 @p2 $0x1082  }
0x22: {  	[simem:s7], [sflag:s8] =	dma.local @!p0 [hbm:s6], $0xF7A  }
0x23: {  	s9 =	sor.u32 $0xD0000000, s2;
	s6 =	simm.s32 $0x108;
	_ =	swait.ge @!p0 [sflag:s8], $0x0  }
0x24: {  	s3 =	sadd.s32 $0x88, s3;
	s6 =	simm.s32 @!p1 $0x1082;
	[sflag:s4] =	ssyncset.s32 $0xFFFFF086  }
0x25: {  	[simem:s6], [sflag:s4] =	dma.local [hbm:s3], $0xF7A  }
0x26: {  	[smem:$0x3F95] =	sst s1;
	(tag) =	ssettag s2;
	_ =	strace s9  }
0x27: {  	s1 =	sld [smem:$0x3FA5]  }
0x28: {  	s2 =	sld [smem:$0x3FA6]  }
0x29: {  	s4 =	sld [smem:$0x3FA8]  }
0x2a: {  	p0 =	seq.s32 s5, $0x0;
	s5 =	sld [smem:$0x3FA9]  }
0x2b: {  	s6 =	sld [smem:$0x3FAA]  }
0x2c: {  	s7 =	sld [smem:$0x3FAB]  }
0x2d: {  	s3 =	simm.s32 $0x108;
	s8 =	sld [smem:$0x3FAC]  }
0x2e: {  	s3 =	simm.s32 @!p0 $0x1082;
	s9 =	sld [smem:$0x3FAD]  }
0x2f: {  	lr =	sadd.s32 s0, s3;
	s0 =	sld [smem:$0x3FA4]  }
0x30: {  	s3 =	sld [smem:$0x3FA7]  }
0x31: {  	[smem:$0x3FB0] =	sst s10  }
0x32: {  	s10 =	sld [smem:$0x3FAE];
	_ =	sdelay $0x3  }
0x33: {  	p0 =	seq.s32 s10, $0x1;
	s10 =	sld [smem:$0x3FB0];
	_ =	sdelay $0x3  }
0x34: {  	[smem:$0x3FB0] =	sst s10  }
0x35: {  	s10 =	sld [smem:$0x3FAF];
	_ =	sdelay $0x3  }
0x36: {  	p1 =	seq.s32 s10, $0x1;
	s10 =	sld [smem:$0x3FB0];
	_ =	sdelay $0x3  }
0x37: {  	[smem:$0x3FB0] =	sst s10  }
0x38: {  	s10 =	sld [smem:$0x3FB1]  }
0x39: {  	_ = 	snop;
	(pc) =	sbr.ind lr, $3  }
0x3a: {  	_ = 	snop  }
0x3b: {  	_ = 	snop  }
0x3c: {  	p2 =	seq.s32 s10, $0x1;
	s10 =	sld [smem:$0x3FB0]  }
0x3d: {  	_ =	shalt  }
0x3e: {  	_ =	shalt  }
0x3f: {  	_ =	shalt  }
0x40: {  	_ =	shalt  }
0x41: {  	_ =	shalt  }
0x42: {  	_ =	shalt  }
0x43: {  	_ =	shalt  }
0x44: {  	_ =	shalt  }
0x45: {  	_ =	shalt  }
0x46: {  	_ =	shalt  }
0x47: {  	_ =	shalt  }
0x48: {  	_ =	shalt  }
0x49: {  	_ =	shalt  }
0x4a: {  	_ =	shalt  }
0x4b: {  	_ =	shalt  }
0x4c: {  	_ =	shalt  }
0x4d: {  	_ =	shalt  }
0x4e: {  	_ =	shalt  }
0x4f: {  	_ =	shalt  }
0x50: {  	_ =	shalt  }
0x51: {  	_ =	shalt  }
0x52: {  	_ =	shalt  }
0x53: {  	_ =	shalt  }
0x54: {  	_ =	shalt  }
0x55: {  	_ =	shalt  }
0x56: {  	_ =	shalt  }
0x57: {  	_ =	shalt  }
0x58: {  	_ =	shalt  }
0x59: {  	_ =	shalt  }
0x5a: {  	_ =	shalt  }
0x5b: {  	_ =	shalt  }
0x5c: {  	_ =	shalt  }
0x5d: {  	_ =	shalt  }
0x5e: {  	_ =	shalt  }
0x5f: {  	_ =	shalt  }
0x60: {  	_ =	shalt  }
0x61: {  	_ =	shalt  }
0x62: {  	_ =	shalt  }
0x63: {  	_ =	shalt  }
0x64: {  	_ =	shalt  }
0x65: {  	_ =	shalt  }
0x66: {  	_ =	shalt  }
0x67: {  	_ =	shalt  }
0x68: {  	_ =	shalt  }
0x69: {  	_ =	shalt  }
0x6a: {  	_ =	shalt  }
0x6b: {  	_ =	shalt  }
0x6c: {  	_ =	shalt  }
0x6d: {  	_ =	shalt  }
0x6e: {  	_ =	shalt  }
0x6f: {  	_ =	shalt  }
0x70: {  	_ =	shalt  }
0x71: {  	_ =	shalt  }
0x72: {  	_ =	shalt  }
0x73: {  	_ =	shalt  }
0x74: {  	_ =	shalt  }
0x75: {  	_ =	shalt  }
0x76: {  	_ =	shalt  }
0x77: {  	_ =	shalt  }
0x78: {  	_ =	shalt  }
0x79: {  	_ =	shalt  }
0x7a: {  	_ =	shalt  }
0x7b: {  	_ =	shalt  }
0x7c: {  	_ =	shalt  }
0x7d: {  	_ =	shalt  }
0x7e: {  	_ =	shalt  }
0x7f: {  	_ =	shalt  }
0x80: {  	_ =	shalt  }
0x81: {  	_ =	shalt  }
0x82: {  	_ =	shalt  }
0x83: {  	_ =	shalt  }
0x84: {  	_ =	shalt  }
0x85: {  	_ =	shalt  }
0x86: {  	_ =	shalt  }
0x87: {  	_ =	shalt  }
.Lfunc_end0:
.L_simem_size_0:
called_computation.5_lowered:
.L_overlay_start_0:
0x88: {  	s2 =	sld [smem:$0x3FD9]  }
0x89: {  	s3 =	sld [smem:$0x3FFE];
	_ =	sdelay $0x1  }
0x8a: {  	s1 =	srdreg.scid  }
0x8b: {  	s0 =	sand.u32 $0x1, s1  }
0x8c: {  	s16 =	sshll.u32 s0, $0xA;
	s2 =	sadd.s32 s3, s2  }
0x8d: {  	s2 =	sadd.s32 s2, s16  }
0x8e: {  	[smem:$0x3FBC] =	sst s2  }
0x8f: {  	_ = 	snop  }
0x90: {  	(tm) =	ssettm $0x1  }
0x91: {  	s17 =	sld [smem:$0x3FFB];
	_ =	sdelay $0x3  }
0x92: {  	_ =	strace s17  }
0x93: {  	s2 =	sld [smem:$0x3FFC];
	_ =	sdelay $0x3  }
0x94: {  	_ =	strace s2  }
0x95: {  	s2 =	sld [smem:$0x3FFD];
	_ =	sdelay $0x3  }
0x96: {  	_ =	strace s2  }
0x97: {  	_ =	strace $0x8FFFFFFF  }
0x98: {  	s18 =	sld [smem:$0x3FDB];
	_ =	sdelay $0x1  }
0x99: {  	s19 =	simm.s32 $_scs_section_size  }
0x9a: {  	s4 =	simm.s32 $_size__tile_overlayer_lowered;
	s5 =	simm.s32 $_tile_overlayer_lowered  }
0x9b: {  	s22 =	simm.s32 $0x1BFF;
	s21 =	sshll.u32 s5, $0x1;
	s2 =	sadd.s32 s19, s18  }
0x9c: {  	s6 =	simm.s32 $0x0;
	s20 =	sshll.u32 s4, $0x1;
	s4 =	sadd.s32 s21, s2  }
0x9d: {  	[timem:s6], [sflag:s22] =	dma.local [hbm:s4], s20  }
0x9e: {  	_ =	swait.ge [sflag:s22], s20  }
0x9f: {  	s3 =	ssub.s32 $0x0, s20;
	[sflag:s22] =	ssyncset.done $0x0  }
0xa0: {  	[sflag:s22] =	ssyncadd.s32 s3;
	_ =	sdelay $0x1  }
0xa1: {  	s23 =	simm.s32 $0x1B8B  }
0xa2: {  	_ =	swait.ge [sflag:s23], $0x1  }
0xa3: {  	[sflag:s23] =	ssyncset.done $0x0  }
0xa4: {  	s25 =	simm.s32 $0x1B8E;
	s24 =	sld [smem:$0x3FFE];
	[sflag:s23] =	ssyncadd.s32 $0xFFFFFFFF  }
0xa5: {  	s26 =	simm.s32 $execute0_lowered;
	[smem:$0x3FD2] =	sst s25  }
0xa6: {  	s4 =	sshll.u32 s26, $0x1;
	_ =	strace $0x80000055;
	[dreg:$0x1] =	wrdreg $0xFFFFFFFF  }
0xa7: {  	s28 =	simm.s32 $_size_execute0_lowered;
	s2 =	sadd.s32 s2, s4;
	[dreg:$0x0] =	wrdreg $0x0  }
0xa8: {  	s4 =	sshll.u32 s28, $0x1;
	[dreg:$0x2] =	wrdreg s2  }
0xa9: {  	[dreg:$0x3] =	wrdreg s4  }
0xaa: {  	[dreg:$0x4] =	wrdreg $0xC0  }
0xab: {  	_ =	task [dreg:s6], $0x5FFFF  }
0xac: {  	[dreg:$0x1] =	wrdreg $0xFFFFFFFF  }
0xad: {  	[dreg:$0x0] =	wrdreg $0x60  }
0xae: {  	[dreg:$0x2] =	wrdreg s24  }
0xaf: {  	[dreg:$0x3] =	wrdreg $0x86200  }
0xb0: {  	[dreg:$0x4] =	wrdreg $0x9  }
0xb1: {  	_ =	task.clear_ibuf [dreg:s6], $0x5FFFF;
	_ =	strace $0x90000055  }
0xb2: {  	s29 =	simm.s32 $0x9;
	_ =	strace $0x80000057  }
0xb3: {  	_ =	swait.ge [sflag:s29], $0x1  }
0xb4: {  	[sflag:s29] =	ssyncadd.s32 $0xFFFFFFFF  }
0xb5: {  	_ =	strace $0x90000057  }
0xb6: {  	_ =	sfence  }
0xb7: {  	s30 =	sld [smem:$0x0];
	_ =	sdelay $0x2  }
0xb8: {  	s31 =	sshll.u32 s1, $0xD;
	s1 =	sshrl.u32 s1, $0x2  }
0xb9: {  	s3 =	sand.u32 $0x4000, s31;
	s1 =	sadd.s32 s1, s30  }
0xba: {  	s0 =	sor.u32 s3, s0;
	s1 =	sshll.u32 s1, $0x11  }
0xbb: {  	s0 =	sor.u32 s1, s0  }
0xbc: {  	s0 =	sadd.s32 $0x8F2B, s0  }
0xbd: {  	[sflag:s0] =	ssyncadd.remote.s32 $0x1  }
0xbe: {  	_ =	sfence.sel $0xFFFF  }
0xbf: {  	[dreg:$0x0] =	wrdreg $0xFFFFFFFF;
	(pc) =	sbr.abs _section_cstart, $3  }
0xc0: {  	[dreg:$0x1] =	wrdreg $0xFFFFFFFF  }
0xc1: {  	_ =	task.clear_ibuf [dreg:s6], $0x2FFFF;
	_ =	strace $0x9FFFFFFF  }
0xc2: {  	(tm) =	ssettm $0x7FFFFFFF  }
0xc3: {  	_ =	shalt  }
tec
execute0_lowered:
.L_overlay_start_1:
0x0: {  	(tag) =	ssettag $0x1  }
0x1: {  	s5 =	rddreg [dreg:$0x0]  }
0x2: {  	s0 =	srdreg.scid;
	s2 =	rddreg [dreg:$0x1]  }
0x3: {  	s1 =	rddreg [dreg:$0x2];
	s3 =	simm.s32 $0x0;
	s11 =	simm.s32 $0x2  }
0x4: {  	s12 =	simm.s32 $0x50;
	s13 =	simm.s32 $0xA0;
	s6 =	sand.u32 $0x1, s0  }
0x5: {  	s14 =	simm.s32 $0x1;
	s0 =	stileid.u32;
	s7 =	smul.u32 $0x27100, s6  }
0x6: {  	s17 =	simm.s32 $0x0;
	[smem:$0x7FF] =	sst s3;
	s8 =	smul.u32 $0x2710, s0  }
0x7: {  	s4 =	sadd.s32 $0x96E00, s5;
	s9 =	smul.u32 $0x7680, s0;
	p0 =	seq.s32 s0, $0xF  }
0x8: {  	s10 =	smul.u32 $0x75300, s6;
	s6 =	ssub.s32 $0x2, s6;
	s15 =	sshll.u32 s0, $0x6  }
0x9: {  	_ =	strace $0x80000056;
	s30 =	sshrl.u32 s6, $0x1;
	s15 =	sor.u32 $0x1C02, s15  }
0xa: {  	s9 =	simm.s32 @p0 $0x6DC80;
	s7 =	sadd.s32 s8, s7;
	s31 =	ssub.s32 s6, s30  }
0xb: {  	s26 =	sadd.s32 s10, s9;
	s7 =	sshrl.u32 s7, $0x3;
	s10 =	simm.s32 $0xFA0  }
0xc: {  	s8 =	sshrl.u32 s26, $0x3;
	s28 =	sadd.s32 s7, s5;
	s7 =	smax.u32 s31, $0x1  }
0xd: {  	s29 =	sadd.s32 s8, s5;
	s5 =	sadd.s32 s9, s2;
	s8 =	sadd.s32 $0xDC00, s28  }
0xe: {  	v0 =	vimm.f32 $0.0e+00;
	s9 =	sadd.s32 $0x17A00, s28;
	s6 =	sadd.s32 $0xA5A00, s29;
	s16 =	sshrl.u32 s5, $0x3  }
.LBB2_1:
0xf: {  	s18 =	simm.s32 $0xC0;
	s19 =	simm.s32 $0x0  }
.LBB2_2:
0x10: {  	p0 =	sne.s32 s18, $0x1D940;
	[tilespmem:s19+$0xFC0] =	vst v0;
	s20 =	smov.u32 s18;
	s18 =	sadd.s32 $0xC0, s18  }
.Ltmp0:
0x11: {  	[tilespmem:s19+$0xFA0] =	vst v0;
	(pc) =	sbr.rel @p0 .LBB2_2-.Ltmp0, $2  }
0x12: {  	[tilespmem:s19+$0xFB0] =	vst v0;
	_ =	sdelay $0x2  }
0x13: {  	s19 =	sshra.s32 s20, $0x2  }
0x14: {  	[tilespmem:s19+$0xFC0] =	vst v0  }
0x15: {  	[tilespmem:s19+$0xFA0] =	vst v0  }
0x16: {  	[tilespmem:s19+$0xFB0] =	vst v0  }
0x17: {  	[spmem:s5] =	stream.linear.scatter [tilespmem:s10], [sflag:$0x2], $0x7680, $0x38;
	[tilespmem:$0xFB50] =	vst v63  }
0x18: {  	_ =	swait.ge [sflag:s11], $0x7680  }
0x19: {  	[sflag:s11] =	ssyncset.done $0x0  }
0x1a: {  	[sflag:s11] =	ssyncadd.s32 $0xFFFF8980  }
0x1b: {  	s18 =	sadd.s32 $0x0, s9;
	[bflag:$0x0] =	sbarrier.arrive $0xFFFF  }
0x1c: {  	[tilespmem:s3], [sflag:$0x2] =	stream.linear.gather [hbm4b:s18+s3], $0x50, $0x38;
	[tilespmem:$0xFB50] =	vst v63  }
0x1d: {  	_ =	swait.ge [sflag:s11], $0x50  }
0x1e: {  	[sflag:s11] =	ssyncset.done $0x0  }
0x1f: {  	[sflag:s11] =	ssyncadd.s32 $0xFFFFFFB0  }
0x20: {  	[tilespmem:s13], [sflag:$0x1] =	stream.indirect.gather [hbm4b:s4+s12], $0x30, s3, s12, $0xb8;
	[tilespmem:$0xFB50] =	vst v63  }
0x21: {  	_ =	swait.ge [sflag:s14], $0xF00  }
0x22: {  	[sflag:s14] =	ssyncset.done $0x0  }
0x23: {  	s31 =	sadd.s32 $0x0, s8;
	[sflag:s14] =	ssyncadd.s32 $0xFFFFF100  }
0x24: {  	[tilespmem:s12], [sflag:$0x2] =	stream.linear.gather [hbm4b:s31+s3], $0x50, $0x38;
	[tilespmem:$0xFB50] =	vst v63  }
0x25: {  	_ =	swait.ge [sflag:s11], $0x50  }
0x26: {  	[sflag:s11] =	ssyncset.done $0x0  }
0x27: {  	[sflag:s11] =	ssyncadd.s32 $0xFFFFFFB0  }
0x28: {  	[spmem:s2] =	stream.indirect.scatter.add.f32 [tilespmem:s13], [sflag:$0x2], $0x30, s12, s12, $0xb8;
	[tilespmem:$0xFB50] =	vst v63  }
0x29: {  	_ =	swait.ge [sflag:s11], $0xF00  }
0x2a: {  	s19 =	simm.s32 $0x14;
	s18 =	simm.s32 $0xA;
	[sflag:s11] =	ssyncset.done $0x0  }
.LBB2_4:
0x2b: {  	s20 =	sadd.s32 s18, s9  }
0x2c: {  	[sflag:s11] =	ssyncadd.s32 $0xFFFFF100;
	s21 =	smov.u32 s19;
	s22 =	sadd.s32 $0xA, s19  }
0x2d: {  	[tilespmem:s3], [sflag:$0x2] =	stream.linear.gather [hbm4b:s20+s3], $0x50, $0x38;
	[tilespmem:$0xFB50] =	vst v63  }
0x2e: {  	p0 =	sne.s32 s19, $0x4D8;
	_ =	swait.ge [sflag:s11], $0x50  }
0x2f: {  	[sflag:s11] =	ssyncset.done $0x0  }
0x30: {  	[sflag:s11] =	ssyncadd.s32 $0xFFFFFFB0  }
0x31: {  	[tilespmem:s13], [sflag:$0x1] =	stream.indirect.gather [hbm4b:s4+s12], $0x30, s3, s12, $0xb8;
	[tilespmem:$0xFB50] =	vst v63  }
0x32: {  	_ =	swait.ge [sflag:s14], $0xF00  }
0x33: {  	[sflag:s14] =	ssyncset.done $0x0  }
0x34: {  	s19 =	sadd.s32 s18, s8;
	s18 =	smov.u32 s21;
	[sflag:s14] =	ssyncadd.s32 $0xFFFFF100  }
0x35: {  	[tilespmem:s12], [sflag:$0x2] =	stream.linear.gather [hbm4b:s19+s3], $0x50, $0x38;
	[tilespmem:$0xFB50] =	vst v63  }
0x36: {  	_ =	swait.ge [sflag:s11], $0x50  }
.Ltmp1:
0x37: {  	[sflag:s11] =	ssyncset.done $0x0;
	(pc) =	sbr.rel @p0 .LBB2_4-.Ltmp1, $4  }
0x38: {  	[sflag:s11] =	ssyncadd.s32 $0xFFFFFFB0  }
0x39: {  	[spmem:s2] =	stream.indirect.scatter.add.f32 [tilespmem:s13], [sflag:$0x2], $0x30, s12, s12, $0xb8;
	[tilespmem:$0xFB50] =	vst v63  }
0x3a: {  	_ =	swait.ge [sflag:s11], $0xF00  }
0x3b: {  	s19 =	smov.u32 s22;
	[sflag:s11] =	ssyncset.done $0x0  }
0x3c: {  	s19 =	sadd.s32 s18, s9;
	[sflag:s11] =	ssyncadd.s32 $0xFFFFF100  }
0x3d: {  	[tilespmem:s3], [sflag:$0x2] =	stream.linear.gather [hbm4b:s19+s3], $0x50, $0x38;
	[tilespmem:$0xFB50] =	vst v63  }
0x3e: {  	_ =	swait.ge [sflag:s11], $0x50  }
0x3f: {  	[sflag:s11] =	ssyncset.done $0x0  }
0x40: {  	[sflag:s11] =	ssyncadd.s32 $0xFFFFFFB0  }
0x41: {  	[tilespmem:s13], [sflag:$0x1] =	stream.indirect.gather [hbm4b:s4+s12], $0x30, s3, s12, $0xb8;
	[tilespmem:$0xFB50] =	vst v63  }
0x42: {  	_ =	swait.ge [sflag:s14], $0xF00  }
0x43: {  	[sflag:s14] =	ssyncset.done $0x0  }
0x44: {  	s31 =	sadd.s32 s18, s8;
	[sflag:s14] =	ssyncadd.s32 $0xFFFFF100  }
0x45: {  	[tilespmem:s12], [sflag:$0x2] =	stream.linear.gather [hbm4b:s31+s3], $0x50, $0x38;
	[tilespmem:$0xFB50] =	vst v63  }
0x46: {  	_ =	swait.ge [sflag:s11], $0x50  }
0x47: {  	[sflag:s11] =	ssyncset.done $0x0  }
0x48: {  	[sflag:s11] =	ssyncadd.s32 $0xFFFFFFB0  }
0x49: {  	[spmem:s2] =	stream.indirect.scatter.add.f32 [tilespmem:s13], [sflag:$0x2], $0x30, s12, s12, $0xb8;
	[tilespmem:$0xFB50] =	vst v63  }
0x4a: {  	_ =	swait.ge [sflag:s11], $0xF00  }
0x4b: {  	s17 =	sadd.s32 $0x1, s17;
	[sflag:s11] =	ssyncset.done $0x0  }
0x4c: {  	p0 =	sne.s32 s17, s7;
	[sflag:s11] =	ssyncadd.s32 $0xFFFFF100  }
.Ltmp2:
0x4d: {  	[bflag:$0x0] =	sbarrier.arrive $0xFFFF;
	(pc) =	sbr.rel @p0 .LBB2_1-.Ltmp2, $4  }
0x4e: {  	[hbm:s6], [sflag:s15] =	dma.local [spmem:s16], $0xED0  }
0x4f: {  	_ =	swait.ge [sflag:s11], $0xED0  }
0x50: {  	[sflag:s11] =	ssyncset.done $0x0  }
0x51: {  	[sflag:s11] =	ssyncadd.s32 $0xFFFFF130  }
0x52: {  	_ =	sfence.sel $0x180000  }
0x53: {  	[bflag:$0x0] =	sbarrier.arrive $0xFFFF  }
0x54: {  	p0 =	sne.s32 s0, $0x0;
	_ =	strace $0x90000056  }
0x55: {  	s0 =	sadd.s32 @!p0 $0x100000, s1;
	[bflag:$0x2] =	sbarrier.arrive $0xFFFF  }
0x56: {  	[sflag:s0] =	ssyncadd.tile.s32 @!p0 $0x1;
	_ =	shalt  }
.Lfunc_end2:
_tile_overlayer_lowered:
.L_overlay_start_2:
0x57: {  	(tag) =	ssettag $0x2  }
0x58: {  	s0 =	rddreg [dreg:$0x0];
	s2 =	stileid.u32  }
0x59: {  	s1 =	rddreg [dreg:$0x1];
	p0 =	sne.s32 s2, $0x0  }
0x5a: {  	s3 =	rddreg [dreg:$0x2];
	[bflag:$0x3] =	sbarrier.arrive $0xFFFF;
	s2 =	simm.s32 @!p0 $0x1C02  }
0x5b: {  	[timem:s3], [sflag:s2] =	dma.local @!p0 [hbm:s0], s1  }
0x5c: {  	s0 =	simm.s32 @!p0 $0x2  }
0x5d: {  	_ =	swait.ge @!p0 [sflag:s0], s1  }
0x5e: {  	s1 =	ssub.s32 @!p0 $0x0, s1;
	[sflag:s0] =	ssyncset.done @!p0 $0x0  }
0x5f: {  	[sflag:s0] =	ssyncadd.s32 @!p0 s1  }
0x60: {  	[bflag:$0x3] =	sbarrier.arrive $0xFFFF  }
0x61: {  	_ =	shalt  }

// kernel: kernel.52.cloned.1.call-start
scs
__scs_entry_jumppad:
0x0: {  	(pc) =	sbr.rel $0x88, $3  }
0x1: {  	(tag) =	ssettag $0x0;
	lr =	simm.s32 $0x1  }
0x2: {  	[smem:$0x3F95] =	sst lr;
	_ =	strace $0xD0000000  }
0x3: {  	_ = 	snop  }
0x4: {  	_ = 	snop  }
0x5: {  	_ = 	snop  }
0x6: {  	_ = 	snop  }
0x7: {  	_ = 	snop  }
__scs_overlays_trampoline_lowered:
0x8: {  	[smem:$0x3FA4] =	sst s0  }
0x9: {  	[smem:$0x3FA5] =	sst s1  }
0xa: {  	[smem:$0x3FA6] =	sst s2  }
0xb: {  	[smem:$0x3FA7] =	sst s3  }
0xc: {  	[smem:$0x3FA8] =	sst s4  }
0xd: {  	[smem:$0x3FA9] =	sst s5  }
0xe: {  	[smem:$0x3FAA] =	sst s6  }
0xf: {  	[smem:$0x3FAB] =	sst s7  }
0x10: {  	[smem:$0x3FAC] =	sst s8  }
0x11: {  	[smem:$0x3FAD] =	sst s9;
	s0 =	simm.s32 @!p0 $0x0  }
0x12: {  	s1 =	sld [smem:$0x3F93];
	s0 =	simm.s32 @p0 $0x1  }
0x13: {  	[smem:$0x3FAE] =	sst s0;
	s0 =	simm.s32 @!p1 $0x0  }
0x14: {  	s2 =	sld [smem:$0x3F92];
	s0 =	simm.s32 @p1 $0x1  }
0x15: {  	[smem:$0x3FAF] =	sst s0;
	s0 =	simm.s32 @!p2 $0x0  }
0x16: {  	s3 =	sld [smem:$0x3FDB];
	s0 =	simm.s32 @p2 $0x1  }
0x17: {  	s4 =	simm.s32 $0x1BF5;
	[smem:$0x3FB1] =	sst s0  }
0x18: {  	s0 =	sld [smem:$0x3F94];
	_ =	swait.ge [sflag:s4], $0x0  }
0x19: {  	s7 =	sld [smem:$0x3F95]  }
0x1a: {  	s8 =	sadd.s32 $0xFFFFE003, lr  }
0x1b: {  	s9 =	sadd.s32 $0xFFFFFEF7, lr;
	s5 =	simm.s32 $0xFFFFFFFF;
	p2 =	slt.u32 s8, $0xFFFFF086  }
0x1c: {  	p1 =	slt.u32 s9, $0xF7A;
	s5 =	simm.s32 @!p2 $0x0  }
0x1d: {  	s5 =	simm.s32 @p1 $0x1;
	p0 =	seq.s32 s7, s2  }
0x1e: {  	s7 =	smul.u32 @!p0 $0xF7A, s2;
	p2 =	seq.s32 @!p0 s5, $0x0  }
0x1f: {  	s9 =	smul.u32 $0xF7A, s1;
	s8 =	simm.s32 @!p0 $0x1BF5;
	p2 =	por !p2, p0  }
0x20: {  	[sflag:s8] =	ssyncset.s32 @!p0 $0xFFFFF086;
	s6 =	sadd.s32 @!p0 s3, s7;
	s7 =	simm.s32 @!p0 $0x108  }
0x21: {  	s3 =	sadd.s32 s3, s9;
	s6 =	sadd.s32 @!p0 $0x88, s6;
	s7 =	simm.s32 @p2 $0x1082  }
0x22: {  	[simem:s7], [sflag:s8] =	dma.local @!p0 [hbm:s6], $0xF7A  }
0x23: {  	s9 =	sor.u32 $0xD0000000, s2;
	s6 =	simm.s32 $0x108;
	_ =	swait.ge @!p0 [sflag:s8], $0x0  }
0x24: {  	s3 =	sadd.s32 $0x88, s3;
	s6 =	simm.s32 @!p1 $0x1082;
	[sflag:s4] =	ssyncset.s32 $0xFFFFF086  }
0x25: {  	[simem:s6], [sflag:s4] =	dma.local [hbm:s3], $0xF7A  }
0x26: {  	[smem:$0x3F95] =	sst s1;
	(tag) =	ssettag s2;
	_ =	strace s9  }
0x27: {  	s1 =	sld [smem:$0x3FA5]  }
0x28: {  	s2 =	sld [smem:$0x3FA6]  }
0x29: {  	s4 =	sld [smem:$0x3FA8]  }
0x2a: {  	p0 =	seq.s32 s5, $0x0;
	s5 =	sld [smem:$0x3FA9]  }
0x2b: {  	s6 =	sld [smem:$0x3FAA]  }
0x2c: {  	s7 =	sld [smem:$0x3FAB]  }
0x2d: {  	s3 =	simm.s32 $0x108;
	s8 =	sld [smem:$0x3FAC]  }
0x2e: {  	s3 =	simm.s32 @!p0 $0x1082;
	s9 =	sld [smem:$0x3FAD]  }
0x2f: {  	lr =	sadd.s32 s0, s3;
	s0 =	sld [smem:$0x3FA4]  }
0x30: {  	s3 =	sld [smem:$0x3FA7]  }
0x31: {  	[smem:$0x3FB0] =	sst s10  }
0x32: {  	s10 =	sld [smem:$0x3FAE];
	_ =	sdelay $0x3  }
0x33: {  	p0 =	seq.s32 s10, $0x1;
	s10 =	sld [smem:$0x3FB0];
	_ =	sdelay $0x3  }
0x34: {  	[smem:$0x3FB0] =	sst s10  }
0x35: {  	s10 =	sld [smem:$0x3FAF];
	_ =	sdelay $0x3  }
0x36: {  	p1 =	seq.s32 s10, $0x1;
	s10 =	sld [smem:$0x3FB0];
	_ =	sdelay $0x3  }
0x37: {  	[smem:$0x3FB0] =	sst s10  }
0x38: {  	s10 =	sld [smem:$0x3FB1]  }
0x39: {  	_ = 	snop;
	(pc) =	sbr.ind lr, $3  }
0x3a: {  	_ = 	snop  }
0x3b: {  	_ = 	snop  }
0x3c: {  	p2 =	seq.s32 s10, $0x1;
	s10 =	sld [smem:$0x3FB0]  }
0x3d: {  	_ =	shalt  }
0x3e: {  	_ =	shalt  }
0x3f: {  	_ =	shalt  }
0x40: {  	_ =	shalt  }
0x41: {  	_ =	shalt  }
0x42: {  	_ =	shalt  }
0x43: {  	_ =	shalt  }
0x44: {  	_ =	shalt  }
0x45: {  	_ =	shalt  }
0x46: {  	_ =	shalt  }
0x47: {  	_ =	shalt  }
0x48: {  	_ =	shalt  }
0x49: {  	_ =	shalt  }
0x4a: {  	_ =	shalt  }
0x4b: {  	_ =	shalt  }
0x4c: {  	_ =	shalt  }
0x4d: {  	_ =	shalt  }
0x4e: {  	_ =	shalt  }
0x4f: {  	_ =	shalt  }
0x50: {  	_ =	shalt  }
0x51: {  	_ =	shalt  }
0x52: {  	_ =	shalt  }
0x53: {  	_ =	shalt  }
0x54: {  	_ =	shalt  }
0x55: {  	_ =	shalt  }
0x56: {  	_ =	shalt  }
0x57: {  	_ =	shalt  }
0x58: {  	_ =	shalt  }
0x59: {  	_ =	shalt  }
0x5a: {  	_ =	shalt  }
0x5b: {  	_ =	shalt  }
0x5c: {  	_ =	shalt  }
0x5d: {  	_ =	shalt  }
0x5e: {  	_ =	shalt  }
0x5f: {  	_ =	shalt  }
0x60: {  	_ =	shalt  }
0x61: {  	_ =	shalt  }
0x62: {  	_ =	shalt  }
0x63: {  	_ =	shalt  }
0x64: {  	_ =	shalt  }
0x65: {  	_ =	shalt  }
0x66: {  	_ =	shalt  }
0x67: {  	_ =	shalt  }
0x68: {  	_ =	shalt  }
0x69: {  	_ =	shalt  }
0x6a: {  	_ =	shalt  }
0x6b: {  	_ =	shalt  }
0x6c: {  	_ =	shalt  }
0x6d: {  	_ =	shalt  }
0x6e: {  	_ =	shalt  }
0x6f: {  	_ =	shalt  }
0x70: {  	_ =	shalt  }
0x71: {  	_ =	shalt  }
0x72: {  	_ =	shalt  }
0x73: {  	_ =	shalt  }
0x74: {  	_ =	shalt  }
0x75: {  	_ =	shalt  }
0x76: {  	_ =	shalt  }
0x77: {  	_ =	shalt  }
0x78: {  	_ =	shalt  }
0x79: {  	_ =	shalt  }
0x7a: {  	_ =	shalt  }
0x7b: {  	_ =	shalt  }
0x7c: {  	_ =	shalt  }
0x7d: {  	_ =	shalt  }
0x7e: {  	_ =	shalt  }
0x7f: {  	_ =	shalt  }
0x80: {  	_ =	shalt  }
0x81: {  	_ =	shalt  }
0x82: {  	_ =	shalt  }
0x83: {  	_ =	shalt  }
0x84: {  	_ =	shalt  }
0x85: {  	_ =	shalt  }
0x86: {  	_ =	shalt  }
0x87: {  	_ =	shalt  }
.Lfunc_end0:
.L_simem_size_0:
called_computation.6_lowered:
.L_overlay_start_0:
0x88: {  	s2 =	sld [smem:$0x3FD9]  }
0x89: {  	s3 =	sld [smem:$0x3FFE];
	_ =	sdelay $0x1  }
0x8a: {  	s1 =	srdreg.scid  }
0x8b: {  	s0 =	sand.u32 $0x1, s1  }
0x8c: {  	s16 =	sshll.u32 s0, $0xA;
	s2 =	sadd.s32 s3, s2  }
0x8d: {  	s2 =	sadd.s32 s2, s16  }
0x8e: {  	[smem:$0x3FBC] =	sst s2  }
0x8f: {  	_ = 	snop  }
0x90: {  	(tm) =	ssettm $0x1  }
0x91: {  	s17 =	sld [smem:$0x3FFB];
	_ =	sdelay $0x3  }
0x92: {  	_ =	strace s17  }
0x93: {  	s2 =	sld [smem:$0x3FFC];
	_ =	sdelay $0x3  }
0x94: {  	_ =	strace s2  }
0x95: {  	s2 =	sld [smem:$0x3FFD];
	_ =	sdelay $0x3  }
0x96: {  	_ =	strace s2  }
0x97: {  	_ =	strace $0x8FFFFFFF  }
0x98: {  	s18 =	sld [smem:$0x3FDB];
	_ =	sdelay $0x1  }
0x99: {  	s19 =	simm.s32 $_scs_section_size  }
0x9a: {  	s4 =	simm.s32 $_size__tile_overlayer_lowered;
	s5 =	simm.s32 $_tile_overlayer_lowered  }
0x9b: {  	s22 =	simm.s32 $0x1BFF;
	s21 =	sshll.u32 s5, $0x1;
	s2 =	sadd.s32 s19, s18  }
0x9c: {  	s6 =	simm.s32 $0x0;
	s20 =	sshll.u32 s4, $0x1;
	s4 =	sadd.s32 s21, s2  }
0x9d: {  	[timem:s6], [sflag:s22] =	dma.local [hbm:s4], s20  }
0x9e: {  	_ =	swait.ge [sflag:s22], s20  }
0x9f: {  	s3 =	ssub.s32 $0x0, s20;
	[sflag:s22] =	ssyncset.done $0x0  }
0xa0: {  	[sflag:s22] =	ssyncadd.s32 s3;
	_ =	sdelay $0x1  }
0xa1: {  	s23 =	simm.s32 $0x1B8B  }
0xa2: {  	_ =	swait.ge [sflag:s23], $0x1  }
0xa3: {  	[sflag:s23] =	ssyncset.done $0x0  }
0xa4: {  	s25 =	simm.s32 $0x1B8E;
	s24 =	sld [smem:$0x3FFE];
	[sflag:s23] =	ssyncadd.s32 $0xFFFFFFFF  }
0xa5: {  	s26 =	simm.s32 $execute0_lowered;
	[smem:$0x3FD2] =	sst s25  }
0xa6: {  	s4 =	sshll.u32 s26, $0x1;
	_ =	strace $0x80000058;
	[dreg:$0x1] =	wrdreg $0xFFFFFFFF  }
0xa7: {  	s28 =	simm.s32 $_size_execute0_lowered;
	s2 =	sadd.s32 s2, s4;
	[dreg:$0x0] =	wrdreg $0x0  }
0xa8: {  	s4 =	sshll.u32 s28, $0x1;
	[dreg:$0x2] =	wrdreg s2  }
0xa9: {  	[dreg:$0x3] =	wrdreg s4  }
0xaa: {  	[dreg:$0x4] =	wrdreg $0xC0  }
0xab: {  	_ =	task [dreg:s6], $0x5FFFF  }
0xac: {  	[dreg:$0x1] =	wrdreg $0xFFFFFFFF  }
0xad: {  	[dreg:$0x0] =	wrdreg $0x60  }
0xae: {  	[dreg:$0x2] =	wrdreg s24  }
0xaf: {  	[dreg:$0x3] =	wrdreg $0x86200  }
0xb0: {  	[dreg:$0x4] =	wrdreg $0x9  }
0xb1: {  	_ =	task.clear_ibuf [dreg:s6], $0x5FFFF;
	_ =	strace $0x90000058  }
0xb2: {  	s29 =	simm.s32 $0x9;
	_ =	strace $0x8000005A  }
0xb3: {  	_ =	swait.ge [sflag:s29], $0x1  }
0xb4: {  	[sflag:s29] =	ssyncadd.s32 $0xFFFFFFFF  }
0xb5: {  	_ =	strace $0x9000005A  }
0xb6: {  	_ =	sfence  }
0xb7: {  	s30 =	sld [smem:$0x0];
	_ =	sdelay $0x2  }
0xb8: {  	s31 =	sshll.u32 s1, $0xD;
	s1 =	sshrl.u32 s1, $0x2  }
0xb9: {  	s3 =	sand.u32 $0x4000, s31;
	s1 =	sadd.s32 s1, s30  }
0xba: {  	s0 =	sor.u32 s3, s0;
	s1 =	sshll.u32 s1, $0x11  }
0xbb: {  	s0 =	sor.u32 s1, s0  }
0xbc: {  	s0 =	sadd.s32 $0x8F2B, s0  }
0xbd: {  	[sflag:s0] =	ssyncadd.remote.s32 $0x1  }
0xbe: {  	_ =	sfence.sel $0xFFFF  }
0xbf: {  	[dreg:$0x0] =	wrdreg $0xFFFFFFFF;
	(pc) =	sbr.abs _section_cstart, $3  }
0xc0: {  	[dreg:$0x1] =	wrdreg $0xFFFFFFFF  }
0xc1: {  	_ =	task.clear_ibuf [dreg:s6], $0x2FFFF;
	_ =	strace $0x9FFFFFFF  }
0xc2: {  	(tm) =	ssettm $0x7FFFFFFF  }
0xc3: {  	_ =	shalt  }
tec
execute0_lowered:
.L_overlay_start_1:
0x0: {  	(tag) =	ssettag $0x1  }
0x1: {  	s5 =	rddreg [dreg:$0x0]  }
0x2: {  	s0 =	srdreg.scid;
	s2 =	rddreg [dreg:$0x1]  }
0x3: {  	s1 =	rddreg [dreg:$0x2];
	s3 =	simm.s32 $0x0;
	s11 =	simm.s32 $0x2  }
0x4: {  	s12 =	simm.s32 $0x50;
	s13 =	simm.s32 $0xA0;
	s6 =	sand.u32 $0x1, s0  }
0x5: {  	s14 =	simm.s32 $0x1;
	s0 =	stileid.u32;
	s7 =	smul.u32 $0x27100, s6  }
0x6: {  	s17 =	simm.s32 $0x0;
	[smem:$0x7FF] =	sst s3;
	s8 =	smul.u32 $0x2710, s0  }
0x7: {  	s4 =	sadd.s32 $0x96E00, s5;
	s9 =	smul.u32 $0x7680, s0;
	p0 =	seq.s32 s0, $0xF  }
0x8: {  	s10 =	smul.u32 $0x75300, s6;
	s6 =	ssub.s32 $0x2, s6;
	s15 =	sshll.u32 s0, $0x6  }
0x9: {  	_ =	strace $0x80000059;
	s30 =	sshrl.u32 s6, $0x1;
	s15 =	sor.u32 $0x1C02, s15  }
0xa: {  	s9 =	simm.s32 @p0 $0x6DC80;
	s7 =	sadd.s32 s8, s7;
	s31 =	ssub.s32 s6, s30  }
0xb: {  	s26 =	sadd.s32 s10, s9;
	s7 =	sshrl.u32 s7, $0x3;
	s10 =	simm.s32 $0xFA0  }
0xc: {  	s8 =	sshrl.u32 s26, $0x3;
	s28 =	sadd.s32 s7, s5;
	s7 =	smax.u32 s31, $0x1  }
0xd: {  	s29 =	sadd.s32 s8, s5;
	s5 =	sadd.s32 s9, s2;
	s8 =	sadd.s32 $0xDC00, s28  }
0xe: {  	v0 =	vimm.f32 $0.0e+00;
	s9 =	sadd.s32 $0x17A00, s28;
	s6 =	sadd.s32 $0xA5A00, s29;
	s16 =	sshrl.u32 s5, $0x3  }
.LBB2_1:
0xf: {  	s18 =	simm.s32 $0xC0;
	s19 =	simm.s32 $0x0  }
.LBB2_2:
0x10: {  	p0 =	sne.s32 s18, $0x1D940;
	[tilespmem:s19+$0xFC0] =	vst v0;
	s20 =	smov.u32 s18;
	s18 =	sadd.s32 $0xC0, s18  }
.Ltmp0:
0x11: {  	[tilespmem:s19+$0xFA0] =	vst v0;
	(pc) =	sbr.rel @p0 .LBB2_2-.Ltmp0, $2  }
0x12: {  	[tilespmem:s19+$0xFB0] =	vst v0;
	_ =	sdelay $0x2  }
0x13: {  	s19 =	sshra.s32 s20, $0x2  }
0x14: {  	[tilespmem:s19+$0xFC0] =	vst v0  }
0x15: {  	[tilespmem:s19+$0xFA0] =	vst v0  }
0x16: {  	[tilespmem:s19+$0xFB0] =	vst v0  }
0x17: {  	[spmem:s5] =	stream.linear.scatter [tilespmem:s10], [sflag:$0x2], $0x7680, $0x38;
	[tilespmem:$0xFB50] =	vst v63  }
0x18: {  	_ =	swait.ge [sflag:s11], $0x7680  }
0x19: {  	[sflag:s11] =	ssyncset.done $0x0  }
0x1a: {  	[sflag:s11] =	ssyncadd.s32 $0xFFFF8980  }
0x1b: {  	s18 =	sadd.s32 $0x0, s9;
	[bflag:$0x0] =	sbarrier.arrive $0xFFFF  }
0x1c: {  	[tilespmem:s3], [sflag:$0x2] =	stream.linear.gather [hbm4b:s18+s3], $0x50, $0x38;
	[tilespmem:$0xFB50] =	vst v63  }
0x1d: {  	_ =	swait.ge [sflag:s11], $0x50  }
0x1e: {  	[sflag:s11] =	ssyncset.done $0x0  }
0x1f: {  	[sflag:s11] =	ssyncadd.s32 $0xFFFFFFB0  }
0x20: {  	[tilespmem:s13], [sflag:$0x1] =	stream.indirect.gather [hbm4b:s4+s12], $0x30, s3, s12, $0xb8;
	[tilespmem:$0xFB50] =	vst v63  }
0x21: {  	_ =	swait.ge [sflag:s14], $0xF00  }
0x22: {  	[sflag:s14] =	ssyncset.done $0x0  }
0x23: {  	s31 =	sadd.s32 $0x0, s8;
	[sflag:s14] =	ssyncadd.s32 $0xFFFFF100  }
0x24: {  	[tilespmem:s12], [sflag:$0x2] =	stream.linear.gather [hbm4b:s31+s3], $0x50, $0x38;
	[tilespmem:$0xFB50] =	vst v63  }
0x25: {  	_ =	swait.ge [sflag:s11], $0x50  }
0x26: {  	[sflag:s11] =	ssyncset.done $0x0  }
0x27: {  	[sflag:s11] =	ssyncadd.s32 $0xFFFFFFB0  }
0x28: {  	[spmem:s2] =	stream.indirect.scatter.add.f32 [tilespmem:s13], [sflag:$0x2], $0x30, s12, s12, $0xb8;
	[tilespmem:$0xFB50] =	vst v63  }
0x29: {  	_ =	swait.ge [sflag:s11], $0xF00  }
0x2a: {  	s19 =	simm.s32 $0x14;
	s18 =	simm.s32 $0xA;
	[sflag:s11] =	ssyncset.done $0x0  }
.LBB2_4:
0x2b: {  	s20 =	sadd.s32 s18, s9  }
0x2c: {  	[sflag:s11] =	ssyncadd.s32 $0xFFFFF100;
	s21 =	smov.u32 s19;
	s22 =	sadd.s32 $0xA, s19  }
0x2d: {  	[tilespmem:s3], [sflag:$0x2] =	stream.linear.gather [hbm4b:s20+s3], $0x50, $0x38;
	[tilespmem:$0xFB50] =	vst v63  }
0x2e: {  	p0 =	sne.s32 s19, $0x4D8;
	_ =	swait.ge [sflag:s11], $0x50  }
0x2f: {  	[sflag:s11] =	ssyncset.done $0x0  }
0x30: {  	[sflag:s11] =	ssyncadd.s32 $0xFFFFFFB0  }
0x31: {  	[tilespmem:s13], [sflag:$0x1] =	stream.indirect.gather [hbm4b:s4+s12], $0x30, s3, s12, $0xb8;
	[tilespmem:$0xFB50] =	vst v63  }
0x32: {  	_ =	swait.ge [sflag:s14], $0xF00  }
0x33: {  	[sflag:s14] =	ssyncset.done $0x0  }
0x34: {  	s19 =	sadd.s32 s18, s8;
	s18 =	smov.u32 s21;
	[sflag:s14] =	ssyncadd.s32 $0xFFFFF100  }
0x35: {  	[tilespmem:s12], [sflag:$0x2] =	stream.linear.gather [hbm4b:s19+s3], $0x50, $0x38;
	[tilespmem:$0xFB50] =	vst v63  }
0x36: {  	_ =	swait.ge [sflag:s11], $0x50  }
.Ltmp1:
0x37: {  	[sflag:s11] =	ssyncset.done $0x0;
	(pc) =	sbr.rel @p0 .LBB2_4-.Ltmp1, $4  }
0x38: {  	[sflag:s11] =	ssyncadd.s32 $0xFFFFFFB0  }
0x39: {  	[spmem:s2] =	stream.indirect.scatter.add.f32 [tilespmem:s13], [sflag:$0x2], $0x30, s12, s12, $0xb8;
	[tilespmem:$0xFB50] =	vst v63  }
0x3a: {  	_ =	swait.ge [sflag:s11], $0xF00  }
0x3b: {  	s19 =	smov.u32 s22;
	[sflag:s11] =	ssyncset.done $0x0  }
0x3c: {  	s19 =	sadd.s32 s18, s9;
	[sflag:s11] =	ssyncadd.s32 $0xFFFFF100  }
0x3d: {  	[tilespmem:s3], [sflag:$0x2] =	stream.linear.gather [hbm4b:s19+s3], $0x50, $0x38;
	[tilespmem:$0xFB50] =	vst v63  }
0x3e: {  	_ =	swait.ge [sflag:s11], $0x50  }
0x3f: {  	[sflag:s11] =	ssyncset.done $0x0  }
0x40: {  	[sflag:s11] =	ssyncadd.s32 $0xFFFFFFB0  }
0x41: {  	[tilespmem:s13], [sflag:$0x1] =	stream.indirect.gather [hbm4b:s4+s12], $0x30, s3, s12, $0xb8;
	[tilespmem:$0xFB50] =	vst v63  }
0x42: {  	_ =	swait.ge [sflag:s14], $0xF00  }
0x43: {  	[sflag:s14] =	ssyncset.done $0x0  }
0x44: {  	s31 =	sadd.s32 s18, s8;
	[sflag:s14] =	ssyncadd.s32 $0xFFFFF100  }
0x45: {  	[tilespmem:s12], [sflag:$0x2] =	stream.linear.gather [hbm4b:s31+s3], $0x50, $0x38;
	[tilespmem:$0xFB50] =	vst v63  }
0x46: {  	_ =	swait.ge [sflag:s11], $0x50  }
0x47: {  	[sflag:s11] =	ssyncset.done $0x0  }
0x48: {  	[sflag:s11] =	ssyncadd.s32 $0xFFFFFFB0  }
0x49: {  	[spmem:s2] =	stream.indirect.scatter.add.f32 [tilespmem:s13], [sflag:$0x2], $0x30, s12, s12, $0xb8;
	[tilespmem:$0xFB50] =	vst v63  }
0x4a: {  	_ =	swait.ge [sflag:s11], $0xF00  }
0x4b: {  	s17 =	sadd.s32 $0x1, s17;
	[sflag:s11] =	ssyncset.done $0x0  }
0x4c: {  	p0 =	sne.s32 s17, s7;
	[sflag:s11] =	ssyncadd.s32 $0xFFFFF100  }
.Ltmp2:
0x4d: {  	[bflag:$0x0] =	sbarrier.arrive $0xFFFF;
	(pc) =	sbr.rel @p0 .LBB2_1-.Ltmp2, $4  }
0x4e: {  	[hbm:s6], [sflag:s15] =	dma.local [spmem:s16], $0xED0  }
0x4f: {  	_ =	swait.ge [sflag:s11], $0xED0  }
0x50: {  	[sflag:s11] =	ssyncset.done $0x0  }
0x51: {  	[sflag:s11] =	ssyncadd.s32 $0xFFFFF130  }
0x52: {  	_ =	sfence.sel $0x180000  }
0x53: {  	[bflag:$0x0] =	sbarrier.arrive $0xFFFF  }
0x54: {  	p0 =	sne.s32 s0, $0x0;
	_ =	strace $0x90000059  }
0x55: {  	s0 =	sadd.s32 @!p0 $0x100000, s1;
	[bflag:$0x2] =	sbarrier.arrive $0xFFFF  }
0x56: {  	[sflag:s0] =	ssyncadd.tile.s32 @!p0 $0x1;
	_ =	shalt  }
.Lfunc_end2:
_tile_overlayer_lowered:
.L_overlay_start_2:
0x57: {  	(tag) =	ssettag $0x2  }
0x58: {  	s0 =	rddreg [dreg:$0x0];
	s2 =	stileid.u32  }
0x59: {  	s1 =	rddreg [dreg:$0x1];
	p0 =	sne.s32 s2, $0x0  }
0x5a: {  	s3 =	rddreg [dreg:$0x2];
	[bflag:$0x3] =	sbarrier.arrive $0xFFFF;
	s2 =	simm.s32 @!p0 $0x1C02  }
0x5b: {  	[timem:s3], [sflag:s2] =	dma.local @!p0 [hbm:s0], s1  }
0x5c: {  	s0 =	simm.s32 @!p0 $0x2  }
0x5d: {  	_ =	swait.ge @!p0 [sflag:s0], s1  }
0x5e: {  	s1 =	ssub.s32 @!p0 $0x0, s1;
	[sflag:s0] =	ssyncset.done @!p0 $0x0  }
0x5f: {  	[sflag:s0] =	ssyncadd.s32 @!p0 s1  }
0x60: {  	[bflag:$0x3] =	sbarrier.arrive $0xFFFF  }
0x61: {  	_ =	shalt  }

// kernel: kernel.55.cloned.1.call-start
scs
__scs_entry_jumppad:
0x0: {  	(pc) =	sbr.rel $0x88, $3  }
0x1: {  	(tag) =	ssettag $0x0;
	lr =	simm.s32 $0x1  }
0x2: {  	[smem:$0x3F95] =	sst lr;
	_ =	strace $0xD0000000  }
0x3: {  	_ = 	snop  }
0x4: {  	_ = 	snop  }
0x5: {  	_ = 	snop  }
0x6: {  	_ = 	snop  }
0x7: {  	_ = 	snop  }
__scs_overlays_trampoline_lowered:
0x8: {  	[smem:$0x3FA4] =	sst s0  }
0x9: {  	[smem:$0x3FA5] =	sst s1  }
0xa: {  	[smem:$0x3FA6] =	sst s2  }
0xb: {  	[smem:$0x3FA7] =	sst s3  }
0xc: {  	[smem:$0x3FA8] =	sst s4  }
0xd: {  	[smem:$0x3FA9] =	sst s5  }
0xe: {  	[smem:$0x3FAA] =	sst s6  }
0xf: {  	[smem:$0x3FAB] =	sst s7  }
0x10: {  	[smem:$0x3FAC] =	sst s8  }
0x11: {  	[smem:$0x3FAD] =	sst s9;
	s0 =	simm.s32 @!p0 $0x0  }
0x12: {  	s1 =	sld [smem:$0x3F93];
	s0 =	simm.s32 @p0 $0x1  }
0x13: {  	[smem:$0x3FAE] =	sst s0;
	s0 =	simm.s32 @!p1 $0x0  }
0x14: {  	s2 =	sld [smem:$0x3F92];
	s0 =	simm.s32 @p1 $0x1  }
0x15: {  	[smem:$0x3FAF] =	sst s0;
	s0 =	simm.s32 @!p2 $0x0  }
0x16: {  	s3 =	sld [smem:$0x3FDB];
	s0 =	simm.s32 @p2 $0x1  }
0x17: {  	s4 =	simm.s32 $0x1BF5;
	[smem:$0x3FB1] =	sst s0  }
0x18: {  	s0 =	sld [smem:$0x3F94];
	_ =	swait.ge [sflag:s4], $0x0  }
0x19: {  	s7 =	sld [smem:$0x3F95]  }
0x1a: {  	s8 =	sadd.s32 $0xFFFFE003, lr  }
0x1b: {  	s9 =	sadd.s32 $0xFFFFFEF7, lr;
	s5 =	simm.s32 $0xFFFFFFFF;
	p2 =	slt.u32 s8, $0xFFFFF086  }
0x1c: {  	p1 =	slt.u32 s9, $0xF7A;
	s5 =	simm.s32 @!p2 $0x0  }
0x1d: {  	s5 =	simm.s32 @p1 $0x1;
	p0 =	seq.s32 s7, s2  }
0x1e: {  	s7 =	smul.u32 @!p0 $0xF7A, s2;
	p2 =	seq.s32 @!p0 s5, $0x0  }
0x1f: {  	s9 =	smul.u32 $0xF7A, s1;
	s8 =	simm.s32 @!p0 $0x1BF5;
	p2 =	por !p2, p0  }
0x20: {  	[sflag:s8] =	ssyncset.s32 @!p0 $0xFFFFF086;
	s6 =	sadd.s32 @!p0 s3, s7;
	s7 =	simm.s32 @!p0 $0x108  }
0x21: {  	s3 =	sadd.s32 s3, s9;
	s6 =	sadd.s32 @!p0 $0x88, s6;
	s7 =	simm.s32 @p2 $0x1082  }
0x22: {  	[simem:s7], [sflag:s8] =	dma.local @!p0 [hbm:s6], $0xF7A  }
0x23: {  	s9 =	sor.u32 $0xD0000000, s2;
	s6 =	simm.s32 $0x108;
	_ =	swait.ge @!p0 [sflag:s8], $0x0  }
0x24: {  	s3 =	sadd.s32 $0x88, s3;
	s6 =	simm.s32 @!p1 $0x1082;
	[sflag:s4] =	ssyncset.s32 $0xFFFFF086  }
0x25: {  	[simem:s6], [sflag:s4] =	dma.local [hbm:s3], $0xF7A  }
0x26: {  	[smem:$0x3F95] =	sst s1;
	(tag) =	ssettag s2;
	_ =	strace s9  }
0x27: {  	s1 =	sld [smem:$0x3FA5]  }
0x28: {  	s2 =	sld [smem:$0x3FA6]  }
0x29: {  	s4 =	sld [smem:$0x3FA8]  }
0x2a: {  	p0 =	seq.s32 s5, $0x0;
	s5 =	sld [smem:$0x3FA9]  }
0x2b: {  	s6 =	sld [smem:$0x3FAA]  }
0x2c: {  	s7 =	sld [smem:$0x3FAB]  }
0x2d: {  	s3 =	simm.s32 $0x108;
	s8 =	sld [smem:$0x3FAC]  }
0x2e: {  	s3 =	simm.s32 @!p0 $0x1082;
	s9 =	sld [smem:$0x3FAD]  }
0x2f: {  	lr =	sadd.s32 s0, s3;
	s0 =	sld [smem:$0x3FA4]  }
0x30: {  	s3 =	sld [smem:$0x3FA7]  }
0x31: {  	[smem:$0x3FB0] =	sst s10  }
0x32: {  	s10 =	sld [smem:$0x3FAE];
	_ =	sdelay $0x3  }
0x33: {  	p0 =	seq.s32 s10, $0x1;
	s10 =	sld [smem:$0x3FB0];
	_ =	sdelay $0x3  }
0x34: {  	[smem:$0x3FB0] =	sst s10  }
0x35: {  	s10 =	sld [smem:$0x3FAF];
	_ =	sdelay $0x3  }
0x36: {  	p1 =	seq.s32 s10, $0x1;
	s10 =	sld [smem:$0x3FB0];
	_ =	sdelay $0x3  }
0x37: {  	[smem:$0x3FB0] =	sst s10  }
0x38: {  	s10 =	sld [smem:$0x3FB1]  }
0x39: {  	_ = 	snop;
	(pc) =	sbr.ind lr, $3  }
0x3a: {  	_ = 	snop  }
0x3b: {  	_ = 	snop  }
0x3c: {  	p2 =	seq.s32 s10, $0x1;
	s10 =	sld [smem:$0x3FB0]  }
0x3d: {  	_ =	shalt  }
0x3e: {  	_ =	shalt  }
0x3f: {  	_ =	shalt  }
0x40: {  	_ =	shalt  }
0x41: {  	_ =	shalt  }
0x42: {  	_ =	shalt  }
0x43: {  	_ =	shalt  }
0x44: {  	_ =	shalt  }
0x45: {  	_ =	shalt  }
0x46: {  	_ =	shalt  }
0x47: {  	_ =	shalt  }
0x48: {  	_ =	shalt  }
0x49: {  	_ =	shalt  }
0x4a: {  	_ =	shalt  }
0x4b: {  	_ =	shalt  }
0x4c: {  	_ =	shalt  }
0x4d: {  	_ =	shalt  }
0x4e: {  	_ =	shalt  }
0x4f: {  	_ =	shalt  }
0x50: {  	_ =	shalt  }
0x51: {  	_ =	shalt  }
0x52: {  	_ =	shalt  }
0x53: {  	_ =	shalt  }
0x54: {  	_ =	shalt  }
0x55: {  	_ =	shalt  }
0x56: {  	_ =	shalt  }
0x57: {  	_ =	shalt  }
0x58: {  	_ =	shalt  }
0x59: {  	_ =	shalt  }
0x5a: {  	_ =	shalt  }
0x5b: {  	_ =	shalt  }
0x5c: {  	_ =	shalt  }
0x5d: {  	_ =	shalt  }
0x5e: {  	_ =	shalt  }
0x5f: {  	_ =	shalt  }
0x60: {  	_ =	shalt  }
0x61: {  	_ =	shalt  }
0x62: {  	_ =	shalt  }
0x63: {  	_ =	shalt  }
0x64: {  	_ =	shalt  }
0x65: {  	_ =	shalt  }
0x66: {  	_ =	shalt  }
0x67: {  	_ =	shalt  }
0x68: {  	_ =	shalt  }
0x69: {  	_ =	shalt  }
0x6a: {  	_ =	shalt  }
0x6b: {  	_ =	shalt  }
0x6c: {  	_ =	shalt  }
0x6d: {  	_ =	shalt  }
0x6e: {  	_ =	shalt  }
0x6f: {  	_ =	shalt  }
0x70: {  	_ =	shalt  }
0x71: {  	_ =	shalt  }
0x72: {  	_ =	shalt  }
0x73: {  	_ =	shalt  }
0x74: {  	_ =	shalt  }
0x75: {  	_ =	shalt  }
0x76: {  	_ =	shalt  }
0x77: {  	_ =	shalt  }
0x78: {  	_ =	shalt  }
0x79: {  	_ =	shalt  }
0x7a: {  	_ =	shalt  }
0x7b: {  	_ =	shalt  }
0x7c: {  	_ =	shalt  }
0x7d: {  	_ =	shalt  }
0x7e: {  	_ =	shalt  }
0x7f: {  	_ =	shalt  }
0x80: {  	_ =	shalt  }
0x81: {  	_ =	shalt  }
0x82: {  	_ =	shalt  }
0x83: {  	_ =	shalt  }
0x84: {  	_ =	shalt  }
0x85: {  	_ =	shalt  }
0x86: {  	_ =	shalt  }
0x87: {  	_ =	shalt  }
.Lfunc_end0:
.L_simem_size_0:
called_computation.7_lowered:
.L_overlay_start_0:
0x88: {  	s2 =	sld [smem:$0x3FD9]  }
0x89: {  	s3 =	sld [smem:$0x3FFE];
	_ =	sdelay $0x1  }
0x8a: {  	s1 =	srdreg.scid  }
0x8b: {  	s0 =	sand.u32 $0x1, s1  }
0x8c: {  	s16 =	sshll.u32 s0, $0xA;
	s2 =	sadd.s32 s3, s2  }
0x8d: {  	s2 =	sadd.s32 s2, s16  }
0x8e: {  	[smem:$0x3FBC] =	sst s2  }
0x8f: {  	_ = 	snop  }
0x90: {  	(tm) =	ssettm $0x1  }
0x91: {  	s17 =	sld [smem:$0x3FFB];
	_ =	sdelay $0x3  }
0x92: {  	_ =	strace s17  }
0x93: {  	s2 =	sld [smem:$0x3FFC];
	_ =	sdelay $0x3  }
0x94: {  	_ =	strace s2  }
0x95: {  	s2 =	sld [smem:$0x3FFD];
	_ =	sdelay $0x3  }
0x96: {  	_ =	strace s2  }
0x97: {  	_ =	strace $0x8FFFFFFF  }
0x98: {  	s18 =	sld [smem:$0x3FDB];
	_ =	sdelay $0x1  }
0x99: {  	s19 =	simm.s32 $_scs_section_size  }
0x9a: {  	s4 =	simm.s32 $_size__tile_overlayer_lowered;
	s5 =	simm.s32 $_tile_overlayer_lowered  }
0x9b: {  	s22 =	simm.s32 $0x1BFF;
	s21 =	sshll.u32 s5, $0x1;
	s2 =	sadd.s32 s19, s18  }
0x9c: {  	s6 =	simm.s32 $0x0;
	s20 =	sshll.u32 s4, $0x1;
	s4 =	sadd.s32 s21, s2  }
0x9d: {  	[timem:s6], [sflag:s22] =	dma.local [hbm:s4], s20  }
0x9e: {  	_ =	swait.ge [sflag:s22], s20  }
0x9f: {  	s3 =	ssub.s32 $0x0, s20;
	[sflag:s22] =	ssyncset.done $0x0  }
0xa0: {  	[sflag:s22] =	ssyncadd.s32 s3;
	_ =	sdelay $0x1  }
0xa1: {  	s23 =	simm.s32 $0x1B8B  }
0xa2: {  	_ =	swait.ge [sflag:s23], $0x1  }
0xa3: {  	[sflag:s23] =	ssyncset.done $0x0  }
0xa4: {  	s25 =	simm.s32 $0x1B8E;
	s24 =	sld [smem:$0x3FFE];
	[sflag:s23] =	ssyncadd.s32 $0xFFFFFFFF  }
0xa5: {  	s26 =	simm.s32 $execute0_lowered;
	[smem:$0x3FD2] =	sst s25  }
0xa6: {  	s4 =	sshll.u32 s26, $0x1;
	_ =	strace $0x8000005B;
	[dreg:$0x1] =	wrdreg $0xFFFFFFFF  }
0xa7: {  	s28 =	simm.s32 $_size_execute0_lowered;
	s2 =	sadd.s32 s2, s4;
	[dreg:$0x0] =	wrdreg $0x0  }
0xa8: {  	s4 =	sshll.u32 s28, $0x1;
	[dreg:$0x2] =	wrdreg s2  }
0xa9: {  	[dreg:$0x3] =	wrdreg s4  }
0xaa: {  	[dreg:$0x4] =	wrdreg $0xC0  }
0xab: {  	_ =	task [dreg:s6], $0x5FFFF  }
0xac: {  	[dreg:$0x1] =	wrdreg $0xFFFFFFFF  }
0xad: {  	[dreg:$0x0] =	wrdreg $0x60  }
0xae: {  	[dreg:$0x2] =	wrdreg s24  }
0xaf: {  	[dreg:$0x3] =	wrdreg $0x86200  }
0xb0: {  	[dreg:$0x4] =	wrdreg $0x9  }
0xb1: {  	_ =	task.clear_ibuf [dreg:s6], $0x5FFFF;
	_ =	strace $0x9000005B  }
0xb2: {  	s29 =	simm.s32 $0x9;
	_ =	strace $0x8000005D  }
0xb3: {  	_ =	swait.ge [sflag:s29], $0x1  }
0xb4: {  	[sflag:s29] =	ssyncadd.s32 $0xFFFFFFFF  }
0xb5: {  	_ =	strace $0x9000005D  }
0xb6: {  	_ =	sfence  }
0xb7: {  	s30 =	sld [smem:$0x0];
	_ =	sdelay $0x2  }
0xb8: {  	s31 =	sshll.u32 s1, $0xD;
	s1 =	sshrl.u32 s1, $0x2  }
0xb9: {  	s3 =	sand.u32 $0x4000, s31;
	s1 =	sadd.s32 s1, s30  }
0xba: {  	s0 =	sor.u32 s3, s0;
	s1 =	sshll.u32 s1, $0x11  }
0xbb: {  	s0 =	sor.u32 s1, s0  }
0xbc: {  	s0 =	sadd.s32 $0x8F2B, s0  }
0xbd: {  	[sflag:s0] =	ssyncadd.remote.s32 $0x1  }
0xbe: {  	_ =	sfence.sel $0xFFFF  }
0xbf: {  	[dreg:$0x0] =	wrdreg $0xFFFFFFFF;
	(pc) =	sbr.abs _section_cstart, $3  }
0xc0: {  	[dreg:$0x1] =	wrdreg $0xFFFFFFFF  }
0xc1: {  	_ =	task.clear_ibuf [dreg:s6], $0x2FFFF;
	_ =	strace $0x9FFFFFFF  }
0xc2: {  	(tm) =	ssettm $0x7FFFFFFF  }
0xc3: {  	_ =	shalt  }
tec
execute0_lowered:
.L_overlay_start_1:
0x0: {  	(tag) =	ssettag $0x1  }
0x1: {  	s5 =	rddreg [dreg:$0x0]  }
0x2: {  	s0 =	srdreg.scid;
	s2 =	rddreg [dreg:$0x1]  }
0x3: {  	s1 =	rddreg [dreg:$0x2];
	s3 =	simm.s32 $0x0;
	s11 =	simm.s32 $0x2  }
0x4: {  	s12 =	simm.s32 $0x50;
	s13 =	simm.s32 $0xA0;
	s6 =	sand.u32 $0x1, s0  }
0x5: {  	s14 =	simm.s32 $0x1;
	s0 =	stileid.u32;
	s7 =	smul.u32 $0x27100, s6  }
0x6: {  	s17 =	simm.s32 $0x0;
	[smem:$0x7FF] =	sst s3;
	s8 =	smul.u32 $0x2710, s0  }
0x7: {  	s4 =	sadd.s32 $0x6FC00, s5;
	s9 =	smul.u32 $0x7680, s0;
	p0 =	seq.s32 s0, $0xF  }
0x8: {  	s10 =	smul.u32 $0x75300, s6;
	s6 =	ssub.s32 $0x2, s6;
	s15 =	sshll.u32 s0, $0x6  }
0x9: {  	_ =	strace $0x8000005C;
	s30 =	sshrl.u32 s6, $0x1;
	s15 =	sor.u32 $0x1C02, s15  }
0xa: {  	s9 =	simm.s32 @p0 $0x6DC80;
	s7 =	sadd.s32 s8, s7;
	s31 =	ssub.s32 s6, s30  }
0xb: {  	s26 =	sadd.s32 s10, s9;
	s7 =	sshrl.u32 s7, $0x3;
	s10 =	simm.s32 $0xFA0  }
0xc: {  	s8 =	sshrl.u32 s26, $0x3;
	s28 =	sadd.s32 s7, s5;
	s7 =	smax.u32 s31, $0x1  }
0xd: {  	s29 =	sadd.s32 s8, s5;
	s5 =	sadd.s32 s9, s2;
	s8 =	sadd.s32 $0xDC00, s28  }
0xe: {  	v0 =	vimm.f32 $0.0e+00;
	s9 =	sadd.s32 $0x17A00, s28;
	s6 =	sadd.s32 $0x7E800, s29;
	s16 =	sshrl.u32 s5, $0x3  }
.LBB2_1:
0xf: {  	s18 =	simm.s32 $0xC0;
	s19 =	simm.s32 $0x0  }
.LBB2_2:
0x10: {  	p0 =	sne.s32 s18, $0x1D940;
	[tilespmem:s19+$0xFC0] =	vst v0;
	s20 =	smov.u32 s18;
	s18 =	sadd.s32 $0xC0, s18  }
.Ltmp0:
0x11: {  	[tilespmem:s19+$0xFA0] =	vst v0;
	(pc) =	sbr.rel @p0 .LBB2_2-.Ltmp0, $2  }
0x12: {  	[tilespmem:s19+$0xFB0] =	vst v0;
	_ =	sdelay $0x2  }
0x13: {  	s19 =	sshra.s32 s20, $0x2  }
0x14: {  	[tilespmem:s19+$0xFC0] =	vst v0  }
0x15: {  	[tilespmem:s19+$0xFA0] =	vst v0  }
0x16: {  	[tilespmem:s19+$0xFB0] =	vst v0  }
0x17: {  	[spmem:s5] =	stream.linear.scatter [tilespmem:s10], [sflag:$0x2], $0x7680, $0x38;
	[tilespmem:$0xFB50] =	vst v63  }
0x18: {  	_ =	swait.ge [sflag:s11], $0x7680  }
0x19: {  	[sflag:s11] =	ssyncset.done $0x0  }
0x1a: {  	[sflag:s11] =	ssyncadd.s32 $0xFFFF8980  }
0x1b: {  	s18 =	sadd.s32 $0x0, s9;
	[bflag:$0x0] =	sbarrier.arrive $0xFFFF  }
0x1c: {  	[tilespmem:s3], [sflag:$0x2] =	stream.linear.gather [hbm4b:s18+s3], $0x50, $0x38;
	[tilespmem:$0xFB50] =	vst v63  }
0x1d: {  	_ =	swait.ge [sflag:s11], $0x50  }
0x1e: {  	[sflag:s11] =	ssyncset.done $0x0  }
0x1f: {  	[sflag:s11] =	ssyncadd.s32 $0xFFFFFFB0  }
0x20: {  	[tilespmem:s13], [sflag:$0x1] =	stream.indirect.gather [hbm4b:s4+s12], $0x30, s3, s12, $0xb8;
	[tilespmem:$0xFB50] =	vst v63  }
0x21: {  	_ =	swait.ge [sflag:s14], $0xF00  }
0x22: {  	[sflag:s14] =	ssyncset.done $0x0  }
0x23: {  	s31 =	sadd.s32 $0x0, s8;
	[sflag:s14] =	ssyncadd.s32 $0xFFFFF100  }
0x24: {  	[tilespmem:s12], [sflag:$0x2] =	stream.linear.gather [hbm4b:s31+s3], $0x50, $0x38;
	[tilespmem:$0xFB50] =	vst v63  }
0x25: {  	_ =	swait.ge [sflag:s11], $0x50  }
0x26: {  	[sflag:s11] =	ssyncset.done $0x0  }
0x27: {  	[sflag:s11] =	ssyncadd.s32 $0xFFFFFFB0  }
0x28: {  	[spmem:s2] =	stream.indirect.scatter.add.f32 [tilespmem:s13], [sflag:$0x2], $0x30, s12, s12, $0xb8;
	[tilespmem:$0xFB50] =	vst v63  }
0x29: {  	_ =	swait.ge [sflag:s11], $0xF00  }
0x2a: {  	s19 =	simm.s32 $0x14;
	s18 =	simm.s32 $0xA;
	[sflag:s11] =	ssyncset.done $0x0  }
.LBB2_4:
0x2b: {  	s20 =	sadd.s32 s18, s9  }
0x2c: {  	[sflag:s11] =	ssyncadd.s32 $0xFFFFF100;
	s21 =	smov.u32 s19;
	s22 =	sadd.s32 $0xA, s19  }
0x2d: {  	[tilespmem:s3], [sflag:$0x2] =	stream.linear.gather [hbm4b:s20+s3], $0x50, $0x38;
	[tilespmem:$0xFB50] =	vst v63  }
0x2e: {  	p0 =	sne.s32 s19, $0x4D8;
	_ =	swait.ge [sflag:s11], $0x50  }
0x2f: {  	[sflag:s11] =	ssyncset.done $0x0  }
0x30: {  	[sflag:s11] =	ssyncadd.s32 $0xFFFFFFB0  }
0x31: {  	[tilespmem:s13], [sflag:$0x1] =	stream.indirect.gather [hbm4b:s4+s12], $0x30, s3, s12, $0xb8;
	[tilespmem:$0xFB50] =	vst v63  }
0x32: {  	_ =	swait.ge [sflag:s14], $0xF00  }
0x33: {  	[sflag:s14] =	ssyncset.done $0x0  }
0x34: {  	s19 =	sadd.s32 s18, s8;
	s18 =	smov.u32 s21;
	[sflag:s14] =	ssyncadd.s32 $0xFFFFF100  }
0x35: {  	[tilespmem:s12], [sflag:$0x2] =	stream.linear.gather [hbm4b:s19+s3], $0x50, $0x38;
	[tilespmem:$0xFB50] =	vst v63  }
0x36: {  	_ =	swait.ge [sflag:s11], $0x50  }
.Ltmp1:
0x37: {  	[sflag:s11] =	ssyncset.done $0x0;
	(pc) =	sbr.rel @p0 .LBB2_4-.Ltmp1, $4  }
0x38: {  	[sflag:s11] =	ssyncadd.s32 $0xFFFFFFB0  }
0x39: {  	[spmem:s2] =	stream.indirect.scatter.add.f32 [tilespmem:s13], [sflag:$0x2], $0x30, s12, s12, $0xb8;
	[tilespmem:$0xFB50] =	vst v63  }
0x3a: {  	_ =	swait.ge [sflag:s11], $0xF00  }
0x3b: {  	s19 =	smov.u32 s22;
	[sflag:s11] =	ssyncset.done $0x0  }
0x3c: {  	s19 =	sadd.s32 s18, s9;
	[sflag:s11] =	ssyncadd.s32 $0xFFFFF100  }
0x3d: {  	[tilespmem:s3], [sflag:$0x2] =	stream.linear.gather [hbm4b:s19+s3], $0x50, $0x38;
	[tilespmem:$0xFB50] =	vst v63  }
0x3e: {  	_ =	swait.ge [sflag:s11], $0x50  }
0x3f: {  	[sflag:s11] =	ssyncset.done $0x0  }
0x40: {  	[sflag:s11] =	ssyncadd.s32 $0xFFFFFFB0  }
0x41: {  	[tilespmem:s13], [sflag:$0x1] =	stream.indirect.gather [hbm4b:s4+s12], $0x30, s3, s12, $0xb8;
	[tilespmem:$0xFB50] =	vst v63  }
0x42: {  	_ =	swait.ge [sflag:s14], $0xF00  }
0x43: {  	[sflag:s14] =	ssyncset.done $0x0  }
0x44: {  	s31 =	sadd.s32 s18, s8;
	[sflag:s14] =	ssyncadd.s32 $0xFFFFF100  }
0x45: {  	[tilespmem:s12], [sflag:$0x2] =	stream.linear.gather [hbm4b:s31+s3], $0x50, $0x38;
	[tilespmem:$0xFB50] =	vst v63  }
0x46: {  	_ =	swait.ge [sflag:s11], $0x50  }
0x47: {  	[sflag:s11] =	ssyncset.done $0x0  }
0x48: {  	[sflag:s11] =	ssyncadd.s32 $0xFFFFFFB0  }
0x49: {  	[spmem:s2] =	stream.indirect.scatter.add.f32 [tilespmem:s13], [sflag:$0x2], $0x30, s12, s12, $0xb8;
	[tilespmem:$0xFB50] =	vst v63  }
0x4a: {  	_ =	swait.ge [sflag:s11], $0xF00  }
0x4b: {  	s17 =	sadd.s32 $0x1, s17;
	[sflag:s11] =	ssyncset.done $0x0  }
0x4c: {  	p0 =	sne.s32 s17, s7;
	[sflag:s11] =	ssyncadd.s32 $0xFFFFF100  }
.Ltmp2:
0x4d: {  	[bflag:$0x0] =	sbarrier.arrive $0xFFFF;
	(pc) =	sbr.rel @p0 .LBB2_1-.Ltmp2, $4  }
0x4e: {  	[hbm:s6], [sflag:s15] =	dma.local [spmem:s16], $0xED0  }
0x4f: {  	_ =	swait.ge [sflag:s11], $0xED0  }
0x50: {  	[sflag:s11] =	ssyncset.done $0x0  }
0x51: {  	[sflag:s11] =	ssyncadd.s32 $0xFFFFF130  }
0x52: {  	_ =	sfence.sel $0x180000  }
0x53: {  	[bflag:$0x0] =	sbarrier.arrive $0xFFFF  }
0x54: {  	p0 =	sne.s32 s0, $0x0;
	_ =	strace $0x9000005C  }
0x55: {  	s0 =	sadd.s32 @!p0 $0x100000, s1;
	[bflag:$0x2] =	sbarrier.arrive $0xFFFF  }
0x56: {  	[sflag:s0] =	ssyncadd.tile.s32 @!p0 $0x1;
	_ =	shalt  }
.Lfunc_end2:
_tile_overlayer_lowered:
.L_overlay_start_2:
0x57: {  	(tag) =	ssettag $0x2  }
0x58: {  	s0 =	rddreg [dreg:$0x0];
	s2 =	stileid.u32  }
0x59: {  	s1 =	rddreg [dreg:$0x1];
	p0 =	sne.s32 s2, $0x0  }
0x5a: {  	s3 =	rddreg [dreg:$0x2];
	[bflag:$0x3] =	sbarrier.arrive $0xFFFF;
	s2 =	simm.s32 @!p0 $0x1C02  }
0x5b: {  	[timem:s3], [sflag:s2] =	dma.local @!p0 [hbm:s0], s1  }
0x5c: {  	s0 =	simm.s32 @!p0 $0x2  }
0x5d: {  	_ =	swait.ge @!p0 [sflag:s0], s1  }
0x5e: {  	s1 =	ssub.s32 @!p0 $0x0, s1;
	[sflag:s0] =	ssyncset.done @!p0 $0x0  }
0x5f: {  	[sflag:s0] =	ssyncadd.s32 @!p0 s1  }
0x60: {  	[bflag:$0x3] =	sbarrier.arrive $0xFFFF  }
0x61: {  	_ =	shalt  }

// kernel: kernel.58.cloned.1.call-start
scs
__scs_entry_jumppad:
0x0: {  	(pc) =	sbr.rel $0x88, $3  }
0x1: {  	(tag) =	ssettag $0x0;
	lr =	simm.s32 $0x1  }
0x2: {  	[smem:$0x3F95] =	sst lr;
	_ =	strace $0xD0000000  }
0x3: {  	_ = 	snop  }
0x4: {  	_ = 	snop  }
0x5: {  	_ = 	snop  }
0x6: {  	_ = 	snop  }
0x7: {  	_ = 	snop  }
__scs_overlays_trampoline_lowered:
0x8: {  	[smem:$0x3FA4] =	sst s0  }
0x9: {  	[smem:$0x3FA5] =	sst s1  }
0xa: {  	[smem:$0x3FA6] =	sst s2  }
0xb: {  	[smem:$0x3FA7] =	sst s3  }
0xc: {  	[smem:$0x3FA8] =	sst s4  }
0xd: {  	[smem:$0x3FA9] =	sst s5  }
0xe: {  	[smem:$0x3FAA] =	sst s6  }
0xf: {  	[smem:$0x3FAB] =	sst s7  }
0x10: {  	[smem:$0x3FAC] =	sst s8  }
0x11: {  	[smem:$0x3FAD] =	sst s9;
	s0 =	simm.s32 @!p0 $0x0  }
0x12: {  	s1 =	sld [smem:$0x3F93];
	s0 =	simm.s32 @p0 $0x1  }
0x13: {  	[smem:$0x3FAE] =	sst s0;
	s0 =	simm.s32 @!p1 $0x0  }
0x14: {  	s2 =	sld [smem:$0x3F92];
	s0 =	simm.s32 @p1 $0x1  }
0x15: {  	[smem:$0x3FAF] =	sst s0;
	s0 =	simm.s32 @!p2 $0x0  }
0x16: {  	s3 =	sld [smem:$0x3FDB];
	s0 =	simm.s32 @p2 $0x1  }
0x17: {  	s4 =	simm.s32 $0x1BF5;
	[smem:$0x3FB1] =	sst s0  }
0x18: {  	s0 =	sld [smem:$0x3F94];
	_ =	swait.ge [sflag:s4], $0x0  }
0x19: {  	s7 =	sld [smem:$0x3F95]  }
0x1a: {  	s8 =	sadd.s32 $0xFFFFE003, lr  }
0x1b: {  	s9 =	sadd.s32 $0xFFFFFEF7, lr;
	s5 =	simm.s32 $0xFFFFFFFF;
	p2 =	slt.u32 s8, $0xFFFFF086  }
0x1c: {  	p1 =	slt.u32 s9, $0xF7A;
	s5 =	simm.s32 @!p2 $0x0  }
0x1d: {  	s5 =	simm.s32 @p1 $0x1;
	p0 =	seq.s32 s7, s2  }
0x1e: {  	s7 =	smul.u32 @!p0 $0xF7A, s2;
	p2 =	seq.s32 @!p0 s5, $0x0  }
0x1f: {  	s9 =	smul.u32 $0xF7A, s1;
	s8 =	simm.s32 @!p0 $0x1BF5;
	p2 =	por !p2, p0  }
0x20: {  	[sflag:s8] =	ssyncset.s32 @!p0 $0xFFFFF086;
	s6 =	sadd.s32 @!p0 s3, s7;
	s7 =	simm.s32 @!p0 $0x108  }
0x21: {  	s3 =	sadd.s32 s3, s9;
	s6 =	sadd.s32 @!p0 $0x88, s6;
	s7 =	simm.s32 @p2 $0x1082  }
0x22: {  	[simem:s7], [sflag:s8] =	dma.local @!p0 [hbm:s6], $0xF7A  }
0x23: {  	s9 =	sor.u32 $0xD0000000, s2;
	s6 =	simm.s32 $0x108;
	_ =	swait.ge @!p0 [sflag:s8], $0x0  }
0x24: {  	s3 =	sadd.s32 $0x88, s3;
	s6 =	simm.s32 @!p1 $0x1082;
	[sflag:s4] =	ssyncset.s32 $0xFFFFF086  }
0x25: {  	[simem:s6], [sflag:s4] =	dma.local [hbm:s3], $0xF7A  }
0x26: {  	[smem:$0x3F95] =	sst s1;
	(tag) =	ssettag s2;
	_ =	strace s9  }
0x27: {  	s1 =	sld [smem:$0x3FA5]  }
0x28: {  	s2 =	sld [smem:$0x3FA6]  }
0x29: {  	s4 =	sld [smem:$0x3FA8]  }
0x2a: {  	p0 =	seq.s32 s5, $0x0;
	s5 =	sld [smem:$0x3FA9]  }
0x2b: {  	s6 =	sld [smem:$0x3FAA]  }
0x2c: {  	s7 =	sld [smem:$0x3FAB]  }
0x2d: {  	s3 =	simm.s32 $0x108;
	s8 =	sld [smem:$0x3FAC]  }
0x2e: {  	s3 =	simm.s32 @!p0 $0x1082;
	s9 =	sld [smem:$0x3FAD]  }
0x2f: {  	lr =	sadd.s32 s0, s3;
	s0 =	sld [smem:$0x3FA4]  }
0x30: {  	s3 =	sld [smem:$0x3FA7]  }
0x31: {  	[smem:$0x3FB0] =	sst s10  }
0x32: {  	s10 =	sld [smem:$0x3FAE];
	_ =	sdelay $0x3  }
0x33: {  	p0 =	seq.s32 s10, $0x1;
	s10 =	sld [smem:$0x3FB0];
	_ =	sdelay $0x3  }
0x34: {  	[smem:$0x3FB0] =	sst s10  }
0x35: {  	s10 =	sld [smem:$0x3FAF];
	_ =	sdelay $0x3  }
0x36: {  	p1 =	seq.s32 s10, $0x1;
	s10 =	sld [smem:$0x3FB0];
	_ =	sdelay $0x3  }
0x37: {  	[smem:$0x3FB0] =	sst s10  }
0x38: {  	s10 =	sld [smem:$0x3FB1]  }
0x39: {  	_ = 	snop;
	(pc) =	sbr.ind lr, $3  }
0x3a: {  	_ = 	snop  }
0x3b: {  	_ = 	snop  }
0x3c: {  	p2 =	seq.s32 s10, $0x1;
	s10 =	sld [smem:$0x3FB0]  }
0x3d: {  	_ =	shalt  }
0x3e: {  	_ =	shalt  }
0x3f: {  	_ =	shalt  }
0x40: {  	_ =	shalt  }
0x41: {  	_ =	shalt  }
0x42: {  	_ =	shalt  }
0x43: {  	_ =	shalt  }
0x44: {  	_ =	shalt  }
0x45: {  	_ =	shalt  }
0x46: {  	_ =	shalt  }
0x47: {  	_ =	shalt  }
0x48: {  	_ =	shalt  }
0x49: {  	_ =	shalt  }
0x4a: {  	_ =	shalt  }
0x4b: {  	_ =	shalt  }
0x4c: {  	_ =	shalt  }
0x4d: {  	_ =	shalt  }
0x4e: {  	_ =	shalt  }
0x4f: {  	_ =	shalt  }
0x50: {  	_ =	shalt  }
0x51: {  	_ =	shalt  }
0x52: {  	_ =	shalt  }
0x53: {  	_ =	shalt  }
0x54: {  	_ =	shalt  }
0x55: {  	_ =	shalt  }
0x56: {  	_ =	shalt  }
0x57: {  	_ =	shalt  }
0x58: {  	_ =	shalt  }
0x59: {  	_ =	shalt  }
0x5a: {  	_ =	shalt  }
0x5b: {  	_ =	shalt  }
0x5c: {  	_ =	shalt  }
0x5d: {  	_ =	shalt  }
0x5e: {  	_ =	shalt  }
0x5f: {  	_ =	shalt  }
0x60: {  	_ =	shalt  }
0x61: {  	_ =	shalt  }
0x62: {  	_ =	shalt  }
0x63: {  	_ =	shalt  }
0x64: {  	_ =	shalt  }
0x65: {  	_ =	shalt  }
0x66: {  	_ =	shalt  }
0x67: {  	_ =	shalt  }
0x68: {  	_ =	shalt  }
0x69: {  	_ =	shalt  }
0x6a: {  	_ =	shalt  }
0x6b: {  	_ =	shalt  }
0x6c: {  	_ =	shalt  }
0x6d: {  	_ =	shalt  }
0x6e: {  	_ =	shalt  }
0x6f: {  	_ =	shalt  }
0x70: {  	_ =	shalt  }
0x71: {  	_ =	shalt  }
0x72: {  	_ =	shalt  }
0x73: {  	_ =	shalt  }
0x74: {  	_ =	shalt  }
0x75: {  	_ =	shalt  }
0x76: {  	_ =	shalt  }
0x77: {  	_ =	shalt  }
0x78: {  	_ =	shalt  }
0x79: {  	_ =	shalt  }
0x7a: {  	_ =	shalt  }
0x7b: {  	_ =	shalt  }
0x7c: {  	_ =	shalt  }
0x7d: {  	_ =	shalt  }
0x7e: {  	_ =	shalt  }
0x7f: {  	_ =	shalt  }
0x80: {  	_ =	shalt  }
0x81: {  	_ =	shalt  }
0x82: {  	_ =	shalt  }
0x83: {  	_ =	shalt  }
0x84: {  	_ =	shalt  }
0x85: {  	_ =	shalt  }
0x86: {  	_ =	shalt  }
0x87: {  	_ =	shalt  }
.Lfunc_end0:
.L_simem_size_0:
called_computation.8_lowered:
.L_overlay_start_0:
0x88: {  	s2 =	sld [smem:$0x3FD9]  }
0x89: {  	s3 =	sld [smem:$0x3FFE];
	_ =	sdelay $0x1  }
0x8a: {  	s1 =	srdreg.scid  }
0x8b: {  	s0 =	sand.u32 $0x1, s1  }
0x8c: {  	s16 =	sshll.u32 s0, $0xA;
	s2 =	sadd.s32 s3, s2  }
0x8d: {  	s2 =	sadd.s32 s2, s16  }
0x8e: {  	[smem:$0x3FBC] =	sst s2  }
0x8f: {  	_ = 	snop  }
0x90: {  	(tm) =	ssettm $0x1  }
0x91: {  	s17 =	sld [smem:$0x3FFB];
	_ =	sdelay $0x3  }
0x92: {  	_ =	strace s17  }
0x93: {  	s2 =	sld [smem:$0x3FFC];
	_ =	sdelay $0x3  }
0x94: {  	_ =	strace s2  }
0x95: {  	s2 =	sld [smem:$0x3FFD];
	_ =	sdelay $0x3  }
0x96: {  	_ =	strace s2  }
0x97: {  	_ =	strace $0x8FFFFFFF  }
0x98: {  	s18 =	sld [smem:$0x3FDB];
	_ =	sdelay $0x1  }
0x99: {  	s19 =	simm.s32 $_scs_section_size  }
0x9a: {  	s4 =	simm.s32 $_size__tile_overlayer_lowered;
	s5 =	simm.s32 $_tile_overlayer_lowered  }
0x9b: {  	s22 =	simm.s32 $0x1BFF;
	s21 =	sshll.u32 s5, $0x1;
	s2 =	sadd.s32 s19, s18  }
0x9c: {  	s6 =	simm.s32 $0x0;
	s20 =	sshll.u32 s4, $0x1;
	s4 =	sadd.s32 s21, s2  }
0x9d: {  	[timem:s6], [sflag:s22] =	dma.local [hbm:s4], s20  }
0x9e: {  	_ =	swait.ge [sflag:s22], s20  }
0x9f: {  	s3 =	ssub.s32 $0x0, s20;
	[sflag:s22] =	ssyncset.done $0x0  }
0xa0: {  	[sflag:s22] =	ssyncadd.s32 s3;
	_ =	sdelay $0x1  }
0xa1: {  	s23 =	simm.s32 $0x1B8B  }
0xa2: {  	_ =	swait.ge [sflag:s23], $0x1  }
0xa3: {  	[sflag:s23] =	ssyncset.done $0x0  }
0xa4: {  	s25 =	simm.s32 $0x1B8E;
	s24 =	sld [smem:$0x3FFE];
	[sflag:s23] =	ssyncadd.s32 $0xFFFFFFFF  }
0xa5: {  	s26 =	simm.s32 $execute0_lowered;
	[smem:$0x3FD2] =	sst s25  }
0xa6: {  	s4 =	sshll.u32 s26, $0x1;
	_ =	strace $0x8000005E;
	[dreg:$0x1] =	wrdreg $0xFFFFFFFF  }
0xa7: {  	s28 =	simm.s32 $_size_execute0_lowered;
	s2 =	sadd.s32 s2, s4;
	[dreg:$0x0] =	wrdreg $0x0  }
0xa8: {  	s4 =	sshll.u32 s28, $0x1;
	[dreg:$0x2] =	wrdreg s2  }
0xa9: {  	[dreg:$0x3] =	wrdreg s4  }
0xaa: {  	[dreg:$0x4] =	wrdreg $0xC0  }
0xab: {  	_ =	task [dreg:s6], $0x5FFFF  }
0xac: {  	[dreg:$0x1] =	wrdreg $0xFFFFFFFF  }
0xad: {  	[dreg:$0x0] =	wrdreg $0x60  }
0xae: {  	[dreg:$0x2] =	wrdreg s24  }
0xaf: {  	[dreg:$0x3] =	wrdreg $0x86200  }
0xb0: {  	[dreg:$0x4] =	wrdreg $0x9  }
0xb1: {  	_ =	task.clear_ibuf [dreg:s6], $0x5FFFF;
	_ =	strace $0x9000005E  }
0xb2: {  	s29 =	simm.s32 $0x9;
	_ =	strace $0x80000060  }
0xb3: {  	_ =	swait.ge [sflag:s29], $0x1  }
0xb4: {  	[sflag:s29] =	ssyncadd.s32 $0xFFFFFFFF  }
0xb5: {  	_ =	strace $0x90000060  }
0xb6: {  	_ =	sfence  }
0xb7: {  	s30 =	sld [smem:$0x0];
	_ =	sdelay $0x2  }
0xb8: {  	s31 =	sshll.u32 s1, $0xD;
	s1 =	sshrl.u32 s1, $0x2  }
0xb9: {  	s3 =	sand.u32 $0x4000, s31;
	s1 =	sadd.s32 s1, s30  }
0xba: {  	s0 =	sor.u32 s3, s0;
	s1 =	sshll.u32 s1, $0x11  }
0xbb: {  	s0 =	sor.u32 s1, s0  }
0xbc: {  	s0 =	sadd.s32 $0x8F2B, s0  }
0xbd: {  	[sflag:s0] =	ssyncadd.remote.s32 $0x1  }
0xbe: {  	_ =	sfence.sel $0xFFFF  }
0xbf: {  	[dreg:$0x0] =	wrdreg $0xFFFFFFFF;
	(pc) =	sbr.abs _section_cstart, $3  }
0xc0: {  	[dreg:$0x1] =	wrdreg $0xFFFFFFFF  }
0xc1: {  	_ =	task.clear_ibuf [dreg:s6], $0x2FFFF;
	_ =	strace $0x9FFFFFFF  }
0xc2: {  	(tm) =	ssettm $0x7FFFFFFF  }
0xc3: {  	_ =	shalt  }
tec
execute0_lowered:
.L_overlay_start_1:
0x0: {  	(tag) =	ssettag $0x1  }
0x1: {  	s5 =	rddreg [dreg:$0x0]  }
0x2: {  	s0 =	srdreg.scid;
	s2 =	rddreg [dreg:$0x1]  }
0x3: {  	s1 =	rddreg [dreg:$0x2];
	s3 =	simm.s32 $0x0;
	s11 =	simm.s32 $0x2  }
0x4: {  	s12 =	simm.s32 $0x50;
	s13 =	simm.s32 $0xA0;
	s6 =	sand.u32 $0x1, s0  }
0x5: {  	s14 =	simm.s32 $0x1;
	s0 =	stileid.u32;
	s7 =	smul.u32 $0x27100, s6  }
0x6: {  	s17 =	simm.s32 $0x0;
	[smem:$0x7FF] =	sst s3;
	s8 =	smul.u32 $0x2710, s0  }
0x7: {  	s4 =	sadd.s32 $0xE5000, s5;
	s9 =	smul.u32 $0x7680, s0;
	p0 =	seq.s32 s0, $0xF  }
0x8: {  	s10 =	smul.u32 $0x75300, s6;
	s6 =	ssub.s32 $0x2, s6;
	s15 =	sshll.u32 s0, $0x6  }
0x9: {  	_ =	strace $0x8000005F;
	s30 =	sshrl.u32 s6, $0x1;
	s15 =	sor.u32 $0x1C02, s15  }
0xa: {  	s9 =	simm.s32 @p0 $0x6DC80;
	s7 =	sadd.s32 s8, s7;
	s31 =	ssub.s32 s6, s30  }
0xb: {  	s26 =	sadd.s32 s10, s9;
	s7 =	sshrl.u32 s7, $0x3;
	s10 =	simm.s32 $0xFA0  }
0xc: {  	s8 =	sshrl.u32 s26, $0x3;
	s28 =	sadd.s32 s7, s5;
	s7 =	smax.u32 s31, $0x1  }
0xd: {  	s29 =	sadd.s32 s8, s5;
	s5 =	sadd.s32 s9, s2;
	s8 =	sadd.s32 $0xDC00, s28  }
0xe: {  	v0 =	vimm.f32 $0.0e+00;
	s9 =	sadd.s32 $0x17A00, s28;
	s6 =	sadd.s32 $0xF3C00, s29;
	s16 =	sshrl.u32 s5, $0x3  }
.LBB2_1:
0xf: {  	s18 =	simm.s32 $0xC0;
	s19 =	simm.s32 $0x0  }
.LBB2_2:
0x10: {  	p0 =	sne.s32 s18, $0x1D940;
	[tilespmem:s19+$0xFC0] =	vst v0;
	s20 =	smov.u32 s18;
	s18 =	sadd.s32 $0xC0, s18  }
.Ltmp0:
0x11: {  	[tilespmem:s19+$0xFA0] =	vst v0;
	(pc) =	sbr.rel @p0 .LBB2_2-.Ltmp0, $2  }
0x12: {  	[tilespmem:s19+$0xFB0] =	vst v0;
	_ =	sdelay $0x2  }
0x13: {  	s19 =	sshra.s32 s20, $0x2  }
0x14: {  	[tilespmem:s19+$0xFC0] =	vst v0  }
0x15: {  	[tilespmem:s19+$0xFA0] =	vst v0  }
0x16: {  	[tilespmem:s19+$0xFB0] =	vst v0  }
0x17: {  	[spmem:s5] =	stream.linear.scatter [tilespmem:s10], [sflag:$0x2], $0x7680, $0x38;
	[tilespmem:$0xFB50] =	vst v63  }
0x18: {  	_ =	swait.ge [sflag:s11], $0x7680  }
0x19: {  	[sflag:s11] =	ssyncset.done $0x0  }
0x1a: {  	[sflag:s11] =	ssyncadd.s32 $0xFFFF8980  }
0x1b: {  	s18 =	sadd.s32 $0x0, s9;
	[bflag:$0x0] =	sbarrier.arrive $0xFFFF  }
0x1c: {  	[tilespmem:s3], [sflag:$0x2] =	stream.linear.gather [hbm4b:s18+s3], $0x50, $0x38;
	[tilespmem:$0xFB50] =	vst v63  }
0x1d: {  	_ =	swait.ge [sflag:s11], $0x50  }
0x1e: {  	[sflag:s11] =	ssyncset.done $0x0  }
0x1f: {  	[sflag:s11] =	ssyncadd.s32 $0xFFFFFFB0  }
0x20: {  	[tilespmem:s13], [sflag:$0x1] =	stream.indirect.gather [hbm4b:s4+s12], $0x30, s3, s12, $0xb8;
	[tilespmem:$0xFB50] =	vst v63  }
0x21: {  	_ =	swait.ge [sflag:s14], $0xF00  }
0x22: {  	[sflag:s14] =	ssyncset.done $0x0  }
0x23: {  	s31 =	sadd.s32 $0x0, s8;
	[sflag:s14] =	ssyncadd.s32 $0xFFFFF100  }
0x24: {  	[tilespmem:s12], [sflag:$0x2] =	stream.linear.gather [hbm4b:s31+s3], $0x50, $0x38;
	[tilespmem:$0xFB50] =	vst v63  }
0x25: {  	_ =	swait.ge [sflag:s11], $0x50  }
0x26: {  	[sflag:s11] =	ssyncset.done $0x0  }
0x27: {  	[sflag:s11] =	ssyncadd.s32 $0xFFFFFFB0  }
0x28: {  	[spmem:s2] =	stream.indirect.scatter.add.f32 [tilespmem:s13], [sflag:$0x2], $0x30, s12, s12, $0xb8;
	[tilespmem:$0xFB50] =	vst v63  }
0x29: {  	_ =	swait.ge [sflag:s11], $0xF00  }
0x2a: {  	s19 =	simm.s32 $0x14;
	s18 =	simm.s32 $0xA;
	[sflag:s11] =	ssyncset.done $0x0  }
.LBB2_4:
0x2b: {  	s20 =	sadd.s32 s18, s9  }
0x2c: {  	[sflag:s11] =	ssyncadd.s32 $0xFFFFF100;
	s21 =	smov.u32 s19;
	s22 =	sadd.s32 $0xA, s19  }
0x2d: {  	[tilespmem:s3], [sflag:$0x2] =	stream.linear.gather [hbm4b:s20+s3], $0x50, $0x38;
	[tilespmem:$0xFB50] =	vst v63  }
0x2e: {  	p0 =	sne.s32 s19, $0x4D8;
	_ =	swait.ge [sflag:s11], $0x50  }
0x2f: {  	[sflag:s11] =	ssyncset.done $0x0  }
0x30: {  	[sflag:s11] =	ssyncadd.s32 $0xFFFFFFB0  }
0x31: {  	[tilespmem:s13], [sflag:$0x1] =	stream.indirect.gather [hbm4b:s4+s12], $0x30, s3, s12, $0xb8;
	[tilespmem:$0xFB50] =	vst v63  }
0x32: {  	_ =	swait.ge [sflag:s14], $0xF00  }
0x33: {  	[sflag:s14] =	ssyncset.done $0x0  }
0x34: {  	s19 =	sadd.s32 s18, s8;
	s18 =	smov.u32 s21;
	[sflag:s14] =	ssyncadd.s32 $0xFFFFF100  }
0x35: {  	[tilespmem:s12], [sflag:$0x2] =	stream.linear.gather [hbm4b:s19+s3], $0x50, $0x38;
	[tilespmem:$0xFB50] =	vst v63  }
0x36: {  	_ =	swait.ge [sflag:s11], $0x50  }
.Ltmp1:
0x37: {  	[sflag:s11] =	ssyncset.done $0x0;
	(pc) =	sbr.rel @p0 .LBB2_4-.Ltmp1, $4  }
0x38: {  	[sflag:s11] =	ssyncadd.s32 $0xFFFFFFB0  }
0x39: {  	[spmem:s2] =	stream.indirect.scatter.add.f32 [tilespmem:s13], [sflag:$0x2], $0x30, s12, s12, $0xb8;
	[tilespmem:$0xFB50] =	vst v63  }
0x3a: {  	_ =	swait.ge [sflag:s11], $0xF00  }
0x3b: {  	s19 =	smov.u32 s22;
	[sflag:s11] =	ssyncset.done $0x0  }
0x3c: {  	s19 =	sadd.s32 s18, s9;
	[sflag:s11] =	ssyncadd.s32 $0xFFFFF100  }
0x3d: {  	[tilespmem:s3], [sflag:$0x2] =	stream.linear.gather [hbm4b:s19+s3], $0x50, $0x38;
	[tilespmem:$0xFB50] =	vst v63  }
0x3e: {  	_ =	swait.ge [sflag:s11], $0x50  }
0x3f: {  	[sflag:s11] =	ssyncset.done $0x0  }
0x40: {  	[sflag:s11] =	ssyncadd.s32 $0xFFFFFFB0  }
0x41: {  	[tilespmem:s13], [sflag:$0x1] =	stream.indirect.gather [hbm4b:s4+s12], $0x30, s3, s12, $0xb8;
	[tilespmem:$0xFB50] =	vst v63  }
0x42: {  	_ =	swait.ge [sflag:s14], $0xF00  }
0x43: {  	[sflag:s14] =	ssyncset.done $0x0  }
0x44: {  	s31 =	sadd.s32 s18, s8;
	[sflag:s14] =	ssyncadd.s32 $0xFFFFF100  }
0x45: {  	[tilespmem:s12], [sflag:$0x2] =	stream.linear.gather [hbm4b:s31+s3], $0x50, $0x38;
	[tilespmem:$0xFB50] =	vst v63  }
0x46: {  	_ =	swait.ge [sflag:s11], $0x50  }
0x47: {  	[sflag:s11] =	ssyncset.done $0x0  }
0x48: {  	[sflag:s11] =	ssyncadd.s32 $0xFFFFFFB0  }
0x49: {  	[spmem:s2] =	stream.indirect.scatter.add.f32 [tilespmem:s13], [sflag:$0x2], $0x30, s12, s12, $0xb8;
	[tilespmem:$0xFB50] =	vst v63  }
0x4a: {  	_ =	swait.ge [sflag:s11], $0xF00  }
0x4b: {  	s17 =	sadd.s32 $0x1, s17;
	[sflag:s11] =	ssyncset.done $0x0  }
0x4c: {  	p0 =	sne.s32 s17, s7;
	[sflag:s11] =	ssyncadd.s32 $0xFFFFF100  }
.Ltmp2:
0x4d: {  	[bflag:$0x0] =	sbarrier.arrive $0xFFFF;
	(pc) =	sbr.rel @p0 .LBB2_1-.Ltmp2, $4  }
0x4e: {  	[hbm:s6], [sflag:s15] =	dma.local [spmem:s16], $0xED0  }
0x4f: {  	_ =	swait.ge [sflag:s11], $0xED0  }
0x50: {  	[sflag:s11] =	ssyncset.done $0x0  }
0x51: {  	[sflag:s11] =	ssyncadd.s32 $0xFFFFF130  }
0x52: {  	_ =	sfence.sel $0x180000  }
0x53: {  	[bflag:$0x0] =	sbarrier.arrive $0xFFFF  }
0x54: {  	p0 =	sne.s32 s0, $0x0;
	_ =	strace $0x9000005F  }
0x55: {  	s0 =	sadd.s32 @!p0 $0x100000, s1;
	[bflag:$0x2] =	sbarrier.arrive $0xFFFF  }
0x56: {  	[sflag:s0] =	ssyncadd.tile.s32 @!p0 $0x1;
	_ =	shalt  }
.Lfunc_end2:
_tile_overlayer_lowered:
.L_overlay_start_2:
0x57: {  	(tag) =	ssettag $0x2  }
0x58: {  	s0 =	rddreg [dreg:$0x0];
	s2 =	stileid.u32  }
0x59: {  	s1 =	rddreg [dreg:$0x1];
	p0 =	sne.s32 s2, $0x0  }
0x5a: {  	s3 =	rddreg [dreg:$0x2];
	[bflag:$0x3] =	sbarrier.arrive $0xFFFF;
	s2 =	simm.s32 @!p0 $0x1C02  }
0x5b: {  	[timem:s3], [sflag:s2] =	dma.local @!p0 [hbm:s0], s1  }
0x5c: {  	s0 =	simm.s32 @!p0 $0x2  }
0x5d: {  	_ =	swait.ge @!p0 [sflag:s0], s1  }
0x5e: {  	s1 =	ssub.s32 @!p0 $0x0, s1;
	[sflag:s0] =	ssyncset.done @!p0 $0x0  }
0x5f: {  	[sflag:s0] =	ssyncadd.s32 @!p0 s1  }
0x60: {  	[bflag:$0x3] =	sbarrier.arrive $0xFFFF  }
0x61: {  	_ =	shalt  }

// kernel: kernel.61.cloned.1.call-start
scs
__scs_entry_jumppad:
0x0: {  	(pc) =	sbr.rel $0x88, $3  }
0x1: {  	(tag) =	ssettag $0x0;
	lr =	simm.s32 $0x1  }
0x2: {  	[smem:$0x3F95] =	sst lr;
	_ =	strace $0xD0000000  }
0x3: {  	_ = 	snop  }
0x4: {  	_ = 	snop  }
0x5: {  	_ = 	snop  }
0x6: {  	_ = 	snop  }
0x7: {  	_ = 	snop  }
__scs_overlays_trampoline_lowered:
0x8: {  	[smem:$0x3FA4] =	sst s0  }
0x9: {  	[smem:$0x3FA5] =	sst s1  }
0xa: {  	[smem:$0x3FA6] =	sst s2  }
0xb: {  	[smem:$0x3FA7] =	sst s3  }
0xc: {  	[smem:$0x3FA8] =	sst s4  }
0xd: {  	[smem:$0x3FA9] =	sst s5  }
0xe: {  	[smem:$0x3FAA] =	sst s6  }
0xf: {  	[smem:$0x3FAB] =	sst s7  }
0x10: {  	[smem:$0x3FAC] =	sst s8  }
0x11: {  	[smem:$0x3FAD] =	sst s9;
	s0 =	simm.s32 @!p0 $0x0  }
0x12: {  	s1 =	sld [smem:$0x3F93];
	s0 =	simm.s32 @p0 $0x1  }
0x13: {  	[smem:$0x3FAE] =	sst s0;
	s0 =	simm.s32 @!p1 $0x0  }
0x14: {  	s2 =	sld [smem:$0x3F92];
	s0 =	simm.s32 @p1 $0x1  }
0x15: {  	[smem:$0x3FAF] =	sst s0;
	s0 =	simm.s32 @!p2 $0x0  }
0x16: {  	s3 =	sld [smem:$0x3FDB];
	s0 =	simm.s32 @p2 $0x1  }
0x17: {  	s4 =	simm.s32 $0x1BF5;
	[smem:$0x3FB1] =	sst s0  }
0x18: {  	s0 =	sld [smem:$0x3F94];
	_ =	swait.ge [sflag:s4], $0x0  }
0x19: {  	s7 =	sld [smem:$0x3F95]  }
0x1a: {  	s8 =	sadd.s32 $0xFFFFE003, lr  }
0x1b: {  	s9 =	sadd.s32 $0xFFFFFEF7, lr;
	s5 =	simm.s32 $0xFFFFFFFF;
	p2 =	slt.u32 s8, $0xFFFFF086  }
0x1c: {  	p1 =	slt.u32 s9, $0xF7A;
	s5 =	simm.s32 @!p2 $0x0  }
0x1d: {  	s5 =	simm.s32 @p1 $0x1;
	p0 =	seq.s32 s7, s2  }
0x1e: {  	s7 =	smul.u32 @!p0 $0xF7A, s2;
	p2 =	seq.s32 @!p0 s5, $0x0  }
0x1f: {  	s9 =	smul.u32 $0xF7A, s1;
	s8 =	simm.s32 @!p0 $0x1BF5;
	p2 =	por !p2, p0  }
0x20: {  	[sflag:s8] =	ssyncset.s32 @!p0 $0xFFFFF086;
	s6 =	sadd.s32 @!p0 s3, s7;
	s7 =	simm.s32 @!p0 $0x108  }
0x21: {  	s3 =	sadd.s32 s3, s9;
	s6 =	sadd.s32 @!p0 $0x88, s6;
	s7 =	simm.s32 @p2 $0x1082  }
0x22: {  	[simem:s7], [sflag:s8] =	dma.local @!p0 [hbm:s6], $0xF7A  }
0x23: {  	s9 =	sor.u32 $0xD0000000, s2;
	s6 =	simm.s32 $0x108;
	_ =	swait.ge @!p0 [sflag:s8], $0x0  }
0x24: {  	s3 =	sadd.s32 $0x88, s3;
	s6 =	simm.s32 @!p1 $0x1082;
	[sflag:s4] =	ssyncset.s32 $0xFFFFF086  }
0x25: {  	[simem:s6], [sflag:s4] =	dma.local [hbm:s3], $0xF7A  }
0x26: {  	[smem:$0x3F95] =	sst s1;
	(tag) =	ssettag s2;
	_ =	strace s9  }
0x27: {  	s1 =	sld [smem:$0x3FA5]  }
0x28: {  	s2 =	sld [smem:$0x3FA6]  }
0x29: {  	s4 =	sld [smem:$0x3FA8]  }
0x2a: {  	p0 =	seq.s32 s5, $0x0;
	s5 =	sld [smem:$0x3FA9]  }
0x2b: {  	s6 =	sld [smem:$0x3FAA]  }
0x2c: {  	s7 =	sld [smem:$0x3FAB]  }
0x2d: {  	s3 =	simm.s32 $0x108;
	s8 =	sld [smem:$0x3FAC]  }
0x2e: {  	s3 =	simm.s32 @!p0 $0x1082;
	s9 =	sld [smem:$0x3FAD]  }
0x2f: {  	lr =	sadd.s32 s0, s3;
	s0 =	sld [smem:$0x3FA4]  }
0x30: {  	s3 =	sld [smem:$0x3FA7]  }
0x31: {  	[smem:$0x3FB0] =	sst s10  }
0x32: {  	s10 =	sld [smem:$0x3FAE];
	_ =	sdelay $0x3  }
0x33: {  	p0 =	seq.s32 s10, $0x1;
	s10 =	sld [smem:$0x3FB0];
	_ =	sdelay $0x3  }
0x34: {  	[smem:$0x3FB0] =	sst s10  }
0x35: {  	s10 =	sld [smem:$0x3FAF];
	_ =	sdelay $0x3  }
0x36: {  	p1 =	seq.s32 s10, $0x1;
	s10 =	sld [smem:$0x3FB0];
	_ =	sdelay $0x3  }
0x37: {  	[smem:$0x3FB0] =	sst s10  }
0x38: {  	s10 =	sld [smem:$0x3FB1]  }
0x39: {  	_ = 	snop;
	(pc) =	sbr.ind lr, $3  }
0x3a: {  	_ = 	snop  }
0x3b: {  	_ = 	snop  }
0x3c: {  	p2 =	seq.s32 s10, $0x1;
	s10 =	sld [smem:$0x3FB0]  }
0x3d: {  	_ =	shalt  }
0x3e: {  	_ =	shalt  }
0x3f: {  	_ =	shalt  }
0x40: {  	_ =	shalt  }
0x41: {  	_ =	shalt  }
0x42: {  	_ =	shalt  }
0x43: {  	_ =	shalt  }
0x44: {  	_ =	shalt  }
0x45: {  	_ =	shalt  }
0x46: {  	_ =	shalt  }
0x47: {  	_ =	shalt  }
0x48: {  	_ =	shalt  }
0x49: {  	_ =	shalt  }
0x4a: {  	_ =	shalt  }
0x4b: {  	_ =	shalt  }
0x4c: {  	_ =	shalt  }
0x4d: {  	_ =	shalt  }
0x4e: {  	_ =	shalt  }
0x4f: {  	_ =	shalt  }
0x50: {  	_ =	shalt  }
0x51: {  	_ =	shalt  }
0x52: {  	_ =	shalt  }
0x53: {  	_ =	shalt  }
0x54: {  	_ =	shalt  }
0x55: {  	_ =	shalt  }
0x56: {  	_ =	shalt  }
0x57: {  	_ =	shalt  }
0x58: {  	_ =	shalt  }
0x59: {  	_ =	shalt  }
0x5a: {  	_ =	shalt  }
0x5b: {  	_ =	shalt  }
0x5c: {  	_ =	shalt  }
0x5d: {  	_ =	shalt  }
0x5e: {  	_ =	shalt  }
0x5f: {  	_ =	shalt  }
0x60: {  	_ =	shalt  }
0x61: {  	_ =	shalt  }
0x62: {  	_ =	shalt  }
0x63: {  	_ =	shalt  }
0x64: {  	_ =	shalt  }
0x65: {  	_ =	shalt  }
0x66: {  	_ =	shalt  }
0x67: {  	_ =	shalt  }
0x68: {  	_ =	shalt  }
0x69: {  	_ =	shalt  }
0x6a: {  	_ =	shalt  }
0x6b: {  	_ =	shalt  }
0x6c: {  	_ =	shalt  }
0x6d: {  	_ =	shalt  }
0x6e: {  	_ =	shalt  }
0x6f: {  	_ =	shalt  }
0x70: {  	_ =	shalt  }
0x71: {  	_ =	shalt  }
0x72: {  	_ =	shalt  }
0x73: {  	_ =	shalt  }
0x74: {  	_ =	shalt  }
0x75: {  	_ =	shalt  }
0x76: {  	_ =	shalt  }
0x77: {  	_ =	shalt  }
0x78: {  	_ =	shalt  }
0x79: {  	_ =	shalt  }
0x7a: {  	_ =	shalt  }
0x7b: {  	_ =	shalt  }
0x7c: {  	_ =	shalt  }
0x7d: {  	_ =	shalt  }
0x7e: {  	_ =	shalt  }
0x7f: {  	_ =	shalt  }
0x80: {  	_ =	shalt  }
0x81: {  	_ =	shalt  }
0x82: {  	_ =	shalt  }
0x83: {  	_ =	shalt  }
0x84: {  	_ =	shalt  }
0x85: {  	_ =	shalt  }
0x86: {  	_ =	shalt  }
0x87: {  	_ =	shalt  }
.Lfunc_end0:
.L_simem_size_0:
called_computation.9_lowered:
.L_overlay_start_0:
0x88: {  	s2 =	sld [smem:$0x3FD9]  }
0x89: {  	s3 =	sld [smem:$0x3FFE];
	_ =	sdelay $0x1  }
0x8a: {  	s1 =	srdreg.scid  }
0x8b: {  	s0 =	sand.u32 $0x1, s1  }
0x8c: {  	s16 =	sshll.u32 s0, $0xA;
	s2 =	sadd.s32 s3, s2  }
0x8d: {  	s2 =	sadd.s32 s2, s16  }
0x8e: {  	[smem:$0x3FBC] =	sst s2  }
0x8f: {  	_ = 	snop  }
0x90: {  	(tm) =	ssettm $0x1  }
0x91: {  	s17 =	sld [smem:$0x3FFB];
	_ =	sdelay $0x3  }
0x92: {  	_ =	strace s17  }
0x93: {  	s2 =	sld [smem:$0x3FFC];
	_ =	sdelay $0x3  }
0x94: {  	_ =	strace s2  }
0x95: {  	s2 =	sld [smem:$0x3FFD];
	_ =	sdelay $0x3  }
0x96: {  	_ =	strace s2  }
0x97: {  	_ =	strace $0x8FFFFFFF  }
0x98: {  	s18 =	sld [smem:$0x3FDB];
	_ =	sdelay $0x1  }
0x99: {  	s19 =	simm.s32 $_scs_section_size  }
0x9a: {  	s4 =	simm.s32 $_size__tile_overlayer_lowered;
	s5 =	simm.s32 $_tile_overlayer_lowered  }
0x9b: {  	s22 =	simm.s32 $0x1BFF;
	s21 =	sshll.u32 s5, $0x1;
	s2 =	sadd.s32 s19, s18  }
0x9c: {  	s6 =	simm.s32 $0x0;
	s20 =	sshll.u32 s4, $0x1;
	s4 =	sadd.s32 s21, s2  }
0x9d: {  	[timem:s6], [sflag:s22] =	dma.local [hbm:s4], s20  }
0x9e: {  	_ =	swait.ge [sflag:s22], s20  }
0x9f: {  	s3 =	ssub.s32 $0x0, s20;
	[sflag:s22] =	ssyncset.done $0x0  }
0xa0: {  	[sflag:s22] =	ssyncadd.s32 s3;
	_ =	sdelay $0x1  }
0xa1: {  	s23 =	simm.s32 $0x1B8B  }
0xa2: {  	_ =	swait.ge [sflag:s23], $0x1  }
0xa3: {  	[sflag:s23] =	ssyncset.done $0x0  }
0xa4: {  	s25 =	simm.s32 $0x1B8E;
	s24 =	sld [smem:$0x3FFE];
	[sflag:s23] =	ssyncadd.s32 $0xFFFFFFFF  }
0xa5: {  	s26 =	simm.s32 $execute0_lowered;
	[smem:$0x3FD2] =	sst s25  }
0xa6: {  	s4 =	sshll.u32 s26, $0x1;
	_ =	strace $0x80000061;
	[dreg:$0x1] =	wrdreg $0xFFFFFFFF  }
0xa7: {  	s28 =	simm.s32 $_size_execute0_lowered;
	s2 =	sadd.s32 s2, s4;
	[dreg:$0x0] =	wrdreg $0x0  }
0xa8: {  	s4 =	sshll.u32 s28, $0x1;
	[dreg:$0x2] =	wrdreg s2  }
0xa9: {  	[dreg:$0x3] =	wrdreg s4  }
0xaa: {  	[dreg:$0x4] =	wrdreg $0xC0  }
0xab: {  	_ =	task [dreg:s6], $0x5FFFF  }
0xac: {  	[dreg:$0x1] =	wrdreg $0xFFFFFFFF  }
0xad: {  	[dreg:$0x0] =	wrdreg $0x60  }
0xae: {  	[dreg:$0x2] =	wrdreg s24  }
0xaf: {  	[dreg:$0x3] =	wrdreg $0x86200  }
0xb0: {  	[dreg:$0x4] =	wrdreg $0x9  }
0xb1: {  	_ =	task.clear_ibuf [dreg:s6], $0x5FFFF;
	_ =	strace $0x90000061  }
0xb2: {  	s29 =	simm.s32 $0x9;
	_ =	strace $0x80000063  }
0xb3: {  	_ =	swait.ge [sflag:s29], $0x1  }
0xb4: {  	[sflag:s29] =	ssyncadd.s32 $0xFFFFFFFF  }
0xb5: {  	_ =	strace $0x90000063  }
0xb6: {  	_ =	sfence  }
0xb7: {  	s30 =	sld [smem:$0x0];
	_ =	sdelay $0x2  }
0xb8: {  	s31 =	sshll.u32 s1, $0xD;
	s1 =	sshrl.u32 s1, $0x2  }
0xb9: {  	s3 =	sand.u32 $0x4000, s31;
	s1 =	sadd.s32 s1, s30  }
0xba: {  	s0 =	sor.u32 s3, s0;
	s1 =	sshll.u32 s1, $0x11  }
0xbb: {  	s0 =	sor.u32 s1, s0  }
0xbc: {  	s0 =	sadd.s32 $0x8F2B, s0  }
0xbd: {  	[sflag:s0] =	ssyncadd.remote.s32 $0x1  }
0xbe: {  	_ =	sfence.sel $0xFFFF  }
0xbf: {  	[dreg:$0x0] =	wrdreg $0xFFFFFFFF;
	(pc) =	sbr.abs _section_cstart, $3  }
0xc0: {  	[dreg:$0x1] =	wrdreg $0xFFFFFFFF  }
0xc1: {  	_ =	task.clear_ibuf [dreg:s6], $0x2FFFF;
	_ =	strace $0x9FFFFFFF  }
0xc2: {  	(tm) =	ssettm $0x7FFFFFFF  }
0xc3: {  	_ =	shalt  }
tec
execute0_lowered:
.L_overlay_start_1:
0x0: {  	(tag) =	ssettag $0x1  }
0x1: {  	s5 =	rddreg [dreg:$0x0]  }
0x2: {  	s0 =	srdreg.scid;
	s2 =	rddreg [dreg:$0x1]  }
0x3: {  	s1 =	rddreg [dreg:$0x2];
	s3 =	simm.s32 $0x0;
	s11 =	simm.s32 $0x2  }
0x4: {  	s12 =	simm.s32 $0x50;
	s13 =	simm.s32 $0xA0;
	s6 =	sand.u32 $0x1, s0  }
0x5: {  	s14 =	simm.s32 $0x1;
	s0 =	stileid.u32;
	s7 =	smul.u32 $0x27100, s6  }
0x6: {  	s17 =	simm.s32 $0x0;
	[smem:$0x7FF] =	sst s3;
	s8 =	smul.u32 $0x2710, s0  }
0x7: {  	s4 =	sadd.s32 $0x96E00, s5;
	s9 =	smul.u32 $0x7680, s0;
	p0 =	seq.s32 s0, $0xF  }
0x8: {  	s10 =	smul.u32 $0x75300, s6;
	s6 =	ssub.s32 $0x2, s6;
	s15 =	sshll.u32 s0, $0x6  }
0x9: {  	_ =	strace $0x80000062;
	s30 =	sshrl.u32 s6, $0x1;
	s15 =	sor.u32 $0x1C02, s15  }
0xa: {  	s9 =	simm.s32 @p0 $0x6DC80;
	s7 =	sadd.s32 s8, s7;
	s31 =	ssub.s32 s6, s30  }
0xb: {  	s26 =	sadd.s32 s10, s9;
	s7 =	sshrl.u32 s7, $0x3;
	s10 =	simm.s32 $0xFA0  }
0xc: {  	s8 =	sshrl.u32 s26, $0x3;
	s28 =	sadd.s32 s7, s5;
	s7 =	smax.u32 s31, $0x1  }
0xd: {  	s29 =	sadd.s32 s8, s5;
	s5 =	sadd.s32 s9, s2;
	s8 =	sadd.s32 $0xDC00, s28  }
0xe: {  	v0 =	vimm.f32 $0.0e+00;
	s9 =	sadd.s32 $0x17A00, s28;
	s6 =	sadd.s32 $0xA5A00, s29;
	s16 =	sshrl.u32 s5, $0x3  }
.LBB2_1:
0xf: {  	s18 =	simm.s32 $0xC0;
	s19 =	simm.s32 $0x0  }
.LBB2_2:
0x10: {  	p0 =	sne.s32 s18, $0x1D940;
	[tilespmem:s19+$0xFC0] =	vst v0;
	s20 =	smov.u32 s18;
	s18 =	sadd.s32 $0xC0, s18  }
.Ltmp0:
0x11: {  	[tilespmem:s19+$0xFA0] =	vst v0;
	(pc) =	sbr.rel @p0 .LBB2_2-.Ltmp0, $2  }
0x12: {  	[tilespmem:s19+$0xFB0] =	vst v0;
	_ =	sdelay $0x2  }
0x13: {  	s19 =	sshra.s32 s20, $0x2  }
0x14: {  	[tilespmem:s19+$0xFC0] =	vst v0  }
0x15: {  	[tilespmem:s19+$0xFA0] =	vst v0  }
0x16: {  	[tilespmem:s19+$0xFB0] =	vst v0  }
0x17: {  	[spmem:s5] =	stream.linear.scatter [tilespmem:s10], [sflag:$0x2], $0x7680, $0x38;
	[tilespmem:$0xFB50] =	vst v63  }
0x18: {  	_ =	swait.ge [sflag:s11], $0x7680  }
0x19: {  	[sflag:s11] =	ssyncset.done $0x0  }
0x1a: {  	[sflag:s11] =	ssyncadd.s32 $0xFFFF8980  }
0x1b: {  	s18 =	sadd.s32 $0x0, s9;
	[bflag:$0x0] =	sbarrier.arrive $0xFFFF  }
0x1c: {  	[tilespmem:s3], [sflag:$0x2] =	stream.linear.gather [hbm4b:s18+s3], $0x50, $0x38;
	[tilespmem:$0xFB50] =	vst v63  }
0x1d: {  	_ =	swait.ge [sflag:s11], $0x50  }
0x1e: {  	[sflag:s11] =	ssyncset.done $0x0  }
0x1f: {  	[sflag:s11] =	ssyncadd.s32 $0xFFFFFFB0  }
0x20: {  	[tilespmem:s13], [sflag:$0x1] =	stream.indirect.gather [hbm4b:s4+s12], $0x30, s3, s12, $0xb8;
	[tilespmem:$0xFB50] =	vst v63  }
0x21: {  	_ =	swait.ge [sflag:s14], $0xF00  }
0x22: {  	[sflag:s14] =	ssyncset.done $0x0  }
0x23: {  	s31 =	sadd.s32 $0x0, s8;
	[sflag:s14] =	ssyncadd.s32 $0xFFFFF100  }
0x24: {  	[tilespmem:s12], [sflag:$0x2] =	stream.linear.gather [hbm4b:s31+s3], $0x50, $0x38;
	[tilespmem:$0xFB50] =	vst v63  }
0x25: {  	_ =	swait.ge [sflag:s11], $0x50  }
0x26: {  	[sflag:s11] =	ssyncset.done $0x0  }
0x27: {  	[sflag:s11] =	ssyncadd.s32 $0xFFFFFFB0  }
0x28: {  	[spmem:s2] =	stream.indirect.scatter.add.f32 [tilespmem:s13], [sflag:$0x2], $0x30, s12, s12, $0xb8;
	[tilespmem:$0xFB50] =	vst v63  }
0x29: {  	_ =	swait.ge [sflag:s11], $0xF00  }
0x2a: {  	s19 =	simm.s32 $0x14;
	s18 =	simm.s32 $0xA;
	[sflag:s11] =	ssyncset.done $0x0  }
.LBB2_4:
0x2b: {  	s20 =	sadd.s32 s18, s9  }
0x2c: {  	[sflag:s11] =	ssyncadd.s32 $0xFFFFF100;
	s21 =	smov.u32 s19;
	s22 =	sadd.s32 $0xA, s19  }
0x2d: {  	[tilespmem:s3], [sflag:$0x2] =	stream.linear.gather [hbm4b:s20+s3], $0x50, $0x38;
	[tilespmem:$0xFB50] =	vst v63  }
0x2e: {  	p0 =	sne.s32 s19, $0x4D8;
	_ =	swait.ge [sflag:s11], $0x50  }
0x2f: {  	[sflag:s11] =	ssyncset.done $0x0  }
0x30: {  	[sflag:s11] =	ssyncadd.s32 $0xFFFFFFB0  }
0x31: {  	[tilespmem:s13], [sflag:$0x1] =	stream.indirect.gather [hbm4b:s4+s12], $0x30, s3, s12, $0xb8;
	[tilespmem:$0xFB50] =	vst v63  }
0x32: {  	_ =	swait.ge [sflag:s14], $0xF00  }
0x33: {  	[sflag:s14] =	ssyncset.done $0x0  }
0x34: {  	s19 =	sadd.s32 s18, s8;
	s18 =	smov.u32 s21;
	[sflag:s14] =	ssyncadd.s32 $0xFFFFF100  }
0x35: {  	[tilespmem:s12], [sflag:$0x2] =	stream.linear.gather [hbm4b:s19+s3], $0x50, $0x38;
	[tilespmem:$0xFB50] =	vst v63  }
0x36: {  	_ =	swait.ge [sflag:s11], $0x50  }
.Ltmp1:
0x37: {  	[sflag:s11] =	ssyncset.done $0x0;
	(pc) =	sbr.rel @p0 .LBB2_4-.Ltmp1, $4  }
0x38: {  	[sflag:s11] =	ssyncadd.s32 $0xFFFFFFB0  }
0x39: {  	[spmem:s2] =	stream.indirect.scatter.add.f32 [tilespmem:s13], [sflag:$0x2], $0x30, s12, s12, $0xb8;
	[tilespmem:$0xFB50] =	vst v63  }
0x3a: {  	_ =	swait.ge [sflag:s11], $0xF00  }
0x3b: {  	s19 =	smov.u32 s22;
	[sflag:s11] =	ssyncset.done $0x0  }
0x3c: {  	s19 =	sadd.s32 s18, s9;
	[sflag:s11] =	ssyncadd.s32 $0xFFFFF100  }
0x3d: {  	[tilespmem:s3], [sflag:$0x2] =	stream.linear.gather [hbm4b:s19+s3], $0x50, $0x38;
	[tilespmem:$0xFB50] =	vst v63  }
0x3e: {  	_ =	swait.ge [sflag:s11], $0x50  }
0x3f: {  	[sflag:s11] =	ssyncset.done $0x0  }
0x40: {  	[sflag:s11] =	ssyncadd.s32 $0xFFFFFFB0  }
0x41: {  	[tilespmem:s13], [sflag:$0x1] =	stream.indirect.gather [hbm4b:s4+s12], $0x30, s3, s12, $0xb8;
	[tilespmem:$0xFB50] =	vst v63  }
0x42: {  	_ =	swait.ge [sflag:s14], $0xF00  }
0x43: {  	[sflag:s14] =	ssyncset.done $0x0  }
0x44: {  	s31 =	sadd.s32 s18, s8;
	[sflag:s14] =	ssyncadd.s32 $0xFFFFF100  }
0x45: {  	[tilespmem:s12], [sflag:$0x2] =	stream.linear.gather [hbm4b:s31+s3], $0x50, $0x38;
	[tilespmem:$0xFB50] =	vst v63  }
0x46: {  	_ =	swait.ge [sflag:s11], $0x50  }
0x47: {  	[sflag:s11] =	ssyncset.done $0x0  }
0x48: {  	[sflag:s11] =	ssyncadd.s32 $0xFFFFFFB0  }
0x49: {  	[spmem:s2] =	stream.indirect.scatter.add.f32 [tilespmem:s13], [sflag:$0x2], $0x30, s12, s12, $0xb8;
	[tilespmem:$0xFB50] =	vst v63  }
0x4a: {  	_ =	swait.ge [sflag:s11], $0xF00  }
0x4b: {  	s17 =	sadd.s32 $0x1, s17;
	[sflag:s11] =	ssyncset.done $0x0  }
0x4c: {  	p0 =	sne.s32 s17, s7;
	[sflag:s11] =	ssyncadd.s32 $0xFFFFF100  }
.Ltmp2:
0x4d: {  	[bflag:$0x0] =	sbarrier.arrive $0xFFFF;
	(pc) =	sbr.rel @p0 .LBB2_1-.Ltmp2, $4  }
0x4e: {  	[hbm:s6], [sflag:s15] =	dma.local [spmem:s16], $0xED0  }
0x4f: {  	_ =	swait.ge [sflag:s11], $0xED0  }
0x50: {  	[sflag:s11] =	ssyncset.done $0x0  }
0x51: {  	[sflag:s11] =	ssyncadd.s32 $0xFFFFF130  }
0x52: {  	_ =	sfence.sel $0x180000  }
0x53: {  	[bflag:$0x0] =	sbarrier.arrive $0xFFFF  }
0x54: {  	p0 =	sne.s32 s0, $0x0;
	_ =	strace $0x90000062  }
0x55: {  	s0 =	sadd.s32 @!p0 $0x100000, s1;
	[bflag:$0x2] =	sbarrier.arrive $0xFFFF  }
0x56: {  	[sflag:s0] =	ssyncadd.tile.s32 @!p0 $0x1;
	_ =	shalt  }
.Lfunc_end2:
_tile_overlayer_lowered:
.L_overlay_start_2:
0x57: {  	(tag) =	ssettag $0x2  }
0x58: {  	s0 =	rddreg [dreg:$0x0];
	s2 =	stileid.u32  }
0x59: {  	s1 =	rddreg [dreg:$0x1];
	p0 =	sne.s32 s2, $0x0  }
0x5a: {  	s3 =	rddreg [dreg:$0x2];
	[bflag:$0x3] =	sbarrier.arrive $0xFFFF;
	s2 =	simm.s32 @!p0 $0x1C02  }
0x5b: {  	[timem:s3], [sflag:s2] =	dma.local @!p0 [hbm:s0], s1  }
0x5c: {  	s0 =	simm.s32 @!p0 $0x2  }
0x5d: {  	_ =	swait.ge @!p0 [sflag:s0], s1  }
0x5e: {  	s1 =	ssub.s32 @!p0 $0x0, s1;
	[sflag:s0] =	ssyncset.done @!p0 $0x0  }
0x5f: {  	[sflag:s0] =	ssyncadd.s32 @!p0 s1  }
0x60: {  	[bflag:$0x3] =	sbarrier.arrive $0xFFFF  }
0x61: {  	_ =	shalt  }

// kernel: kernel.64.cloned.1.call-start
scs
__scs_entry_jumppad:
0x0: {  	(pc) =	sbr.rel $0x88, $3  }
0x1: {  	(tag) =	ssettag $0x0;
	lr =	simm.s32 $0x1  }
0x2: {  	[smem:$0x3F95] =	sst lr;
	_ =	strace $0xD0000000  }
0x3: {  	_ = 	snop  }
0x4: {  	_ = 	snop  }
0x5: {  	_ = 	snop  }
0x6: {  	_ = 	snop  }
0x7: {  	_ = 	snop  }
__scs_overlays_trampoline_lowered:
0x8: {  	[smem:$0x3FA4] =	sst s0  }
0x9: {  	[smem:$0x3FA5] =	sst s1  }
0xa: {  	[smem:$0x3FA6] =	sst s2  }
0xb: {  	[smem:$0x3FA7] =	sst s3  }
0xc: {  	[smem:$0x3FA8] =	sst s4  }
0xd: {  	[smem:$0x3FA9] =	sst s5  }
0xe: {  	[smem:$0x3FAA] =	sst s6  }
0xf: {  	[smem:$0x3FAB] =	sst s7  }
0x10: {  	[smem:$0x3FAC] =	sst s8  }
0x11: {  	[smem:$0x3FAD] =	sst s9;
	s0 =	simm.s32 @!p0 $0x0  }
0x12: {  	s1 =	sld [smem:$0x3F93];
	s0 =	simm.s32 @p0 $0x1  }
0x13: {  	[smem:$0x3FAE] =	sst s0;
	s0 =	simm.s32 @!p1 $0x0  }
0x14: {  	s2 =	sld [smem:$0x3F92];
	s0 =	simm.s32 @p1 $0x1  }
0x15: {  	[smem:$0x3FAF] =	sst s0;
	s0 =	simm.s32 @!p2 $0x0  }
0x16: {  	s3 =	sld [smem:$0x3FDB];
	s0 =	simm.s32 @p2 $0x1  }
0x17: {  	s4 =	simm.s32 $0x1BF5;
	[smem:$0x3FB1] =	sst s0  }
0x18: {  	s0 =	sld [smem:$0x3F94];
	_ =	swait.ge [sflag:s4], $0x0  }
0x19: {  	s7 =	sld [smem:$0x3F95]  }
0x1a: {  	s8 =	sadd.s32 $0xFFFFE003, lr  }
0x1b: {  	s9 =	sadd.s32 $0xFFFFFEF7, lr;
	s5 =	simm.s32 $0xFFFFFFFF;
	p2 =	slt.u32 s8, $0xFFFFF086  }
0x1c: {  	p1 =	slt.u32 s9, $0xF7A;
	s5 =	simm.s32 @!p2 $0x0  }
0x1d: {  	s5 =	simm.s32 @p1 $0x1;
	p0 =	seq.s32 s7, s2  }
0x1e: {  	s7 =	smul.u32 @!p0 $0xF7A, s2;
	p2 =	seq.s32 @!p0 s5, $0x0  }
0x1f: {  	s9 =	smul.u32 $0xF7A, s1;
	s8 =	simm.s32 @!p0 $0x1BF5;
	p2 =	por !p2, p0  }
0x20: {  	[sflag:s8] =	ssyncset.s32 @!p0 $0xFFFFF086;
	s6 =	sadd.s32 @!p0 s3, s7;
	s7 =	simm.s32 @!p0 $0x108  }
0x21: {  	s3 =	sadd.s32 s3, s9;
	s6 =	sadd.s32 @!p0 $0x88, s6;
	s7 =	simm.s32 @p2 $0x1082  }
0x22: {  	[simem:s7], [sflag:s8] =	dma.local @!p0 [hbm:s6], $0xF7A  }
0x23: {  	s9 =	sor.u32 $0xD0000000, s2;
	s6 =	simm.s32 $0x108;
	_ =	swait.ge @!p0 [sflag:s8], $0x0  }
0x24: {  	s3 =	sadd.s32 $0x88, s3;
	s6 =	simm.s32 @!p1 $0x1082;
	[sflag:s4] =	ssyncset.s32 $0xFFFFF086  }
0x25: {  	[simem:s6], [sflag:s4] =	dma.local [hbm:s3], $0xF7A  }
0x26: {  	[smem:$0x3F95] =	sst s1;
	(tag) =	ssettag s2;
	_ =	strace s9  }
0x27: {  	s1 =	sld [smem:$0x3FA5]  }
0x28: {  	s2 =	sld [smem:$0x3FA6]  }
0x29: {  	s4 =	sld [smem:$0x3FA8]  }
0x2a: {  	p0 =	seq.s32 s5, $0x0;
	s5 =	sld [smem:$0x3FA9]  }
0x2b: {  	s6 =	sld [smem:$0x3FAA]  }
0x2c: {  	s7 =	sld [smem:$0x3FAB]  }
0x2d: {  	s3 =	simm.s32 $0x108;
	s8 =	sld [smem:$0x3FAC]  }
0x2e: {  	s3 =	simm.s32 @!p0 $0x1082;
	s9 =	sld [smem:$0x3FAD]  }
0x2f: {  	lr =	sadd.s32 s0, s3;
	s0 =	sld [smem:$0x3FA4]  }
0x30: {  	s3 =	sld [smem:$0x3FA7]  }
0x31: {  	[smem:$0x3FB0] =	sst s10  }
0x32: {  	s10 =	sld [smem:$0x3FAE];
	_ =	sdelay $0x3  }
0x33: {  	p0 =	seq.s32 s10, $0x1;
	s10 =	sld [smem:$0x3FB0];
	_ =	sdelay $0x3  }
0x34: {  	[smem:$0x3FB0] =	sst s10  }
0x35: {  	s10 =	sld [smem:$0x3FAF];
	_ =	sdelay $0x3  }
0x36: {  	p1 =	seq.s32 s10, $0x1;
	s10 =	sld [smem:$0x3FB0];
	_ =	sdelay $0x3  }
0x37: {  	[smem:$0x3FB0] =	sst s10  }
0x38: {  	s10 =	sld [smem:$0x3FB1]  }
0x39: {  	_ = 	snop;
	(pc) =	sbr.ind lr, $3  }
0x3a: {  	_ = 	snop  }
0x3b: {  	_ = 	snop  }
0x3c: {  	p2 =	seq.s32 s10, $0x1;
	s10 =	sld [smem:$0x3FB0]  }
0x3d: {  	_ =	shalt  }
0x3e: {  	_ =	shalt  }
0x3f: {  	_ =	shalt  }
0x40: {  	_ =	shalt  }
0x41: {  	_ =	shalt  }
0x42: {  	_ =	shalt  }
0x43: {  	_ =	shalt  }
0x44: {  	_ =	shalt  }
0x45: {  	_ =	shalt  }
0x46: {  	_ =	shalt  }
0x47: {  	_ =	shalt  }
0x48: {  	_ =	shalt  }
0x49: {  	_ =	shalt  }
0x4a: {  	_ =	shalt  }
0x4b: {  	_ =	shalt  }
0x4c: {  	_ =	shalt  }
0x4d: {  	_ =	shalt  }
0x4e: {  	_ =	shalt  }
0x4f: {  	_ =	shalt  }
0x50: {  	_ =	shalt  }
0x51: {  	_ =	shalt  }
0x52: {  	_ =	shalt  }
0x53: {  	_ =	shalt  }
0x54: {  	_ =	shalt  }
0x55: {  	_ =	shalt  }
0x56: {  	_ =	shalt  }
0x57: {  	_ =	shalt  }
0x58: {  	_ =	shalt  }
0x59: {  	_ =	shalt  }
0x5a: {  	_ =	shalt  }
0x5b: {  	_ =	shalt  }
0x5c: {  	_ =	shalt  }
0x5d: {  	_ =	shalt  }
0x5e: {  	_ =	shalt  }
0x5f: {  	_ =	shalt  }
0x60: {  	_ =	shalt  }
0x61: {  	_ =	shalt  }
0x62: {  	_ =	shalt  }
0x63: {  	_ =	shalt  }
0x64: {  	_ =	shalt  }
0x65: {  	_ =	shalt  }
0x66: {  	_ =	shalt  }
0x67: {  	_ =	shalt  }
0x68: {  	_ =	shalt  }
0x69: {  	_ =	shalt  }
0x6a: {  	_ =	shalt  }
0x6b: {  	_ =	shalt  }
0x6c: {  	_ =	shalt  }
0x6d: {  	_ =	shalt  }
0x6e: {  	_ =	shalt  }
0x6f: {  	_ =	shalt  }
0x70: {  	_ =	shalt  }
0x71: {  	_ =	shalt  }
0x72: {  	_ =	shalt  }
0x73: {  	_ =	shalt  }
0x74: {  	_ =	shalt  }
0x75: {  	_ =	shalt  }
0x76: {  	_ =	shalt  }
0x77: {  	_ =	shalt  }
0x78: {  	_ =	shalt  }
0x79: {  	_ =	shalt  }
0x7a: {  	_ =	shalt  }
0x7b: {  	_ =	shalt  }
0x7c: {  	_ =	shalt  }
0x7d: {  	_ =	shalt  }
0x7e: {  	_ =	shalt  }
0x7f: {  	_ =	shalt  }
0x80: {  	_ =	shalt  }
0x81: {  	_ =	shalt  }
0x82: {  	_ =	shalt  }
0x83: {  	_ =	shalt  }
0x84: {  	_ =	shalt  }
0x85: {  	_ =	shalt  }
0x86: {  	_ =	shalt  }
0x87: {  	_ =	shalt  }
.Lfunc_end0:
.L_simem_size_0:
called_computation.10_lowered:
.L_overlay_start_0:
0x88: {  	s2 =	sld [smem:$0x3FD9]  }
0x89: {  	s3 =	sld [smem:$0x3FFE];
	_ =	sdelay $0x1  }
0x8a: {  	s1 =	srdreg.scid  }
0x8b: {  	s0 =	sand.u32 $0x1, s1  }
0x8c: {  	s16 =	sshll.u32 s0, $0xA;
	s2 =	sadd.s32 s3, s2  }
0x8d: {  	s2 =	sadd.s32 s2, s16  }
0x8e: {  	[smem:$0x3FBC] =	sst s2  }
0x8f: {  	_ = 	snop  }
0x90: {  	(tm) =	ssettm $0x1  }
0x91: {  	s17 =	sld [smem:$0x3FFB];
	_ =	sdelay $0x3  }
0x92: {  	_ =	strace s17  }
0x93: {  	s2 =	sld [smem:$0x3FFC];
	_ =	sdelay $0x3  }
0x94: {  	_ =	strace s2  }
0x95: {  	s2 =	sld [smem:$0x3FFD];
	_ =	sdelay $0x3  }
0x96: {  	_ =	strace s2  }
0x97: {  	_ =	strace $0x8FFFFFFF  }
0x98: {  	s18 =	sld [smem:$0x3FDB];
	_ =	sdelay $0x1  }
0x99: {  	s19 =	simm.s32 $_scs_section_size  }
0x9a: {  	s4 =	simm.s32 $_size__tile_overlayer_lowered;
	s5 =	simm.s32 $_tile_overlayer_lowered  }
0x9b: {  	s22 =	simm.s32 $0x1BFF;
	s21 =	sshll.u32 s5, $0x1;
	s2 =	sadd.s32 s19, s18  }
0x9c: {  	s6 =	simm.s32 $0x0;
	s20 =	sshll.u32 s4, $0x1;
	s4 =	sadd.s32 s21, s2  }
0x9d: {  	[timem:s6], [sflag:s22] =	dma.local [hbm:s4], s20  }
0x9e: {  	_ =	swait.ge [sflag:s22], s20  }
0x9f: {  	s3 =	ssub.s32 $0x0, s20;
	[sflag:s22] =	ssyncset.done $0x0  }
0xa0: {  	[sflag:s22] =	ssyncadd.s32 s3;
	_ =	sdelay $0x1  }
0xa1: {  	s23 =	simm.s32 $0x1B8B  }
0xa2: {  	_ =	swait.ge [sflag:s23], $0x1  }
0xa3: {  	[sflag:s23] =	ssyncset.done $0x0  }
0xa4: {  	s25 =	simm.s32 $0x1B8E;
	s24 =	sld [smem:$0x3FFE];
	[sflag:s23] =	ssyncadd.s32 $0xFFFFFFFF  }
0xa5: {  	s26 =	simm.s32 $execute0_lowered;
	[smem:$0x3FD2] =	sst s25  }
0xa6: {  	s4 =	sshll.u32 s26, $0x1;
	_ =	strace $0x80000064;
	[dreg:$0x1] =	wrdreg $0xFFFFFFFF  }
0xa7: {  	s28 =	simm.s32 $_size_execute0_lowered;
	s2 =	sadd.s32 s2, s4;
	[dreg:$0x0] =	wrdreg $0x0  }
0xa8: {  	s4 =	sshll.u32 s28, $0x1;
	[dreg:$0x2] =	wrdreg s2  }
0xa9: {  	[dreg:$0x3] =	wrdreg s4  }
0xaa: {  	[dreg:$0x4] =	wrdreg $0xC0  }
0xab: {  	_ =	task [dreg:s6], $0x5FFFF  }
0xac: {  	[dreg:$0x1] =	wrdreg $0xFFFFFFFF  }
0xad: {  	[dreg:$0x0] =	wrdreg $0x60  }
0xae: {  	[dreg:$0x2] =	wrdreg s24  }
0xaf: {  	[dreg:$0x3] =	wrdreg $0x86200  }
0xb0: {  	[dreg:$0x4] =	wrdreg $0x9  }
0xb1: {  	_ =	task.clear_ibuf [dreg:s6], $0x5FFFF;
	_ =	strace $0x90000064  }
0xb2: {  	s29 =	simm.s32 $0x9;
	_ =	strace $0x80000066  }
0xb3: {  	_ =	swait.ge [sflag:s29], $0x1  }
0xb4: {  	[sflag:s29] =	ssyncadd.s32 $0xFFFFFFFF  }
0xb5: {  	_ =	strace $0x90000066  }
0xb6: {  	_ =	sfence  }
0xb7: {  	s30 =	sld [smem:$0x0];
	_ =	sdelay $0x2  }
0xb8: {  	s31 =	sshll.u32 s1, $0xD;
	s1 =	sshrl.u32 s1, $0x2  }
0xb9: {  	s3 =	sand.u32 $0x4000, s31;
	s1 =	sadd.s32 s1, s30  }
0xba: {  	s0 =	sor.u32 s3, s0;
	s1 =	sshll.u32 s1, $0x11  }
0xbb: {  	s0 =	sor.u32 s1, s0  }
0xbc: {  	s0 =	sadd.s32 $0x8F2B, s0  }
0xbd: {  	[sflag:s0] =	ssyncadd.remote.s32 $0x1  }
0xbe: {  	_ =	sfence.sel $0xFFFF  }
0xbf: {  	[dreg:$0x0] =	wrdreg $0xFFFFFFFF;
	(pc) =	sbr.abs _section_cstart, $3  }
0xc0: {  	[dreg:$0x1] =	wrdreg $0xFFFFFFFF  }
0xc1: {  	_ =	task.clear_ibuf [dreg:s6], $0x2FFFF;
	_ =	strace $0x9FFFFFFF  }
0xc2: {  	(tm) =	ssettm $0x7FFFFFFF  }
0xc3: {  	_ =	shalt  }
tec
execute0_lowered:
.L_overlay_start_1:
0x0: {  	(tag) =	ssettag $0x1  }
0x1: {  	s5 =	rddreg [dreg:$0x0]  }
0x2: {  	s0 =	srdreg.scid;
	s2 =	rddreg [dreg:$0x1]  }
0x3: {  	s1 =	rddreg [dreg:$0x2];
	s3 =	simm.s32 $0x0;
	s11 =	simm.s32 $0x2  }
0x4: {  	s12 =	simm.s32 $0x50;
	s13 =	simm.s32 $0xA0;
	s6 =	sand.u32 $0x1, s0  }
0x5: {  	s14 =	simm.s32 $0x1;
	s0 =	stileid.u32;
	s7 =	smul.u32 $0x27100, s6  }
0x6: {  	s17 =	simm.s32 $0x0;
	[smem:$0x7FF] =	sst s3;
	s8 =	smul.u32 $0x2710, s0  }
0x7: {  	s4 =	sadd.s32 $0xBE000, s5;
	s9 =	smul.u32 $0x7680, s0;
	p0 =	seq.s32 s0, $0xF  }
0x8: {  	s10 =	smul.u32 $0x75300, s6;
	s6 =	ssub.s32 $0x2, s6;
	s15 =	sshll.u32 s0, $0x6  }
0x9: {  	_ =	strace $0x80000065;
	s30 =	sshrl.u32 s6, $0x1;
	s15 =	sor.u32 $0x1C02, s15  }
0xa: {  	s9 =	simm.s32 @p0 $0x6DC80;
	s7 =	sadd.s32 s8, s7;
	s31 =	ssub.s32 s6, s30  }
0xb: {  	s26 =	sadd.s32 s10, s9;
	s7 =	sshrl.u32 s7, $0x3;
	s10 =	simm.s32 $0xFA0  }
0xc: {  	s8 =	sshrl.u32 s26, $0x3;
	s28 =	sadd.s32 s7, s5;
	s7 =	smax.u32 s31, $0x1  }
0xd: {  	s29 =	sadd.s32 s8, s5;
	s5 =	sadd.s32 s9, s2;
	s8 =	sadd.s32 $0xDC00, s28  }
0xe: {  	v0 =	vimm.f32 $0.0e+00;
	s9 =	sadd.s32 $0x17A00, s28;
	s6 =	sadd.s32 $0xCCC00, s29;
	s16 =	sshrl.u32 s5, $0x3  }
.LBB2_1:
0xf: {  	s18 =	simm.s32 $0xC0;
	s19 =	simm.s32 $0x0  }
.LBB2_2:
0x10: {  	p0 =	sne.s32 s18, $0x1D940;
	[tilespmem:s19+$0xFC0] =	vst v0;
	s20 =	smov.u32 s18;
	s18 =	sadd.s32 $0xC0, s18  }
.Ltmp0:
0x11: {  	[tilespmem:s19+$0xFA0] =	vst v0;
	(pc) =	sbr.rel @p0 .LBB2_2-.Ltmp0, $2  }
0x12: {  	[tilespmem:s19+$0xFB0] =	vst v0;
	_ =	sdelay $0x2  }
0x13: {  	s19 =	sshra.s32 s20, $0x2  }
0x14: {  	[tilespmem:s19+$0xFC0] =	vst v0  }
0x15: {  	[tilespmem:s19+$0xFA0] =	vst v0  }
0x16: {  	[tilespmem:s19+$0xFB0] =	vst v0  }
0x17: {  	[spmem:s5] =	stream.linear.scatter [tilespmem:s10], [sflag:$0x2], $0x7680, $0x38;
	[tilespmem:$0xFB50] =	vst v63  }
0x18: {  	_ =	swait.ge [sflag:s11], $0x7680  }
0x19: {  	[sflag:s11] =	ssyncset.done $0x0  }
0x1a: {  	[sflag:s11] =	ssyncadd.s32 $0xFFFF8980  }
0x1b: {  	s18 =	sadd.s32 $0x0, s9;
	[bflag:$0x0] =	sbarrier.arrive $0xFFFF  }
0x1c: {  	[tilespmem:s3], [sflag:$0x2] =	stream.linear.gather [hbm4b:s18+s3], $0x50, $0x38;
	[tilespmem:$0xFB50] =	vst v63  }
0x1d: {  	_ =	swait.ge [sflag:s11], $0x50  }
0x1e: {  	[sflag:s11] =	ssyncset.done $0x0  }
0x1f: {  	[sflag:s11] =	ssyncadd.s32 $0xFFFFFFB0  }
0x20: {  	[tilespmem:s13], [sflag:$0x1] =	stream.indirect.gather [hbm4b:s4+s12], $0x30, s3, s12, $0xb8;
	[tilespmem:$0xFB50] =	vst v63  }
0x21: {  	_ =	swait.ge [sflag:s14], $0xF00  }
0x22: {  	[sflag:s14] =	ssyncset.done $0x0  }
0x23: {  	s31 =	sadd.s32 $0x0, s8;
	[sflag:s14] =	ssyncadd.s32 $0xFFFFF100  }
0x24: {  	[tilespmem:s12], [sflag:$0x2] =	stream.linear.gather [hbm4b:s31+s3], $0x50, $0x38;
	[tilespmem:$0xFB50] =	vst v63  }
0x25: {  	_ =	swait.ge [sflag:s11], $0x50  }
0x26: {  	[sflag:s11] =	ssyncset.done $0x0  }
0x27: {  	[sflag:s11] =	ssyncadd.s32 $0xFFFFFFB0  }
0x28: {  	[spmem:s2] =	stream.indirect.scatter.add.f32 [tilespmem:s13], [sflag:$0x2], $0x30, s12, s12, $0xb8;
	[tilespmem:$0xFB50] =	vst v63  }
0x29: {  	_ =	swait.ge [sflag:s11], $0xF00  }
0x2a: {  	s19 =	simm.s32 $0x14;
	s18 =	simm.s32 $0xA;
	[sflag:s11] =	ssyncset.done $0x0  }
.LBB2_4:
0x2b: {  	s20 =	sadd.s32 s18, s9  }
0x2c: {  	[sflag:s11] =	ssyncadd.s32 $0xFFFFF100;
	s21 =	smov.u32 s19;
	s22 =	sadd.s32 $0xA, s19  }
0x2d: {  	[tilespmem:s3], [sflag:$0x2] =	stream.linear.gather [hbm4b:s20+s3], $0x50, $0x38;
	[tilespmem:$0xFB50] =	vst v63  }
0x2e: {  	p0 =	sne.s32 s19, $0x4D8;
	_ =	swait.ge [sflag:s11], $0x50  }
0x2f: {  	[sflag:s11] =	ssyncset.done $0x0  }
0x30: {  	[sflag:s11] =	ssyncadd.s32 $0xFFFFFFB0  }
0x31: {  	[tilespmem:s13], [sflag:$0x1] =	stream.indirect.gather [hbm4b:s4+s12], $0x30, s3, s12, $0xb8;
	[tilespmem:$0xFB50] =	vst v63  }
0x32: {  	_ =	swait.ge [sflag:s14], $0xF00  }
0x33: {  	[sflag:s14] =	ssyncset.done $0x0  }
0x34: {  	s19 =	sadd.s32 s18, s8;
	s18 =	smov.u32 s21;
	[sflag:s14] =	ssyncadd.s32 $0xFFFFF100  }
0x35: {  	[tilespmem:s12], [sflag:$0x2] =	stream.linear.gather [hbm4b:s19+s3], $0x50, $0x38;
	[tilespmem:$0xFB50] =	vst v63  }
0x36: {  	_ =	swait.ge [sflag:s11], $0x50  }
.Ltmp1:
0x37: {  	[sflag:s11] =	ssyncset.done $0x0;
	(pc) =	sbr.rel @p0 .LBB2_4-.Ltmp1, $4  }
0x38: {  	[sflag:s11] =	ssyncadd.s32 $0xFFFFFFB0  }
0x39: {  	[spmem:s2] =	stream.indirect.scatter.add.f32 [tilespmem:s13], [sflag:$0x2], $0x30, s12, s12, $0xb8;
	[tilespmem:$0xFB50] =	vst v63  }
0x3a: {  	_ =	swait.ge [sflag:s11], $0xF00  }
0x3b: {  	s19 =	smov.u32 s22;
	[sflag:s11] =	ssyncset.done $0x0  }
0x3c: {  	s19 =	sadd.s32 s18, s9;
	[sflag:s11] =	ssyncadd.s32 $0xFFFFF100  }
0x3d: {  	[tilespmem:s3], [sflag:$0x2] =	stream.linear.gather [hbm4b:s19+s3], $0x50, $0x38;
	[tilespmem:$0xFB50] =	vst v63  }
0x3e: {  	_ =	swait.ge [sflag:s11], $0x50  }
0x3f: {  	[sflag:s11] =	ssyncset.done $0x0  }
0x40: {  	[sflag:s11] =	ssyncadd.s32 $0xFFFFFFB0  }
0x41: {  	[tilespmem:s13], [sflag:$0x1] =	stream.indirect.gather [hbm4b:s4+s12], $0x30, s3, s12, $0xb8;
	[tilespmem:$0xFB50] =	vst v63  }
0x42: {  	_ =	swait.ge [sflag:s14], $0xF00  }
0x43: {  	[sflag:s14] =	ssyncset.done $0x0  }
0x44: {  	s31 =	sadd.s32 s18, s8;
	[sflag:s14] =	ssyncadd.s32 $0xFFFFF100  }
0x45: {  	[tilespmem:s12], [sflag:$0x2] =	stream.linear.gather [hbm4b:s31+s3], $0x50, $0x38;
	[tilespmem:$0xFB50] =	vst v63  }
0x46: {  	_ =	swait.ge [sflag:s11], $0x50  }
0x47: {  	[sflag:s11] =	ssyncset.done $0x0  }
0x48: {  	[sflag:s11] =	ssyncadd.s32 $0xFFFFFFB0  }
0x49: {  	[spmem:s2] =	stream.indirect.scatter.add.f32 [tilespmem:s13], [sflag:$0x2], $0x30, s12, s12, $0xb8;
	[tilespmem:$0xFB50] =	vst v63  }
0x4a: {  	_ =	swait.ge [sflag:s11], $0xF00  }
0x4b: {  	s17 =	sadd.s32 $0x1, s17;
	[sflag:s11] =	ssyncset.done $0x0  }
0x4c: {  	p0 =	sne.s32 s17, s7;
	[sflag:s11] =	ssyncadd.s32 $0xFFFFF100  }
.Ltmp2:
0x4d: {  	[bflag:$0x0] =	sbarrier.arrive $0xFFFF;
	(pc) =	sbr.rel @p0 .LBB2_1-.Ltmp2, $4  }
0x4e: {  	[hbm:s6], [sflag:s15] =	dma.local [spmem:s16], $0xED0  }
0x4f: {  	_ =	swait.ge [sflag:s11], $0xED0  }
0x50: {  	[sflag:s11] =	ssyncset.done $0x0  }
0x51: {  	[sflag:s11] =	ssyncadd.s32 $0xFFFFF130  }
0x52: {  	_ =	sfence.sel $0x180000  }
0x53: {  	[bflag:$0x0] =	sbarrier.arrive $0xFFFF  }
0x54: {  	p0 =	sne.s32 s0, $0x0;
	_ =	strace $0x90000065  }
0x55: {  	s0 =	sadd.s32 @!p0 $0x100000, s1;
	[bflag:$0x2] =	sbarrier.arrive $0xFFFF  }
0x56: {  	[sflag:s0] =	ssyncadd.tile.s32 @!p0 $0x1;
	_ =	shalt  }
.Lfunc_end2:
_tile_overlayer_lowered:
.L_overlay_start_2:
0x57: {  	(tag) =	ssettag $0x2  }
0x58: {  	s0 =	rddreg [dreg:$0x0];
	s2 =	stileid.u32  }
0x59: {  	s1 =	rddreg [dreg:$0x1];
	p0 =	sne.s32 s2, $0x0  }
0x5a: {  	s3 =	rddreg [dreg:$0x2];
	[bflag:$0x3] =	sbarrier.arrive $0xFFFF;
	s2 =	simm.s32 @!p0 $0x1C02  }
0x5b: {  	[timem:s3], [sflag:s2] =	dma.local @!p0 [hbm:s0], s1  }
0x5c: {  	s0 =	simm.s32 @!p0 $0x2  }
0x5d: {  	_ =	swait.ge @!p0 [sflag:s0], s1  }
0x5e: {  	s1 =	ssub.s32 @!p0 $0x0, s1;
	[sflag:s0] =	ssyncset.done @!p0 $0x0  }
0x5f: {  	[sflag:s0] =	ssyncadd.s32 @!p0 s1  }
0x60: {  	[bflag:$0x3] =	sbarrier.arrive $0xFFFF  }
0x61: {  	_ =	shalt  }

// kernel: kernel.67.cloned.1.call-start
scs
__scs_entry_jumppad:
0x0: {  	(pc) =	sbr.rel $0x88, $3  }
0x1: {  	(tag) =	ssettag $0x0;
	lr =	simm.s32 $0x1  }
0x2: {  	[smem:$0x3F95] =	sst lr;
	_ =	strace $0xD0000000  }
0x3: {  	_ = 	snop  }
0x4: {  	_ = 	snop  }
0x5: {  	_ = 	snop  }
0x6: {  	_ = 	snop  }
0x7: {  	_ = 	snop  }
__scs_overlays_trampoline_lowered:
0x8: {  	[smem:$0x3FA4] =	sst s0  }
0x9: {  	[smem:$0x3FA5] =	sst s1  }
0xa: {  	[smem:$0x3FA6] =	sst s2  }
0xb: {  	[smem:$0x3FA7] =	sst s3  }
0xc: {  	[smem:$0x3FA8] =	sst s4  }
0xd: {  	[smem:$0x3FA9] =	sst s5  }
0xe: {  	[smem:$0x3FAA] =	sst s6  }
0xf: {  	[smem:$0x3FAB] =	sst s7  }
0x10: {  	[smem:$0x3FAC] =	sst s8  }
0x11: {  	[smem:$0x3FAD] =	sst s9;
	s0 =	simm.s32 @!p0 $0x0  }
0x12: {  	s1 =	sld [smem:$0x3F93];
	s0 =	simm.s32 @p0 $0x1  }
0x13: {  	[smem:$0x3FAE] =	sst s0;
	s0 =	simm.s32 @!p1 $0x0  }
0x14: {  	s2 =	sld [smem:$0x3F92];
	s0 =	simm.s32 @p1 $0x1  }
0x15: {  	[smem:$0x3FAF] =	sst s0;
	s0 =	simm.s32 @!p2 $0x0  }
0x16: {  	s3 =	sld [smem:$0x3FDB];
	s0 =	simm.s32 @p2 $0x1  }
0x17: {  	s4 =	simm.s32 $0x1BF5;
	[smem:$0x3FB1] =	sst s0  }
0x18: {  	s0 =	sld [smem:$0x3F94];
	_ =	swait.ge [sflag:s4], $0x0  }
0x19: {  	s7 =	sld [smem:$0x3F95]  }
0x1a: {  	s8 =	sadd.s32 $0xFFFFE003, lr  }
0x1b: {  	s9 =	sadd.s32 $0xFFFFFEF7, lr;
	s5 =	simm.s32 $0xFFFFFFFF;
	p2 =	slt.u32 s8, $0xFFFFF086  }
0x1c: {  	p1 =	slt.u32 s9, $0xF7A;
	s5 =	simm.s32 @!p2 $0x0  }
0x1d: {  	s5 =	simm.s32 @p1 $0x1;
	p0 =	seq.s32 s7, s2  }
0x1e: {  	s7 =	smul.u32 @!p0 $0xF7A, s2;
	p2 =	seq.s32 @!p0 s5, $0x0  }
0x1f: {  	s9 =	smul.u32 $0xF7A, s1;
	s8 =	simm.s32 @!p0 $0x1BF5;
	p2 =	por !p2, p0  }
0x20: {  	[sflag:s8] =	ssyncset.s32 @!p0 $0xFFFFF086;
	s6 =	sadd.s32 @!p0 s3, s7;
	s7 =	simm.s32 @!p0 $0x108  }
0x21: {  	s3 =	sadd.s32 s3, s9;
	s6 =	sadd.s32 @!p0 $0x88, s6;
	s7 =	simm.s32 @p2 $0x1082  }
0x22: {  	[simem:s7], [sflag:s8] =	dma.local @!p0 [hbm:s6], $0xF7A  }
0x23: {  	s9 =	sor.u32 $0xD0000000, s2;
	s6 =	simm.s32 $0x108;
	_ =	swait.ge @!p0 [sflag:s8], $0x0  }
0x24: {  	s3 =	sadd.s32 $0x88, s3;
	s6 =	simm.s32 @!p1 $0x1082;
	[sflag:s4] =	ssyncset.s32 $0xFFFFF086  }
0x25: {  	[simem:s6], [sflag:s4] =	dma.local [hbm:s3], $0xF7A  }
0x26: {  	[smem:$0x3F95] =	sst s1;
	(tag) =	ssettag s2;
	_ =	strace s9  }
0x27: {  	s1 =	sld [smem:$0x3FA5]  }
0x28: {  	s2 =	sld [smem:$0x3FA6]  }
0x29: {  	s4 =	sld [smem:$0x3FA8]  }
0x2a: {  	p0 =	seq.s32 s5, $0x0;
	s5 =	sld [smem:$0x3FA9]  }
0x2b: {  	s6 =	sld [smem:$0x3FAA]  }
0x2c: {  	s7 =	sld [smem:$0x3FAB]  }
0x2d: {  	s3 =	simm.s32 $0x108;
	s8 =	sld [smem:$0x3FAC]  }
0x2e: {  	s3 =	simm.s32 @!p0 $0x1082;
	s9 =	sld [smem:$0x3FAD]  }
0x2f: {  	lr =	sadd.s32 s0, s3;
	s0 =	sld [smem:$0x3FA4]  }
0x30: {  	s3 =	sld [smem:$0x3FA7]  }
0x31: {  	[smem:$0x3FB0] =	sst s10  }
0x32: {  	s10 =	sld [smem:$0x3FAE];
	_ =	sdelay $0x3  }
0x33: {  	p0 =	seq.s32 s10, $0x1;
	s10 =	sld [smem:$0x3FB0];
	_ =	sdelay $0x3  }
0x34: {  	[smem:$0x3FB0] =	sst s10  }
0x35: {  	s10 =	sld [smem:$0x3FAF];
	_ =	sdelay $0x3  }
0x36: {  	p1 =	seq.s32 s10, $0x1;
	s10 =	sld [smem:$0x3FB0];
	_ =	sdelay $0x3  }
0x37: {  	[smem:$0x3FB0] =	sst s10  }
0x38: {  	s10 =	sld [smem:$0x3FB1]  }
0x39: {  	_ = 	snop;
	(pc) =	sbr.ind lr, $3  }
0x3a: {  	_ = 	snop  }
0x3b: {  	_ = 	snop  }
0x3c: {  	p2 =	seq.s32 s10, $0x1;
	s10 =	sld [smem:$0x3FB0]  }
0x3d: {  	_ =	shalt  }
0x3e: {  	_ =	shalt  }
0x3f: {  	_ =	shalt  }
0x40: {  	_ =	shalt  }
0x41: {  	_ =	shalt  }
0x42: {  	_ =	shalt  }
0x43: {  	_ =	shalt  }
0x44: {  	_ =	shalt  }
0x45: {  	_ =	shalt  }
0x46: {  	_ =	shalt  }
0x47: {  	_ =	shalt  }
0x48: {  	_ =	shalt  }
0x49: {  	_ =	shalt  }
0x4a: {  	_ =	shalt  }
0x4b: {  	_ =	shalt  }
0x4c: {  	_ =	shalt  }
0x4d: {  	_ =	shalt  }
0x4e: {  	_ =	shalt  }
0x4f: {  	_ =	shalt  }
0x50: {  	_ =	shalt  }
0x51: {  	_ =	shalt  }
0x52: {  	_ =	shalt  }
0x53: {  	_ =	shalt  }
0x54: {  	_ =	shalt  }
0x55: {  	_ =	shalt  }
0x56: {  	_ =	shalt  }
0x57: {  	_ =	shalt  }
0x58: {  	_ =	shalt  }
0x59: {  	_ =	shalt  }
0x5a: {  	_ =	shalt  }
0x5b: {  	_ =	shalt  }
0x5c: {  	_ =	shalt  }
0x5d: {  	_ =	shalt  }
0x5e: {  	_ =	shalt  }
0x5f: {  	_ =	shalt  }
0x60: {  	_ =	shalt  }
0x61: {  	_ =	shalt  }
0x62: {  	_ =	shalt  }
0x63: {  	_ =	shalt  }
0x64: {  	_ =	shalt  }
0x65: {  	_ =	shalt  }
0x66: {  	_ =	shalt  }
0x67: {  	_ =	shalt  }
0x68: {  	_ =	shalt  }
0x69: {  	_ =	shalt  }
0x6a: {  	_ =	shalt  }
0x6b: {  	_ =	shalt  }
0x6c: {  	_ =	shalt  }
0x6d: {  	_ =	shalt  }
0x6e: {  	_ =	shalt  }
0x6f: {  	_ =	shalt  }
0x70: {  	_ =	shalt  }
0x71: {  	_ =	shalt  }
0x72: {  	_ =	shalt  }
0x73: {  	_ =	shalt  }
0x74: {  	_ =	shalt  }
0x75: {  	_ =	shalt  }
0x76: {  	_ =	shalt  }
0x77: {  	_ =	shalt  }
0x78: {  	_ =	shalt  }
0x79: {  	_ =	shalt  }
0x7a: {  	_ =	shalt  }
0x7b: {  	_ =	shalt  }
0x7c: {  	_ =	shalt  }
0x7d: {  	_ =	shalt  }
0x7e: {  	_ =	shalt  }
0x7f: {  	_ =	shalt  }
0x80: {  	_ =	shalt  }
0x81: {  	_ =	shalt  }
0x82: {  	_ =	shalt  }
0x83: {  	_ =	shalt  }
0x84: {  	_ =	shalt  }
0x85: {  	_ =	shalt  }
0x86: {  	_ =	shalt  }
0x87: {  	_ =	shalt  }
.Lfunc_end0:
.L_simem_size_0:
called_computation.11_lowered:
.L_overlay_start_0:
0x88: {  	s2 =	sld [smem:$0x3FD9]  }
0x89: {  	s3 =	sld [smem:$0x3FFE];
	_ =	sdelay $0x1  }
0x8a: {  	s1 =	srdreg.scid  }
0x8b: {  	s0 =	sand.u32 $0x1, s1  }
0x8c: {  	s16 =	sshll.u32 s0, $0xA;
	s2 =	sadd.s32 s3, s2  }
0x8d: {  	s2 =	sadd.s32 s2, s16  }
0x8e: {  	[smem:$0x3FBC] =	sst s2  }
0x8f: {  	_ = 	snop  }
0x90: {  	(tm) =	ssettm $0x1  }
0x91: {  	s17 =	sld [smem:$0x3FFB];
	_ =	sdelay $0x3  }
0x92: {  	_ =	strace s17  }
0x93: {  	s2 =	sld [smem:$0x3FFC];
	_ =	sdelay $0x3  }
0x94: {  	_ =	strace s2  }
0x95: {  	s2 =	sld [smem:$0x3FFD];
	_ =	sdelay $0x3  }
0x96: {  	_ =	strace s2  }
0x97: {  	_ =	strace $0x8FFFFFFF  }
0x98: {  	s18 =	sld [smem:$0x3FDB];
	_ =	sdelay $0x1  }
0x99: {  	s19 =	simm.s32 $_scs_section_size  }
0x9a: {  	s4 =	simm.s32 $_size__tile_overlayer_lowered;
	s5 =	simm.s32 $_tile_overlayer_lowered  }
0x9b: {  	s22 =	simm.s32 $0x1BFF;
	s21 =	sshll.u32 s5, $0x1;
	s2 =	sadd.s32 s19, s18  }
0x9c: {  	s6 =	simm.s32 $0x0;
	s20 =	sshll.u32 s4, $0x1;
	s4 =	sadd.s32 s21, s2  }
0x9d: {  	[timem:s6], [sflag:s22] =	dma.local [hbm:s4], s20  }
0x9e: {  	_ =	swait.ge [sflag:s22], s20  }
0x9f: {  	s3 =	ssub.s32 $0x0, s20;
	[sflag:s22] =	ssyncset.done $0x0  }
0xa0: {  	[sflag:s22] =	ssyncadd.s32 s3;
	_ =	sdelay $0x1  }
0xa1: {  	s23 =	simm.s32 $0x1B8B  }
0xa2: {  	_ =	swait.ge [sflag:s23], $0x1  }
0xa3: {  	[sflag:s23] =	ssyncset.done $0x0  }
0xa4: {  	s25 =	simm.s32 $0x1B8E;
	s24 =	sld [smem:$0x3FFE];
	[sflag:s23] =	ssyncadd.s32 $0xFFFFFFFF  }
0xa5: {  	s26 =	simm.s32 $execute0_lowered;
	[smem:$0x3FD2] =	sst s25  }
0xa6: {  	s4 =	sshll.u32 s26, $0x1;
	_ =	strace $0x80000067;
	[dreg:$0x1] =	wrdreg $0xFFFFFFFF  }
0xa7: {  	s28 =	simm.s32 $_size_execute0_lowered;
	s2 =	sadd.s32 s2, s4;
	[dreg:$0x0] =	wrdreg $0x0  }
0xa8: {  	s4 =	sshll.u32 s28, $0x1;
	[dreg:$0x2] =	wrdreg s2  }
0xa9: {  	[dreg:$0x3] =	wrdreg s4  }
0xaa: {  	[dreg:$0x4] =	wrdreg $0xC0  }
0xab: {  	_ =	task [dreg:s6], $0x5FFFF  }
0xac: {  	[dreg:$0x1] =	wrdreg $0xFFFFFFFF  }
0xad: {  	[dreg:$0x0] =	wrdreg $0x60  }
0xae: {  	[dreg:$0x2] =	wrdreg s24  }
0xaf: {  	[dreg:$0x3] =	wrdreg $0x86200  }
0xb0: {  	[dreg:$0x4] =	wrdreg $0x9  }
0xb1: {  	_ =	task.clear_ibuf [dreg:s6], $0x5FFFF;
	_ =	strace $0x90000067  }
0xb2: {  	s29 =	simm.s32 $0x9;
	_ =	strace $0x80000069  }
0xb3: {  	_ =	swait.ge [sflag:s29], $0x1  }
0xb4: {  	[sflag:s29] =	ssyncadd.s32 $0xFFFFFFFF  }
0xb5: {  	_ =	strace $0x90000069  }
0xb6: {  	_ =	sfence  }
0xb7: {  	s30 =	sld [smem:$0x0];
	_ =	sdelay $0x2  }
0xb8: {  	s31 =	sshll.u32 s1, $0xD;
	s1 =	sshrl.u32 s1, $0x2  }
0xb9: {  	s3 =	sand.u32 $0x4000, s31;
	s1 =	sadd.s32 s1, s30  }
0xba: {  	s0 =	sor.u32 s3, s0;
	s1 =	sshll.u32 s1, $0x11  }
0xbb: {  	s0 =	sor.u32 s1, s0  }
0xbc: {  	s0 =	sadd.s32 $0x8F2B, s0  }
0xbd: {  	[sflag:s0] =	ssyncadd.remote.s32 $0x1  }
0xbe: {  	_ =	sfence.sel $0xFFFF  }
0xbf: {  	[dreg:$0x0] =	wrdreg $0xFFFFFFFF;
	(pc) =	sbr.abs _section_cstart, $3  }
0xc0: {  	[dreg:$0x1] =	wrdreg $0xFFFFFFFF  }
0xc1: {  	_ =	task.clear_ibuf [dreg:s6], $0x2FFFF;
	_ =	strace $0x9FFFFFFF  }
0xc2: {  	(tm) =	ssettm $0x7FFFFFFF  }
0xc3: {  	_ =	shalt  }
tec
execute0_lowered:
.L_overlay_start_1:
0x0: {  	(tag) =	ssettag $0x1  }
0x1: {  	s5 =	rddreg [dreg:$0x0]  }
0x2: {  	s0 =	srdreg.scid;
	s2 =	rddreg [dreg:$0x1]  }
0x3: {  	s1 =	rddreg [dreg:$0x2];
	s3 =	simm.s32 $0x0;
	s11 =	simm.s32 $0x2  }
0x4: {  	s12 =	simm.s32 $0x50;
	s13 =	simm.s32 $0xA0;
	s6 =	sand.u32 $0x1, s0  }
0x5: {  	s14 =	simm.s32 $0x1;
	s0 =	stileid.u32;
	s7 =	smul.u32 $0x27100, s6  }
0x6: {  	s17 =	simm.s32 $0x0;
	[smem:$0x7FF] =	sst s3;
	s8 =	smul.u32 $0x2710, s0  }
0x7: {  	s4 =	sadd.s32 $0xBE000, s5;
	s9 =	smul.u32 $0x7680, s0;
	p0 =	seq.s32 s0, $0xF  }
0x8: {  	s10 =	smul.u32 $0x75300, s6;
	s6 =	ssub.s32 $0x2, s6;
	s15 =	sshll.u32 s0, $0x6  }
0x9: {  	_ =	strace $0x80000068;
	s30 =	sshrl.u32 s6, $0x1;
	s15 =	sor.u32 $0x1C02, s15  }
0xa: {  	s9 =	simm.s32 @p0 $0x6DC80;
	s7 =	sadd.s32 s8, s7;
	s31 =	ssub.s32 s6, s30  }
0xb: {  	s26 =	sadd.s32 s10, s9;
	s7 =	sshrl.u32 s7, $0x3;
	s10 =	simm.s32 $0xFA0  }
0xc: {  	s8 =	sshrl.u32 s26, $0x3;
	s28 =	sadd.s32 s7, s5;
	s7 =	smax.u32 s31, $0x1  }
0xd: {  	s29 =	sadd.s32 s8, s5;
	s5 =	sadd.s32 s9, s2;
	s8 =	sadd.s32 $0xDC00, s28  }
0xe: {  	v0 =	vimm.f32 $0.0e+00;
	s9 =	sadd.s32 $0x17A00, s28;
	s6 =	sadd.s32 $0xCCC00, s29;
	s16 =	sshrl.u32 s5, $0x3  }
.LBB2_1:
0xf: {  	s18 =	simm.s32 $0xC0;
	s19 =	simm.s32 $0x0  }
.LBB2_2:
0x10: {  	p0 =	sne.s32 s18, $0x1D940;
	[tilespmem:s19+$0xFC0] =	vst v0;
	s20 =	smov.u32 s18;
	s18 =	sadd.s32 $0xC0, s18  }
.Ltmp0:
0x11: {  	[tilespmem:s19+$0xFA0] =	vst v0;
	(pc) =	sbr.rel @p0 .LBB2_2-.Ltmp0, $2  }
0x12: {  	[tilespmem:s19+$0xFB0] =	vst v0;
	_ =	sdelay $0x2  }
0x13: {  	s19 =	sshra.s32 s20, $0x2  }
0x14: {  	[tilespmem:s19+$0xFC0] =	vst v0  }
0x15: {  	[tilespmem:s19+$0xFA0] =	vst v0  }
0x16: {  	[tilespmem:s19+$0xFB0] =	vst v0  }
0x17: {  	[spmem:s5] =	stream.linear.scatter [tilespmem:s10], [sflag:$0x2], $0x7680, $0x38;
	[tilespmem:$0xFB50] =	vst v63  }
0x18: {  	_ =	swait.ge [sflag:s11], $0x7680  }
0x19: {  	[sflag:s11] =	ssyncset.done $0x0  }
0x1a: {  	[sflag:s11] =	ssyncadd.s32 $0xFFFF8980  }
0x1b: {  	s18 =	sadd.s32 $0x0, s9;
	[bflag:$0x0] =	sbarrier.arrive $0xFFFF  }
0x1c: {  	[tilespmem:s3], [sflag:$0x2] =	stream.linear.gather [hbm4b:s18+s3], $0x50, $0x38;
	[tilespmem:$0xFB50] =	vst v63  }
0x1d: {  	_ =	swait.ge [sflag:s11], $0x50  }
0x1e: {  	[sflag:s11] =	ssyncset.done $0x0  }
0x1f: {  	[sflag:s11] =	ssyncadd.s32 $0xFFFFFFB0  }
0x20: {  	[tilespmem:s13], [sflag:$0x1] =	stream.indirect.gather [hbm4b:s4+s12], $0x30, s3, s12, $0xb8;
	[tilespmem:$0xFB50] =	vst v63  }
0x21: {  	_ =	swait.ge [sflag:s14], $0xF00  }
0x22: {  	[sflag:s14] =	ssyncset.done $0x0  }
0x23: {  	s31 =	sadd.s32 $0x0, s8;
	[sflag:s14] =	ssyncadd.s32 $0xFFFFF100  }
0x24: {  	[tilespmem:s12], [sflag:$0x2] =	stream.linear.gather [hbm4b:s31+s3], $0x50, $0x38;
	[tilespmem:$0xFB50] =	vst v63  }
0x25: {  	_ =	swait.ge [sflag:s11], $0x50  }
0x26: {  	[sflag:s11] =	ssyncset.done $0x0  }
0x27: {  	[sflag:s11] =	ssyncadd.s32 $0xFFFFFFB0  }
0x28: {  	[spmem:s2] =	stream.indirect.scatter.add.f32 [tilespmem:s13], [sflag:$0x2], $0x30, s12, s12, $0xb8;
	[tilespmem:$0xFB50] =	vst v63  }
0x29: {  	_ =	swait.ge [sflag:s11], $0xF00  }
0x2a: {  	s19 =	simm.s32 $0x14;
	s18 =	simm.s32 $0xA;
	[sflag:s11] =	ssyncset.done $0x0  }
.LBB2_4:
0x2b: {  	s20 =	sadd.s32 s18, s9  }
0x2c: {  	[sflag:s11] =	ssyncadd.s32 $0xFFFFF100;
	s21 =	smov.u32 s19;
	s22 =	sadd.s32 $0xA, s19  }
0x2d: {  	[tilespmem:s3], [sflag:$0x2] =	stream.linear.gather [hbm4b:s20+s3], $0x50, $0x38;
	[tilespmem:$0xFB50] =	vst v63  }
0x2e: {  	p0 =	sne.s32 s19, $0x4D8;
	_ =	swait.ge [sflag:s11], $0x50  }
0x2f: {  	[sflag:s11] =	ssyncset.done $0x0  }
0x30: {  	[sflag:s11] =	ssyncadd.s32 $0xFFFFFFB0  }
0x31: {  	[tilespmem:s13], [sflag:$0x1] =	stream.indirect.gather [hbm4b:s4+s12], $0x30, s3, s12, $0xb8;
	[tilespmem:$0xFB50] =	vst v63  }
0x32: {  	_ =	swait.ge [sflag:s14], $0xF00  }
0x33: {  	[sflag:s14] =	ssyncset.done $0x0  }
0x34: {  	s19 =	sadd.s32 s18, s8;
	s18 =	smov.u32 s21;
	[sflag:s14] =	ssyncadd.s32 $0xFFFFF100  }
0x35: {  	[tilespmem:s12], [sflag:$0x2] =	stream.linear.gather [hbm4b:s19+s3], $0x50, $0x38;
	[tilespmem:$0xFB50] =	vst v63  }
0x36: {  	_ =	swait.ge [sflag:s11], $0x50  }
.Ltmp1:
0x37: {  	[sflag:s11] =	ssyncset.done $0x0;
	(pc) =	sbr.rel @p0 .LBB2_4-.Ltmp1, $4  }
0x38: {  	[sflag:s11] =	ssyncadd.s32 $0xFFFFFFB0  }
0x39: {  	[spmem:s2] =	stream.indirect.scatter.add.f32 [tilespmem:s13], [sflag:$0x2], $0x30, s12, s12, $0xb8;
	[tilespmem:$0xFB50] =	vst v63  }
0x3a: {  	_ =	swait.ge [sflag:s11], $0xF00  }
0x3b: {  	s19 =	smov.u32 s22;
	[sflag:s11] =	ssyncset.done $0x0  }
0x3c: {  	s19 =	sadd.s32 s18, s9;
	[sflag:s11] =	ssyncadd.s32 $0xFFFFF100  }
0x3d: {  	[tilespmem:s3], [sflag:$0x2] =	stream.linear.gather [hbm4b:s19+s3], $0x50, $0x38;
	[tilespmem:$0xFB50] =	vst v63  }
0x3e: {  	_ =	swait.ge [sflag:s11], $0x50  }
0x3f: {  	[sflag:s11] =	ssyncset.done $0x0  }
0x40: {  	[sflag:s11] =	ssyncadd.s32 $0xFFFFFFB0  }
0x41: {  	[tilespmem:s13], [sflag:$0x1] =	stream.indirect.gather [hbm4b:s4+s12], $0x30, s3, s12, $0xb8;
	[tilespmem:$0xFB50] =	vst v63  }
0x42: {  	_ =	swait.ge [sflag:s14], $0xF00  }
0x43: {  	[sflag:s14] =	ssyncset.done $0x0  }
0x44: {  	s31 =	sadd.s32 s18, s8;
	[sflag:s14] =	ssyncadd.s32 $0xFFFFF100  }
0x45: {  	[tilespmem:s12], [sflag:$0x2] =	stream.linear.gather [hbm4b:s31+s3], $0x50, $0x38;
	[tilespmem:$0xFB50] =	vst v63  }
0x46: {  	_ =	swait.ge [sflag:s11], $0x50  }
0x47: {  	[sflag:s11] =	ssyncset.done $0x0  }
0x48: {  	[sflag:s11] =	ssyncadd.s32 $0xFFFFFFB0  }
0x49: {  	[spmem:s2] =	stream.indirect.scatter.add.f32 [tilespmem:s13], [sflag:$0x2], $0x30, s12, s12, $0xb8;
	[tilespmem:$0xFB50] =	vst v63  }
0x4a: {  	_ =	swait.ge [sflag:s11], $0xF00  }
0x4b: {  	s17 =	sadd.s32 $0x1, s17;
	[sflag:s11] =	ssyncset.done $0x0  }
0x4c: {  	p0 =	sne.s32 s17, s7;
	[sflag:s11] =	ssyncadd.s32 $0xFFFFF100  }
.Ltmp2:
0x4d: {  	[bflag:$0x0] =	sbarrier.arrive $0xFFFF;
	(pc) =	sbr.rel @p0 .LBB2_1-.Ltmp2, $4  }
0x4e: {  	[hbm:s6], [sflag:s15] =	dma.local [spmem:s16], $0xED0  }
0x4f: {  	_ =	swait.ge [sflag:s11], $0xED0  }
0x50: {  	[sflag:s11] =	ssyncset.done $0x0  }
0x51: {  	[sflag:s11] =	ssyncadd.s32 $0xFFFFF130  }
0x52: {  	_ =	sfence.sel $0x180000  }
0x53: {  	[bflag:$0x0] =	sbarrier.arrive $0xFFFF  }
0x54: {  	p0 =	sne.s32 s0, $0x0;
	_ =	strace $0x90000068  }
0x55: {  	s0 =	sadd.s32 @!p0 $0x100000, s1;
	[bflag:$0x2] =	sbarrier.arrive $0xFFFF  }
0x56: {  	[sflag:s0] =	ssyncadd.tile.s32 @!p0 $0x1;
	_ =	shalt  }
.Lfunc_end2:
_tile_overlayer_lowered:
.L_overlay_start_2:
0x57: {  	(tag) =	ssettag $0x2  }
0x58: {  	s0 =	rddreg [dreg:$0x0];
	s2 =	stileid.u32  }
0x59: {  	s1 =	rddreg [dreg:$0x1];
	p0 =	sne.s32 s2, $0x0  }
0x5a: {  	s3 =	rddreg [dreg:$0x2];
	[bflag:$0x3] =	sbarrier.arrive $0xFFFF;
	s2 =	simm.s32 @!p0 $0x1C02  }
0x5b: {  	[timem:s3], [sflag:s2] =	dma.local @!p0 [hbm:s0], s1  }
0x5c: {  	s0 =	simm.s32 @!p0 $0x2  }
0x5d: {  	_ =	swait.ge @!p0 [sflag:s0], s1  }
0x5e: {  	s1 =	ssub.s32 @!p0 $0x0, s1;
	[sflag:s0] =	ssyncset.done @!p0 $0x0  }
0x5f: {  	[sflag:s0] =	ssyncadd.s32 @!p0 s1  }
0x60: {  	[bflag:$0x3] =	sbarrier.arrive $0xFFFF  }
0x61: {  	_ =	shalt  }

// kernel: kernel.70.cloned.1.call-start
scs
__scs_entry_jumppad:
0x0: {  	(pc) =	sbr.rel $0x88, $3  }
0x1: {  	(tag) =	ssettag $0x0;
	lr =	simm.s32 $0x1  }
0x2: {  	[smem:$0x3F95] =	sst lr;
	_ =	strace $0xD0000000  }
0x3: {  	_ = 	snop  }
0x4: {  	_ = 	snop  }
0x5: {  	_ = 	snop  }
0x6: {  	_ = 	snop  }
0x7: {  	_ = 	snop  }
__scs_overlays_trampoline_lowered:
0x8: {  	[smem:$0x3FA4] =	sst s0  }
0x9: {  	[smem:$0x3FA5] =	sst s1  }
0xa: {  	[smem:$0x3FA6] =	sst s2  }
0xb: {  	[smem:$0x3FA7] =	sst s3  }
0xc: {  	[smem:$0x3FA8] =	sst s4  }
0xd: {  	[smem:$0x3FA9] =	sst s5  }
0xe: {  	[smem:$0x3FAA] =	sst s6  }
0xf: {  	[smem:$0x3FAB] =	sst s7  }
0x10: {  	[smem:$0x3FAC] =	sst s8  }
0x11: {  	[smem:$0x3FAD] =	sst s9;
	s0 =	simm.s32 @!p0 $0x0  }
0x12: {  	s1 =	sld [smem:$0x3F93];
	s0 =	simm.s32 @p0 $0x1  }
0x13: {  	[smem:$0x3FAE] =	sst s0;
	s0 =	simm.s32 @!p1 $0x0  }
0x14: {  	s2 =	sld [smem:$0x3F92];
	s0 =	simm.s32 @p1 $0x1  }
0x15: {  	[smem:$0x3FAF] =	sst s0;
	s0 =	simm.s32 @!p2 $0x0  }
0x16: {  	s3 =	sld [smem:$0x3FDB];
	s0 =	simm.s32 @p2 $0x1  }
0x17: {  	s4 =	simm.s32 $0x1BF5;
	[smem:$0x3FB1] =	sst s0  }
0x18: {  	s0 =	sld [smem:$0x3F94];
	_ =	swait.ge [sflag:s4], $0x0  }
0x19: {  	s7 =	sld [smem:$0x3F95]  }
0x1a: {  	s8 =	sadd.s32 $0xFFFFE003, lr  }
0x1b: {  	s9 =	sadd.s32 $0xFFFFFEF7, lr;
	s5 =	simm.s32 $0xFFFFFFFF;
	p2 =	slt.u32 s8, $0xFFFFF086  }
0x1c: {  	p1 =	slt.u32 s9, $0xF7A;
	s5 =	simm.s32 @!p2 $0x0  }
0x1d: {  	s5 =	simm.s32 @p1 $0x1;
	p0 =	seq.s32 s7, s2  }
0x1e: {  	s7 =	smul.u32 @!p0 $0xF7A, s2;
	p2 =	seq.s32 @!p0 s5, $0x0  }
0x1f: {  	s9 =	smul.u32 $0xF7A, s1;
	s8 =	simm.s32 @!p0 $0x1BF5;
	p2 =	por !p2, p0  }
0x20: {  	[sflag:s8] =	ssyncset.s32 @!p0 $0xFFFFF086;
	s6 =	sadd.s32 @!p0 s3, s7;
	s7 =	simm.s32 @!p0 $0x108  }
0x21: {  	s3 =	sadd.s32 s3, s9;
	s6 =	sadd.s32 @!p0 $0x88, s6;
	s7 =	simm.s32 @p2 $0x1082  }
0x22: {  	[simem:s7], [sflag:s8] =	dma.local @!p0 [hbm:s6], $0xF7A  }
0x23: {  	s9 =	sor.u32 $0xD0000000, s2;
	s6 =	simm.s32 $0x108;
	_ =	swait.ge @!p0 [sflag:s8], $0x0  }
0x24: {  	s3 =	sadd.s32 $0x88, s3;
	s6 =	simm.s32 @!p1 $0x1082;
	[sflag:s4] =	ssyncset.s32 $0xFFFFF086  }
0x25: {  	[simem:s6], [sflag:s4] =	dma.local [hbm:s3], $0xF7A  }
0x26: {  	[smem:$0x3F95] =	sst s1;
	(tag) =	ssettag s2;
	_ =	strace s9  }
0x27: {  	s1 =	sld [smem:$0x3FA5]  }
0x28: {  	s2 =	sld [smem:$0x3FA6]  }
0x29: {  	s4 =	sld [smem:$0x3FA8]  }
0x2a: {  	p0 =	seq.s32 s5, $0x0;
	s5 =	sld [smem:$0x3FA9]  }
0x2b: {  	s6 =	sld [smem:$0x3FAA]  }
0x2c: {  	s7 =	sld [smem:$0x3FAB]  }
0x2d: {  	s3 =	simm.s32 $0x108;
	s8 =	sld [smem:$0x3FAC]  }
0x2e: {  	s3 =	simm.s32 @!p0 $0x1082;
	s9 =	sld [smem:$0x3FAD]  }
0x2f: {  	lr =	sadd.s32 s0, s3;
	s0 =	sld [smem:$0x3FA4]  }
0x30: {  	s3 =	sld [smem:$0x3FA7]  }
0x31: {  	[smem:$0x3FB0] =	sst s10  }
0x32: {  	s10 =	sld [smem:$0x3FAE];
	_ =	sdelay $0x3  }
0x33: {  	p0 =	seq.s32 s10, $0x1;
	s10 =	sld [smem:$0x3FB0];
	_ =	sdelay $0x3  }
0x34: {  	[smem:$0x3FB0] =	sst s10  }
0x35: {  	s10 =	sld [smem:$0x3FAF];
	_ =	sdelay $0x3  }
0x36: {  	p1 =	seq.s32 s10, $0x1;
	s10 =	sld [smem:$0x3FB0];
	_ =	sdelay $0x3  }
0x37: {  	[smem:$0x3FB0] =	sst s10  }
0x38: {  	s10 =	sld [smem:$0x3FB1]  }
0x39: {  	_ = 	snop;
	(pc) =	sbr.ind lr, $3  }
0x3a: {  	_ = 	snop  }
0x3b: {  	_ = 	snop  }
0x3c: {  	p2 =	seq.s32 s10, $0x1;
	s10 =	sld [smem:$0x3FB0]  }
0x3d: {  	_ =	shalt  }
0x3e: {  	_ =	shalt  }
0x3f: {  	_ =	shalt  }
0x40: {  	_ =	shalt  }
0x41: {  	_ =	shalt  }
0x42: {  	_ =	shalt  }
0x43: {  	_ =	shalt  }
0x44: {  	_ =	shalt  }
0x45: {  	_ =	shalt  }
0x46: {  	_ =	shalt  }
0x47: {  	_ =	shalt  }
0x48: {  	_ =	shalt  }
0x49: {  	_ =	shalt  }
0x4a: {  	_ =	shalt  }
0x4b: {  	_ =	shalt  }
0x4c: {  	_ =	shalt  }
0x4d: {  	_ =	shalt  }
0x4e: {  	_ =	shalt  }
0x4f: {  	_ =	shalt  }
0x50: {  	_ =	shalt  }
0x51: {  	_ =	shalt  }
0x52: {  	_ =	shalt  }
0x53: {  	_ =	shalt  }
0x54: {  	_ =	shalt  }
0x55: {  	_ =	shalt  }
0x56: {  	_ =	shalt  }
0x57: {  	_ =	shalt  }
0x58: {  	_ =	shalt  }
0x59: {  	_ =	shalt  }
0x5a: {  	_ =	shalt  }
0x5b: {  	_ =	shalt  }
0x5c: {  	_ =	shalt  }
0x5d: {  	_ =	shalt  }
0x5e: {  	_ =	shalt  }
0x5f: {  	_ =	shalt  }
0x60: {  	_ =	shalt  }
0x61: {  	_ =	shalt  }
0x62: {  	_ =	shalt  }
0x63: {  	_ =	shalt  }
0x64: {  	_ =	shalt  }
0x65: {  	_ =	shalt  }
0x66: {  	_ =	shalt  }
0x67: {  	_ =	shalt  }
0x68: {  	_ =	shalt  }
0x69: {  	_ =	shalt  }
0x6a: {  	_ =	shalt  }
0x6b: {  	_ =	shalt  }
0x6c: {  	_ =	shalt  }
0x6d: {  	_ =	shalt  }
0x6e: {  	_ =	shalt  }
0x6f: {  	_ =	shalt  }
0x70: {  	_ =	shalt  }
0x71: {  	_ =	shalt  }
0x72: {  	_ =	shalt  }
0x73: {  	_ =	shalt  }
0x74: {  	_ =	shalt  }
0x75: {  	_ =	shalt  }
0x76: {  	_ =	shalt  }
0x77: {  	_ =	shalt  }
0x78: {  	_ =	shalt  }
0x79: {  	_ =	shalt  }
0x7a: {  	_ =	shalt  }
0x7b: {  	_ =	shalt  }
0x7c: {  	_ =	shalt  }
0x7d: {  	_ =	shalt  }
0x7e: {  	_ =	shalt  }
0x7f: {  	_ =	shalt  }
0x80: {  	_ =	shalt  }
0x81: {  	_ =	shalt  }
0x82: {  	_ =	shalt  }
0x83: {  	_ =	shalt  }
0x84: {  	_ =	shalt  }
0x85: {  	_ =	shalt  }
0x86: {  	_ =	shalt  }
0x87: {  	_ =	shalt  }
.Lfunc_end0:
.L_simem_size_0:
called_computation.12_lowered:
.L_overlay_start_0:
0x88: {  	s2 =	sld [smem:$0x3FD9]  }
0x89: {  	s3 =	sld [smem:$0x3FFE];
	_ =	sdelay $0x1  }
0x8a: {  	s1 =	srdreg.scid  }
0x8b: {  	s0 =	sand.u32 $0x1, s1  }
0x8c: {  	s16 =	sshll.u32 s0, $0xA;
	s2 =	sadd.s32 s3, s2  }
0x8d: {  	s2 =	sadd.s32 s2, s16  }
0x8e: {  	[smem:$0x3FBC] =	sst s2  }
0x8f: {  	_ = 	snop  }
0x90: {  	(tm) =	ssettm $0x1  }
0x91: {  	s17 =	sld [smem:$0x3FFB];
	_ =	sdelay $0x3  }
0x92: {  	_ =	strace s17  }
0x93: {  	s2 =	sld [smem:$0x3FFC];
	_ =	sdelay $0x3  }
0x94: {  	_ =	strace s2  }
0x95: {  	s2 =	sld [smem:$0x3FFD];
	_ =	sdelay $0x3  }
0x96: {  	_ =	strace s2  }
0x97: {  	_ =	strace $0x8FFFFFFF  }
0x98: {  	s18 =	sld [smem:$0x3FDB];
	_ =	sdelay $0x1  }
0x99: {  	s19 =	simm.s32 $_scs_section_size  }
0x9a: {  	s4 =	simm.s32 $_size__tile_overlayer_lowered;
	s5 =	simm.s32 $_tile_overlayer_lowered  }
0x9b: {  	s22 =	simm.s32 $0x1BFF;
	s21 =	sshll.u32 s5, $0x1;
	s2 =	sadd.s32 s19, s18  }
0x9c: {  	s6 =	simm.s32 $0x0;
	s20 =	sshll.u32 s4, $0x1;
	s4 =	sadd.s32 s21, s2  }
0x9d: {  	[timem:s6], [sflag:s22] =	dma.local [hbm:s4], s20  }
0x9e: {  	_ =	swait.ge [sflag:s22], s20  }
0x9f: {  	s3 =	ssub.s32 $0x0, s20;
	[sflag:s22] =	ssyncset.done $0x0  }
0xa0: {  	[sflag:s22] =	ssyncadd.s32 s3;
	_ =	sdelay $0x1  }
0xa1: {  	s23 =	simm.s32 $0x1B8B  }
0xa2: {  	_ =	swait.ge [sflag:s23], $0x1  }
0xa3: {  	[sflag:s23] =	ssyncset.done $0x0  }
0xa4: {  	s25 =	simm.s32 $0x1B8E;
	s24 =	sld [smem:$0x3FFE];
	[sflag:s23] =	ssyncadd.s32 $0xFFFFFFFF  }
0xa5: {  	s26 =	simm.s32 $execute0_lowered;
	[smem:$0x3FD2] =	sst s25  }
0xa6: {  	s4 =	sshll.u32 s26, $0x1;
	_ =	strace $0x8000006A;
	[dreg:$0x1] =	wrdreg $0xFFFFFFFF  }
0xa7: {  	s28 =	simm.s32 $_size_execute0_lowered;
	s2 =	sadd.s32 s2, s4;
	[dreg:$0x0] =	wrdreg $0x0  }
0xa8: {  	s4 =	sshll.u32 s28, $0x1;
	[dreg:$0x2] =	wrdreg s2  }
0xa9: {  	[dreg:$0x3] =	wrdreg s4  }
0xaa: {  	[dreg:$0x4] =	wrdreg $0xC0  }
0xab: {  	_ =	task [dreg:s6], $0x5FFFF  }
0xac: {  	[dreg:$0x1] =	wrdreg $0xFFFFFFFF  }
0xad: {  	[dreg:$0x0] =	wrdreg $0x60  }
0xae: {  	[dreg:$0x2] =	wrdreg s24  }
0xaf: {  	[dreg:$0x3] =	wrdreg $0x86200  }
0xb0: {  	[dreg:$0x4] =	wrdreg $0x9  }
0xb1: {  	_ =	task.clear_ibuf [dreg:s6], $0x5FFFF;
	_ =	strace $0x9000006A  }
0xb2: {  	s29 =	simm.s32 $0x9;
	_ =	strace $0x8000006C  }
0xb3: {  	_ =	swait.ge [sflag:s29], $0x1  }
0xb4: {  	[sflag:s29] =	ssyncadd.s32 $0xFFFFFFFF  }
0xb5: {  	_ =	strace $0x9000006C  }
0xb6: {  	_ =	sfence  }
0xb7: {  	s30 =	sld [smem:$0x0];
	_ =	sdelay $0x2  }
0xb8: {  	s31 =	sshll.u32 s1, $0xD;
	s1 =	sshrl.u32 s1, $0x2  }
0xb9: {  	s3 =	sand.u32 $0x4000, s31;
	s1 =	sadd.s32 s1, s30  }
0xba: {  	s0 =	sor.u32 s3, s0;
	s1 =	sshll.u32 s1, $0x11  }
0xbb: {  	s0 =	sor.u32 s1, s0  }
0xbc: {  	s0 =	sadd.s32 $0x8F2B, s0  }
0xbd: {  	[sflag:s0] =	ssyncadd.remote.s32 $0x1  }
0xbe: {  	_ =	sfence.sel $0xFFFF  }
0xbf: {  	[dreg:$0x0] =	wrdreg $0xFFFFFFFF;
	(pc) =	sbr.abs _section_cstart, $3  }
0xc0: {  	[dreg:$0x1] =	wrdreg $0xFFFFFFFF  }
0xc1: {  	_ =	task.clear_ibuf [dreg:s6], $0x2FFFF;
	_ =	strace $0x9FFFFFFF  }
0xc2: {  	(tm) =	ssettm $0x7FFFFFFF  }
0xc3: {  	_ =	shalt  }
tec
execute0_lowered:
.L_overlay_start_1:
0x0: {  	(tag) =	ssettag $0x1  }
0x1: {  	s5 =	rddreg [dreg:$0x0]  }
0x2: {  	s0 =	srdreg.scid;
	s2 =	rddreg [dreg:$0x1]  }
0x3: {  	s1 =	rddreg [dreg:$0x2];
	s3 =	simm.s32 $0x0;
	s11 =	simm.s32 $0x2  }
0x4: {  	s12 =	simm.s32 $0x50;
	s13 =	simm.s32 $0xA0;
	s6 =	sand.u32 $0x1, s0  }
0x5: {  	s14 =	simm.s32 $0x1;
	s0 =	stileid.u32;
	s7 =	smul.u32 $0x27100, s6  }
0x6: {  	s17 =	simm.s32 $0x0;
	[smem:$0x7FF] =	sst s3;
	s8 =	smul.u32 $0x2710, s0  }
0x7: {  	s4 =	sadd.s32 $0xBE000, s5;
	s9 =	smul.u32 $0x7680, s0;
	p0 =	seq.s32 s0, $0xF  }
0x8: {  	s10 =	smul.u32 $0x75300, s6;
	s6 =	ssub.s32 $0x2, s6;
	s15 =	sshll.u32 s0, $0x6  }
0x9: {  	_ =	strace $0x8000006B;
	s30 =	sshrl.u32 s6, $0x1;
	s15 =	sor.u32 $0x1C02, s15  }
0xa: {  	s9 =	simm.s32 @p0 $0x6DC80;
	s7 =	sadd.s32 s8, s7;
	s31 =	ssub.s32 s6, s30  }
0xb: {  	s26 =	sadd.s32 s10, s9;
	s7 =	sshrl.u32 s7, $0x3;
	s10 =	simm.s32 $0xFA0  }
0xc: {  	s8 =	sshrl.u32 s26, $0x3;
	s28 =	sadd.s32 s7, s5;
	s7 =	smax.u32 s31, $0x1  }
0xd: {  	s29 =	sadd.s32 s8, s5;
	s5 =	sadd.s32 s9, s2;
	s8 =	sadd.s32 $0xDC00, s28  }
0xe: {  	v0 =	vimm.f32 $0.0e+00;
	s9 =	sadd.s32 $0x17A00, s28;
	s6 =	sadd.s32 $0xCCC00, s29;
	s16 =	sshrl.u32 s5, $0x3  }
.LBB2_1:
0xf: {  	s18 =	simm.s32 $0xC0;
	s19 =	simm.s32 $0x0  }
.LBB2_2:
0x10: {  	p0 =	sne.s32 s18, $0x1D940;
	[tilespmem:s19+$0xFC0] =	vst v0;
	s20 =	smov.u32 s18;
	s18 =	sadd.s32 $0xC0, s18  }
.Ltmp0:
0x11: {  	[tilespmem:s19+$0xFA0] =	vst v0;
	(pc) =	sbr.rel @p0 .LBB2_2-.Ltmp0, $2  }
0x12: {  	[tilespmem:s19+$0xFB0] =	vst v0;
	_ =	sdelay $0x2  }
0x13: {  	s19 =	sshra.s32 s20, $0x2  }
0x14: {  	[tilespmem:s19+$0xFC0] =	vst v0  }
0x15: {  	[tilespmem:s19+$0xFA0] =	vst v0  }
0x16: {  	[tilespmem:s19+$0xFB0] =	vst v0  }
0x17: {  	[spmem:s5] =	stream.linear.scatter [tilespmem:s10], [sflag:$0x2], $0x7680, $0x38;
	[tilespmem:$0xFB50] =	vst v63  }
0x18: {  	_ =	swait.ge [sflag:s11], $0x7680  }
0x19: {  	[sflag:s11] =	ssyncset.done $0x0  }
0x1a: {  	[sflag:s11] =	ssyncadd.s32 $0xFFFF8980  }
0x1b: {  	s18 =	sadd.s32 $0x0, s9;
	[bflag:$0x0] =	sbarrier.arrive $0xFFFF  }
0x1c: {  	[tilespmem:s3], [sflag:$0x2] =	stream.linear.gather [hbm4b:s18+s3], $0x50, $0x38;
	[tilespmem:$0xFB50] =	vst v63  }
0x1d: {  	_ =	swait.ge [sflag:s11], $0x50  }
0x1e: {  	[sflag:s11] =	ssyncset.done $0x0  }
0x1f: {  	[sflag:s11] =	ssyncadd.s32 $0xFFFFFFB0  }
0x20: {  	[tilespmem:s13], [sflag:$0x1] =	stream.indirect.gather [hbm4b:s4+s12], $0x30, s3, s12, $0xb8;
	[tilespmem:$0xFB50] =	vst v63  }
0x21: {  	_ =	swait.ge [sflag:s14], $0xF00  }
0x22: {  	[sflag:s14] =	ssyncset.done $0x0  }
0x23: {  	s31 =	sadd.s32 $0x0, s8;
	[sflag:s14] =	ssyncadd.s32 $0xFFFFF100  }
0x24: {  	[tilespmem:s12], [sflag:$0x2] =	stream.linear.gather [hbm4b:s31+s3], $0x50, $0x38;
	[tilespmem:$0xFB50] =	vst v63  }
0x25: {  	_ =	swait.ge [sflag:s11], $0x50  }
0x26: {  	[sflag:s11] =	ssyncset.done $0x0  }
0x27: {  	[sflag:s11] =	ssyncadd.s32 $0xFFFFFFB0  }
0x28: {  	[spmem:s2] =	stream.indirect.scatter.add.f32 [tilespmem:s13], [sflag:$0x2], $0x30, s12, s12, $0xb8;
	[tilespmem:$0xFB50] =	vst v63  }
0x29: {  	_ =	swait.ge [sflag:s11], $0xF00  }
0x2a: {  	s19 =	simm.s32 $0x14;
	s18 =	simm.s32 $0xA;
	[sflag:s11] =	ssyncset.done $0x0  }
.LBB2_4:
0x2b: {  	s20 =	sadd.s32 s18, s9  }
0x2c: {  	[sflag:s11] =	ssyncadd.s32 $0xFFFFF100;
	s21 =	smov.u32 s19;
	s22 =	sadd.s32 $0xA, s19  }
0x2d: {  	[tilespmem:s3], [sflag:$0x2] =	stream.linear.gather [hbm4b:s20+s3], $0x50, $0x38;
	[tilespmem:$0xFB50] =	vst v63  }
0x2e: {  	p0 =	sne.s32 s19, $0x4D8;
	_ =	swait.ge [sflag:s11], $0x50  }
0x2f: {  	[sflag:s11] =	ssyncset.done $0x0  }
0x30: {  	[sflag:s11] =	ssyncadd.s32 $0xFFFFFFB0  }
0x31: {  	[tilespmem:s13], [sflag:$0x1] =	stream.indirect.gather [hbm4b:s4+s12], $0x30, s3, s12, $0xb8;
	[tilespmem:$0xFB50] =	vst v63  }
0x32: {  	_ =	swait.ge [sflag:s14], $0xF00  }
0x33: {  	[sflag:s14] =	ssyncset.done $0x0  }
0x34: {  	s19 =	sadd.s32 s18, s8;
	s18 =	smov.u32 s21;
	[sflag:s14] =	ssyncadd.s32 $0xFFFFF100  }
0x35: {  	[tilespmem:s12], [sflag:$0x2] =	stream.linear.gather [hbm4b:s19+s3], $0x50, $0x38;
	[tilespmem:$0xFB50] =	vst v63  }
0x36: {  	_ =	swait.ge [sflag:s11], $0x50  }
.Ltmp1:
0x37: {  	[sflag:s11] =	ssyncset.done $0x0;
	(pc) =	sbr.rel @p0 .LBB2_4-.Ltmp1, $4  }
0x38: {  	[sflag:s11] =	ssyncadd.s32 $0xFFFFFFB0  }
0x39: {  	[spmem:s2] =	stream.indirect.scatter.add.f32 [tilespmem:s13], [sflag:$0x2], $0x30, s12, s12, $0xb8;
	[tilespmem:$0xFB50] =	vst v63  }
0x3a: {  	_ =	swait.ge [sflag:s11], $0xF00  }
0x3b: {  	s19 =	smov.u32 s22;
	[sflag:s11] =	ssyncset.done $0x0  }
0x3c: {  	s19 =	sadd.s32 s18, s9;
	[sflag:s11] =	ssyncadd.s32 $0xFFFFF100  }
0x3d: {  	[tilespmem:s3], [sflag:$0x2] =	stream.linear.gather [hbm4b:s19+s3], $0x50, $0x38;
	[tilespmem:$0xFB50] =	vst v63  }
0x3e: {  	_ =	swait.ge [sflag:s11], $0x50  }
0x3f: {  	[sflag:s11] =	ssyncset.done $0x0  }
0x40: {  	[sflag:s11] =	ssyncadd.s32 $0xFFFFFFB0  }
0x41: {  	[tilespmem:s13], [sflag:$0x1] =	stream.indirect.gather [hbm4b:s4+s12], $0x30, s3, s12, $0xb8;
	[tilespmem:$0xFB50] =	vst v63  }
0x42: {  	_ =	swait.ge [sflag:s14], $0xF00  }
0x43: {  	[sflag:s14] =	ssyncset.done $0x0  }
0x44: {  	s31 =	sadd.s32 s18, s8;
	[sflag:s14] =	ssyncadd.s32 $0xFFFFF100  }
0x45: {  	[tilespmem:s12], [sflag:$0x2] =	stream.linear.gather [hbm4b:s31+s3], $0x50, $0x38;
	[tilespmem:$0xFB50] =	vst v63  }
0x46: {  	_ =	swait.ge [sflag:s11], $0x50  }
0x47: {  	[sflag:s11] =	ssyncset.done $0x0  }
0x48: {  	[sflag:s11] =	ssyncadd.s32 $0xFFFFFFB0  }
0x49: {  	[spmem:s2] =	stream.indirect.scatter.add.f32 [tilespmem:s13], [sflag:$0x2], $0x30, s12, s12, $0xb8;
	[tilespmem:$0xFB50] =	vst v63  }
0x4a: {  	_ =	swait.ge [sflag:s11], $0xF00  }
0x4b: {  	s17 =	sadd.s32 $0x1, s17;
	[sflag:s11] =	ssyncset.done $0x0  }
0x4c: {  	p0 =	sne.s32 s17, s7;
	[sflag:s11] =	ssyncadd.s32 $0xFFFFF100  }
.Ltmp2:
0x4d: {  	[bflag:$0x0] =	sbarrier.arrive $0xFFFF;
	(pc) =	sbr.rel @p0 .LBB2_1-.Ltmp2, $4  }
0x4e: {  	[hbm:s6], [sflag:s15] =	dma.local [spmem:s16], $0xED0  }
0x4f: {  	_ =	swait.ge [sflag:s11], $0xED0  }
0x50: {  	[sflag:s11] =	ssyncset.done $0x0  }
0x51: {  	[sflag:s11] =	ssyncadd.s32 $0xFFFFF130  }
0x52: {  	_ =	sfence.sel $0x180000  }
0x53: {  	[bflag:$0x0] =	sbarrier.arrive $0xFFFF  }
0x54: {  	p0 =	sne.s32 s0, $0x0;
	_ =	strace $0x9000006B  }
0x55: {  	s0 =	sadd.s32 @!p0 $0x100000, s1;
	[bflag:$0x2] =	sbarrier.arrive $0xFFFF  }
0x56: {  	[sflag:s0] =	ssyncadd.tile.s32 @!p0 $0x1;
	_ =	shalt  }
.Lfunc_end2:
_tile_overlayer_lowered:
.L_overlay_start_2:
0x57: {  	(tag) =	ssettag $0x2  }
0x58: {  	s0 =	rddreg [dreg:$0x0];
	s2 =	stileid.u32  }
0x59: {  	s1 =	rddreg [dreg:$0x1];
	p0 =	sne.s32 s2, $0x0  }
0x5a: {  	s3 =	rddreg [dreg:$0x2];
	[bflag:$0x3] =	sbarrier.arrive $0xFFFF;
	s2 =	simm.s32 @!p0 $0x1C02  }
0x5b: {  	[timem:s3], [sflag:s2] =	dma.local @!p0 [hbm:s0], s1  }
0x5c: {  	s0 =	simm.s32 @!p0 $0x2  }
0x5d: {  	_ =	swait.ge @!p0 [sflag:s0], s1  }
0x5e: {  	s1 =	ssub.s32 @!p0 $0x0, s1;
	[sflag:s0] =	ssyncset.done @!p0 $0x0  }
0x5f: {  	[sflag:s0] =	ssyncadd.s32 @!p0 s1  }
0x60: {  	[bflag:$0x3] =	sbarrier.arrive $0xFFFF  }
0x61: {  	_ =	shalt  }

// kernel: kernel.73.cloned.1.call-start
scs
__scs_entry_jumppad:
0x0: {  	(pc) =	sbr.rel $0x88, $3  }
0x1: {  	(tag) =	ssettag $0x0;
	lr =	simm.s32 $0x1  }
0x2: {  	[smem:$0x3F95] =	sst lr;
	_ =	strace $0xD0000000  }
0x3: {  	_ = 	snop  }
0x4: {  	_ = 	snop  }
0x5: {  	_ = 	snop  }
0x6: {  	_ = 	snop  }
0x7: {  	_ = 	snop  }
__scs_overlays_trampoline_lowered:
0x8: {  	[smem:$0x3FA4] =	sst s0  }
0x9: {  	[smem:$0x3FA5] =	sst s1  }
0xa: {  	[smem:$0x3FA6] =	sst s2  }
0xb: {  	[smem:$0x3FA7] =	sst s3  }
0xc: {  	[smem:$0x3FA8] =	sst s4  }
0xd: {  	[smem:$0x3FA9] =	sst s5  }
0xe: {  	[smem:$0x3FAA] =	sst s6  }
0xf: {  	[smem:$0x3FAB] =	sst s7  }
0x10: {  	[smem:$0x3FAC] =	sst s8  }
0x11: {  	[smem:$0x3FAD] =	sst s9;
	s0 =	simm.s32 @!p0 $0x0  }
0x12: {  	s1 =	sld [smem:$0x3F93];
	s0 =	simm.s32 @p0 $0x1  }
0x13: {  	[smem:$0x3FAE] =	sst s0;
	s0 =	simm.s32 @!p1 $0x0  }
0x14: {  	s2 =	sld [smem:$0x3F92];
	s0 =	simm.s32 @p1 $0x1  }
0x15: {  	[smem:$0x3FAF] =	sst s0;
	s0 =	simm.s32 @!p2 $0x0  }
0x16: {  	s3 =	sld [smem:$0x3FDB];
	s0 =	simm.s32 @p2 $0x1  }
0x17: {  	s4 =	simm.s32 $0x1BF5;
	[smem:$0x3FB1] =	sst s0  }
0x18: {  	s0 =	sld [smem:$0x3F94];
	_ =	swait.ge [sflag:s4], $0x0  }
0x19: {  	s7 =	sld [smem:$0x3F95]  }
0x1a: {  	s8 =	sadd.s32 $0xFFFFE003, lr  }
0x1b: {  	s9 =	sadd.s32 $0xFFFFFEF7, lr;
	s5 =	simm.s32 $0xFFFFFFFF;
	p2 =	slt.u32 s8, $0xFFFFF086  }
0x1c: {  	p1 =	slt.u32 s9, $0xF7A;
	s5 =	simm.s32 @!p2 $0x0  }
0x1d: {  	s5 =	simm.s32 @p1 $0x1;
	p0 =	seq.s32 s7, s2  }
0x1e: {  	s7 =	smul.u32 @!p0 $0xF7A, s2;
	p2 =	seq.s32 @!p0 s5, $0x0  }
0x1f: {  	s9 =	smul.u32 $0xF7A, s1;
	s8 =	simm.s32 @!p0 $0x1BF5;
	p2 =	por !p2, p0  }
0x20: {  	[sflag:s8] =	ssyncset.s32 @!p0 $0xFFFFF086;
	s6 =	sadd.s32 @!p0 s3, s7;
	s7 =	simm.s32 @!p0 $0x108  }
0x21: {  	s3 =	sadd.s32 s3, s9;
	s6 =	sadd.s32 @!p0 $0x88, s6;
	s7 =	simm.s32 @p2 $0x1082  }
0x22: {  	[simem:s7], [sflag:s8] =	dma.local @!p0 [hbm:s6], $0xF7A  }
0x23: {  	s9 =	sor.u32 $0xD0000000, s2;
	s6 =	simm.s32 $0x108;
	_ =	swait.ge @!p0 [sflag:s8], $0x0  }
0x24: {  	s3 =	sadd.s32 $0x88, s3;
	s6 =	simm.s32 @!p1 $0x1082;
	[sflag:s4] =	ssyncset.s32 $0xFFFFF086  }
0x25: {  	[simem:s6], [sflag:s4] =	dma.local [hbm:s3], $0xF7A  }
0x26: {  	[smem:$0x3F95] =	sst s1;
	(tag) =	ssettag s2;
	_ =	strace s9  }
0x27: {  	s1 =	sld [smem:$0x3FA5]  }
0x28: {  	s2 =	sld [smem:$0x3FA6]  }
0x29: {  	s4 =	sld [smem:$0x3FA8]  }
0x2a: {  	p0 =	seq.s32 s5, $0x0;
	s5 =	sld [smem:$0x3FA9]  }
0x2b: {  	s6 =	sld [smem:$0x3FAA]  }
0x2c: {  	s7 =	sld [smem:$0x3FAB]  }
0x2d: {  	s3 =	simm.s32 $0x108;
	s8 =	sld [smem:$0x3FAC]  }
0x2e: {  	s3 =	simm.s32 @!p0 $0x1082;
	s9 =	sld [smem:$0x3FAD]  }
0x2f: {  	lr =	sadd.s32 s0, s3;
	s0 =	sld [smem:$0x3FA4]  }
0x30: {  	s3 =	sld [smem:$0x3FA7]  }
0x31: {  	[smem:$0x3FB0] =	sst s10  }
0x32: {  	s10 =	sld [smem:$0x3FAE];
	_ =	sdelay $0x3  }
0x33: {  	p0 =	seq.s32 s10, $0x1;
	s10 =	sld [smem:$0x3FB0];
	_ =	sdelay $0x3  }
0x34: {  	[smem:$0x3FB0] =	sst s10  }
0x35: {  	s10 =	sld [smem:$0x3FAF];
	_ =	sdelay $0x3  }
0x36: {  	p1 =	seq.s32 s10, $0x1;
	s10 =	sld [smem:$0x3FB0];
	_ =	sdelay $0x3  }
0x37: {  	[smem:$0x3FB0] =	sst s10  }
0x38: {  	s10 =	sld [smem:$0x3FB1]  }
0x39: {  	_ = 	snop;
	(pc) =	sbr.ind lr, $3  }
0x3a: {  	_ = 	snop  }
0x3b: {  	_ = 	snop  }
0x3c: {  	p2 =	seq.s32 s10, $0x1;
	s10 =	sld [smem:$0x3FB0]  }
0x3d: {  	_ =	shalt  }
0x3e: {  	_ =	shalt  }
0x3f: {  	_ =	shalt  }
0x40: {  	_ =	shalt  }
0x41: {  	_ =	shalt  }
0x42: {  	_ =	shalt  }
0x43: {  	_ =	shalt  }
0x44: {  	_ =	shalt  }
0x45: {  	_ =	shalt  }
0x46: {  	_ =	shalt  }
0x47: {  	_ =	shalt  }
0x48: {  	_ =	shalt  }
0x49: {  	_ =	shalt  }
0x4a: {  	_ =	shalt  }
0x4b: {  	_ =	shalt  }
0x4c: {  	_ =	shalt  }
0x4d: {  	_ =	shalt  }
0x4e: {  	_ =	shalt  }
0x4f: {  	_ =	shalt  }
0x50: {  	_ =	shalt  }
0x51: {  	_ =	shalt  }
0x52: {  	_ =	shalt  }
0x53: {  	_ =	shalt  }
0x54: {  	_ =	shalt  }
0x55: {  	_ =	shalt  }
0x56: {  	_ =	shalt  }
0x57: {  	_ =	shalt  }
0x58: {  	_ =	shalt  }
0x59: {  	_ =	shalt  }
0x5a: {  	_ =	shalt  }
0x5b: {  	_ =	shalt  }
0x5c: {  	_ =	shalt  }
0x5d: {  	_ =	shalt  }
0x5e: {  	_ =	shalt  }
0x5f: {  	_ =	shalt  }
0x60: {  	_ =	shalt  }
0x61: {  	_ =	shalt  }
0x62: {  	_ =	shalt  }
0x63: {  	_ =	shalt  }
0x64: {  	_ =	shalt  }
0x65: {  	_ =	shalt  }
0x66: {  	_ =	shalt  }
0x67: {  	_ =	shalt  }
0x68: {  	_ =	shalt  }
0x69: {  	_ =	shalt  }
0x6a: {  	_ =	shalt  }
0x6b: {  	_ =	shalt  }
0x6c: {  	_ =	shalt  }
0x6d: {  	_ =	shalt  }
0x6e: {  	_ =	shalt  }
0x6f: {  	_ =	shalt  }
0x70: {  	_ =	shalt  }
0x71: {  	_ =	shalt  }
0x72: {  	_ =	shalt  }
0x73: {  	_ =	shalt  }
0x74: {  	_ =	shalt  }
0x75: {  	_ =	shalt  }
0x76: {  	_ =	shalt  }
0x77: {  	_ =	shalt  }
0x78: {  	_ =	shalt  }
0x79: {  	_ =	shalt  }
0x7a: {  	_ =	shalt  }
0x7b: {  	_ =	shalt  }
0x7c: {  	_ =	shalt  }
0x7d: {  	_ =	shalt  }
0x7e: {  	_ =	shalt  }
0x7f: {  	_ =	shalt  }
0x80: {  	_ =	shalt  }
0x81: {  	_ =	shalt  }
0x82: {  	_ =	shalt  }
0x83: {  	_ =	shalt  }
0x84: {  	_ =	shalt  }
0x85: {  	_ =	shalt  }
0x86: {  	_ =	shalt  }
0x87: {  	_ =	shalt  }
.Lfunc_end0:
.L_simem_size_0:
called_computation.13_lowered:
.L_overlay_start_0:
0x88: {  	s2 =	sld [smem:$0x3FD9]  }
0x89: {  	s3 =	sld [smem:$0x3FFE];
	_ =	sdelay $0x1  }
0x8a: {  	s1 =	srdreg.scid  }
0x8b: {  	s0 =	sand.u32 $0x1, s1  }
0x8c: {  	s16 =	sshll.u32 s0, $0xA;
	s2 =	sadd.s32 s3, s2  }
0x8d: {  	s2 =	sadd.s32 s2, s16  }
0x8e: {  	[smem:$0x3FBC] =	sst s2  }
0x8f: {  	_ = 	snop  }
0x90: {  	(tm) =	ssettm $0x1  }
0x91: {  	s17 =	sld [smem:$0x3FFB];
	_ =	sdelay $0x3  }
0x92: {  	_ =	strace s17  }
0x93: {  	s2 =	sld [smem:$0x3FFC];
	_ =	sdelay $0x3  }
0x94: {  	_ =	strace s2  }
0x95: {  	s2 =	sld [smem:$0x3FFD];
	_ =	sdelay $0x3  }
0x96: {  	_ =	strace s2  }
0x97: {  	_ =	strace $0x8FFFFFFF  }
0x98: {  	s18 =	sld [smem:$0x3FDB];
	_ =	sdelay $0x1  }
0x99: {  	s19 =	simm.s32 $_scs_section_size  }
0x9a: {  	s4 =	simm.s32 $_size__tile_overlayer_lowered;
	s5 =	simm.s32 $_tile_overlayer_lowered  }
0x9b: {  	s22 =	simm.s32 $0x1BFF;
	s21 =	sshll.u32 s5, $0x1;
	s2 =	sadd.s32 s19, s18  }
0x9c: {  	s6 =	simm.s32 $0x0;
	s20 =	sshll.u32 s4, $0x1;
	s4 =	sadd.s32 s21, s2  }
0x9d: {  	[timem:s6], [sflag:s22] =	dma.local [hbm:s4], s20  }
0x9e: {  	_ =	swait.ge [sflag:s22], s20  }
0x9f: {  	s3 =	ssub.s32 $0x0, s20;
	[sflag:s22] =	ssyncset.done $0x0  }
0xa0: {  	[sflag:s22] =	ssyncadd.s32 s3;
	_ =	sdelay $0x1  }
0xa1: {  	s23 =	simm.s32 $0x1B8B  }
0xa2: {  	_ =	swait.ge [sflag:s23], $0x1  }
0xa3: {  	[sflag:s23] =	ssyncset.done $0x0  }
0xa4: {  	s25 =	simm.s32 $0x1B8E;
	s24 =	sld [smem:$0x3FFE];
	[sflag:s23] =	ssyncadd.s32 $0xFFFFFFFF  }
0xa5: {  	s26 =	simm.s32 $execute0_lowered;
	[smem:$0x3FD2] =	sst s25  }
0xa6: {  	s4 =	sshll.u32 s26, $0x1;
	_ =	strace $0x8000006D;
	[dreg:$0x1] =	wrdreg $0xFFFFFFFF  }
0xa7: {  	s28 =	simm.s32 $_size_execute0_lowered;
	s2 =	sadd.s32 s2, s4;
	[dreg:$0x0] =	wrdreg $0x0  }
0xa8: {  	s4 =	sshll.u32 s28, $0x1;
	[dreg:$0x2] =	wrdreg s2  }
0xa9: {  	[dreg:$0x3] =	wrdreg s4  }
0xaa: {  	[dreg:$0x4] =	wrdreg $0xC0  }
0xab: {  	_ =	task [dreg:s6], $0x5FFFF  }
0xac: {  	[dreg:$0x1] =	wrdreg $0xFFFFFFFF  }
0xad: {  	[dreg:$0x0] =	wrdreg $0x60  }
0xae: {  	[dreg:$0x2] =	wrdreg s24  }
0xaf: {  	[dreg:$0x3] =	wrdreg $0x86200  }
0xb0: {  	[dreg:$0x4] =	wrdreg $0x9  }
0xb1: {  	_ =	task.clear_ibuf [dreg:s6], $0x5FFFF;
	_ =	strace $0x9000006D  }
0xb2: {  	s29 =	simm.s32 $0x9;
	_ =	strace $0x8000006F  }
0xb3: {  	_ =	swait.ge [sflag:s29], $0x1  }
0xb4: {  	[sflag:s29] =	ssyncadd.s32 $0xFFFFFFFF  }
0xb5: {  	_ =	strace $0x9000006F  }
0xb6: {  	_ =	sfence  }
0xb7: {  	s30 =	sld [smem:$0x0];
	_ =	sdelay $0x2  }
0xb8: {  	s31 =	sshll.u32 s1, $0xD;
	s1 =	sshrl.u32 s1, $0x2  }
0xb9: {  	s3 =	sand.u32 $0x4000, s31;
	s1 =	sadd.s32 s1, s30  }
0xba: {  	s0 =	sor.u32 s3, s0;
	s1 =	sshll.u32 s1, $0x11  }
0xbb: {  	s0 =	sor.u32 s1, s0  }
0xbc: {  	s0 =	sadd.s32 $0x8F2B, s0  }
0xbd: {  	[sflag:s0] =	ssyncadd.remote.s32 $0x1  }
0xbe: {  	_ =	sfence.sel $0xFFFF  }
0xbf: {  	[dreg:$0x0] =	wrdreg $0xFFFFFFFF;
	(pc) =	sbr.abs _section_cstart, $3  }
0xc0: {  	[dreg:$0x1] =	wrdreg $0xFFFFFFFF  }
0xc1: {  	_ =	task.clear_ibuf [dreg:s6], $0x2FFFF;
	_ =	strace $0x9FFFFFFF  }
0xc2: {  	(tm) =	ssettm $0x7FFFFFFF  }
0xc3: {  	_ =	shalt  }
tec
execute0_lowered:
.L_overlay_start_1:
0x0: {  	(tag) =	ssettag $0x1  }
0x1: {  	s5 =	rddreg [dreg:$0x0]  }
0x2: {  	s0 =	srdreg.scid;
	s2 =	rddreg [dreg:$0x1]  }
0x3: {  	s1 =	rddreg [dreg:$0x2];
	s3 =	simm.s32 $0x0;
	s11 =	simm.s32 $0x2  }
0x4: {  	s12 =	simm.s32 $0x50;
	s13 =	simm.s32 $0xA0;
	s6 =	sand.u32 $0x1, s0  }
0x5: {  	s14 =	simm.s32 $0x1;
	s0 =	stileid.u32;
	s7 =	smul.u32 $0x27100, s6  }
0x6: {  	s17 =	simm.s32 $0x0;
	[smem:$0x7FF] =	sst s3;
	s8 =	smul.u32 $0x2710, s0  }
0x7: {  	s4 =	sadd.s32 $0xBE000, s5;
	s9 =	smul.u32 $0x7680, s0;
	p0 =	seq.s32 s0, $0xF  }
0x8: {  	s10 =	smul.u32 $0x75300, s6;
	s6 =	ssub.s32 $0x2, s6;
	s15 =	sshll.u32 s0, $0x6  }
0x9: {  	_ =	strace $0x8000006E;
	s30 =	sshrl.u32 s6, $0x1;
	s15 =	sor.u32 $0x1C02, s15  }
0xa: {  	s9 =	simm.s32 @p0 $0x6DC80;
	s7 =	sadd.s32 s8, s7;
	s31 =	ssub.s32 s6, s30  }
0xb: {  	s26 =	sadd.s32 s10, s9;
	s7 =	sshrl.u32 s7, $0x3;
	s10 =	simm.s32 $0xFA0  }
0xc: {  	s8 =	sshrl.u32 s26, $0x3;
	s28 =	sadd.s32 s7, s5;
	s7 =	smax.u32 s31, $0x1  }
0xd: {  	s29 =	sadd.s32 s8, s5;
	s5 =	sadd.s32 s9, s2;
	s8 =	sadd.s32 $0xDC00, s28  }
0xe: {  	v0 =	vimm.f32 $0.0e+00;
	s9 =	sadd.s32 $0x17A00, s28;
	s6 =	sadd.s32 $0xCCC00, s29;
	s16 =	sshrl.u32 s5, $0x3  }
.LBB2_1:
0xf: {  	s18 =	simm.s32 $0xC0;
	s19 =	simm.s32 $0x0  }
.LBB2_2:
0x10: {  	p0 =	sne.s32 s18, $0x1D940;
	[tilespmem:s19+$0xFC0] =	vst v0;
	s20 =	smov.u32 s18;
	s18 =	sadd.s32 $0xC0, s18  }
.Ltmp0:
0x11: {  	[tilespmem:s19+$0xFA0] =	vst v0;
	(pc) =	sbr.rel @p0 .LBB2_2-.Ltmp0, $2  }
0x12: {  	[tilespmem:s19+$0xFB0] =	vst v0;
	_ =	sdelay $0x2  }
0x13: {  	s19 =	sshra.s32 s20, $0x2  }
0x14: {  	[tilespmem:s19+$0xFC0] =	vst v0  }
0x15: {  	[tilespmem:s19+$0xFA0] =	vst v0  }
0x16: {  	[tilespmem:s19+$0xFB0] =	vst v0  }
0x17: {  	[spmem:s5] =	stream.linear.scatter [tilespmem:s10], [sflag:$0x2], $0x7680, $0x38;
	[tilespmem:$0xFB50] =	vst v63  }
0x18: {  	_ =	swait.ge [sflag:s11], $0x7680  }
0x19: {  	[sflag:s11] =	ssyncset.done $0x0  }
0x1a: {  	[sflag:s11] =	ssyncadd.s32 $0xFFFF8980  }
0x1b: {  	s18 =	sadd.s32 $0x0, s9;
	[bflag:$0x0] =	sbarrier.arrive $0xFFFF  }
0x1c: {  	[tilespmem:s3], [sflag:$0x2] =	stream.linear.gather [hbm4b:s18+s3], $0x50, $0x38;
	[tilespmem:$0xFB50] =	vst v63  }
0x1d: {  	_ =	swait.ge [sflag:s11], $0x50  }
0x1e: {  	[sflag:s11] =	ssyncset.done $0x0  }
0x1f: {  	[sflag:s11] =	ssyncadd.s32 $0xFFFFFFB0  }
0x20: {  	[tilespmem:s13], [sflag:$0x1] =	stream.indirect.gather [hbm4b:s4+s12], $0x30, s3, s12, $0xb8;
	[tilespmem:$0xFB50] =	vst v63  }
0x21: {  	_ =	swait.ge [sflag:s14], $0xF00  }
0x22: {  	[sflag:s14] =	ssyncset.done $0x0  }
0x23: {  	s31 =	sadd.s32 $0x0, s8;
	[sflag:s14] =	ssyncadd.s32 $0xFFFFF100  }
0x24: {  	[tilespmem:s12], [sflag:$0x2] =	stream.linear.gather [hbm4b:s31+s3], $0x50, $0x38;
	[tilespmem:$0xFB50] =	vst v63  }
0x25: {  	_ =	swait.ge [sflag:s11], $0x50  }
0x26: {  	[sflag:s11] =	ssyncset.done $0x0  }
0x27: {  	[sflag:s11] =	ssyncadd.s32 $0xFFFFFFB0  }
0x28: {  	[spmem:s2] =	stream.indirect.scatter.add.f32 [tilespmem:s13], [sflag:$0x2], $0x30, s12, s12, $0xb8;
	[tilespmem:$0xFB50] =	vst v63  }
0x29: {  	_ =	swait.ge [sflag:s11], $0xF00  }
0x2a: {  	s19 =	simm.s32 $0x14;
	s18 =	simm.s32 $0xA;
	[sflag:s11] =	ssyncset.done $0x0  }
.LBB2_4:
0x2b: {  	s20 =	sadd.s32 s18, s9  }
0x2c: {  	[sflag:s11] =	ssyncadd.s32 $0xFFFFF100;
	s21 =	smov.u32 s19;
	s22 =	sadd.s32 $0xA, s19  }
0x2d: {  	[tilespmem:s3], [sflag:$0x2] =	stream.linear.gather [hbm4b:s20+s3], $0x50, $0x38;
	[tilespmem:$0xFB50] =	vst v63  }
0x2e: {  	p0 =	sne.s32 s19, $0x4D8;
	_ =	swait.ge [sflag:s11], $0x50  }
0x2f: {  	[sflag:s11] =	ssyncset.done $0x0  }
0x30: {  	[sflag:s11] =	ssyncadd.s32 $0xFFFFFFB0  }
0x31: {  	[tilespmem:s13], [sflag:$0x1] =	stream.indirect.gather [hbm4b:s4+s12], $0x30, s3, s12, $0xb8;
	[tilespmem:$0xFB50] =	vst v63  }
0x32: {  	_ =	swait.ge [sflag:s14], $0xF00  }
0x33: {  	[sflag:s14] =	ssyncset.done $0x0  }
0x34: {  	s19 =	sadd.s32 s18, s8;
	s18 =	smov.u32 s21;
	[sflag:s14] =	ssyncadd.s32 $0xFFFFF100  }
0x35: {  	[tilespmem:s12], [sflag:$0x2] =	stream.linear.gather [hbm4b:s19+s3], $0x50, $0x38;
	[tilespmem:$0xFB50] =	vst v63  }
0x36: {  	_ =	swait.ge [sflag:s11], $0x50  }
.Ltmp1:
0x37: {  	[sflag:s11] =	ssyncset.done $0x0;
	(pc) =	sbr.rel @p0 .LBB2_4-.Ltmp1, $4  }
0x38: {  	[sflag:s11] =	ssyncadd.s32 $0xFFFFFFB0  }
0x39: {  	[spmem:s2] =	stream.indirect.scatter.add.f32 [tilespmem:s13], [sflag:$0x2], $0x30, s12, s12, $0xb8;
	[tilespmem:$0xFB50] =	vst v63  }
0x3a: {  	_ =	swait.ge [sflag:s11], $0xF00  }
0x3b: {  	s19 =	smov.u32 s22;
	[sflag:s11] =	ssyncset.done $0x0  }
0x3c: {  	s19 =	sadd.s32 s18, s9;
	[sflag:s11] =	ssyncadd.s32 $0xFFFFF100  }
0x3d: {  	[tilespmem:s3], [sflag:$0x2] =	stream.linear.gather [hbm4b:s19+s3], $0x50, $0x38;
	[tilespmem:$0xFB50] =	vst v63  }
0x3e: {  	_ =	swait.ge [sflag:s11], $0x50  }
0x3f: {  	[sflag:s11] =	ssyncset.done $0x0  }
0x40: {  	[sflag:s11] =	ssyncadd.s32 $0xFFFFFFB0  }
0x41: {  	[tilespmem:s13], [sflag:$0x1] =	stream.indirect.gather [hbm4b:s4+s12], $0x30, s3, s12, $0xb8;
	[tilespmem:$0xFB50] =	vst v63  }
0x42: {  	_ =	swait.ge [sflag:s14], $0xF00  }
0x43: {  	[sflag:s14] =	ssyncset.done $0x0  }
0x44: {  	s31 =	sadd.s32 s18, s8;
	[sflag:s14] =	ssyncadd.s32 $0xFFFFF100  }
0x45: {  	[tilespmem:s12], [sflag:$0x2] =	stream.linear.gather [hbm4b:s31+s3], $0x50, $0x38;
	[tilespmem:$0xFB50] =	vst v63  }
0x46: {  	_ =	swait.ge [sflag:s11], $0x50  }
0x47: {  	[sflag:s11] =	ssyncset.done $0x0  }
0x48: {  	[sflag:s11] =	ssyncadd.s32 $0xFFFFFFB0  }
0x49: {  	[spmem:s2] =	stream.indirect.scatter.add.f32 [tilespmem:s13], [sflag:$0x2], $0x30, s12, s12, $0xb8;
	[tilespmem:$0xFB50] =	vst v63  }
0x4a: {  	_ =	swait.ge [sflag:s11], $0xF00  }
0x4b: {  	s17 =	sadd.s32 $0x1, s17;
	[sflag:s11] =	ssyncset.done $0x0  }
0x4c: {  	p0 =	sne.s32 s17, s7;
	[sflag:s11] =	ssyncadd.s32 $0xFFFFF100  }
.Ltmp2:
0x4d: {  	[bflag:$0x0] =	sbarrier.arrive $0xFFFF;
	(pc) =	sbr.rel @p0 .LBB2_1-.Ltmp2, $4  }
0x4e: {  	[hbm:s6], [sflag:s15] =	dma.local [spmem:s16], $0xED0  }
0x4f: {  	_ =	swait.ge [sflag:s11], $0xED0  }
0x50: {  	[sflag:s11] =	ssyncset.done $0x0  }
0x51: {  	[sflag:s11] =	ssyncadd.s32 $0xFFFFF130  }
0x52: {  	_ =	sfence.sel $0x180000  }
0x53: {  	[bflag:$0x0] =	sbarrier.arrive $0xFFFF  }
0x54: {  	p0 =	sne.s32 s0, $0x0;
	_ =	strace $0x9000006E  }
0x55: {  	s0 =	sadd.s32 @!p0 $0x100000, s1;
	[bflag:$0x2] =	sbarrier.arrive $0xFFFF  }
0x56: {  	[sflag:s0] =	ssyncadd.tile.s32 @!p0 $0x1;
	_ =	shalt  }
.Lfunc_end2:
_tile_overlayer_lowered:
.L_overlay_start_2:
0x57: {  	(tag) =	ssettag $0x2  }
0x58: {  	s0 =	rddreg [dreg:$0x0];
	s2 =	stileid.u32  }
0x59: {  	s1 =	rddreg [dreg:$0x1];
	p0 =	sne.s32 s2, $0x0  }
0x5a: {  	s3 =	rddreg [dreg:$0x2];
	[bflag:$0x3] =	sbarrier.arrive $0xFFFF;
	s2 =	simm.s32 @!p0 $0x1C02  }
0x5b: {  	[timem:s3], [sflag:s2] =	dma.local @!p0 [hbm:s0], s1  }
0x5c: {  	s0 =	simm.s32 @!p0 $0x2  }
0x5d: {  	_ =	swait.ge @!p0 [sflag:s0], s1  }
0x5e: {  	s1 =	ssub.s32 @!p0 $0x0, s1;
	[sflag:s0] =	ssyncset.done @!p0 $0x0  }
0x5f: {  	[sflag:s0] =	ssyncadd.s32 @!p0 s1  }
0x60: {  	[bflag:$0x3] =	sbarrier.arrive $0xFFFF  }
0x61: {  	_ =	shalt  }

// kernel: kernel.76.cloned.1.call-start
scs
__scs_entry_jumppad:
0x0: {  	(pc) =	sbr.rel $0x88, $3  }
0x1: {  	(tag) =	ssettag $0x0;
	lr =	simm.s32 $0x1  }
0x2: {  	[smem:$0x3F95] =	sst lr;
	_ =	strace $0xD0000000  }
0x3: {  	_ = 	snop  }
0x4: {  	_ = 	snop  }
0x5: {  	_ = 	snop  }
0x6: {  	_ = 	snop  }
0x7: {  	_ = 	snop  }
__scs_overlays_trampoline_lowered:
0x8: {  	[smem:$0x3FA4] =	sst s0  }
0x9: {  	[smem:$0x3FA5] =	sst s1  }
0xa: {  	[smem:$0x3FA6] =	sst s2  }
0xb: {  	[smem:$0x3FA7] =	sst s3  }
0xc: {  	[smem:$0x3FA8] =	sst s4  }
0xd: {  	[smem:$0x3FA9] =	sst s5  }
0xe: {  	[smem:$0x3FAA] =	sst s6  }
0xf: {  	[smem:$0x3FAB] =	sst s7  }
0x10: {  	[smem:$0x3FAC] =	sst s8  }
0x11: {  	[smem:$0x3FAD] =	sst s9;
	s0 =	simm.s32 @!p0 $0x0  }
0x12: {  	s1 =	sld [smem:$0x3F93];
	s0 =	simm.s32 @p0 $0x1  }
0x13: {  	[smem:$0x3FAE] =	sst s0;
	s0 =	simm.s32 @!p1 $0x0  }
0x14: {  	s2 =	sld [smem:$0x3F92];
	s0 =	simm.s32 @p1 $0x1  }
0x15: {  	[smem:$0x3FAF] =	sst s0;
	s0 =	simm.s32 @!p2 $0x0  }
0x16: {  	s3 =	sld [smem:$0x3FDB];
	s0 =	simm.s32 @p2 $0x1  }
0x17: {  	s4 =	simm.s32 $0x1BF5;
	[smem:$0x3FB1] =	sst s0  }
0x18: {  	s0 =	sld [smem:$0x3F94];
	_ =	swait.ge [sflag:s4], $0x0  }
0x19: {  	s7 =	sld [smem:$0x3F95]  }
0x1a: {  	s8 =	sadd.s32 $0xFFFFE003, lr  }
0x1b: {  	s9 =	sadd.s32 $0xFFFFFEF7, lr;
	s5 =	simm.s32 $0xFFFFFFFF;
	p2 =	slt.u32 s8, $0xFFFFF086  }
0x1c: {  	p1 =	slt.u32 s9, $0xF7A;
	s5 =	simm.s32 @!p2 $0x0  }
0x1d: {  	s5 =	simm.s32 @p1 $0x1;
	p0 =	seq.s32 s7, s2  }
0x1e: {  	s7 =	smul.u32 @!p0 $0xF7A, s2;
	p2 =	seq.s32 @!p0 s5, $0x0  }
0x1f: {  	s9 =	smul.u32 $0xF7A, s1;
	s8 =	simm.s32 @!p0 $0x1BF5;
	p2 =	por !p2, p0  }
0x20: {  	[sflag:s8] =	ssyncset.s32 @!p0 $0xFFFFF086;
	s6 =	sadd.s32 @!p0 s3, s7;
	s7 =	simm.s32 @!p0 $0x108  }
0x21: {  	s3 =	sadd.s32 s3, s9;
	s6 =	sadd.s32 @!p0 $0x88, s6;
	s7 =	simm.s32 @p2 $0x1082  }
0x22: {  	[simem:s7], [sflag:s8] =	dma.local @!p0 [hbm:s6], $0xF7A  }
0x23: {  	s9 =	sor.u32 $0xD0000000, s2;
	s6 =	simm.s32 $0x108;
	_ =	swait.ge @!p0 [sflag:s8], $0x0  }
0x24: {  	s3 =	sadd.s32 $0x88, s3;
	s6 =	simm.s32 @!p1 $0x1082;
	[sflag:s4] =	ssyncset.s32 $0xFFFFF086  }
0x25: {  	[simem:s6], [sflag:s4] =	dma.local [hbm:s3], $0xF7A  }
0x26: {  	[smem:$0x3F95] =	sst s1;
	(tag) =	ssettag s2;
	_ =	strace s9  }
0x27: {  	s1 =	sld [smem:$0x3FA5]  }
0x28: {  	s2 =	sld [smem:$0x3FA6]  }
0x29: {  	s4 =	sld [smem:$0x3FA8]  }
0x2a: {  	p0 =	seq.s32 s5, $0x0;
	s5 =	sld [smem:$0x3FA9]  }
0x2b: {  	s6 =	sld [smem:$0x3FAA]  }
0x2c: {  	s7 =	sld [smem:$0x3FAB]  }
0x2d: {  	s3 =	simm.s32 $0x108;
	s8 =	sld [smem:$0x3FAC]  }
0x2e: {  	s3 =	simm.s32 @!p0 $0x1082;
	s9 =	sld [smem:$0x3FAD]  }
0x2f: {  	lr =	sadd.s32 s0, s3;
	s0 =	sld [smem:$0x3FA4]  }
0x30: {  	s3 =	sld [smem:$0x3FA7]  }
0x31: {  	[smem:$0x3FB0] =	sst s10  }
0x32: {  	s10 =	sld [smem:$0x3FAE];
	_ =	sdelay $0x3  }
0x33: {  	p0 =	seq.s32 s10, $0x1;
	s10 =	sld [smem:$0x3FB0];
	_ =	sdelay $0x3  }
0x34: {  	[smem:$0x3FB0] =	sst s10  }
0x35: {  	s10 =	sld [smem:$0x3FAF];
	_ =	sdelay $0x3  }
0x36: {  	p1 =	seq.s32 s10, $0x1;
	s10 =	sld [smem:$0x3FB0];
	_ =	sdelay $0x3  }
0x37: {  	[smem:$0x3FB0] =	sst s10  }
0x38: {  	s10 =	sld [smem:$0x3FB1]  }
0x39: {  	_ = 	snop;
	(pc) =	sbr.ind lr, $3  }
0x3a: {  	_ = 	snop  }
0x3b: {  	_ = 	snop  }
0x3c: {  	p2 =	seq.s32 s10, $0x1;
	s10 =	sld [smem:$0x3FB0]  }
0x3d: {  	_ =	shalt  }
0x3e: {  	_ =	shalt  }
0x3f: {  	_ =	shalt  }
0x40: {  	_ =	shalt  }
0x41: {  	_ =	shalt  }
0x42: {  	_ =	shalt  }
0x43: {  	_ =	shalt  }
0x44: {  	_ =	shalt  }
0x45: {  	_ =	shalt  }
0x46: {  	_ =	shalt  }
0x47: {  	_ =	shalt  }
0x48: {  	_ =	shalt  }
0x49: {  	_ =	shalt  }
0x4a: {  	_ =	shalt  }
0x4b: {  	_ =	shalt  }
0x4c: {  	_ =	shalt  }
0x4d: {  	_ =	shalt  }
0x4e: {  	_ =	shalt  }
0x4f: {  	_ =	shalt  }
0x50: {  	_ =	shalt  }
0x51: {  	_ =	shalt  }
0x52: {  	_ =	shalt  }
0x53: {  	_ =	shalt  }
0x54: {  	_ =	shalt  }
0x55: {  	_ =	shalt  }
0x56: {  	_ =	shalt  }
0x57: {  	_ =	shalt  }
0x58: {  	_ =	shalt  }
0x59: {  	_ =	shalt  }
0x5a: {  	_ =	shalt  }
0x5b: {  	_ =	shalt  }
0x5c: {  	_ =	shalt  }
0x5d: {  	_ =	shalt  }
0x5e: {  	_ =	shalt  }
0x5f: {  	_ =	shalt  }
0x60: {  	_ =	shalt  }
0x61: {  	_ =	shalt  }
0x62: {  	_ =	shalt  }
0x63: {  	_ =	shalt  }
0x64: {  	_ =	shalt  }
0x65: {  	_ =	shalt  }
0x66: {  	_ =	shalt  }
0x67: {  	_ =	shalt  }
0x68: {  	_ =	shalt  }
0x69: {  	_ =	shalt  }
0x6a: {  	_ =	shalt  }
0x6b: {  	_ =	shalt  }
0x6c: {  	_ =	shalt  }
0x6d: {  	_ =	shalt  }
0x6e: {  	_ =	shalt  }
0x6f: {  	_ =	shalt  }
0x70: {  	_ =	shalt  }
0x71: {  	_ =	shalt  }
0x72: {  	_ =	shalt  }
0x73: {  	_ =	shalt  }
0x74: {  	_ =	shalt  }
0x75: {  	_ =	shalt  }
0x76: {  	_ =	shalt  }
0x77: {  	_ =	shalt  }
0x78: {  	_ =	shalt  }
0x79: {  	_ =	shalt  }
0x7a: {  	_ =	shalt  }
0x7b: {  	_ =	shalt  }
0x7c: {  	_ =	shalt  }
0x7d: {  	_ =	shalt  }
0x7e: {  	_ =	shalt  }
0x7f: {  	_ =	shalt  }
0x80: {  	_ =	shalt  }
0x81: {  	_ =	shalt  }
0x82: {  	_ =	shalt  }
0x83: {  	_ =	shalt  }
0x84: {  	_ =	shalt  }
0x85: {  	_ =	shalt  }
0x86: {  	_ =	shalt  }
0x87: {  	_ =	shalt  }
.Lfunc_end0:
.L_simem_size_0:
called_computation.14_lowered:
.L_overlay_start_0:
0x88: {  	s2 =	sld [smem:$0x3FD9]  }
0x89: {  	s3 =	sld [smem:$0x3FFE];
	_ =	sdelay $0x1  }
0x8a: {  	s1 =	srdreg.scid  }
0x8b: {  	s0 =	sand.u32 $0x1, s1  }
0x8c: {  	s16 =	sshll.u32 s0, $0xA;
	s2 =	sadd.s32 s3, s2  }
0x8d: {  	s2 =	sadd.s32 s2, s16  }
0x8e: {  	[smem:$0x3FBC] =	sst s2  }
0x8f: {  	_ = 	snop  }
0x90: {  	(tm) =	ssettm $0x1  }
0x91: {  	s17 =	sld [smem:$0x3FFB];
	_ =	sdelay $0x3  }
0x92: {  	_ =	strace s17  }
0x93: {  	s2 =	sld [smem:$0x3FFC];
	_ =	sdelay $0x3  }
0x94: {  	_ =	strace s2  }
0x95: {  	s2 =	sld [smem:$0x3FFD];
	_ =	sdelay $0x3  }
0x96: {  	_ =	strace s2  }
0x97: {  	_ =	strace $0x8FFFFFFF  }
0x98: {  	s18 =	sld [smem:$0x3FDB];
	_ =	sdelay $0x1  }
0x99: {  	s19 =	simm.s32 $_scs_section_size  }
0x9a: {  	s4 =	simm.s32 $_size__tile_overlayer_lowered;
	s5 =	simm.s32 $_tile_overlayer_lowered  }
0x9b: {  	s22 =	simm.s32 $0x1BFF;
	s21 =	sshll.u32 s5, $0x1;
	s2 =	sadd.s32 s19, s18  }
0x9c: {  	s6 =	simm.s32 $0x0;
	s20 =	sshll.u32 s4, $0x1;
	s4 =	sadd.s32 s21, s2  }
0x9d: {  	[timem:s6], [sflag:s22] =	dma.local [hbm:s4], s20  }
0x9e: {  	_ =	swait.ge [sflag:s22], s20  }
0x9f: {  	s3 =	ssub.s32 $0x0, s20;
	[sflag:s22] =	ssyncset.done $0x0  }
0xa0: {  	[sflag:s22] =	ssyncadd.s32 s3;
	_ =	sdelay $0x1  }
0xa1: {  	s23 =	simm.s32 $0x1B8B  }
0xa2: {  	_ =	swait.ge [sflag:s23], $0x1  }
0xa3: {  	[sflag:s23] =	ssyncset.done $0x0  }
0xa4: {  	s25 =	simm.s32 $0x1B8E;
	s24 =	sld [smem:$0x3FFE];
	[sflag:s23] =	ssyncadd.s32 $0xFFFFFFFF  }
0xa5: {  	s26 =	simm.s32 $execute0_lowered;
	[smem:$0x3FD2] =	sst s25  }
0xa6: {  	s4 =	sshll.u32 s26, $0x1;
	_ =	strace $0x80000070;
	[dreg:$0x1] =	wrdreg $0xFFFFFFFF  }
0xa7: {  	s28 =	simm.s32 $_size_execute0_lowered;
	s2 =	sadd.s32 s2, s4;
	[dreg:$0x0] =	wrdreg $0x0  }
0xa8: {  	s4 =	sshll.u32 s28, $0x1;
	[dreg:$0x2] =	wrdreg s2  }
0xa9: {  	[dreg:$0x3] =	wrdreg s4  }
0xaa: {  	[dreg:$0x4] =	wrdreg $0xC0  }
0xab: {  	_ =	task [dreg:s6], $0x5FFFF  }
0xac: {  	[dreg:$0x1] =	wrdreg $0xFFFFFFFF  }
0xad: {  	[dreg:$0x0] =	wrdreg $0x60  }
0xae: {  	[dreg:$0x2] =	wrdreg s24  }
0xaf: {  	[dreg:$0x3] =	wrdreg $0x86200  }
0xb0: {  	[dreg:$0x4] =	wrdreg $0x9  }
0xb1: {  	_ =	task.clear_ibuf [dreg:s6], $0x5FFFF;
	_ =	strace $0x90000070  }
0xb2: {  	s29 =	simm.s32 $0x9;
	_ =	strace $0x80000072  }
0xb3: {  	_ =	swait.ge [sflag:s29], $0x1  }
0xb4: {  	[sflag:s29] =	ssyncadd.s32 $0xFFFFFFFF  }
0xb5: {  	_ =	strace $0x90000072  }
0xb6: {  	_ =	sfence  }
0xb7: {  	s30 =	sld [smem:$0x0];
	_ =	sdelay $0x2  }
0xb8: {  	s31 =	sshll.u32 s1, $0xD;
	s1 =	sshrl.u32 s1, $0x2  }
0xb9: {  	s3 =	sand.u32 $0x4000, s31;
	s1 =	sadd.s32 s1, s30  }
0xba: {  	s0 =	sor.u32 s3, s0;
	s1 =	sshll.u32 s1, $0x11  }
0xbb: {  	s0 =	sor.u32 s1, s0  }
0xbc: {  	s0 =	sadd.s32 $0x8F2B, s0  }
0xbd: {  	[sflag:s0] =	ssyncadd.remote.s32 $0x1  }
0xbe: {  	_ =	sfence.sel $0xFFFF  }
0xbf: {  	[dreg:$0x0] =	wrdreg $0xFFFFFFFF;
	(pc) =	sbr.abs _section_cstart, $3  }
0xc0: {  	[dreg:$0x1] =	wrdreg $0xFFFFFFFF  }
0xc1: {  	_ =	task.clear_ibuf [dreg:s6], $0x2FFFF;
	_ =	strace $0x9FFFFFFF  }
0xc2: {  	(tm) =	ssettm $0x7FFFFFFF  }
0xc3: {  	_ =	shalt  }
tec
execute0_lowered:
.L_overlay_start_1:
0x0: {  	(tag) =	ssettag $0x1  }
0x1: {  	s5 =	rddreg [dreg:$0x0]  }
0x2: {  	s0 =	srdreg.scid;
	s2 =	rddreg [dreg:$0x1]  }
0x3: {  	s1 =	rddreg [dreg:$0x2];
	s3 =	simm.s32 $0x0;
	s11 =	simm.s32 $0x2  }
0x4: {  	s12 =	simm.s32 $0x50;
	s13 =	simm.s32 $0xA0;
	s6 =	sand.u32 $0x1, s0  }
0x5: {  	s14 =	simm.s32 $0x1;
	s0 =	stileid.u32;
	s7 =	smul.u32 $0x27100, s6  }
0x6: {  	s17 =	simm.s32 $0x0;
	[smem:$0x7FF] =	sst s3;
	s8 =	smul.u32 $0x2710, s0  }
0x7: {  	s4 =	sadd.s32 $0x96E00, s5;
	s9 =	smul.u32 $0x7680, s0;
	p0 =	seq.s32 s0, $0xF  }
0x8: {  	s10 =	smul.u32 $0x75300, s6;
	s6 =	ssub.s32 $0x2, s6;
	s15 =	sshll.u32 s0, $0x6  }
0x9: {  	_ =	strace $0x80000071;
	s30 =	sshrl.u32 s6, $0x1;
	s15 =	sor.u32 $0x1C02, s15  }
0xa: {  	s9 =	simm.s32 @p0 $0x6DC80;
	s7 =	sadd.s32 s8, s7;
	s31 =	ssub.s32 s6, s30  }
0xb: {  	s26 =	sadd.s32 s10, s9;
	s7 =	sshrl.u32 s7, $0x3;
	s10 =	simm.s32 $0xFA0  }
0xc: {  	s8 =	sshrl.u32 s26, $0x3;
	s28 =	sadd.s32 s7, s5;
	s7 =	smax.u32 s31, $0x1  }
0xd: {  	s29 =	sadd.s32 s8, s5;
	s5 =	sadd.s32 s9, s2;
	s8 =	sadd.s32 $0xDC00, s28  }
0xe: {  	v0 =	vimm.f32 $0.0e+00;
	s9 =	sadd.s32 $0x17A00, s28;
	s6 =	sadd.s32 $0xA5A00, s29;
	s16 =	sshrl.u32 s5, $0x3  }
.LBB2_1:
0xf: {  	s18 =	simm.s32 $0xC0;
	s19 =	simm.s32 $0x0  }
.LBB2_2:
0x10: {  	p0 =	sne.s32 s18, $0x1D940;
	[tilespmem:s19+$0xFC0] =	vst v0;
	s20 =	smov.u32 s18;
	s18 =	sadd.s32 $0xC0, s18  }
.Ltmp0:
0x11: {  	[tilespmem:s19+$0xFA0] =	vst v0;
	(pc) =	sbr.rel @p0 .LBB2_2-.Ltmp0, $2  }
0x12: {  	[tilespmem:s19+$0xFB0] =	vst v0;
	_ =	sdelay $0x2  }
0x13: {  	s19 =	sshra.s32 s20, $0x2  }
0x14: {  	[tilespmem:s19+$0xFC0] =	vst v0  }
0x15: {  	[tilespmem:s19+$0xFA0] =	vst v0  }
0x16: {  	[tilespmem:s19+$0xFB0] =	vst v0  }
0x17: {  	[spmem:s5] =	stream.linear.scatter [tilespmem:s10], [sflag:$0x2], $0x7680, $0x38;
	[tilespmem:$0xFB50] =	vst v63  }
0x18: {  	_ =	swait.ge [sflag:s11], $0x7680  }
0x19: {  	[sflag:s11] =	ssyncset.done $0x0  }
0x1a: {  	[sflag:s11] =	ssyncadd.s32 $0xFFFF8980  }
0x1b: {  	s18 =	sadd.s32 $0x0, s9;
	[bflag:$0x0] =	sbarrier.arrive $0xFFFF  }
0x1c: {  	[tilespmem:s3], [sflag:$0x2] =	stream.linear.gather [hbm4b:s18+s3], $0x50, $0x38;
	[tilespmem:$0xFB50] =	vst v63  }
0x1d: {  	_ =	swait.ge [sflag:s11], $0x50  }
0x1e: {  	[sflag:s11] =	ssyncset.done $0x0  }
0x1f: {  	[sflag:s11] =	ssyncadd.s32 $0xFFFFFFB0  }
0x20: {  	[tilespmem:s13], [sflag:$0x1] =	stream.indirect.gather [hbm4b:s4+s12], $0x30, s3, s12, $0xb8;
	[tilespmem:$0xFB50] =	vst v63  }
0x21: {  	_ =	swait.ge [sflag:s14], $0xF00  }
0x22: {  	[sflag:s14] =	ssyncset.done $0x0  }
0x23: {  	s31 =	sadd.s32 $0x0, s8;
	[sflag:s14] =	ssyncadd.s32 $0xFFFFF100  }
0x24: {  	[tilespmem:s12], [sflag:$0x2] =	stream.linear.gather [hbm4b:s31+s3], $0x50, $0x38;
	[tilespmem:$0xFB50] =	vst v63  }
0x25: {  	_ =	swait.ge [sflag:s11], $0x50  }
0x26: {  	[sflag:s11] =	ssyncset.done $0x0  }
0x27: {  	[sflag:s11] =	ssyncadd.s32 $0xFFFFFFB0  }
0x28: {  	[spmem:s2] =	stream.indirect.scatter.add.f32 [tilespmem:s13], [sflag:$0x2], $0x30, s12, s12, $0xb8;
	[tilespmem:$0xFB50] =	vst v63  }
0x29: {  	_ =	swait.ge [sflag:s11], $0xF00  }
0x2a: {  	s19 =	simm.s32 $0x14;
	s18 =	simm.s32 $0xA;
	[sflag:s11] =	ssyncset.done $0x0  }
.LBB2_4:
0x2b: {  	s20 =	sadd.s32 s18, s9  }
0x2c: {  	[sflag:s11] =	ssyncadd.s32 $0xFFFFF100;
	s21 =	smov.u32 s19;
	s22 =	sadd.s32 $0xA, s19  }
0x2d: {  	[tilespmem:s3], [sflag:$0x2] =	stream.linear.gather [hbm4b:s20+s3], $0x50, $0x38;
	[tilespmem:$0xFB50] =	vst v63  }
0x2e: {  	p0 =	sne.s32 s19, $0x4D8;
	_ =	swait.ge [sflag:s11], $0x50  }
0x2f: {  	[sflag:s11] =	ssyncset.done $0x0  }
0x30: {  	[sflag:s11] =	ssyncadd.s32 $0xFFFFFFB0  }
0x31: {  	[tilespmem:s13], [sflag:$0x1] =	stream.indirect.gather [hbm4b:s4+s12], $0x30, s3, s12, $0xb8;
	[tilespmem:$0xFB50] =	vst v63  }
0x32: {  	_ =	swait.ge [sflag:s14], $0xF00  }
0x33: {  	[sflag:s14] =	ssyncset.done $0x0  }
0x34: {  	s19 =	sadd.s32 s18, s8;
	s18 =	smov.u32 s21;
	[sflag:s14] =	ssyncadd.s32 $0xFFFFF100  }
0x35: {  	[tilespmem:s12], [sflag:$0x2] =	stream.linear.gather [hbm4b:s19+s3], $0x50, $0x38;
	[tilespmem:$0xFB50] =	vst v63  }
0x36: {  	_ =	swait.ge [sflag:s11], $0x50  }
.Ltmp1:
0x37: {  	[sflag:s11] =	ssyncset.done $0x0;
	(pc) =	sbr.rel @p0 .LBB2_4-.Ltmp1, $4  }
0x38: {  	[sflag:s11] =	ssyncadd.s32 $0xFFFFFFB0  }
0x39: {  	[spmem:s2] =	stream.indirect.scatter.add.f32 [tilespmem:s13], [sflag:$0x2], $0x30, s12, s12, $0xb8;
	[tilespmem:$0xFB50] =	vst v63  }
0x3a: {  	_ =	swait.ge [sflag:s11], $0xF00  }
0x3b: {  	s19 =	smov.u32 s22;
	[sflag:s11] =	ssyncset.done $0x0  }
0x3c: {  	s19 =	sadd.s32 s18, s9;
	[sflag:s11] =	ssyncadd.s32 $0xFFFFF100  }
0x3d: {  	[tilespmem:s3], [sflag:$0x2] =	stream.linear.gather [hbm4b:s19+s3], $0x50, $0x38;
	[tilespmem:$0xFB50] =	vst v63  }
0x3e: {  	_ =	swait.ge [sflag:s11], $0x50  }
0x3f: {  	[sflag:s11] =	ssyncset.done $0x0  }
0x40: {  	[sflag:s11] =	ssyncadd.s32 $0xFFFFFFB0  }
0x41: {  	[tilespmem:s13], [sflag:$0x1] =	stream.indirect.gather [hbm4b:s4+s12], $0x30, s3, s12, $0xb8;
	[tilespmem:$0xFB50] =	vst v63  }
0x42: {  	_ =	swait.ge [sflag:s14], $0xF00  }
0x43: {  	[sflag:s14] =	ssyncset.done $0x0  }
0x44: {  	s31 =	sadd.s32 s18, s8;
	[sflag:s14] =	ssyncadd.s32 $0xFFFFF100  }
0x45: {  	[tilespmem:s12], [sflag:$0x2] =	stream.linear.gather [hbm4b:s31+s3], $0x50, $0x38;
	[tilespmem:$0xFB50] =	vst v63  }
0x46: {  	_ =	swait.ge [sflag:s11], $0x50  }
0x47: {  	[sflag:s11] =	ssyncset.done $0x0  }
0x48: {  	[sflag:s11] =	ssyncadd.s32 $0xFFFFFFB0  }
0x49: {  	[spmem:s2] =	stream.indirect.scatter.add.f32 [tilespmem:s13], [sflag:$0x2], $0x30, s12, s12, $0xb8;
	[tilespmem:$0xFB50] =	vst v63  }
0x4a: {  	_ =	swait.ge [sflag:s11], $0xF00  }
0x4b: {  	s17 =	sadd.s32 $0x1, s17;
	[sflag:s11] =	ssyncset.done $0x0  }
0x4c: {  	p0 =	sne.s32 s17, s7;
	[sflag:s11] =	ssyncadd.s32 $0xFFFFF100  }
.Ltmp2:
0x4d: {  	[bflag:$0x0] =	sbarrier.arrive $0xFFFF;
	(pc) =	sbr.rel @p0 .LBB2_1-.Ltmp2, $4  }
0x4e: {  	[hbm:s6], [sflag:s15] =	dma.local [spmem:s16], $0xED0  }
0x4f: {  	_ =	swait.ge [sflag:s11], $0xED0  }
0x50: {  	[sflag:s11] =	ssyncset.done $0x0  }
0x51: {  	[sflag:s11] =	ssyncadd.s32 $0xFFFFF130  }
0x52: {  	_ =	sfence.sel $0x180000  }
0x53: {  	[bflag:$0x0] =	sbarrier.arrive $0xFFFF  }
0x54: {  	p0 =	sne.s32 s0, $0x0;
	_ =	strace $0x90000071  }
0x55: {  	s0 =	sadd.s32 @!p0 $0x100000, s1;
	[bflag:$0x2] =	sbarrier.arrive $0xFFFF  }
0x56: {  	[sflag:s0] =	ssyncadd.tile.s32 @!p0 $0x1;
	_ =	shalt  }
.Lfunc_end2:
_tile_overlayer_lowered:
.L_overlay_start_2:
0x57: {  	(tag) =	ssettag $0x2  }
0x58: {  	s0 =	rddreg [dreg:$0x0];
	s2 =	stileid.u32  }
0x59: {  	s1 =	rddreg [dreg:$0x1];
	p0 =	sne.s32 s2, $0x0  }
0x5a: {  	s3 =	rddreg [dreg:$0x2];
	[bflag:$0x3] =	sbarrier.arrive $0xFFFF;
	s2 =	simm.s32 @!p0 $0x1C02  }
0x5b: {  	[timem:s3], [sflag:s2] =	dma.local @!p0 [hbm:s0], s1  }
0x5c: {  	s0 =	simm.s32 @!p0 $0x2  }
0x5d: {  	_ =	swait.ge @!p0 [sflag:s0], s1  }
0x5e: {  	s1 =	ssub.s32 @!p0 $0x0, s1;
	[sflag:s0] =	ssyncset.done @!p0 $0x0  }
0x5f: {  	[sflag:s0] =	ssyncadd.s32 @!p0 s1  }
0x60: {  	[bflag:$0x3] =	sbarrier.arrive $0xFFFF  }
0x61: {  	_ =	shalt  }

</sc_bundles>
